<compile_context>
chip_gen: v7x
topology: tpu7x:2x2x1
jax: 0.10.2.dev20260603
libtpu: 0.0.44.dev20260713+nightly
codegen_flags: <defaults>
</compile_context>

<pallas_src>
import functools

import jax
import jax.numpy as jnp
from jax import lax
from jax.experimental import pallas as pl
from jax.experimental.pallas import tpu as pltpu
from jax.experimental.pallas import tpu_sc as plsc

_SHAPE = (96, 96)
_N = _SHAPE[0] * _SHAPE[1]
_NWORDS = _N // 4
_BETA = 0.9
_L = 16
_NC = 2
_NS = 16
_BROWS = 8
_NWORK = _SHAPE[0] // _BROWS
_BW = _BROWS * _SHAPE[1]
_ROWS = 16
_OR_UNROLL = 8


def _sc_body(spk_hbm, w_hbm, x_hbm, a_hbm, t_hbm, out_hbm,
             spk_v, wrd_v, idx_v, rows_v, acc_v, x_v, a_v, t_v, o_v,
             sem, sem_ops):
    cid = lax.axis_index("c")
    sid = lax.axis_index("s")
    wid = sid * _NC + cid

    @pl.when(wid < _NWORK)
    def _():
        r0 = pl.multiple_of(wid * _BROWS, _BROWS)
        f0 = pl.multiple_of(wid * _BW, _BW)

        cx = pltpu.async_copy(x_hbm.at[pl.ds(r0, _BROWS), :], x_v, sem_ops)
        ca = pltpu.async_copy(a_hbm.at[pl.ds(r0, _BROWS), :], a_v, sem_ops)
        ct = pltpu.async_copy(t_hbm.at[pl.ds(r0, _BROWS), :], t_v, sem_ops)

        pltpu.sync_copy(spk_hbm, spk_v)

        lanes = lax.iota(jnp.int32, _L)
        zi = jnp.zeros((_L,), jnp.int32)
        zf = jnp.zeros((_L,), jnp.float32)

        for i in range(_BW // _L):
            acc_v[pl.ds(i * _L, _L)] = zf

        def or_body(j, o):
            for u in range(_OR_UNROLL):
                o = o | spk_v[pl.ds((j * _OR_UNROLL + u) * _L, _L)]
            return o

        orv = lax.fori_loop(0, _NWORDS // _L // _OR_UNROLL, or_body, zi)
        any_spike = jnp.max(orv)

        def compact():
            def l1(i, nwvec):
                w = spk_v[pl.ds(i * _L, _L)]
                m = w != 0
                pos = nwvec + lax.cumsum(m.astype(jnp.int32)) - 1
                plsc.store_scatter(wrd_v, [pos], lanes + i * _L, mask=m)
                return nwvec + plsc.all_reduce_population_count(m)

            nwvec = lax.fori_loop(0, _NWORDS // _L, l1, zi)
            nw = jnp.max(nwvec)
            plsc.store_scatter(wrd_v, [nw + lanes], zi)

            def l2(j, kvec):
                widx = wrd_v[pl.ds(j * _L, _L)]
                w = plsc.load_gather(spk_v, [widx])
                valid = (j * _L + lanes) < nw
                k2 = kvec
                for b in range(4):
                    vb = (w >> (8 * b)) & 0xFF
                    mb = (vb != 0) & valid
                    pos = k2 + lax.cumsum(mb.astype(jnp.int32)) - 1
                    plsc.store_scatter(idx_v, [pos], widx * 4 + b, mask=mb)
                    k2 = k2 + plsc.all_reduce_population_count(mb)
                return k2

            nbw = (nw + _L - 1) // _L
            kvec = lax.fori_loop(0, nbw, l2, zi)
            k = jnp.max(kvec)
            plsc.store_scatter(idx_v, [k + lanes], zi)
            return k

        k_total = lax.cond(any_spike != 0, compact, lambda: jnp.int32(0))

        nb = (k_total + _ROWS - 1) // _ROWS

        def batch_body(b, carry):
            src = w_hbm.at[idx_v.at[pl.ds(b * _ROWS, _ROWS)],
                           pl.ds(f0, _BW)]
            pltpu.async_copy(src, rows_v, sem).wait()
            nrows = jnp.minimum(_ROWS, k_total - b * _ROWS)

            def row_body(r, c2):
                for ci in range(_BW // _L):
                    d = pl.ds(ci * _L, _L)
                    acc_v[d] = acc_v[d] + rows_v[r, d]
                return c2

            lax.fori_loop(0, nrows, row_body, 0)
            return carry

        lax.fori_loop(0, nb, batch_body, 0)

        cx.wait()
        ca.wait()
        ct.wait()
        for rl in range(_BROWS):
            for c in range(_SHAPE[1] // _L):
                d = pl.ds(c * _L, _L)
                da = pl.ds(rl * _SHAPE[1] + c * _L, _L)
                act = _BETA * a_v[rl, d] + x_v[rl, d] + acc_v[da]
                o_v[rl, d] = (act > t_v[rl, d]).astype(jnp.float32)
        pltpu.sync_copy(o_v, out_hbm.at[pl.ds(r0, _BROWS), :])


@functools.cache
def _sc_step():
    return pl.kernel(
        _sc_body,
        out_type=jax.ShapeDtypeStruct(_SHAPE, jnp.float32),
        mesh=plsc.VectorSubcoreMesh(core_axis_name="c", subcore_axis_name="s",
                                    num_cores=_NC, num_subcores=_NS),
        compiler_params=pltpu.CompilerParams(needs_layout_passes=False),
        scratch_types=[
            pltpu.VMEM((_NWORDS,), jnp.int32),
            pltpu.VMEM((_NWORDS + _L,), jnp.int32),
            pltpu.VMEM((_N + _L,), jnp.int32),
            pltpu.VMEM((_ROWS, _BW), jnp.float32),
            pltpu.VMEM((_BW,), jnp.float32),
            pltpu.VMEM((_BROWS, _SHAPE[1]), jnp.float32),
            pltpu.VMEM((_BROWS, _SHAPE[1]), jnp.float32),
            pltpu.VMEM((_BROWS, _SHAPE[1]), jnp.float32),
            pltpu.VMEM((_BROWS, _SHAPE[1]), jnp.float32),
            pltpu.SemaphoreType.DMA,
            pltpu.SemaphoreType.DMA,
        ],
    )


def kernel(x, lateral_weights, activation, spikes, threshold, freq_act):
    del freq_act
    s = spikes.astype(jnp.int32)
    spk = (s[:, 0::4] | (s[:, 1::4] << 8)
           | (s[:, 2::4] << 16) | (s[:, 3::4] << 24)).reshape(-1)
    out = _sc_step()(spk, lateral_weights, x, activation, threshold)
    return out.astype(bool)

# --- scband reference (transcript-rebuilt; emitter-appended) ---
"""Pipeline reference for scband-ensemble-6210522710567 (READ-ONLY COPY).

The authoritative reference and input builder live on the scoring server;
editing this copy changes nothing except your own understanding.
"""

import jax, jax.numpy as jnp
import numpy as np

SHAPE = (96, 96)
N = SHAPE[0] * SHAPE[1]
BETA = 0.9
ALPHA = 0.2  # Leaky default alpha


def setup_inputs(seed: int = 0) -> dict:
    key = jax.random.key(seed)
    k1, k2 = jax.random.split(key)
    x = jax.random.normal(k1, SHAPE, dtype=jnp.float32)
    # learned/lateral parameter sized per init shape; module inits zeros but we
    # materialize small random weights so the gather/sum path is nontrivial
    lateral_weights = jax.random.normal(k2, (N, N), dtype=jnp.float32) * 0.01
    # module state at construction time
    activation = jnp.zeros(SHAPE, dtype=jnp.float32)
    spikes = jnp.zeros(SHAPE, dtype=bool)
    threshold = jnp.ones(SHAPE, dtype=jnp.float32)  # auto_gain_control=True
    freq_act = jnp.zeros(SHAPE, dtype=jnp.float32)  # Leaky.activation
    return {
        "x": x,
        "lateral_weights": lateral_weights,
        "activation": activation,
        "spikes": spikes,
        "threshold": threshold,
        "freq_act": freq_act,
    }


def reference(x, lateral_weights, activation, spikes, threshold, freq_act):
    # lateral_weights[spikes.view(-1), :].sum(dim=0) == spikes_f @ lateral_weights
    spikes_f = spikes.reshape(-1).astype(jnp.float32)
    lateral_input = (spikes_f @ lateral_weights).reshape(SHAPE)
    x = x + lateral_input
    act = BETA * activation + x
    new_spikes = act > threshold
    # auto gain control: Leaky frequency update
    freq = BETA * freq_act
    freq = freq + (1.0 - freq) * ALPHA * new_spikes.astype(jnp.float32)
    new_threshold = 1.0 + freq
    # reset_mechanism == 'zero': activation[spikes] = 0.0 (scatter-overwrite)
    act = jnp.where(new_spikes, 0.0, act)
    # forward returns the spike raster (bool); act/new_threshold/freq are new state
    return new_spikes

if __name__ == "__main__":
    import jax
    _d = setup_inputs()
    print(jax.jit(kernel)(*tuple(_d.values())))

</pallas_src>

<mosaic_0001>
#map = affine_map<(d0, d1) -> (0)>
#map1 = affine_map<(d0, d1) -> (0, 0)>
module attributes {stable_mosaic.version = 14 : i64} {
  func.func @_sc_body(%arg0: i32, %arg1: i32, %arg2: memref<2304xi32, #tpu.memory_space<hbm>>, %arg3: memref<9216x9216xf32, #tpu.memory_space<hbm>>, %arg4: memref<96x96xf32, #tpu.memory_space<hbm>>, %arg5: memref<96x96xf32, #tpu.memory_space<hbm>>, %arg6: memref<96x96xf32, #tpu.memory_space<hbm>>, %arg7: memref<96x96xf32, #tpu.memory_space<hbm>>, %arg8: memref<2304xi32, #tpu.memory_space<vmem>>, %arg9: memref<2320xi32, #tpu.memory_space<vmem>>, %arg10: memref<9232xi32, #tpu.memory_space<vmem>>, %arg11: memref<16x768xf32, #tpu.memory_space<vmem>>, %arg12: memref<768xf32, #tpu.memory_space<vmem>>, %arg13: memref<8x96xf32, #tpu.memory_space<vmem>>, %arg14: memref<8x96xf32, #tpu.memory_space<vmem>>, %arg15: memref<8x96xf32, #tpu.memory_space<vmem>>, %arg16: memref<8x96xf32, #tpu.memory_space<vmem>>, %arg17: memref<!tpu.dma_semaphore, #tpu.memory_space<semaphore_mem>>, %arg18: memref<!tpu.dma_semaphore, #tpu.memory_space<semaphore_mem>>) attributes {dimension_semantics = [#tpu.dimension_semantics<core_parallel>, #tpu.dimension_semantics<subcore_parallel>], iteration_bounds = array<i64: 2, 16>, scalar_prefetch = 0 : i64, scratch_operands = 11 : i64, tpu.core_type = #tpu.core_type<sc_vector_subcore>, window_params = [{transform_indices = #map}, {transform_indices = #map1}, {transform_indices = #map1}, {transform_indices = #map1}, {transform_indices = #map1}, {transform_indices = #map1}]} {
    %mul3A = arith.constant 2 : i32
    %mul3A_0 = arith.muli %arg1, %mul3A : i32
    %add3A = arith.addi %mul3A_0, %arg0 : i32
    %lt3A = arith.constant 12 : i32
    %lt3A_1 = arith.cmpi slt, %add3A, %lt3A : i32
    %convert_element_type3A = arith.extui %lt3A_1 : i1 to i32
    %cond3A = arith.constant 0 : i32
    %cond3A_2 = arith.cmpi ne, %convert_element_type3A, %cond3A : i32
    scf.if %cond3A_2 {
      %mul3A_3 = arith.constant 8 : i32
      %mul3A_4 = arith.muli %add3A, %mul3A_3 : i32
      %multiple_of3A = tpu.assume_multiple %mul3A_4, 8 : i32
      %mul3A_5 = arith.constant 768 : i32
      %mul3A_6 = arith.muli %add3A, %mul3A_5 : i32
      %multiple_of3A_7 = tpu.assume_multiple %mul3A_6, 768 : i32
      %dma_start3A = arith.constant 0 : i32
      %dma_start3A_8 = tpu.memref_slice %arg4[%multiple_of3A, %dma_start3A] : memref<96x96xf32, #tpu.memory_space<hbm>> -> memref<8x96xf32, #tpu.memory_space<hbm>>
      %dma_start3A_9 = arith.constant 0 : i32
      %dma_start3A_10 = tpu.memref_slice %arg4[%multiple_of3A, %dma_start3A_9] : memref<96x96xf32, #tpu.memory_space<hbm>> -> memref<8x96xf32, #tpu.memory_space<hbm>>
      tpu.enqueue_dma source(%dma_start3A_10 : memref<8x96xf32, #tpu.memory_space<hbm>>) target(%arg13 : memref<8x96xf32, #tpu.memory_space<vmem>>) target_semaphore(%arg18 : memref<!tpu.dma_semaphore, #tpu.memory_space<semaphore_mem>>)
      %dma_start3A_11 = arith.constant 0 : i32
      %dma_start3A_12 = tpu.memref_slice %arg5[%multiple_of3A, %dma_start3A_11] : memref<96x96xf32, #tpu.memory_space<hbm>> -> memref<8x96xf32, #tpu.memory_space<hbm>>
      %dma_start3A_13 = arith.constant 0 : i32
      %dma_start3A_14 = tpu.memref_slice %arg5[%multiple_of3A, %dma_start3A_13] : memref<96x96xf32, #tpu.memory_space<hbm>> -> memref<8x96xf32, #tpu.memory_space<hbm>>
      tpu.enqueue_dma source(%dma_start3A_14 : memref<8x96xf32, #tpu.memory_space<hbm>>) target(%arg14 : memref<8x96xf32, #tpu.memory_space<vmem>>) target_semaphore(%arg18 : memref<!tpu.dma_semaphore, #tpu.memory_space<semaphore_mem>>)
      %dma_start3A_15 = arith.constant 0 : i32
      %dma_start3A_16 = tpu.memref_slice %arg6[%multiple_of3A, %dma_start3A_15] : memref<96x96xf32, #tpu.memory_space<hbm>> -> memref<8x96xf32, #tpu.memory_space<hbm>>
      %dma_start3A_17 = arith.constant 0 : i32
      %dma_start3A_18 = tpu.memref_slice %arg6[%multiple_of3A, %dma_start3A_17] : memref<96x96xf32, #tpu.memory_space<hbm>> -> memref<8x96xf32, #tpu.memory_space<hbm>>
      tpu.enqueue_dma source(%dma_start3A_18 : memref<8x96xf32, #tpu.memory_space<hbm>>) target(%arg15 : memref<8x96xf32, #tpu.memory_space<vmem>>) target_semaphore(%arg18 : memref<!tpu.dma_semaphore, #tpu.memory_space<semaphore_mem>>)
      "tpu.region"() ({
        %run_scoped3A = tpu.sem_alloc : memref<!tpu.dma_semaphore, #tpu.memory_space<semaphore_mem>>
        tpu.enqueue_dma source(%arg2 : memref<2304xi32, #tpu.memory_space<hbm>>) target(%arg8 : memref<2304xi32, #tpu.memory_space<vmem>>) target_semaphore(%run_scoped3A : memref<!tpu.dma_semaphore, #tpu.memory_space<semaphore_mem>>)
        tpu.wait_dma2 semaphore(%run_scoped3A : memref<!tpu.dma_semaphore, #tpu.memory_space<semaphore_mem>>) src(%arg2 : memref<2304xi32, #tpu.memory_space<hbm>>) dst(%arg8 : memref<2304xi32, #tpu.memory_space<vmem>>)
        tpu.yield
      }) : () -> ()
      %iota3A = tpu.iota {dimensions = array<i32: 0>} : vector<16xi32>
      %broadcast_in_dim3A = arith.constant 0 : i32
      %broadcast_in_dim3A_19 = vector.broadcast %broadcast_in_dim3A : i32 to vector<16xi32>
      %broadcast_in_dim3A_20 = arith.constant 0.000000e+00 : f32
      %broadcast_in_dim3A_21 = vector.broadcast %broadcast_in_dim3A_20 : f32 to vector<16xf32>
      %swap3A = arith.constant 0 : index
      %swap3A_22 = tpu.vector_load %arg12[%swap3A] {strides = array<i32>} : memref<768xf32, #tpu.memory_space<vmem>>, vector<16xf32>,
      tpu.vector_store %arg12[%swap3A], %broadcast_in_dim3A_21 {strides = array<i32>} : memref<768xf32, #tpu.memory_space<vmem>>, vector<16xf32>,
      %swap3A_23 = arith.constant 16 : index
      %swap3A_24 = tpu.vector_load %arg12[%swap3A_23] {strides = array<i32>} : memref<768xf32, #tpu.memory_space<vmem>>, vector<16xf32>,
      tpu.vector_store %arg12[%swap3A_23], %broadcast_in_dim3A_21 {strides = array<i32>} : memref<768xf32, #tpu.memory_space<vmem>>, vector<16xf32>,
      %swap3A_25 = arith.constant 32 : index
      %swap3A_26 = tpu.vector_load %arg12[%swap3A_25] {strides = array<i32>} : memref<768xf32, #tpu.memory_space<vmem>>, vector<16xf32>,
      tpu.vector_store %arg12[%swap3A_25], %broadcast_in_dim3A_21 {strides = array<i32>} : memref<768xf32, #tpu.memory_space<vmem>>, vector<16xf32>,
      %swap3A_27 = arith.constant 48 : index
      %swap3A_28 = tpu.vector_load %arg12[%swap3A_27] {strides = array<i32>} : memref<768xf32, #tpu.memory_space<vmem>>, vector<16xf32>,
      tpu.vector_store %arg12[%swap3A_27], %broadcast_in_dim3A_21 {strides = array<i32>} : memref<768xf32, #tpu.memory_space<vmem>>, vector<16xf32>,
      %swap3A_29 = arith.constant 64 : index
      %swap3A_30 = tpu.vector_load %arg12[%swap3A_29] {strides = array<i32>} : memref<768xf32, #tpu.memory_space<vmem>>, vector<16xf32>,
      tpu.vector_store %arg12[%swap3A_29], %broadcast_in_dim3A_21 {strides = array<i32>} : memref<768xf32, #tpu.memory_space<vmem>>, vector<16xf32>,
      %swap3A_31 = arith.constant 80 : index
      %swap3A_32 = tpu.vector_load %arg12[%swap3A_31] {strides = array<i32>} : memref<768xf32, #tpu.memory_space<vmem>>, vector<16xf32>,
      tpu.vector_store %arg12[%swap3A_31], %broadcast_in_dim3A_21 {strides = array<i32>} : memref<768xf32, #tpu.memory_space<vmem>>, vector<16xf32>,
      %swap3A_33 = arith.constant 96 : index
      %swap3A_34 = tpu.vector_load %arg12[%swap3A_33] {strides = array<i32>} : memref<768xf32, #tpu.memory_space<vmem>>, vector<16xf32>,
      tpu.vector_store %arg12[%swap3A_33], %broadcast_in_dim3A_21 {strides = array<i32>} : memref<768xf32, #tpu.memory_space<vmem>>, vector<16xf32>,
      %swap3A_35 = arith.constant 112 : index
      %swap3A_36 = tpu.vector_load %arg12[%swap3A_35] {strides = array<i32>} : memref<768xf32, #tpu.memory_space<vmem>>, vector<16xf32>,
      tpu.vector_store %arg12[%swap3A_35], %broadcast_in_dim3A_21 {strides = array<i32>} : memref<768xf32, #tpu.memory_space<vmem>>, vector<16xf32>,
      %swap3A_37 = arith.constant 128 : index
      %swap3A_38 = tpu.vector_load %arg12[%swap3A_37] {strides = array<i32>} : memref<768xf32, #tpu.memory_space<vmem>>, vector<16xf32>,
      tpu.vector_store %arg12[%swap3A_37], %broadcast_in_dim3A_21 {strides = array<i32>} : memref<768xf32, #tpu.memory_space<vmem>>, vector<16xf32>,
      %swap3A_39 = arith.constant 144 : index
      %swap3A_40 = tpu.vector_load %arg12[%swap3A_39] {strides = array<i32>} : memref<768xf32, #tpu.memory_space<vmem>>, vector<16xf32>,
      tpu.vector_store %arg12[%swap3A_39], %broadcast_in_dim3A_21 {strides = array<i32>} : memref<768xf32, #tpu.memory_space<vmem>>, vector<16xf32>,
      %swap3A_41 = arith.constant 160 : index
      %swap3A_42 = tpu.vector_load %arg12[%swap3A_41] {strides = array<i32>} : memref<768xf32, #tpu.memory_space<vmem>>, vector<16xf32>,
      tpu.vector_store %arg12[%swap3A_41], %broadcast_in_dim3A_21 {strides = array<i32>} : memref<768xf32, #tpu.memory_space<vmem>>, vector<16xf32>,
      %swap3A_43 = arith.constant 176 : index
      %swap3A_44 = tpu.vector_load %arg12[%swap3A_43] {strides = array<i32>} : memref<768xf32, #tpu.memory_space<vmem>>, vector<16xf32>,
      tpu.vector_store %arg12[%swap3A_43], %broadcast_in_dim3A_21 {strides = array<i32>} : memref<768xf32, #tpu.memory_space<vmem>>, vector<16xf32>,
      %swap3A_45 = arith.constant 192 : index
      %swap3A_46 = tpu.vector_load %arg12[%swap3A_45] {strides = array<i32>} : memref<768xf32, #tpu.memory_space<vmem>>, vector<16xf32>,
      tpu.vector_store %arg12[%swap3A_45], %broadcast_in_dim3A_21 {strides = array<i32>} : memref<768xf32, #tpu.memory_space<vmem>>, vector<16xf32>,
      %swap3A_47 = arith.constant 208 : index
      %swap3A_48 = tpu.vector_load %arg12[%swap3A_47] {strides = array<i32>} : memref<768xf32, #tpu.memory_space<vmem>>, vector<16xf32>,
      tpu.vector_store %arg12[%swap3A_47], %broadcast_in_dim3A_21 {strides = array<i32>} : memref<768xf32, #tpu.memory_space<vmem>>, vector<16xf32>,
      %swap3A_49 = arith.constant 224 : index
      %swap3A_50 = tpu.vector_load %arg12[%swap3A_49] {strides = array<i32>} : memref<768xf32, #tpu.memory_space<vmem>>, vector<16xf32>,
      tpu.vector_store %arg12[%swap3A_49], %broadcast_in_dim3A_21 {strides = array<i32>} : memref<768xf32, #tpu.memory_space<vmem>>, vector<16xf32>,
      %swap3A_51 = arith.constant 240 : index
      %swap3A_52 = tpu.vector_load %arg12[%swap3A_51] {strides = array<i32>} : memref<768xf32, #tpu.memory_space<vmem>>, vector<16xf32>,
      tpu.vector_store %arg12[%swap3A_51], %broadcast_in_dim3A_21 {strides = array<i32>} : memref<768xf32, #tpu.memory_space<vmem>>, vector<16xf32>,
      %swap3A_53 = arith.constant 256 : index
      %swap3A_54 = tpu.vector_load %arg12[%swap3A_53] {strides = array<i32>} : memref<768xf32, #tpu.memory_space<vmem>>, vector<16xf32>,
      tpu.vector_store %arg12[%swap3A_53], %broadcast_in_dim3A_21 {strides = array<i32>} : memref<768xf32, #tpu.memory_space<vmem>>, vector<16xf32>,
      %swap3A_55 = arith.constant 272 : index
      %swap3A_56 = tpu.vector_load %arg12[%swap3A_55] {strides = array<i32>} : memref<768xf32, #tpu.memory_space<vmem>>, vector<16xf32>,
      tpu.vector_store %arg12[%swap3A_55], %broadcast_in_dim3A_21 {strides = array<i32>} : memref<768xf32, #tpu.memory_space<vmem>>, vector<16xf32>,
      %swap3A_57 = arith.constant 288 : index
      %swap3A_58 = tpu.vector_load %arg12[%swap3A_57] {strides = array<i32>} : memref<768xf32, #tpu.memory_space<vmem>>, vector<16xf32>,
      tpu.vector_store %arg12[%swap3A_57], %broadcast_in_dim3A_21 {strides = array<i32>} : memref<768xf32, #tpu.memory_space<vmem>>, vector<16xf32>,
      %swap3A_59 = arith.constant 304 : index
      %swap3A_60 = tpu.vector_load %arg12[%swap3A_59] {strides = array<i32>} : memref<768xf32, #tpu.memory_space<vmem>>, vector<16xf32>,
      tpu.vector_store %arg12[%swap3A_59], %broadcast_in_dim3A_21 {strides = array<i32>} : memref<768xf32, #tpu.memory_space<vmem>>, vector<16xf32>,
      %swap3A_61 = arith.constant 320 : index
      %swap3A_62 = tpu.vector_load %arg12[%swap3A_61] {strides = array<i32>} : memref<768xf32, #tpu.memory_space<vmem>>, vector<16xf32>,
      tpu.vector_store %arg12[%swap3A_61], %broadcast_in_dim3A_21 {strides = array<i32>} : memref<768xf32, #tpu.memory_space<vmem>>, vector<16xf32>,
      %swap3A_63 = arith.constant 336 : index
      %swap3A_64 = tpu.vector_load %arg12[%swap3A_63] {strides = array<i32>} : memref<768xf32, #tpu.memory_space<vmem>>, vector<16xf32>,
      tpu.vector_store %arg12[%swap3A_63], %broadcast_in_dim3A_21 {strides = array<i32>} : memref<768xf32, #tpu.memory_space<vmem>>, vector<16xf32>,
      %swap3A_65 = arith.constant 352 : index
      %swap3A_66 = tpu.vector_load %arg12[%swap3A_65] {strides = array<i32>} : memref<768xf32, #tpu.memory_space<vmem>>, vector<16xf32>,
      tpu.vector_store %arg12[%swap3A_65], %broadcast_in_dim3A_21 {strides = array<i32>} : memref<768xf32, #tpu.memory_space<vmem>>, vector<16xf32>,
      %swap3A_67 = arith.constant 368 : index
      %swap3A_68 = tpu.vector_load %arg12[%swap3A_67] {strides = array<i32>} : memref<768xf32, #tpu.memory_space<vmem>>, vector<16xf32>,
      tpu.vector_store %arg12[%swap3A_67], %broadcast_in_dim3A_21 {strides = array<i32>} : memref<768xf32, #tpu.memory_space<vmem>>, vector<16xf32>,
      %swap3A_69 = arith.constant 384 : index
      %swap3A_70 = tpu.vector_load %arg12[%swap3A_69] {strides = array<i32>} : memref<768xf32, #tpu.memory_space<vmem>>, vector<16xf32>,
      tpu.vector_store %arg12[%swap3A_69], %broadcast_in_dim3A_21 {strides = array<i32>} : memref<768xf32, #tpu.memory_space<vmem>>, vector<16xf32>,
      %swap3A_71 = arith.constant 400 : index
      %swap3A_72 = tpu.vector_load %arg12[%swap3A_71] {strides = array<i32>} : memref<768xf32, #tpu.memory_space<vmem>>, vector<16xf32>,
      tpu.vector_store %arg12[%swap3A_71], %broadcast_in_dim3A_21 {strides = array<i32>} : memref<768xf32, #tpu.memory_space<vmem>>, vector<16xf32>,
      %swap3A_73 = arith.constant 416 : index
      %swap3A_74 = tpu.vector_load %arg12[%swap3A_73] {strides = array<i32>} : memref<768xf32, #tpu.memory_space<vmem>>, vector<16xf32>,
      tpu.vector_store %arg12[%swap3A_73], %broadcast_in_dim3A_21 {strides = array<i32>} : memref<768xf32, #tpu.memory_space<vmem>>, vector<16xf32>,
      %swap3A_75 = arith.constant 432 : index
      %swap3A_76 = tpu.vector_load %arg12[%swap3A_75] {strides = array<i32>} : memref<768xf32, #tpu.memory_space<vmem>>, vector<16xf32>,
      tpu.vector_store %arg12[%swap3A_75], %broadcast_in_dim3A_21 {strides = array<i32>} : memref<768xf32, #tpu.memory_space<vmem>>, vector<16xf32>,
      %swap3A_77 = arith.constant 448 : index
      %swap3A_78 = tpu.vector_load %arg12[%swap3A_77] {strides = array<i32>} : memref<768xf32, #tpu.memory_space<vmem>>, vector<16xf32>,
      tpu.vector_store %arg12[%swap3A_77], %broadcast_in_dim3A_21 {strides = array<i32>} : memref<768xf32, #tpu.memory_space<vmem>>, vector<16xf32>,
      %swap3A_79 = arith.constant 464 : index
      %swap3A_80 = tpu.vector_load %arg12[%swap3A_79] {strides = array<i32>} : memref<768xf32, #tpu.memory_space<vmem>>, vector<16xf32>,
      tpu.vector_store %arg12[%swap3A_79], %broadcast_in_dim3A_21 {strides = array<i32>} : memref<768xf32, #tpu.memory_space<vmem>>, vector<16xf32>,
      %swap3A_81 = arith.constant 480 : index
      %swap3A_82 = tpu.vector_load %arg12[%swap3A_81] {strides = array<i32>} : memref<768xf32, #tpu.memory_space<vmem>>, vector<16xf32>,
      tpu.vector_store %arg12[%swap3A_81], %broadcast_in_dim3A_21 {strides = array<i32>} : memref<768xf32, #tpu.memory_space<vmem>>, vector<16xf32>,
      %swap3A_83 = arith.constant 496 : index
      %swap3A_84 = tpu.vector_load %arg12[%swap3A_83] {strides = array<i32>} : memref<768xf32, #tpu.memory_space<vmem>>, vector<16xf32>,
      tpu.vector_store %arg12[%swap3A_83], %broadcast_in_dim3A_21 {strides = array<i32>} : memref<768xf32, #tpu.memory_space<vmem>>, vector<16xf32>,
      %swap3A_85 = arith.constant 512 : index
      %swap3A_86 = tpu.vector_load %arg12[%swap3A_85] {strides = array<i32>} : memref<768xf32, #tpu.memory_space<vmem>>, vector<16xf32>,
      tpu.vector_store %arg12[%swap3A_85], %broadcast_in_dim3A_21 {strides = array<i32>} : memref<768xf32, #tpu.memory_space<vmem>>, vector<16xf32>,
      %swap3A_87 = arith.constant 528 : index
      %swap3A_88 = tpu.vector_load %arg12[%swap3A_87] {strides = array<i32>} : memref<768xf32, #tpu.memory_space<vmem>>, vector<16xf32>,
      tpu.vector_store %arg12[%swap3A_87], %broadcast_in_dim3A_21 {strides = array<i32>} : memref<768xf32, #tpu.memory_space<vmem>>, vector<16xf32>,
      %swap3A_89 = arith.constant 544 : index
      %swap3A_90 = tpu.vector_load %arg12[%swap3A_89] {strides = array<i32>} : memref<768xf32, #tpu.memory_space<vmem>>, vector<16xf32>,
      tpu.vector_store %arg12[%swap3A_89], %broadcast_in_dim3A_21 {strides = array<i32>} : memref<768xf32, #tpu.memory_space<vmem>>, vector<16xf32>,
      %swap3A_91 = arith.constant 560 : index
      %swap3A_92 = tpu.vector_load %arg12[%swap3A_91] {strides = array<i32>} : memref<768xf32, #tpu.memory_space<vmem>>, vector<16xf32>,
      tpu.vector_store %arg12[%swap3A_91], %broadcast_in_dim3A_21 {strides = array<i32>} : memref<768xf32, #tpu.memory_space<vmem>>, vector<16xf32>,
      %swap3A_93 = arith.constant 576 : index
      %swap3A_94 = tpu.vector_load %arg12[%swap3A_93] {strides = array<i32>} : memref<768xf32, #tpu.memory_space<vmem>>, vector<16xf32>,
      tpu.vector_store %arg12[%swap3A_93], %broadcast_in_dim3A_21 {strides = array<i32>} : memref<768xf32, #tpu.memory_space<vmem>>, vector<16xf32>,
      %swap3A_95 = arith.constant 592 : index
      %swap3A_96 = tpu.vector_load %arg12[%swap3A_95] {strides = array<i32>} : memref<768xf32, #tpu.memory_space<vmem>>, vector<16xf32>,
      tpu.vector_store %arg12[%swap3A_95], %broadcast_in_dim3A_21 {strides = array<i32>} : memref<768xf32, #tpu.memory_space<vmem>>, vector<16xf32>,
      %swap3A_97 = arith.constant 608 : index
      %swap3A_98 = tpu.vector_load %arg12[%swap3A_97] {strides = array<i32>} : memref<768xf32, #tpu.memory_space<vmem>>, vector<16xf32>,
      tpu.vector_store %arg12[%swap3A_97], %broadcast_in_dim3A_21 {strides = array<i32>} : memref<768xf32, #tpu.memory_space<vmem>>, vector<16xf32>,
      %swap3A_99 = arith.constant 624 : index
      %swap3A_100 = tpu.vector_load %arg12[%swap3A_99] {strides = array<i32>} : memref<768xf32, #tpu.memory_space<vmem>>, vector<16xf32>,
      tpu.vector_store %arg12[%swap3A_99], %broadcast_in_dim3A_21 {strides = array<i32>} : memref<768xf32, #tpu.memory_space<vmem>>, vector<16xf32>,
      %swap3A_101 = arith.constant 640 : index
      %swap3A_102 = tpu.vector_load %arg12[%swap3A_101] {strides = array<i32>} : memref<768xf32, #tpu.memory_space<vmem>>, vector<16xf32>,
      tpu.vector_store %arg12[%swap3A_101], %broadcast_in_dim3A_21 {strides = array<i32>} : memref<768xf32, #tpu.memory_space<vmem>>, vector<16xf32>,
      %swap3A_103 = arith.constant 656 : index
      %swap3A_104 = tpu.vector_load %arg12[%swap3A_103] {strides = array<i32>} : memref<768xf32, #tpu.memory_space<vmem>>, vector<16xf32>,
      tpu.vector_store %arg12[%swap3A_103], %broadcast_in_dim3A_21 {strides = array<i32>} : memref<768xf32, #tpu.memory_space<vmem>>, vector<16xf32>,
      %swap3A_105 = arith.constant 672 : index
      %swap3A_106 = tpu.vector_load %arg12[%swap3A_105] {strides = array<i32>} : memref<768xf32, #tpu.memory_space<vmem>>, vector<16xf32>,
      tpu.vector_store %arg12[%swap3A_105], %broadcast_in_dim3A_21 {strides = array<i32>} : memref<768xf32, #tpu.memory_space<vmem>>, vector<16xf32>,
      %swap3A_107 = arith.constant 688 : index
      %swap3A_108 = tpu.vector_load %arg12[%swap3A_107] {strides = array<i32>} : memref<768xf32, #tpu.memory_space<vmem>>, vector<16xf32>,
      tpu.vector_store %arg12[%swap3A_107], %broadcast_in_dim3A_21 {strides = array<i32>} : memref<768xf32, #tpu.memory_space<vmem>>, vector<16xf32>,
      %swap3A_109 = arith.constant 704 : index
      %swap3A_110 = tpu.vector_load %arg12[%swap3A_109] {strides = array<i32>} : memref<768xf32, #tpu.memory_space<vmem>>, vector<16xf32>,
      tpu.vector_store %arg12[%swap3A_109], %broadcast_in_dim3A_21 {strides = array<i32>} : memref<768xf32, #tpu.memory_space<vmem>>, vector<16xf32>,
      %swap3A_111 = arith.constant 720 : index
      %swap3A_112 = tpu.vector_load %arg12[%swap3A_111] {strides = array<i32>} : memref<768xf32, #tpu.memory_space<vmem>>, vector<16xf32>,
      tpu.vector_store %arg12[%swap3A_111], %broadcast_in_dim3A_21 {strides = array<i32>} : memref<768xf32, #tpu.memory_space<vmem>>, vector<16xf32>,
      %swap3A_113 = arith.constant 736 : index
      %swap3A_114 = tpu.vector_load %arg12[%swap3A_113] {strides = array<i32>} : memref<768xf32, #tpu.memory_space<vmem>>, vector<16xf32>,
      tpu.vector_store %arg12[%swap3A_113], %broadcast_in_dim3A_21 {strides = array<i32>} : memref<768xf32, #tpu.memory_space<vmem>>, vector<16xf32>,
      %swap3A_115 = arith.constant 752 : index
      %swap3A_116 = tpu.vector_load %arg12[%swap3A_115] {strides = array<i32>} : memref<768xf32, #tpu.memory_space<vmem>>, vector<16xf32>,
      tpu.vector_store %arg12[%swap3A_115], %broadcast_in_dim3A_21 {strides = array<i32>} : memref<768xf32, #tpu.memory_space<vmem>>, vector<16xf32>,
      %scan3A = arith.constant 0 : i32
      %scan3A_117 = arith.constant 18 : i32
      %scan3A_118 = arith.addi %scan3A, %scan3A_117 : i32
      %scan3A_119 = arith.constant 1 : i32
      %scan3A_120 = scf.for %scan3A_1421 = %scan3A to %scan3A_118 step %scan3A_119 iter_args(%scan3A_1422 = %broadcast_in_dim3A_19) -> (vector<16xi32>)  : i32 {
        %mul3A_1423 = arith.constant 8 : i32
        %mul3A_1424 = arith.muli %scan3A_1421, %mul3A_1423 : i32
        %add3A_1425 = arith.constant 0 : i32
        %add3A_1426 = arith.addi %mul3A_1424, %add3A_1425 : i32
        %mul3A_1427 = arith.constant 16 : i32
        %mul3A_1428 = arith.muli %add3A_1426, %mul3A_1427 : i32
        %get3A_1429 = arith.index_cast %mul3A_1428 : i32 to index
        %get3A_1430 = tpu.vector_load %arg8[%get3A_1429] {strides = array<i32>} : memref<2304xi32, #tpu.memory_space<vmem>>, vector<16xi32>,
        %or3A = arith.ori %scan3A_1422, %get3A_1430 : vector<16xi32>
        %mul3A_1431 = arith.constant 8 : i32
        %mul3A_1432 = arith.muli %scan3A_1421, %mul3A_1431 : i32
        %add3A_1433 = arith.constant 1 : i32
        %add3A_1434 = arith.addi %mul3A_1432, %add3A_1433 : i32
        %mul3A_1435 = arith.constant 16 : i32
        %mul3A_1436 = arith.muli %add3A_1434, %mul3A_1435 : i32
        %get3A_1437 = arith.index_cast %mul3A_1436 : i32 to index
        %get3A_1438 = tpu.vector_load %arg8[%get3A_1437] {strides = array<i32>} : memref<2304xi32, #tpu.memory_space<vmem>>, vector<16xi32>,
        %or3A_1439 = arith.ori %or3A, %get3A_1438 : vector<16xi32>
        %mul3A_1440 = arith.constant 8 : i32
        %mul3A_1441 = arith.muli %scan3A_1421, %mul3A_1440 : i32
        %add3A_1442 = arith.constant 2 : i32
        %add3A_1443 = arith.addi %mul3A_1441, %add3A_1442 : i32
        %mul3A_1444 = arith.constant 16 : i32
        %mul3A_1445 = arith.muli %add3A_1443, %mul3A_1444 : i32
        %get3A_1446 = arith.index_cast %mul3A_1445 : i32 to index
        %get3A_1447 = tpu.vector_load %arg8[%get3A_1446] {strides = array<i32>} : memref<2304xi32, #tpu.memory_space<vmem>>, vector<16xi32>,
        %or3A_1448 = arith.ori %or3A_1439, %get3A_1447 : vector<16xi32>
        %mul3A_1449 = arith.constant 8 : i32
        %mul3A_1450 = arith.muli %scan3A_1421, %mul3A_1449 : i32
        %add3A_1451 = arith.constant 3 : i32
        %add3A_1452 = arith.addi %mul3A_1450, %add3A_1451 : i32
        %mul3A_1453 = arith.constant 16 : i32
        %mul3A_1454 = arith.muli %add3A_1452, %mul3A_1453 : i32
        %get3A_1455 = arith.index_cast %mul3A_1454 : i32 to index
        %get3A_1456 = tpu.vector_load %arg8[%get3A_1455] {strides = array<i32>} : memref<2304xi32, #tpu.memory_space<vmem>>, vector<16xi32>,
        %or3A_1457 = arith.ori %or3A_1448, %get3A_1456 : vector<16xi32>
        %mul3A_1458 = arith.constant 8 : i32
        %mul3A_1459 = arith.muli %scan3A_1421, %mul3A_1458 : i32
        %add3A_1460 = arith.constant 4 : i32
        %add3A_1461 = arith.addi %mul3A_1459, %add3A_1460 : i32
        %mul3A_1462 = arith.constant 16 : i32
        %mul3A_1463 = arith.muli %add3A_1461, %mul3A_1462 : i32
        %get3A_1464 = arith.index_cast %mul3A_1463 : i32 to index
        %get3A_1465 = tpu.vector_load %arg8[%get3A_1464] {strides = array<i32>} : memref<2304xi32, #tpu.memory_space<vmem>>, vector<16xi32>,
        %or3A_1466 = arith.ori %or3A_1457, %get3A_1465 : vector<16xi32>
        %mul3A_1467 = arith.constant 8 : i32
        %mul3A_1468 = arith.muli %scan3A_1421, %mul3A_1467 : i32
        %add3A_1469 = arith.constant 5 : i32
        %add3A_1470 = arith.addi %mul3A_1468, %add3A_1469 : i32
        %mul3A_1471 = arith.constant 16 : i32
        %mul3A_1472 = arith.muli %add3A_1470, %mul3A_1471 : i32
        %get3A_1473 = arith.index_cast %mul3A_1472 : i32 to index
        %get3A_1474 = tpu.vector_load %arg8[%get3A_1473] {strides = array<i32>} : memref<2304xi32, #tpu.memory_space<vmem>>, vector<16xi32>,
        %or3A_1475 = arith.ori %or3A_1466, %get3A_1474 : vector<16xi32>
        %mul3A_1476 = arith.constant 8 : i32
        %mul3A_1477 = arith.muli %scan3A_1421, %mul3A_1476 : i32
        %add3A_1478 = arith.constant 6 : i32
        %add3A_1479 = arith.addi %mul3A_1477, %add3A_1478 : i32
        %mul3A_1480 = arith.constant 16 : i32
        %mul3A_1481 = arith.muli %add3A_1479, %mul3A_1480 : i32
        %get3A_1482 = arith.index_cast %mul3A_1481 : i32 to index
        %get3A_1483 = tpu.vector_load %arg8[%get3A_1482] {strides = array<i32>} : memref<2304xi32, #tpu.memory_space<vmem>>, vector<16xi32>,
        %or3A_1484 = arith.ori %or3A_1475, %get3A_1483 : vector<16xi32>
        %mul3A_1485 = arith.constant 8 : i32
        %mul3A_1486 = arith.muli %scan3A_1421, %mul3A_1485 : i32
        %add3A_1487 = arith.constant 7 : i32
        %add3A_1488 = arith.addi %mul3A_1486, %add3A_1487 : i32
        %mul3A_1489 = arith.constant 16 : i32
        %mul3A_1490 = arith.muli %add3A_1488, %mul3A_1489 : i32
        %get3A_1491 = arith.index_cast %mul3A_1490 : i32 to index
        %get3A_1492 = tpu.vector_load %arg8[%get3A_1491] {strides = array<i32>} : memref<2304xi32, #tpu.memory_space<vmem>>, vector<16xi32>,
        %or3A_1493 = arith.ori %or3A_1484, %get3A_1492 : vector<16xi32>
        scf.yield %or3A_1493 : vector<16xi32>
      }
      %scan3A_121 = arith.constant 18 : i32
      %reduce_max3A = arith.constant true
      %reduce_max3A_122 = vector.broadcast %reduce_max3A : i1 to vector<16xi1>
      %reduce_max3A_123 = arith.constant -2147483648 : i32
      %reduce_max3A_124 = vector.broadcast %reduce_max3A_123 : i32 to vector<16xi32>
      %reduce_max3A_125 = arith.xori %scan3A_120, %reduce_max3A_124 : vector<16xi32>
      %reduce_max3A_126 = tpu.scan <max>, %reduce_max3A_125 masked %reduce_max3A_122 : vector<16xi32>, vector<16xi1> -> vector<16xi32>
      %reduce_max3A_127 = arith.xori %reduce_max3A_126, %reduce_max3A_124 : vector<16xi32>
      %reduce_max3A_128 = vector.extract %reduce_max3A_127[15] : i32 from vector<16xi32>
      %ne3A = arith.constant 0 : i32
      %ne3A_129 = arith.cmpi ne, %reduce_max3A_128, %ne3A : i32
      %convert_element_type3A_130 = arith.extui %ne3A_129 : i1 to i32
      %cond3A_131 = arith.constant 0 : i32
      %cond3A_132 = arith.cmpi ne, %convert_element_type3A_130, %cond3A_131 : i32
      %cond3A_133 = scf.if %cond3A_132 -> (i32) {
        %scan3A_1421 = arith.constant 0 : i32
        %scan3A_1422 = arith.constant 144 : i32
        %scan3A_1423 = arith.addi %scan3A_1421, %scan3A_1422 : i32
        %scan3A_1424 = arith.constant 1 : i32
        %scan3A_1425 = scf.for %scan3A_1486 = %scan3A_1421 to %scan3A_1423 step %scan3A_1424 iter_args(%scan3A_1487 = %broadcast_in_dim3A_19) -> (vector<16xi32>)  : i32 {
          %mul3A_1488 = arith.constant 16 : i32
          %mul3A_1489 = arith.muli %scan3A_1486, %mul3A_1488 : i32
          %get3A_1490 = arith.index_cast %mul3A_1489 : i32 to index
          %get3A_1491 = tpu.vector_load %arg8[%get3A_1490] {strides = array<i32>} : memref<2304xi32, #tpu.memory_space<vmem>>, vector<16xi32>,
          %ne3A_1492 = arith.constant 0 : i32
          %ne3A_1493 = vector.broadcast %ne3A_1492 : i32 to vector<16xi32>
          %ne3A_1494 = arith.cmpi ne, %get3A_1491, %ne3A_1493 : vector<16xi32>
          %convert_element_type3A_1495 = arith.extui %ne3A_1494 : vector<16xi1> to vector<16xi32>
          %cumsum3A = arith.constant true
          %cumsum3A_1496 = vector.broadcast %cumsum3A : i1 to vector<16xi1>
          %cumsum3A_1497 = tpu.scan <sum>, %convert_element_type3A_1495 masked %cumsum3A_1496 : vector<16xi32>, vector<16xi1> -> vector<16xi32>
          %add3A_1498 = arith.addi %scan3A_1487, %cumsum3A_1497 : vector<16xi32>
          %sub3A_1499 = arith.constant 1 : i32
          %sub3A_1500 = vector.broadcast %sub3A_1499 : i32 to vector<16xi32>
          %sub3A_1501 = arith.subi %add3A_1498, %sub3A_1500 : vector<16xi32>
          %mul3A_1502 = arith.constant 16 : i32
          %mul3A_1503 = arith.muli %scan3A_1486, %mul3A_1502 : i32
          %add3A_1504 = vector.broadcast %mul3A_1503 : i32 to vector<16xi32>
          %add3A_1505 = arith.addi %iota3A, %add3A_1504 : vector<16xi32>
          tpu.vector_store_idx %arg9[%sub3A_1501], %add3A_1505 masked %ne3A_1494 : memref<2320xi32, #tpu.memory_space<vmem>>[vector<16xi32>], vector<16xi32>, vector<16xi1>
          %all_reduce_population_count3A = tpu.all_reduce %ne3A_1494 {dim = 0 : i64, kind = #tpu.reduction_kind<sum>} : vector<16xi1> -> vector<16xi32>
          %add3A_1506 = arith.addi %scan3A_1487, %all_reduce_population_count3A : vector<16xi32>
          scf.yield %add3A_1506 : vector<16xi32>
        }
        %scan3A_1426 = arith.constant 144 : i32
        %reduce_max3A_1427 = arith.constant true
        %reduce_max3A_1428 = vector.broadcast %reduce_max3A_1427 : i1 to vector<16xi1>
        %reduce_max3A_1429 = arith.constant -2147483648 : i32
        %reduce_max3A_1430 = vector.broadcast %reduce_max3A_1429 : i32 to vector<16xi32>
        %reduce_max3A_1431 = arith.xori %scan3A_1425, %reduce_max3A_1430 : vector<16xi32>
        %reduce_max3A_1432 = tpu.scan <max>, %reduce_max3A_1431 masked %reduce_max3A_1428 : vector<16xi32>, vector<16xi1> -> vector<16xi32>
        %reduce_max3A_1433 = arith.xori %reduce_max3A_1432, %reduce_max3A_1430 : vector<16xi32>
        %reduce_max3A_1434 = vector.extract %reduce_max3A_1433[15] : i32 from vector<16xi32>
        %add3A_1435 = vector.broadcast %reduce_max3A_1434 : i32 to vector<16xi32>
        %add3A_1436 = arith.addi %add3A_1435, %iota3A : vector<16xi32>
        tpu.vector_store_idx %arg9[%add3A_1436], %broadcast_in_dim3A_19 : memref<2320xi32, #tpu.memory_space<vmem>>[vector<16xi32>], vector<16xi32>,
        %add3A_1437 = arith.constant 16 : i32
        %add3A_1438 = arith.addi %reduce_max3A_1434, %add3A_1437 : i32
        %sub3A_1439 = arith.constant 1 : i32
        %sub3A_1440 = arith.subi %add3A_1438, %sub3A_1439 : i32
        %jit3A_1441 = arith.constant 16 : i32
        %div3A_1442 = arith.divsi %sub3A_1440, %jit3A_1441 : i32
        %sign3A_1443 = arith.constant 0 : i32
        %sign3A_1444 = arith.cmpi sgt, %sub3A_1440, %sign3A_1443 : i32
        %sign3A_1445 = arith.extui %sign3A_1444 : i1 to i32
        %sign3A_1446 = arith.constant 0 : i32
        %sign3A_1447 = arith.cmpi slt, %sub3A_1440, %sign3A_1446 : i32
        %sign3A_1448 = arith.extui %sign3A_1447 : i1 to i32
        %sign3A_1449 = arith.subi %sign3A_1445, %sign3A_1448 : i32
        %sign3A_1450 = arith.constant 0 : i32
        %sign3A_1451 = arith.cmpi sgt, %jit3A_1441, %sign3A_1450 : i32
        %sign3A_1452 = arith.extui %sign3A_1451 : i1 to i32
        %sign3A_1453 = arith.constant 0 : i32
        %sign3A_1454 = arith.cmpi slt, %jit3A_1441, %sign3A_1453 : i32
        %sign3A_1455 = arith.extui %sign3A_1454 : i1 to i32
        %sign3A_1456 = arith.subi %sign3A_1452, %sign3A_1455 : i32
        %ne3A_1457 = arith.cmpi ne, %sign3A_1449, %sign3A_1456 : i32
        %rem3A_1458 = arith.remsi %sub3A_1440, %jit3A_1441 : i32
        %ne3A_1459 = arith.constant 0 : i32
        %ne3A_1460 = arith.cmpi ne, %rem3A_1458, %ne3A_1459 : i32
        %and3A_1461 = arith.andi %ne3A_1457, %ne3A_1460 : i1
        %sub3A_1462 = arith.constant 1 : i32
        %sub3A_1463 = arith.subi %div3A_1442, %sub3A_1462 : i32
        %select_n3A_1464 = arith.select %and3A_1461, %sub3A_1463, %div3A_1442 : i32
        %while3A_1465 = arith.constant 0 : i32
        %while3A_1466 = arith.subi %select_n3A_1464, %while3A_1465 : i32
        %while3A_1467 = arith.addi %while3A_1465, %while3A_1466 : i32
        %while3A_1468 = arith.constant 1 : i32
        %while3A_1469 = arith.divsi %while3A_1466, %while3A_1468 : i32
        %while3A_1470 = arith.muli %while3A_1469, %while3A_1468 : i32
        %while3A_1471 = arith.addi %while3A_1465, %while3A_1470 : i32
        %while3A_1472 = arith.constant 1 : i32
        %while3A_1473 = scf.for %while3A_1486 = %while3A_1465 to %while3A_1471 step %while3A_1472 iter_args(%while3A_1487 = %broadcast_in_dim3A_19) -> (vector<16xi32>)  : i32 {
          %mul3A_1488 = arith.constant 16 : i32
          %mul3A_1489 = arith.muli %while3A_1486, %mul3A_1488 : i32
          %get3A_1490 = arith.index_cast %mul3A_1489 : i32 to index
          %get3A_1491 = tpu.vector_load %arg9[%get3A_1490] {strides = array<i32>} : memref<2320xi32, #tpu.memory_space<vmem>>, vector<16xi32>,
          %gather3A = tpu.vector_load_idx %arg8[%get3A_1491] : memref<2304xi32, #tpu.memory_space<vmem>>[vector<16xi32>], vector<16xi32>,
          %mul3A_1492 = arith.constant 16 : i32
          %mul3A_1493 = arith.muli %while3A_1486, %mul3A_1492 : i32
          %add3A_1494 = vector.broadcast %mul3A_1493 : i32 to vector<16xi32>
          %add3A_1495 = arith.addi %add3A_1494, %iota3A : vector<16xi32>
          %lt3A_1496 = vector.broadcast %reduce_max3A_1434 : i32 to vector<16xi32>
          %lt3A_1497 = arith.cmpi slt, %add3A_1495, %lt3A_1496 : vector<16xi32>
          %shift_right_arithmetic3A = arith.constant 0 : i32
          %shift_right_arithmetic3A_1498 = vector.broadcast %shift_right_arithmetic3A : i32 to vector<16xi32>
          %shift_right_arithmetic3A_1499 = arith.shrsi %gather3A, %shift_right_arithmetic3A_1498 : vector<16xi32>
          %and3A_1500 = arith.constant 255 : i32
          %and3A_1501 = vector.broadcast %and3A_1500 : i32 to vector<16xi32>
          %and3A_1502 = arith.andi %shift_right_arithmetic3A_1499, %and3A_1501 : vector<16xi32>
          %ne3A_1503 = arith.constant 0 : i32
          %ne3A_1504 = vector.broadcast %ne3A_1503 : i32 to vector<16xi32>
          %ne3A_1505 = arith.cmpi ne, %and3A_1502, %ne3A_1504 : vector<16xi32>
          %and3A_1506 = arith.andi %ne3A_1505, %lt3A_1497 : vector<16xi1>
          %convert_element_type3A_1507 = arith.extui %and3A_1506 : vector<16xi1> to vector<16xi32>
          %cumsum3A = arith.constant true
          %cumsum3A_1508 = vector.broadcast %cumsum3A : i1 to vector<16xi1>
          %cumsum3A_1509 = tpu.scan <sum>, %convert_element_type3A_1507 masked %cumsum3A_1508 : vector<16xi32>, vector<16xi1> -> vector<16xi32>
          %add3A_1510 = arith.addi %while3A_1487, %cumsum3A_1509 : vector<16xi32>
          %sub3A_1511 = arith.constant 1 : i32
          %sub3A_1512 = vector.broadcast %sub3A_1511 : i32 to vector<16xi32>
          %sub3A_1513 = arith.subi %add3A_1510, %sub3A_1512 : vector<16xi32>
          %mul3A_1514 = arith.constant 4 : i32
          %mul3A_1515 = vector.broadcast %mul3A_1514 : i32 to vector<16xi32>
          %mul3A_1516 = arith.muli %get3A_1491, %mul3A_1515 : vector<16xi32>
          %add3A_1517 = arith.constant 0 : i32
          %add3A_1518 = vector.broadcast %add3A_1517 : i32 to vector<16xi32>
          %add3A_1519 = arith.addi %mul3A_1516, %add3A_1518 : vector<16xi32>
          tpu.vector_store_idx %arg10[%sub3A_1513], %add3A_1519 masked %and3A_1506 : memref<9232xi32, #tpu.memory_space<vmem>>[vector<16xi32>], vector<16xi32>, vector<16xi1>
          %all_reduce_population_count3A = tpu.all_reduce %and3A_1506 {dim = 0 : i64, kind = #tpu.reduction_kind<sum>} : vector<16xi1> -> vector<16xi32>
          %add3A_1520 = arith.addi %while3A_1487, %all_reduce_population_count3A : vector<16xi32>
          %shift_right_arithmetic3A_1521 = arith.constant 8 : i32
          %shift_right_arithmetic3A_1522 = vector.broadcast %shift_right_arithmetic3A_1521 : i32 to vector<16xi32>
          %shift_right_arithmetic3A_1523 = arith.shrsi %gather3A, %shift_right_arithmetic3A_1522 : vector<16xi32>
          %and3A_1524 = arith.constant 255 : i32
          %and3A_1525 = vector.broadcast %and3A_1524 : i32 to vector<16xi32>
          %and3A_1526 = arith.andi %shift_right_arithmetic3A_1523, %and3A_1525 : vector<16xi32>
          %ne3A_1527 = arith.constant 0 : i32
          %ne3A_1528 = vector.broadcast %ne3A_1527 : i32 to vector<16xi32>
          %ne3A_1529 = arith.cmpi ne, %and3A_1526, %ne3A_1528 : vector<16xi32>
          %and3A_1530 = arith.andi %ne3A_1529, %lt3A_1497 : vector<16xi1>
          %convert_element_type3A_1531 = arith.extui %and3A_1530 : vector<16xi1> to vector<16xi32>
          %cumsum3A_1532 = arith.constant true
          %cumsum3A_1533 = vector.broadcast %cumsum3A_1532 : i1 to vector<16xi1>
          %cumsum3A_1534 = tpu.scan <sum>, %convert_element_type3A_1531 masked %cumsum3A_1533 : vector<16xi32>, vector<16xi1> -> vector<16xi32>
          %add3A_1535 = arith.addi %add3A_1520, %cumsum3A_1534 : vector<16xi32>
          %sub3A_1536 = arith.constant 1 : i32
          %sub3A_1537 = vector.broadcast %sub3A_1536 : i32 to vector<16xi32>
          %sub3A_1538 = arith.subi %add3A_1535, %sub3A_1537 : vector<16xi32>
          %mul3A_1539 = arith.constant 4 : i32
          %mul3A_1540 = vector.broadcast %mul3A_1539 : i32 to vector<16xi32>
          %mul3A_1541 = arith.muli %get3A_1491, %mul3A_1540 : vector<16xi32>
          %add3A_1542 = arith.constant 1 : i32
          %add3A_1543 = vector.broadcast %add3A_1542 : i32 to vector<16xi32>
          %add3A_1544 = arith.addi %mul3A_1541, %add3A_1543 : vector<16xi32>
          tpu.vector_store_idx %arg10[%sub3A_1538], %add3A_1544 masked %and3A_1530 : memref<9232xi32, #tpu.memory_space<vmem>>[vector<16xi32>], vector<16xi32>, vector<16xi1>
          %all_reduce_population_count3A_1545 = tpu.all_reduce %and3A_1530 {dim = 0 : i64, kind = #tpu.reduction_kind<sum>} : vector<16xi1> -> vector<16xi32>
          %add3A_1546 = arith.addi %add3A_1520, %all_reduce_population_count3A_1545 : vector<16xi32>
          %shift_right_arithmetic3A_1547 = arith.constant 16 : i32
          %shift_right_arithmetic3A_1548 = vector.broadcast %shift_right_arithmetic3A_1547 : i32 to vector<16xi32>
          %shift_right_arithmetic3A_1549 = arith.shrsi %gather3A, %shift_right_arithmetic3A_1548 : vector<16xi32>
          %and3A_1550 = arith.constant 255 : i32
          %and3A_1551 = vector.broadcast %and3A_1550 : i32 to vector<16xi32>
          %and3A_1552 = arith.andi %shift_right_arithmetic3A_1549, %and3A_1551 : vector<16xi32>
          %ne3A_1553 = arith.constant 0 : i32
          %ne3A_1554 = vector.broadcast %ne3A_1553 : i32 to vector<16xi32>
          %ne3A_1555 = arith.cmpi ne, %and3A_1552, %ne3A_1554 : vector<16xi32>
          %and3A_1556 = arith.andi %ne3A_1555, %lt3A_1497 : vector<16xi1>
          %convert_element_type3A_1557 = arith.extui %and3A_1556 : vector<16xi1> to vector<16xi32>
          %cumsum3A_1558 = arith.constant true
          %cumsum3A_1559 = vector.broadcast %cumsum3A_1558 : i1 to vector<16xi1>
          %cumsum3A_1560 = tpu.scan <sum>, %convert_element_type3A_1557 masked %cumsum3A_1559 : vector<16xi32>, vector<16xi1> -> vector<16xi32>
          %add3A_1561 = arith.addi %add3A_1546, %cumsum3A_1560 : vector<16xi32>
          %sub3A_1562 = arith.constant 1 : i32
          %sub3A_1563 = vector.broadcast %sub3A_1562 : i32 to vector<16xi32>
          %sub3A_1564 = arith.subi %add3A_1561, %sub3A_1563 : vector<16xi32>
          %mul3A_1565 = arith.constant 4 : i32
          %mul3A_1566 = vector.broadcast %mul3A_1565 : i32 to vector<16xi32>
          %mul3A_1567 = arith.muli %get3A_1491, %mul3A_1566 : vector<16xi32>
          %add3A_1568 = arith.constant 2 : i32
          %add3A_1569 = vector.broadcast %add3A_1568 : i32 to vector<16xi32>
          %add3A_1570 = arith.addi %mul3A_1567, %add3A_1569 : vector<16xi32>
          tpu.vector_store_idx %arg10[%sub3A_1564], %add3A_1570 masked %and3A_1556 : memref<9232xi32, #tpu.memory_space<vmem>>[vector<16xi32>], vector<16xi32>, vector<16xi1>
          %all_reduce_population_count3A_1571 = tpu.all_reduce %and3A_1556 {dim = 0 : i64, kind = #tpu.reduction_kind<sum>} : vector<16xi1> -> vector<16xi32>
          %add3A_1572 = arith.addi %add3A_1546, %all_reduce_population_count3A_1571 : vector<16xi32>
          %shift_right_arithmetic3A_1573 = arith.constant 24 : i32
          %shift_right_arithmetic3A_1574 = vector.broadcast %shift_right_arithmetic3A_1573 : i32 to vector<16xi32>
          %shift_right_arithmetic3A_1575 = arith.shrsi %gather3A, %shift_right_arithmetic3A_1574 : vector<16xi32>
          %and3A_1576 = arith.constant 255 : i32
          %and3A_1577 = vector.broadcast %and3A_1576 : i32 to vector<16xi32>
          %and3A_1578 = arith.andi %shift_right_arithmetic3A_1575, %and3A_1577 : vector<16xi32>
          %ne3A_1579 = arith.constant 0 : i32
          %ne3A_1580 = vector.broadcast %ne3A_1579 : i32 to vector<16xi32>
          %ne3A_1581 = arith.cmpi ne, %and3A_1578, %ne3A_1580 : vector<16xi32>
          %and3A_1582 = arith.andi %ne3A_1581, %lt3A_1497 : vector<16xi1>
          %convert_element_type3A_1583 = arith.extui %and3A_1582 : vector<16xi1> to vector<16xi32>
          %cumsum3A_1584 = arith.constant true
          %cumsum3A_1585 = vector.broadcast %cumsum3A_1584 : i1 to vector<16xi1>
          %cumsum3A_1586 = tpu.scan <sum>, %convert_element_type3A_1583 masked %cumsum3A_1585 : vector<16xi32>, vector<16xi1> -> vector<16xi32>
          %add3A_1587 = arith.addi %add3A_1572, %cumsum3A_1586 : vector<16xi32>
          %sub3A_1588 = arith.constant 1 : i32
          %sub3A_1589 = vector.broadcast %sub3A_1588 : i32 to vector<16xi32>
          %sub3A_1590 = arith.subi %add3A_1587, %sub3A_1589 : vector<16xi32>
          %mul3A_1591 = arith.constant 4 : i32
          %mul3A_1592 = vector.broadcast %mul3A_1591 : i32 to vector<16xi32>
          %mul3A_1593 = arith.muli %get3A_1491, %mul3A_1592 : vector<16xi32>
          %add3A_1594 = arith.constant 3 : i32
          %add3A_1595 = vector.broadcast %add3A_1594 : i32 to vector<16xi32>
          %add3A_1596 = arith.addi %mul3A_1593, %add3A_1595 : vector<16xi32>
          tpu.vector_store_idx %arg10[%sub3A_1590], %add3A_1596 masked %and3A_1582 : memref<9232xi32, #tpu.memory_space<vmem>>[vector<16xi32>], vector<16xi32>, vector<16xi1>
          %all_reduce_population_count3A_1597 = tpu.all_reduce %and3A_1582 {dim = 0 : i64, kind = #tpu.reduction_kind<sum>} : vector<16xi1> -> vector<16xi32>
          %add3A_1598 = arith.addi %add3A_1572, %all_reduce_population_count3A_1597 : vector<16xi32>
          scf.yield %add3A_1598 : vector<16xi32>
        }
        %while3A_1474 = arith.constant 1 : i32
        %while3A_1475 = scf.for %while3A_1486 = %while3A_1471 to %while3A_1467 step %while3A_1474 iter_args(%while3A_1487 = %while3A_1473) -> (vector<16xi32>)  : i32 {
          %mul3A_1488 = arith.constant 16 : i32
          %mul3A_1489 = arith.muli %while3A_1486, %mul3A_1488 : i32
          %get3A_1490 = arith.index_cast %mul3A_1489 : i32 to index
          %get3A_1491 = tpu.vector_load %arg9[%get3A_1490] {strides = array<i32>} : memref<2320xi32, #tpu.memory_space<vmem>>, vector<16xi32>,
          %gather3A = tpu.vector_load_idx %arg8[%get3A_1491] : memref<2304xi32, #tpu.memory_space<vmem>>[vector<16xi32>], vector<16xi32>,
          %mul3A_1492 = arith.constant 16 : i32
          %mul3A_1493 = arith.muli %while3A_1486, %mul3A_1492 : i32
          %add3A_1494 = vector.broadcast %mul3A_1493 : i32 to vector<16xi32>
          %add3A_1495 = arith.addi %add3A_1494, %iota3A : vector<16xi32>
          %lt3A_1496 = vector.broadcast %reduce_max3A_1434 : i32 to vector<16xi32>
          %lt3A_1497 = arith.cmpi slt, %add3A_1495, %lt3A_1496 : vector<16xi32>
          %shift_right_arithmetic3A = arith.constant 0 : i32
          %shift_right_arithmetic3A_1498 = vector.broadcast %shift_right_arithmetic3A : i32 to vector<16xi32>
          %shift_right_arithmetic3A_1499 = arith.shrsi %gather3A, %shift_right_arithmetic3A_1498 : vector<16xi32>
          %and3A_1500 = arith.constant 255 : i32
          %and3A_1501 = vector.broadcast %and3A_1500 : i32 to vector<16xi32>
          %and3A_1502 = arith.andi %shift_right_arithmetic3A_1499, %and3A_1501 : vector<16xi32>
          %ne3A_1503 = arith.constant 0 : i32
          %ne3A_1504 = vector.broadcast %ne3A_1503 : i32 to vector<16xi32>
          %ne3A_1505 = arith.cmpi ne, %and3A_1502, %ne3A_1504 : vector<16xi32>
          %and3A_1506 = arith.andi %ne3A_1505, %lt3A_1497 : vector<16xi1>
          %convert_element_type3A_1507 = arith.extui %and3A_1506 : vector<16xi1> to vector<16xi32>
          %cumsum3A = arith.constant true
          %cumsum3A_1508 = vector.broadcast %cumsum3A : i1 to vector<16xi1>
          %cumsum3A_1509 = tpu.scan <sum>, %convert_element_type3A_1507 masked %cumsum3A_1508 : vector<16xi32>, vector<16xi1> -> vector<16xi32>
          %add3A_1510 = arith.addi %while3A_1487, %cumsum3A_1509 : vector<16xi32>
          %sub3A_1511 = arith.constant 1 : i32
          %sub3A_1512 = vector.broadcast %sub3A_1511 : i32 to vector<16xi32>
          %sub3A_1513 = arith.subi %add3A_1510, %sub3A_1512 : vector<16xi32>
          %mul3A_1514 = arith.constant 4 : i32
          %mul3A_1515 = vector.broadcast %mul3A_1514 : i32 to vector<16xi32>
          %mul3A_1516 = arith.muli %get3A_1491, %mul3A_1515 : vector<16xi32>
          %add3A_1517 = arith.constant 0 : i32
          %add3A_1518 = vector.broadcast %add3A_1517 : i32 to vector<16xi32>
          %add3A_1519 = arith.addi %mul3A_1516, %add3A_1518 : vector<16xi32>
          tpu.vector_store_idx %arg10[%sub3A_1513], %add3A_1519 masked %and3A_1506 : memref<9232xi32, #tpu.memory_space<vmem>>[vector<16xi32>], vector<16xi32>, vector<16xi1>
          %all_reduce_population_count3A = tpu.all_reduce %and3A_1506 {dim = 0 : i64, kind = #tpu.reduction_kind<sum>} : vector<16xi1> -> vector<16xi32>
          %add3A_1520 = arith.addi %while3A_1487, %all_reduce_population_count3A : vector<16xi32>
          %shift_right_arithmetic3A_1521 = arith.constant 8 : i32
          %shift_right_arithmetic3A_1522 = vector.broadcast %shift_right_arithmetic3A_1521 : i32 to vector<16xi32>
          %shift_right_arithmetic3A_1523 = arith.shrsi %gather3A, %shift_right_arithmetic3A_1522 : vector<16xi32>
          %and3A_1524 = arith.constant 255 : i32
          %and3A_1525 = vector.broadcast %and3A_1524 : i32 to vector<16xi32>
          %and3A_1526 = arith.andi %shift_right_arithmetic3A_1523, %and3A_1525 : vector<16xi32>
          %ne3A_1527 = arith.constant 0 : i32
          %ne3A_1528 = vector.broadcast %ne3A_1527 : i32 to vector<16xi32>
          %ne3A_1529 = arith.cmpi ne, %and3A_1526, %ne3A_1528 : vector<16xi32>
          %and3A_1530 = arith.andi %ne3A_1529, %lt3A_1497 : vector<16xi1>
          %convert_element_type3A_1531 = arith.extui %and3A_1530 : vector<16xi1> to vector<16xi32>
          %cumsum3A_1532 = arith.constant true
          %cumsum3A_1533 = vector.broadcast %cumsum3A_1532 : i1 to vector<16xi1>
          %cumsum3A_1534 = tpu.scan <sum>, %convert_element_type3A_1531 masked %cumsum3A_1533 : vector<16xi32>, vector<16xi1> -> vector<16xi32>
          %add3A_1535 = arith.addi %add3A_1520, %cumsum3A_1534 : vector<16xi32>
          %sub3A_1536 = arith.constant 1 : i32
          %sub3A_1537 = vector.broadcast %sub3A_1536 : i32 to vector<16xi32>
          %sub3A_1538 = arith.subi %add3A_1535, %sub3A_1537 : vector<16xi32>
          %mul3A_1539 = arith.constant 4 : i32
          %mul3A_1540 = vector.broadcast %mul3A_1539 : i32 to vector<16xi32>
          %mul3A_1541 = arith.muli %get3A_1491, %mul3A_1540 : vector<16xi32>
          %add3A_1542 = arith.constant 1 : i32
          %add3A_1543 = vector.broadcast %add3A_1542 : i32 to vector<16xi32>
          %add3A_1544 = arith.addi %mul3A_1541, %add3A_1543 : vector<16xi32>
          tpu.vector_store_idx %arg10[%sub3A_1538], %add3A_1544 masked %and3A_1530 : memref<9232xi32, #tpu.memory_space<vmem>>[vector<16xi32>], vector<16xi32>, vector<16xi1>
          %all_reduce_population_count3A_1545 = tpu.all_reduce %and3A_1530 {dim = 0 : i64, kind = #tpu.reduction_kind<sum>} : vector<16xi1> -> vector<16xi32>
          %add3A_1546 = arith.addi %add3A_1520, %all_reduce_population_count3A_1545 : vector<16xi32>
          %shift_right_arithmetic3A_1547 = arith.constant 16 : i32
          %shift_right_arithmetic3A_1548 = vector.broadcast %shift_right_arithmetic3A_1547 : i32 to vector<16xi32>
          %shift_right_arithmetic3A_1549 = arith.shrsi %gather3A, %shift_right_arithmetic3A_1548 : vector<16xi32>
          %and3A_1550 = arith.constant 255 : i32
          %and3A_1551 = vector.broadcast %and3A_1550 : i32 to vector<16xi32>
          %and3A_1552 = arith.andi %shift_right_arithmetic3A_1549, %and3A_1551 : vector<16xi32>
          %ne3A_1553 = arith.constant 0 : i32
          %ne3A_1554 = vector.broadcast %ne3A_1553 : i32 to vector<16xi32>
          %ne3A_1555 = arith.cmpi ne, %and3A_1552, %ne3A_1554 : vector<16xi32>
          %and3A_1556 = arith.andi %ne3A_1555, %lt3A_1497 : vector<16xi1>
          %convert_element_type3A_1557 = arith.extui %and3A_1556 : vector<16xi1> to vector<16xi32>
          %cumsum3A_1558 = arith.constant true
          %cumsum3A_1559 = vector.broadcast %cumsum3A_1558 : i1 to vector<16xi1>
          %cumsum3A_1560 = tpu.scan <sum>, %convert_element_type3A_1557 masked %cumsum3A_1559 : vector<16xi32>, vector<16xi1> -> vector<16xi32>
          %add3A_1561 = arith.addi %add3A_1546, %cumsum3A_1560 : vector<16xi32>
          %sub3A_1562 = arith.constant 1 : i32
          %sub3A_1563 = vector.broadcast %sub3A_1562 : i32 to vector<16xi32>
          %sub3A_1564 = arith.subi %add3A_1561, %sub3A_1563 : vector<16xi32>
          %mul3A_1565 = arith.constant 4 : i32
          %mul3A_1566 = vector.broadcast %mul3A_1565 : i32 to vector<16xi32>
          %mul3A_1567 = arith.muli %get3A_1491, %mul3A_1566 : vector<16xi32>
          %add3A_1568 = arith.constant 2 : i32
          %add3A_1569 = vector.broadcast %add3A_1568 : i32 to vector<16xi32>
          %add3A_1570 = arith.addi %mul3A_1567, %add3A_1569 : vector<16xi32>
          tpu.vector_store_idx %arg10[%sub3A_1564], %add3A_1570 masked %and3A_1556 : memref<9232xi32, #tpu.memory_space<vmem>>[vector<16xi32>], vector<16xi32>, vector<16xi1>
          %all_reduce_population_count3A_1571 = tpu.all_reduce %and3A_1556 {dim = 0 : i64, kind = #tpu.reduction_kind<sum>} : vector<16xi1> -> vector<16xi32>
          %add3A_1572 = arith.addi %add3A_1546, %all_reduce_population_count3A_1571 : vector<16xi32>
          %shift_right_arithmetic3A_1573 = arith.constant 24 : i32
          %shift_right_arithmetic3A_1574 = vector.broadcast %shift_right_arithmetic3A_1573 : i32 to vector<16xi32>
          %shift_right_arithmetic3A_1575 = arith.shrsi %gather3A, %shift_right_arithmetic3A_1574 : vector<16xi32>
          %and3A_1576 = arith.constant 255 : i32
          %and3A_1577 = vector.broadcast %and3A_1576 : i32 to vector<16xi32>
          %and3A_1578 = arith.andi %shift_right_arithmetic3A_1575, %and3A_1577 : vector<16xi32>
          %ne3A_1579 = arith.constant 0 : i32
          %ne3A_1580 = vector.broadcast %ne3A_1579 : i32 to vector<16xi32>
          %ne3A_1581 = arith.cmpi ne, %and3A_1578, %ne3A_1580 : vector<16xi32>
          %and3A_1582 = arith.andi %ne3A_1581, %lt3A_1497 : vector<16xi1>
          %convert_element_type3A_1583 = arith.extui %and3A_1582 : vector<16xi1> to vector<16xi32>
          %cumsum3A_1584 = arith.constant true
          %cumsum3A_1585 = vector.broadcast %cumsum3A_1584 : i1 to vector<16xi1>
          %cumsum3A_1586 = tpu.scan <sum>, %convert_element_type3A_1583 masked %cumsum3A_1585 : vector<16xi32>, vector<16xi1> -> vector<16xi32>
          %add3A_1587 = arith.addi %add3A_1572, %cumsum3A_1586 : vector<16xi32>
          %sub3A_1588 = arith.constant 1 : i32
          %sub3A_1589 = vector.broadcast %sub3A_1588 : i32 to vector<16xi32>
          %sub3A_1590 = arith.subi %add3A_1587, %sub3A_1589 : vector<16xi32>
          %mul3A_1591 = arith.constant 4 : i32
          %mul3A_1592 = vector.broadcast %mul3A_1591 : i32 to vector<16xi32>
          %mul3A_1593 = arith.muli %get3A_1491, %mul3A_1592 : vector<16xi32>
          %add3A_1594 = arith.constant 3 : i32
          %add3A_1595 = vector.broadcast %add3A_1594 : i32 to vector<16xi32>
          %add3A_1596 = arith.addi %mul3A_1593, %add3A_1595 : vector<16xi32>
          tpu.vector_store_idx %arg10[%sub3A_1590], %add3A_1596 masked %and3A_1582 : memref<9232xi32, #tpu.memory_space<vmem>>[vector<16xi32>], vector<16xi32>, vector<16xi1>
          %all_reduce_population_count3A_1597 = tpu.all_reduce %and3A_1582 {dim = 0 : i64, kind = #tpu.reduction_kind<sum>} : vector<16xi1> -> vector<16xi32>
          %add3A_1598 = arith.addi %add3A_1572, %all_reduce_population_count3A_1597 : vector<16xi32>
          scf.yield %add3A_1598 : vector<16xi32>
        }
        %reduce_max3A_1476 = arith.constant true
        %reduce_max3A_1477 = vector.broadcast %reduce_max3A_1476 : i1 to vector<16xi1>
        %reduce_max3A_1478 = arith.constant -2147483648 : i32
        %reduce_max3A_1479 = vector.broadcast %reduce_max3A_1478 : i32 to vector<16xi32>
        %reduce_max3A_1480 = arith.xori %while3A_1475, %reduce_max3A_1479 : vector<16xi32>
        %reduce_max3A_1481 = tpu.scan <max>, %reduce_max3A_1480 masked %reduce_max3A_1477 : vector<16xi32>, vector<16xi1> -> vector<16xi32>
        %reduce_max3A_1482 = arith.xori %reduce_max3A_1481, %reduce_max3A_1479 : vector<16xi32>
        %reduce_max3A_1483 = vector.extract %reduce_max3A_1482[15] : i32 from vector<16xi32>
        %add3A_1484 = vector.broadcast %reduce_max3A_1483 : i32 to vector<16xi32>
        %add3A_1485 = arith.addi %add3A_1484, %iota3A : vector<16xi32>
        tpu.vector_store_idx %arg10[%add3A_1485], %broadcast_in_dim3A_19 : memref<9232xi32, #tpu.memory_space<vmem>>[vector<16xi32>], vector<16xi32>,
        scf.yield %reduce_max3A_1483 : i32
      } else {
        %cond3A_1421 = arith.constant 0 : i32
        scf.yield %cond3A_1421 : i32
      }
      %add3A_134 = arith.constant 16 : i32
      %add3A_135 = arith.addi %cond3A_133, %add3A_134 : i32
      %sub3A = arith.constant 1 : i32
      %sub3A_136 = arith.subi %add3A_135, %sub3A : i32
      %jit3A = arith.constant 16 : i32
      %div3A = arith.divsi %sub3A_136, %jit3A : i32
      %sign3A = arith.constant 0 : i32
      %sign3A_137 = arith.cmpi sgt, %sub3A_136, %sign3A : i32
      %sign3A_138 = arith.extui %sign3A_137 : i1 to i32
      %sign3A_139 = arith.constant 0 : i32
      %sign3A_140 = arith.cmpi slt, %sub3A_136, %sign3A_139 : i32
      %sign3A_141 = arith.extui %sign3A_140 : i1 to i32
      %sign3A_142 = arith.subi %sign3A_138, %sign3A_141 : i32
      %sign3A_143 = arith.constant 0 : i32
      %sign3A_144 = arith.cmpi sgt, %jit3A, %sign3A_143 : i32
      %sign3A_145 = arith.extui %sign3A_144 : i1 to i32
      %sign3A_146 = arith.constant 0 : i32
      %sign3A_147 = arith.cmpi slt, %jit3A, %sign3A_146 : i32
      %sign3A_148 = arith.extui %sign3A_147 : i1 to i32
      %sign3A_149 = arith.subi %sign3A_145, %sign3A_148 : i32
      %ne3A_150 = arith.cmpi ne, %sign3A_142, %sign3A_149 : i32
      %rem3A = arith.remsi %sub3A_136, %jit3A : i32
      %ne3A_151 = arith.constant 0 : i32
      %ne3A_152 = arith.cmpi ne, %rem3A, %ne3A_151 : i32
      %and3A = arith.andi %ne3A_150, %ne3A_152 : i1
      %sub3A_153 = arith.constant 1 : i32
      %sub3A_154 = arith.subi %div3A, %sub3A_153 : i32
      %select_n3A = arith.select %and3A, %sub3A_154, %div3A : i32
      %while3A = arith.constant 0 : i32
      %while3A_155 = arith.constant 0 : i32
      %while3A_156 = arith.subi %select_n3A, %while3A_155 : i32
      %while3A_157 = arith.addi %while3A_155, %while3A_156 : i32
      %while3A_158 = arith.constant 1 : i32
      %while3A_159 = arith.divsi %while3A_156, %while3A_158 : i32
      %while3A_160 = arith.muli %while3A_159, %while3A_158 : i32
      %while3A_161 = arith.addi %while3A_155, %while3A_160 : i32
      %while3A_162 = arith.constant 1 : i32
      scf.for %while3A_1421 = %while3A_155 to %while3A_161 step %while3A_162  : i32 {
        %mul3A_1422 = arith.constant 16 : i32
        %mul3A_1423 = arith.muli %while3A_1421, %mul3A_1422 : i32
        %dma_start3A_1424 = tpu.memref_slice %arg10[%mul3A_1423] : memref<9232xi32, #tpu.memory_space<vmem>> -> memref<16xi32, #tpu.memory_space<vmem>>
        %dma_start3A_1425 = arith.constant 0 : i32
        %dma_start3A_1426 = tpu.memref_slice %arg3[%dma_start3A_1425, %multiple_of3A_7] : memref<9216x9216xf32, #tpu.memory_space<hbm>> -> memref<9216x768xf32, #tpu.memory_space<hbm>>
        tpu.enqueue_indirect_dma source(%dma_start3A_1426 : memref<9216x768xf32, #tpu.memory_space<hbm>>) target(%arg11 : memref<16x768xf32, #tpu.memory_space<vmem>>) offsets(%dma_start3A_1424 : memref<16xi32, #tpu.memory_space<vmem>>) semaphore(%arg17 : memref<!tpu.dma_semaphore, #tpu.memory_space<semaphore_mem>>)
        %dma_wait3A_1427 = tpu.memref_slice %arg10[%mul3A_1423] : memref<9232xi32, #tpu.memory_space<vmem>> -> memref<16xi32, #tpu.memory_space<vmem>>
        %dma_wait3A_1428 = arith.constant 0 : i32
        %dma_wait3A_1429 = tpu.memref_slice %arg3[%dma_wait3A_1428, %multiple_of3A_7] : memref<9216x9216xf32, #tpu.memory_space<hbm>> -> memref<9216x768xf32, #tpu.memory_space<hbm>>
        tpu.wait_indirect_dma semaphore(%arg17 : memref<!tpu.dma_semaphore, #tpu.memory_space<semaphore_mem>>) src(%dma_wait3A_1429 : memref<9216x768xf32, #tpu.memory_space<hbm>>) dst(%arg11 : memref<16x768xf32, #tpu.memory_space<vmem>>)
        %mul3A_1430 = arith.constant 16 : i32
        %mul3A_1431 = arith.muli %while3A_1421, %mul3A_1430 : i32
        %sub3A_1432 = arith.subi %cond3A_133, %mul3A_1431 : i32
        %min3A = arith.constant 16 : i32
        %min3A_1433 = arith.minsi %min3A, %sub3A_1432 : i32
        %while3A_1434 = arith.constant 0 : i32
        %while3A_1435 = arith.constant 0 : i32
        %while3A_1436 = arith.subi %min3A_1433, %while3A_1435 : i32
        %while3A_1437 = arith.addi %while3A_1435, %while3A_1436 : i32
        %while3A_1438 = arith.constant 1 : i32
        %while3A_1439 = arith.divsi %while3A_1436, %while3A_1438 : i32
        %while3A_1440 = arith.muli %while3A_1439, %while3A_1438 : i32
        %while3A_1441 = arith.addi %while3A_1435, %while3A_1440 : i32
        %while3A_1442 = arith.constant 1 : i32
        scf.for %while3A_1444 = %while3A_1435 to %while3A_1441 step %while3A_1442  : i32 {
          %get3A_1445 = arith.constant 0 : index
          %get3A_1446 = tpu.vector_load %arg12[%get3A_1445] {strides = array<i32>} : memref<768xf32, #tpu.memory_space<vmem>>, vector<16xf32>,
          %get3A_1447 = arith.index_cast %while3A_1444 : i32 to index
          %get3A_1448 = arith.constant 0 : index
          %get3A_1449 = tpu.vector_load %arg11[%get3A_1447, %get3A_1448] {strides = array<i32>} : memref<16x768xf32, #tpu.memory_space<vmem>>, vector<16xf32>,
          %add3A_1450 = arith.addf %get3A_1446, %get3A_1449 : vector<16xf32>
          %swap3A_1451 = arith.constant 0 : index
          %swap3A_1452 = tpu.vector_load %arg12[%swap3A_1451] {strides = array<i32>} : memref<768xf32, #tpu.memory_space<vmem>>, vector<16xf32>,
          tpu.vector_store %arg12[%swap3A_1451], %add3A_1450 {strides = array<i32>} : memref<768xf32, #tpu.memory_space<vmem>>, vector<16xf32>,
          %get3A_1453 = arith.constant 16 : index
          %get3A_1454 = tpu.vector_load %arg12[%get3A_1453] {strides = array<i32>} : memref<768xf32, #tpu.memory_space<vmem>>, vector<16xf32>,
          %get3A_1455 = arith.index_cast %while3A_1444 : i32 to index
          %get3A_1456 = arith.constant 16 : index
          %get3A_1457 = tpu.vector_load %arg11[%get3A_1455, %get3A_1456] {strides = array<i32>} : memref<16x768xf32, #tpu.memory_space<vmem>>, vector<16xf32>,
          %add3A_1458 = arith.addf %get3A_1454, %get3A_1457 : vector<16xf32>
          %swap3A_1459 = arith.constant 16 : index
          %swap3A_1460 = tpu.vector_load %arg12[%swap3A_1459] {strides = array<i32>} : memref<768xf32, #tpu.memory_space<vmem>>, vector<16xf32>,
          tpu.vector_store %arg12[%swap3A_1459], %add3A_1458 {strides = array<i32>} : memref<768xf32, #tpu.memory_space<vmem>>, vector<16xf32>,
          %get3A_1461 = arith.constant 32 : index
          %get3A_1462 = tpu.vector_load %arg12[%get3A_1461] {strides = array<i32>} : memref<768xf32, #tpu.memory_space<vmem>>, vector<16xf32>,
          %get3A_1463 = arith.index_cast %while3A_1444 : i32 to index
          %get3A_1464 = arith.constant 32 : index
          %get3A_1465 = tpu.vector_load %arg11[%get3A_1463, %get3A_1464] {strides = array<i32>} : memref<16x768xf32, #tpu.memory_space<vmem>>, vector<16xf32>,
          %add3A_1466 = arith.addf %get3A_1462, %get3A_1465 : vector<16xf32>
          %swap3A_1467 = arith.constant 32 : index
          %swap3A_1468 = tpu.vector_load %arg12[%swap3A_1467] {strides = array<i32>} : memref<768xf32, #tpu.memory_space<vmem>>, vector<16xf32>,
          tpu.vector_store %arg12[%swap3A_1467], %add3A_1466 {strides = array<i32>} : memref<768xf32, #tpu.memory_space<vmem>>, vector<16xf32>,
          %get3A_1469 = arith.constant 48 : index
          %get3A_1470 = tpu.vector_load %arg12[%get3A_1469] {strides = array<i32>} : memref<768xf32, #tpu.memory_space<vmem>>, vector<16xf32>,
          %get3A_1471 = arith.index_cast %while3A_1444 : i32 to index
          %get3A_1472 = arith.constant 48 : index
          %get3A_1473 = tpu.vector_load %arg11[%get3A_1471, %get3A_1472] {strides = array<i32>} : memref<16x768xf32, #tpu.memory_space<vmem>>, vector<16xf32>,
          %add3A_1474 = arith.addf %get3A_1470, %get3A_1473 : vector<16xf32>
          %swap3A_1475 = arith.constant 48 : index
          %swap3A_1476 = tpu.vector_load %arg12[%swap3A_1475] {strides = array<i32>} : memref<768xf32, #tpu.memory_space<vmem>>, vector<16xf32>,
          tpu.vector_store %arg12[%swap3A_1475], %add3A_1474 {strides = array<i32>} : memref<768xf32, #tpu.memory_space<vmem>>, vector<16xf32>,
          %get3A_1477 = arith.constant 64 : index
          %get3A_1478 = tpu.vector_load %arg12[%get3A_1477] {strides = array<i32>} : memref<768xf32, #tpu.memory_space<vmem>>, vector<16xf32>,
          %get3A_1479 = arith.index_cast %while3A_1444 : i32 to index
          %get3A_1480 = arith.constant 64 : index
          %get3A_1481 = tpu.vector_load %arg11[%get3A_1479, %get3A_1480] {strides = array<i32>} : memref<16x768xf32, #tpu.memory_space<vmem>>, vector<16xf32>,
          %add3A_1482 = arith.addf %get3A_1478, %get3A_1481 : vector<16xf32>
          %swap3A_1483 = arith.constant 64 : index
          %swap3A_1484 = tpu.vector_load %arg12[%swap3A_1483] {strides = array<i32>} : memref<768xf32, #tpu.memory_space<vmem>>, vector<16xf32>,
          tpu.vector_store %arg12[%swap3A_1483], %add3A_1482 {strides = array<i32>} : memref<768xf32, #tpu.memory_space<vmem>>, vector<16xf32>,
          %get3A_1485 = arith.constant 80 : index
          %get3A_1486 = tpu.vector_load %arg12[%get3A_1485] {strides = array<i32>} : memref<768xf32, #tpu.memory_space<vmem>>, vector<16xf32>,
          %get3A_1487 = arith.index_cast %while3A_1444 : i32 to index
          %get3A_1488 = arith.constant 80 : index
          %get3A_1489 = tpu.vector_load %arg11[%get3A_1487, %get3A_1488] {strides = array<i32>} : memref<16x768xf32, #tpu.memory_space<vmem>>, vector<16xf32>,
          %add3A_1490 = arith.addf %get3A_1486, %get3A_1489 : vector<16xf32>
          %swap3A_1491 = arith.constant 80 : index
          %swap3A_1492 = tpu.vector_load %arg12[%swap3A_1491] {strides = array<i32>} : memref<768xf32, #tpu.memory_space<vmem>>, vector<16xf32>,
          tpu.vector_store %arg12[%swap3A_1491], %add3A_1490 {strides = array<i32>} : memref<768xf32, #tpu.memory_space<vmem>>, vector<16xf32>,
          %get3A_1493 = arith.constant 96 : index
          %get3A_1494 = tpu.vector_load %arg12[%get3A_1493] {strides = array<i32>} : memref<768xf32, #tpu.memory_space<vmem>>, vector<16xf32>,
          %get3A_1495 = arith.index_cast %while3A_1444 : i32 to index
          %get3A_1496 = arith.constant 96 : index
          %get3A_1497 = tpu.vector_load %arg11[%get3A_1495, %get3A_1496] {strides = array<i32>} : memref<16x768xf32, #tpu.memory_space<vmem>>, vector<16xf32>,
          %add3A_1498 = arith.addf %get3A_1494, %get3A_1497 : vector<16xf32>
          %swap3A_1499 = arith.constant 96 : index
          %swap3A_1500 = tpu.vector_load %arg12[%swap3A_1499] {strides = array<i32>} : memref<768xf32, #tpu.memory_space<vmem>>, vector<16xf32>,
          tpu.vector_store %arg12[%swap3A_1499], %add3A_1498 {strides = array<i32>} : memref<768xf32, #tpu.memory_space<vmem>>, vector<16xf32>,
          %get3A_1501 = arith.constant 112 : index
          %get3A_1502 = tpu.vector_load %arg12[%get3A_1501] {strides = array<i32>} : memref<768xf32, #tpu.memory_space<vmem>>, vector<16xf32>,
          %get3A_1503 = arith.index_cast %while3A_1444 : i32 to index
          %get3A_1504 = arith.constant 112 : index
          %get3A_1505 = tpu.vector_load %arg11[%get3A_1503, %get3A_1504] {strides = array<i32>} : memref<16x768xf32, #tpu.memory_space<vmem>>, vector<16xf32>,
          %add3A_1506 = arith.addf %get3A_1502, %get3A_1505 : vector<16xf32>
          %swap3A_1507 = arith.constant 112 : index
          %swap3A_1508 = tpu.vector_load %arg12[%swap3A_1507] {strides = array<i32>} : memref<768xf32, #tpu.memory_space<vmem>>, vector<16xf32>,
          tpu.vector_store %arg12[%swap3A_1507], %add3A_1506 {strides = array<i32>} : memref<768xf32, #tpu.memory_space<vmem>>, vector<16xf32>,
          %get3A_1509 = arith.constant 128 : index
          %get3A_1510 = tpu.vector_load %arg12[%get3A_1509] {strides = array<i32>} : memref<768xf32, #tpu.memory_space<vmem>>, vector<16xf32>,
          %get3A_1511 = arith.index_cast %while3A_1444 : i32 to index
          %get3A_1512 = arith.constant 128 : index
          %get3A_1513 = tpu.vector_load %arg11[%get3A_1511, %get3A_1512] {strides = array<i32>} : memref<16x768xf32, #tpu.memory_space<vmem>>, vector<16xf32>,
          %add3A_1514 = arith.addf %get3A_1510, %get3A_1513 : vector<16xf32>
          %swap3A_1515 = arith.constant 128 : index
          %swap3A_1516 = tpu.vector_load %arg12[%swap3A_1515] {strides = array<i32>} : memref<768xf32, #tpu.memory_space<vmem>>, vector<16xf32>,
          tpu.vector_store %arg12[%swap3A_1515], %add3A_1514 {strides = array<i32>} : memref<768xf32, #tpu.memory_space<vmem>>, vector<16xf32>,
          %get3A_1517 = arith.constant 144 : index
          %get3A_1518 = tpu.vector_load %arg12[%get3A_1517] {strides = array<i32>} : memref<768xf32, #tpu.memory_space<vmem>>, vector<16xf32>,
          %get3A_1519 = arith.index_cast %while3A_1444 : i32 to index
          %get3A_1520 = arith.constant 144 : index
          %get3A_1521 = tpu.vector_load %arg11[%get3A_1519, %get3A_1520] {strides = array<i32>} : memref<16x768xf32, #tpu.memory_space<vmem>>, vector<16xf32>,
          %add3A_1522 = arith.addf %get3A_1518, %get3A_1521 : vector<16xf32>
          %swap3A_1523 = arith.constant 144 : index
          %swap3A_1524 = tpu.vector_load %arg12[%swap3A_1523] {strides = array<i32>} : memref<768xf32, #tpu.memory_space<vmem>>, vector<16xf32>,
          tpu.vector_store %arg12[%swap3A_1523], %add3A_1522 {strides = array<i32>} : memref<768xf32, #tpu.memory_space<vmem>>, vector<16xf32>,
          %get3A_1525 = arith.constant 160 : index
          %get3A_1526 = tpu.vector_load %arg12[%get3A_1525] {strides = array<i32>} : memref<768xf32, #tpu.memory_space<vmem>>, vector<16xf32>,
          %get3A_1527 = arith.index_cast %while3A_1444 : i32 to index
          %get3A_1528 = arith.constant 160 : index
          %get3A_1529 = tpu.vector_load %arg11[%get3A_1527, %get3A_1528] {strides = array<i32>} : memref<16x768xf32, #tpu.memory_space<vmem>>, vector<16xf32>,
          %add3A_1530 = arith.addf %get3A_1526, %get3A_1529 : vector<16xf32>
          %swap3A_1531 = arith.constant 160 : index
          %swap3A_1532 = tpu.vector_load %arg12[%swap3A_1531] {strides = array<i32>} : memref<768xf32, #tpu.memory_space<vmem>>, vector<16xf32>,
          tpu.vector_store %arg12[%swap3A_1531], %add3A_1530 {strides = array<i32>} : memref<768xf32, #tpu.memory_space<vmem>>, vector<16xf32>,
          %get3A_1533 = arith.constant 176 : index
          %get3A_1534 = tpu.vector_load %arg12[%get3A_1533] {strides = array<i32>} : memref<768xf32, #tpu.memory_space<vmem>>, vector<16xf32>,
          %get3A_1535 = arith.index_cast %while3A_1444 : i32 to index
          %get3A_1536 = arith.constant 176 : index
          %get3A_1537 = tpu.vector_load %arg11[%get3A_1535, %get3A_1536] {strides = array<i32>} : memref<16x768xf32, #tpu.memory_space<vmem>>, vector<16xf32>,
          %add3A_1538 = arith.addf %get3A_1534, %get3A_1537 : vector<16xf32>
          %swap3A_1539 = arith.constant 176 : index
          %swap3A_1540 = tpu.vector_load %arg12[%swap3A_1539] {strides = array<i32>} : memref<768xf32, #tpu.memory_space<vmem>>, vector<16xf32>,
          tpu.vector_store %arg12[%swap3A_1539], %add3A_1538 {strides = array<i32>} : memref<768xf32, #tpu.memory_space<vmem>>, vector<16xf32>,
          %get3A_1541 = arith.constant 192 : index
          %get3A_1542 = tpu.vector_load %arg12[%get3A_1541] {strides = array<i32>} : memref<768xf32, #tpu.memory_space<vmem>>, vector<16xf32>,
          %get3A_1543 = arith.index_cast %while3A_1444 : i32 to index
          %get3A_1544 = arith.constant 192 : index
          %get3A_1545 = tpu.vector_load %arg11[%get3A_1543, %get3A_1544] {strides = array<i32>} : memref<16x768xf32, #tpu.memory_space<vmem>>, vector<16xf32>,
          %add3A_1546 = arith.addf %get3A_1542, %get3A_1545 : vector<16xf32>
          %swap3A_1547 = arith.constant 192 : index
          %swap3A_1548 = tpu.vector_load %arg12[%swap3A_1547] {strides = array<i32>} : memref<768xf32, #tpu.memory_space<vmem>>, vector<16xf32>,
          tpu.vector_store %arg12[%swap3A_1547], %add3A_1546 {strides = array<i32>} : memref<768xf32, #tpu.memory_space<vmem>>, vector<16xf32>,
          %get3A_1549 = arith.constant 208 : index
          %get3A_1550 = tpu.vector_load %arg12[%get3A_1549] {strides = array<i32>} : memref<768xf32, #tpu.memory_space<vmem>>, vector<16xf32>,
          %get3A_1551 = arith.index_cast %while3A_1444 : i32 to index
          %get3A_1552 = arith.constant 208 : index
          %get3A_1553 = tpu.vector_load %arg11[%get3A_1551, %get3A_1552] {strides = array<i32>} : memref<16x768xf32, #tpu.memory_space<vmem>>, vector<16xf32>,
          %add3A_1554 = arith.addf %get3A_1550, %get3A_1553 : vector<16xf32>
          %swap3A_1555 = arith.constant 208 : index
          %swap3A_1556 = tpu.vector_load %arg12[%swap3A_1555] {strides = array<i32>} : memref<768xf32, #tpu.memory_space<vmem>>, vector<16xf32>,
          tpu.vector_store %arg12[%swap3A_1555], %add3A_1554 {strides = array<i32>} : memref<768xf32, #tpu.memory_space<vmem>>, vector<16xf32>,
          %get3A_1557 = arith.constant 224 : index
          %get3A_1558 = tpu.vector_load %arg12[%get3A_1557] {strides = array<i32>} : memref<768xf32, #tpu.memory_space<vmem>>, vector<16xf32>,
          %get3A_1559 = arith.index_cast %while3A_1444 : i32 to index
          %get3A_1560 = arith.constant 224 : index
          %get3A_1561 = tpu.vector_load %arg11[%get3A_1559, %get3A_1560] {strides = array<i32>} : memref<16x768xf32, #tpu.memory_space<vmem>>, vector<16xf32>,
          %add3A_1562 = arith.addf %get3A_1558, %get3A_1561 : vector<16xf32>
          %swap3A_1563 = arith.constant 224 : index
          %swap3A_1564 = tpu.vector_load %arg12[%swap3A_1563] {strides = array<i32>} : memref<768xf32, #tpu.memory_space<vmem>>, vector<16xf32>,
          tpu.vector_store %arg12[%swap3A_1563], %add3A_1562 {strides = array<i32>} : memref<768xf32, #tpu.memory_space<vmem>>, vector<16xf32>,
          %get3A_1565 = arith.constant 240 : index
          %get3A_1566 = tpu.vector_load %arg12[%get3A_1565] {strides = array<i32>} : memref<768xf32, #tpu.memory_space<vmem>>, vector<16xf32>,
          %get3A_1567 = arith.index_cast %while3A_1444 : i32 to index
          %get3A_1568 = arith.constant 240 : index
          %get3A_1569 = tpu.vector_load %arg11[%get3A_1567, %get3A_1568] {strides = array<i32>} : memref<16x768xf32, #tpu.memory_space<vmem>>, vector<16xf32>,
          %add3A_1570 = arith.addf %get3A_1566, %get3A_1569 : vector<16xf32>
          %swap3A_1571 = arith.constant 240 : index
          %swap3A_1572 = tpu.vector_load %arg12[%swap3A_1571] {strides = array<i32>} : memref<768xf32, #tpu.memory_space<vmem>>, vector<16xf32>,
          tpu.vector_store %arg12[%swap3A_1571], %add3A_1570 {strides = array<i32>} : memref<768xf32, #tpu.memory_space<vmem>>, vector<16xf32>,
          %get3A_1573 = arith.constant 256 : index
          %get3A_1574 = tpu.vector_load %arg12[%get3A_1573] {strides = array<i32>} : memref<768xf32, #tpu.memory_space<vmem>>, vector<16xf32>,
          %get3A_1575 = arith.index_cast %while3A_1444 : i32 to index
          %get3A_1576 = arith.constant 256 : index
          %get3A_1577 = tpu.vector_load %arg11[%get3A_1575, %get3A_1576] {strides = array<i32>} : memref<16x768xf32, #tpu.memory_space<vmem>>, vector<16xf32>,
          %add3A_1578 = arith.addf %get3A_1574, %get3A_1577 : vector<16xf32>
          %swap3A_1579 = arith.constant 256 : index
          %swap3A_1580 = tpu.vector_load %arg12[%swap3A_1579] {strides = array<i32>} : memref<768xf32, #tpu.memory_space<vmem>>, vector<16xf32>,
          tpu.vector_store %arg12[%swap3A_1579], %add3A_1578 {strides = array<i32>} : memref<768xf32, #tpu.memory_space<vmem>>, vector<16xf32>,
          %get3A_1581 = arith.constant 272 : index
          %get3A_1582 = tpu.vector_load %arg12[%get3A_1581] {strides = array<i32>} : memref<768xf32, #tpu.memory_space<vmem>>, vector<16xf32>,
          %get3A_1583 = arith.index_cast %while3A_1444 : i32 to index
          %get3A_1584 = arith.constant 272 : index
          %get3A_1585 = tpu.vector_load %arg11[%get3A_1583, %get3A_1584] {strides = array<i32>} : memref<16x768xf32, #tpu.memory_space<vmem>>, vector<16xf32>,
          %add3A_1586 = arith.addf %get3A_1582, %get3A_1585 : vector<16xf32>
          %swap3A_1587 = arith.constant 272 : index
          %swap3A_1588 = tpu.vector_load %arg12[%swap3A_1587] {strides = array<i32>} : memref<768xf32, #tpu.memory_space<vmem>>, vector<16xf32>,
          tpu.vector_store %arg12[%swap3A_1587], %add3A_1586 {strides = array<i32>} : memref<768xf32, #tpu.memory_space<vmem>>, vector<16xf32>,
          %get3A_1589 = arith.constant 288 : index
          %get3A_1590 = tpu.vector_load %arg12[%get3A_1589] {strides = array<i32>} : memref<768xf32, #tpu.memory_space<vmem>>, vector<16xf32>,
          %get3A_1591 = arith.index_cast %while3A_1444 : i32 to index
          %get3A_1592 = arith.constant 288 : index
          %get3A_1593 = tpu.vector_load %arg11[%get3A_1591, %get3A_1592] {strides = array<i32>} : memref<16x768xf32, #tpu.memory_space<vmem>>, vector<16xf32>,
          %add3A_1594 = arith.addf %get3A_1590, %get3A_1593 : vector<16xf32>
          %swap3A_1595 = arith.constant 288 : index
          %swap3A_1596 = tpu.vector_load %arg12[%swap3A_1595] {strides = array<i32>} : memref<768xf32, #tpu.memory_space<vmem>>, vector<16xf32>,
          tpu.vector_store %arg12[%swap3A_1595], %add3A_1594 {strides = array<i32>} : memref<768xf32, #tpu.memory_space<vmem>>, vector<16xf32>,
          %get3A_1597 = arith.constant 304 : index
          %get3A_1598 = tpu.vector_load %arg12[%get3A_1597] {strides = array<i32>} : memref<768xf32, #tpu.memory_space<vmem>>, vector<16xf32>,
          %get3A_1599 = arith.index_cast %while3A_1444 : i32 to index
          %get3A_1600 = arith.constant 304 : index
          %get3A_1601 = tpu.vector_load %arg11[%get3A_1599, %get3A_1600] {strides = array<i32>} : memref<16x768xf32, #tpu.memory_space<vmem>>, vector<16xf32>,
          %add3A_1602 = arith.addf %get3A_1598, %get3A_1601 : vector<16xf32>
          %swap3A_1603 = arith.constant 304 : index
          %swap3A_1604 = tpu.vector_load %arg12[%swap3A_1603] {strides = array<i32>} : memref<768xf32, #tpu.memory_space<vmem>>, vector<16xf32>,
          tpu.vector_store %arg12[%swap3A_1603], %add3A_1602 {strides = array<i32>} : memref<768xf32, #tpu.memory_space<vmem>>, vector<16xf32>,
          %get3A_1605 = arith.constant 320 : index
          %get3A_1606 = tpu.vector_load %arg12[%get3A_1605] {strides = array<i32>} : memref<768xf32, #tpu.memory_space<vmem>>, vector<16xf32>,
          %get3A_1607 = arith.index_cast %while3A_1444 : i32 to index
          %get3A_1608 = arith.constant 320 : index
          %get3A_1609 = tpu.vector_load %arg11[%get3A_1607, %get3A_1608] {strides = array<i32>} : memref<16x768xf32, #tpu.memory_space<vmem>>, vector<16xf32>,
          %add3A_1610 = arith.addf %get3A_1606, %get3A_1609 : vector<16xf32>
          %swap3A_1611 = arith.constant 320 : index
          %swap3A_1612 = tpu.vector_load %arg12[%swap3A_1611] {strides = array<i32>} : memref<768xf32, #tpu.memory_space<vmem>>, vector<16xf32>,
          tpu.vector_store %arg12[%swap3A_1611], %add3A_1610 {strides = array<i32>} : memref<768xf32, #tpu.memory_space<vmem>>, vector<16xf32>,
          %get3A_1613 = arith.constant 336 : index
          %get3A_1614 = tpu.vector_load %arg12[%get3A_1613] {strides = array<i32>} : memref<768xf32, #tpu.memory_space<vmem>>, vector<16xf32>,
          %get3A_1615 = arith.index_cast %while3A_1444 : i32 to index
          %get3A_1616 = arith.constant 336 : index
          %get3A_1617 = tpu.vector_load %arg11[%get3A_1615, %get3A_1616] {strides = array<i32>} : memref<16x768xf32, #tpu.memory_space<vmem>>, vector<16xf32>,
          %add3A_1618 = arith.addf %get3A_1614, %get3A_1617 : vector<16xf32>
          %swap3A_1619 = arith.constant 336 : index
          %swap3A_1620 = tpu.vector_load %arg12[%swap3A_1619] {strides = array<i32>} : memref<768xf32, #tpu.memory_space<vmem>>, vector<16xf32>,
          tpu.vector_store %arg12[%swap3A_1619], %add3A_1618 {strides = array<i32>} : memref<768xf32, #tpu.memory_space<vmem>>, vector<16xf32>,
          %get3A_1621 = arith.constant 352 : index
          %get3A_1622 = tpu.vector_load %arg12[%get3A_1621] {strides = array<i32>} : memref<768xf32, #tpu.memory_space<vmem>>, vector<16xf32>,
          %get3A_1623 = arith.index_cast %while3A_1444 : i32 to index
          %get3A_1624 = arith.constant 352 : index
          %get3A_1625 = tpu.vector_load %arg11[%get3A_1623, %get3A_1624] {strides = array<i32>} : memref<16x768xf32, #tpu.memory_space<vmem>>, vector<16xf32>,
          %add3A_1626 = arith.addf %get3A_1622, %get3A_1625 : vector<16xf32>
          %swap3A_1627 = arith.constant 352 : index
          %swap3A_1628 = tpu.vector_load %arg12[%swap3A_1627] {strides = array<i32>} : memref<768xf32, #tpu.memory_space<vmem>>, vector<16xf32>,
          tpu.vector_store %arg12[%swap3A_1627], %add3A_1626 {strides = array<i32>} : memref<768xf32, #tpu.memory_space<vmem>>, vector<16xf32>,
          %get3A_1629 = arith.constant 368 : index
          %get3A_1630 = tpu.vector_load %arg12[%get3A_1629] {strides = array<i32>} : memref<768xf32, #tpu.memory_space<vmem>>, vector<16xf32>,
          %get3A_1631 = arith.index_cast %while3A_1444 : i32 to index
          %get3A_1632 = arith.constant 368 : index
          %get3A_1633 = tpu.vector_load %arg11[%get3A_1631, %get3A_1632] {strides = array<i32>} : memref<16x768xf32, #tpu.memory_space<vmem>>, vector<16xf32>,
          %add3A_1634 = arith.addf %get3A_1630, %get3A_1633 : vector<16xf32>
          %swap3A_1635 = arith.constant 368 : index
          %swap3A_1636 = tpu.vector_load %arg12[%swap3A_1635] {strides = array<i32>} : memref<768xf32, #tpu.memory_space<vmem>>, vector<16xf32>,
          tpu.vector_store %arg12[%swap3A_1635], %add3A_1634 {strides = array<i32>} : memref<768xf32, #tpu.memory_space<vmem>>, vector<16xf32>,
          %get3A_1637 = arith.constant 384 : index
          %get3A_1638 = tpu.vector_load %arg12[%get3A_1637] {strides = array<i32>} : memref<768xf32, #tpu.memory_space<vmem>>, vector<16xf32>,
          %get3A_1639 = arith.index_cast %while3A_1444 : i32 to index
          %get3A_1640 = arith.constant 384 : index
          %get3A_1641 = tpu.vector_load %arg11[%get3A_1639, %get3A_1640] {strides = array<i32>} : memref<16x768xf32, #tpu.memory_space<vmem>>, vector<16xf32>,
          %add3A_1642 = arith.addf %get3A_1638, %get3A_1641 : vector<16xf32>
          %swap3A_1643 = arith.constant 384 : index
          %swap3A_1644 = tpu.vector_load %arg12[%swap3A_1643] {strides = array<i32>} : memref<768xf32, #tpu.memory_space<vmem>>, vector<16xf32>,
          tpu.vector_store %arg12[%swap3A_1643], %add3A_1642 {strides = array<i32>} : memref<768xf32, #tpu.memory_space<vmem>>, vector<16xf32>,
          %get3A_1645 = arith.constant 400 : index
          %get3A_1646 = tpu.vector_load %arg12[%get3A_1645] {strides = array<i32>} : memref<768xf32, #tpu.memory_space<vmem>>, vector<16xf32>,
          %get3A_1647 = arith.index_cast %while3A_1444 : i32 to index
          %get3A_1648 = arith.constant 400 : index
          %get3A_1649 = tpu.vector_load %arg11[%get3A_1647, %get3A_1648] {strides = array<i32>} : memref<16x768xf32, #tpu.memory_space<vmem>>, vector<16xf32>,
          %add3A_1650 = arith.addf %get3A_1646, %get3A_1649 : vector<16xf32>
          %swap3A_1651 = arith.constant 400 : index
          %swap3A_1652 = tpu.vector_load %arg12[%swap3A_1651] {strides = array<i32>} : memref<768xf32, #tpu.memory_space<vmem>>, vector<16xf32>,
          tpu.vector_store %arg12[%swap3A_1651], %add3A_1650 {strides = array<i32>} : memref<768xf32, #tpu.memory_space<vmem>>, vector<16xf32>,
          %get3A_1653 = arith.constant 416 : index
          %get3A_1654 = tpu.vector_load %arg12[%get3A_1653] {strides = array<i32>} : memref<768xf32, #tpu.memory_space<vmem>>, vector<16xf32>,
          %get3A_1655 = arith.index_cast %while3A_1444 : i32 to index
          %get3A_1656 = arith.constant 416 : index
          %get3A_1657 = tpu.vector_load %arg11[%get3A_1655, %get3A_1656] {strides = array<i32>} : memref<16x768xf32, #tpu.memory_space<vmem>>, vector<16xf32>,
          %add3A_1658 = arith.addf %get3A_1654, %get3A_1657 : vector<16xf32>
          %swap3A_1659 = arith.constant 416 : index
          %swap3A_1660 = tpu.vector_load %arg12[%swap3A_1659] {strides = array<i32>} : memref<768xf32, #tpu.memory_space<vmem>>, vector<16xf32>,
          tpu.vector_store %arg12[%swap3A_1659], %add3A_1658 {strides = array<i32>} : memref<768xf32, #tpu.memory_space<vmem>>, vector<16xf32>,
          %get3A_1661 = arith.constant 432 : index
          %get3A_1662 = tpu.vector_load %arg12[%get3A_1661] {strides = array<i32>} : memref<768xf32, #tpu.memory_space<vmem>>, vector<16xf32>,
          %get3A_1663 = arith.index_cast %while3A_1444 : i32 to index
          %get3A_1664 = arith.constant 432 : index
          %get3A_1665 = tpu.vector_load %arg11[%get3A_1663, %get3A_1664] {strides = array<i32>} : memref<16x768xf32, #tpu.memory_space<vmem>>, vector<16xf32>,
          %add3A_1666 = arith.addf %get3A_1662, %get3A_1665 : vector<16xf32>
          %swap3A_1667 = arith.constant 432 : index
          %swap3A_1668 = tpu.vector_load %arg12[%swap3A_1667] {strides = array<i32>} : memref<768xf32, #tpu.memory_space<vmem>>, vector<16xf32>,
          tpu.vector_store %arg12[%swap3A_1667], %add3A_1666 {strides = array<i32>} : memref<768xf32, #tpu.memory_space<vmem>>, vector<16xf32>,
          %get3A_1669 = arith.constant 448 : index
          %get3A_1670 = tpu.vector_load %arg12[%get3A_1669] {strides = array<i32>} : memref<768xf32, #tpu.memory_space<vmem>>, vector<16xf32>,
          %get3A_1671 = arith.index_cast %while3A_1444 : i32 to index
          %get3A_1672 = arith.constant 448 : index
          %get3A_1673 = tpu.vector_load %arg11[%get3A_1671, %get3A_1672] {strides = array<i32>} : memref<16x768xf32, #tpu.memory_space<vmem>>, vector<16xf32>,
          %add3A_1674 = arith.addf %get3A_1670, %get3A_1673 : vector<16xf32>
          %swap3A_1675 = arith.constant 448 : index
          %swap3A_1676 = tpu.vector_load %arg12[%swap3A_1675] {strides = array<i32>} : memref<768xf32, #tpu.memory_space<vmem>>, vector<16xf32>,
          tpu.vector_store %arg12[%swap3A_1675], %add3A_1674 {strides = array<i32>} : memref<768xf32, #tpu.memory_space<vmem>>, vector<16xf32>,
          %get3A_1677 = arith.constant 464 : index
          %get3A_1678 = tpu.vector_load %arg12[%get3A_1677] {strides = array<i32>} : memref<768xf32, #tpu.memory_space<vmem>>, vector<16xf32>,
          %get3A_1679 = arith.index_cast %while3A_1444 : i32 to index
          %get3A_1680 = arith.constant 464 : index
          %get3A_1681 = tpu.vector_load %arg11[%get3A_1679, %get3A_1680] {strides = array<i32>} : memref<16x768xf32, #tpu.memory_space<vmem>>, vector<16xf32>,
          %add3A_1682 = arith.addf %get3A_1678, %get3A_1681 : vector<16xf32>
          %swap3A_1683 = arith.constant 464 : index
          %swap3A_1684 = tpu.vector_load %arg12[%swap3A_1683] {strides = array<i32>} : memref<768xf32, #tpu.memory_space<vmem>>, vector<16xf32>,
          tpu.vector_store %arg12[%swap3A_1683], %add3A_1682 {strides = array<i32>} : memref<768xf32, #tpu.memory_space<vmem>>, vector<16xf32>,
          %get3A_1685 = arith.constant 480 : index
          %get3A_1686 = tpu.vector_load %arg12[%get3A_1685] {strides = array<i32>} : memref<768xf32, #tpu.memory_space<vmem>>, vector<16xf32>,
          %get3A_1687 = arith.index_cast %while3A_1444 : i32 to index
          %get3A_1688 = arith.constant 480 : index
          %get3A_1689 = tpu.vector_load %arg11[%get3A_1687, %get3A_1688] {strides = array<i32>} : memref<16x768xf32, #tpu.memory_space<vmem>>, vector<16xf32>,
          %add3A_1690 = arith.addf %get3A_1686, %get3A_1689 : vector<16xf32>
          %swap3A_1691 = arith.constant 480 : index
          %swap3A_1692 = tpu.vector_load %arg12[%swap3A_1691] {strides = array<i32>} : memref<768xf32, #tpu.memory_space<vmem>>, vector<16xf32>,
          tpu.vector_store %arg12[%swap3A_1691], %add3A_1690 {strides = array<i32>} : memref<768xf32, #tpu.memory_space<vmem>>, vector<16xf32>,
          %get3A_1693 = arith.constant 496 : index
          %get3A_1694 = tpu.vector_load %arg12[%get3A_1693] {strides = array<i32>} : memref<768xf32, #tpu.memory_space<vmem>>, vector<16xf32>,
          %get3A_1695 = arith.index_cast %while3A_1444 : i32 to index
          %get3A_1696 = arith.constant 496 : index
          %get3A_1697 = tpu.vector_load %arg11[%get3A_1695, %get3A_1696] {strides = array<i32>} : memref<16x768xf32, #tpu.memory_space<vmem>>, vector<16xf32>,
          %add3A_1698 = arith.addf %get3A_1694, %get3A_1697 : vector<16xf32>
          %swap3A_1699 = arith.constant 496 : index
          %swap3A_1700 = tpu.vector_load %arg12[%swap3A_1699] {strides = array<i32>} : memref<768xf32, #tpu.memory_space<vmem>>, vector<16xf32>,
          tpu.vector_store %arg12[%swap3A_1699], %add3A_1698 {strides = array<i32>} : memref<768xf32, #tpu.memory_space<vmem>>, vector<16xf32>,
          %get3A_1701 = arith.constant 512 : index
          %get3A_1702 = tpu.vector_load %arg12[%get3A_1701] {strides = array<i32>} : memref<768xf32, #tpu.memory_space<vmem>>, vector<16xf32>,
          %get3A_1703 = arith.index_cast %while3A_1444 : i32 to index
          %get3A_1704 = arith.constant 512 : index
          %get3A_1705 = tpu.vector_load %arg11[%get3A_1703, %get3A_1704] {strides = array<i32>} : memref<16x768xf32, #tpu.memory_space<vmem>>, vector<16xf32>,
          %add3A_1706 = arith.addf %get3A_1702, %get3A_1705 : vector<16xf32>
          %swap3A_1707 = arith.constant 512 : index
          %swap3A_1708 = tpu.vector_load %arg12[%swap3A_1707] {strides = array<i32>} : memref<768xf32, #tpu.memory_space<vmem>>, vector<16xf32>,
          tpu.vector_store %arg12[%swap3A_1707], %add3A_1706 {strides = array<i32>} : memref<768xf32, #tpu.memory_space<vmem>>, vector<16xf32>,
          %get3A_1709 = arith.constant 528 : index
          %get3A_1710 = tpu.vector_load %arg12[%get3A_1709] {strides = array<i32>} : memref<768xf32, #tpu.memory_space<vmem>>, vector<16xf32>,
          %get3A_1711 = arith.index_cast %while3A_1444 : i32 to index
          %get3A_1712 = arith.constant 528 : index
          %get3A_1713 = tpu.vector_load %arg11[%get3A_1711, %get3A_1712] {strides = array<i32>} : memref<16x768xf32, #tpu.memory_space<vmem>>, vector<16xf32>,
          %add3A_1714 = arith.addf %get3A_1710, %get3A_1713 : vector<16xf32>
          %swap3A_1715 = arith.constant 528 : index
          %swap3A_1716 = tpu.vector_load %arg12[%swap3A_1715] {strides = array<i32>} : memref<768xf32, #tpu.memory_space<vmem>>, vector<16xf32>,
          tpu.vector_store %arg12[%swap3A_1715], %add3A_1714 {strides = array<i32>} : memref<768xf32, #tpu.memory_space<vmem>>, vector<16xf32>,
          %get3A_1717 = arith.constant 544 : index
          %get3A_1718 = tpu.vector_load %arg12[%get3A_1717] {strides = array<i32>} : memref<768xf32, #tpu.memory_space<vmem>>, vector<16xf32>,
          %get3A_1719 = arith.index_cast %while3A_1444 : i32 to index
          %get3A_1720 = arith.constant 544 : index
          %get3A_1721 = tpu.vector_load %arg11[%get3A_1719, %get3A_1720] {strides = array<i32>} : memref<16x768xf32, #tpu.memory_space<vmem>>, vector<16xf32>,
          %add3A_1722 = arith.addf %get3A_1718, %get3A_1721 : vector<16xf32>
          %swap3A_1723 = arith.constant 544 : index
          %swap3A_1724 = tpu.vector_load %arg12[%swap3A_1723] {strides = array<i32>} : memref<768xf32, #tpu.memory_space<vmem>>, vector<16xf32>,
          tpu.vector_store %arg12[%swap3A_1723], %add3A_1722 {strides = array<i32>} : memref<768xf32, #tpu.memory_space<vmem>>, vector<16xf32>,
          %get3A_1725 = arith.constant 560 : index
          %get3A_1726 = tpu.vector_load %arg12[%get3A_1725] {strides = array<i32>} : memref<768xf32, #tpu.memory_space<vmem>>, vector<16xf32>,
          %get3A_1727 = arith.index_cast %while3A_1444 : i32 to index
          %get3A_1728 = arith.constant 560 : index
          %get3A_1729 = tpu.vector_load %arg11[%get3A_1727, %get3A_1728] {strides = array<i32>} : memref<16x768xf32, #tpu.memory_space<vmem>>, vector<16xf32>,
          %add3A_1730 = arith.addf %get3A_1726, %get3A_1729 : vector<16xf32>
          %swap3A_1731 = arith.constant 560 : index
          %swap3A_1732 = tpu.vector_load %arg12[%swap3A_1731] {strides = array<i32>} : memref<768xf32, #tpu.memory_space<vmem>>, vector<16xf32>,
          tpu.vector_store %arg12[%swap3A_1731], %add3A_1730 {strides = array<i32>} : memref<768xf32, #tpu.memory_space<vmem>>, vector<16xf32>,
          %get3A_1733 = arith.constant 576 : index
          %get3A_1734 = tpu.vector_load %arg12[%get3A_1733] {strides = array<i32>} : memref<768xf32, #tpu.memory_space<vmem>>, vector<16xf32>,
          %get3A_1735 = arith.index_cast %while3A_1444 : i32 to index
          %get3A_1736 = arith.constant 576 : index
          %get3A_1737 = tpu.vector_load %arg11[%get3A_1735, %get3A_1736] {strides = array<i32>} : memref<16x768xf32, #tpu.memory_space<vmem>>, vector<16xf32>,
          %add3A_1738 = arith.addf %get3A_1734, %get3A_1737 : vector<16xf32>
          %swap3A_1739 = arith.constant 576 : index
          %swap3A_1740 = tpu.vector_load %arg12[%swap3A_1739] {strides = array<i32>} : memref<768xf32, #tpu.memory_space<vmem>>, vector<16xf32>,
          tpu.vector_store %arg12[%swap3A_1739], %add3A_1738 {strides = array<i32>} : memref<768xf32, #tpu.memory_space<vmem>>, vector<16xf32>,
          %get3A_1741 = arith.constant 592 : index
          %get3A_1742 = tpu.vector_load %arg12[%get3A_1741] {strides = array<i32>} : memref<768xf32, #tpu.memory_space<vmem>>, vector<16xf32>,
          %get3A_1743 = arith.index_cast %while3A_1444 : i32 to index
          %get3A_1744 = arith.constant 592 : index
          %get3A_1745 = tpu.vector_load %arg11[%get3A_1743, %get3A_1744] {strides = array<i32>} : memref<16x768xf32, #tpu.memory_space<vmem>>, vector<16xf32>,
          %add3A_1746 = arith.addf %get3A_1742, %get3A_1745 : vector<16xf32>
          %swap3A_1747 = arith.constant 592 : index
          %swap3A_1748 = tpu.vector_load %arg12[%swap3A_1747] {strides = array<i32>} : memref<768xf32, #tpu.memory_space<vmem>>, vector<16xf32>,
          tpu.vector_store %arg12[%swap3A_1747], %add3A_1746 {strides = array<i32>} : memref<768xf32, #tpu.memory_space<vmem>>, vector<16xf32>,
          %get3A_1749 = arith.constant 608 : index
          %get3A_1750 = tpu.vector_load %arg12[%get3A_1749] {strides = array<i32>} : memref<768xf32, #tpu.memory_space<vmem>>, vector<16xf32>,
          %get3A_1751 = arith.index_cast %while3A_1444 : i32 to index
          %get3A_1752 = arith.constant 608 : index
          %get3A_1753 = tpu.vector_load %arg11[%get3A_1751, %get3A_1752] {strides = array<i32>} : memref<16x768xf32, #tpu.memory_space<vmem>>, vector<16xf32>,
          %add3A_1754 = arith.addf %get3A_1750, %get3A_1753 : vector<16xf32>
          %swap3A_1755 = arith.constant 608 : index
          %swap3A_1756 = tpu.vector_load %arg12[%swap3A_1755] {strides = array<i32>} : memref<768xf32, #tpu.memory_space<vmem>>, vector<16xf32>,
          tpu.vector_store %arg12[%swap3A_1755], %add3A_1754 {strides = array<i32>} : memref<768xf32, #tpu.memory_space<vmem>>, vector<16xf32>,
          %get3A_1757 = arith.constant 624 : index
          %get3A_1758 = tpu.vector_load %arg12[%get3A_1757] {strides = array<i32>} : memref<768xf32, #tpu.memory_space<vmem>>, vector<16xf32>,
          %get3A_1759 = arith.index_cast %while3A_1444 : i32 to index
          %get3A_1760 = arith.constant 624 : index
          %get3A_1761 = tpu.vector_load %arg11[%get3A_1759, %get3A_1760] {strides = array<i32>} : memref<16x768xf32, #tpu.memory_space<vmem>>, vector<16xf32>,
          %add3A_1762 = arith.addf %get3A_1758, %get3A_1761 : vector<16xf32>
          %swap3A_1763 = arith.constant 624 : index
          %swap3A_1764 = tpu.vector_load %arg12[%swap3A_1763] {strides = array<i32>} : memref<768xf32, #tpu.memory_space<vmem>>, vector<16xf32>,
          tpu.vector_store %arg12[%swap3A_1763], %add3A_1762 {strides = array<i32>} : memref<768xf32, #tpu.memory_space<vmem>>, vector<16xf32>,
          %get3A_1765 = arith.constant 640 : index
          %get3A_1766 = tpu.vector_load %arg12[%get3A_1765] {strides = array<i32>} : memref<768xf32, #tpu.memory_space<vmem>>, vector<16xf32>,
          %get3A_1767 = arith.index_cast %while3A_1444 : i32 to index
          %get3A_1768 = arith.constant 640 : index
          %get3A_1769 = tpu.vector_load %arg11[%get3A_1767, %get3A_1768] {strides = array<i32>} : memref<16x768xf32, #tpu.memory_space<vmem>>, vector<16xf32>,
          %add3A_1770 = arith.addf %get3A_1766, %get3A_1769 : vector<16xf32>
          %swap3A_1771 = arith.constant 640 : index
          %swap3A_1772 = tpu.vector_load %arg12[%swap3A_1771] {strides = array<i32>} : memref<768xf32, #tpu.memory_space<vmem>>, vector<16xf32>,
          tpu.vector_store %arg12[%swap3A_1771], %add3A_1770 {strides = array<i32>} : memref<768xf32, #tpu.memory_space<vmem>>, vector<16xf32>,
          %get3A_1773 = arith.constant 656 : index
          %get3A_1774 = tpu.vector_load %arg12[%get3A_1773] {strides = array<i32>} : memref<768xf32, #tpu.memory_space<vmem>>, vector<16xf32>,
          %get3A_1775 = arith.index_cast %while3A_1444 : i32 to index
          %get3A_1776 = arith.constant 656 : index
          %get3A_1777 = tpu.vector_load %arg11[%get3A_1775, %get3A_1776] {strides = array<i32>} : memref<16x768xf32, #tpu.memory_space<vmem>>, vector<16xf32>,
          %add3A_1778 = arith.addf %get3A_1774, %get3A_1777 : vector<16xf32>
          %swap3A_1779 = arith.constant 656 : index
          %swap3A_1780 = tpu.vector_load %arg12[%swap3A_1779] {strides = array<i32>} : memref<768xf32, #tpu.memory_space<vmem>>, vector<16xf32>,
          tpu.vector_store %arg12[%swap3A_1779], %add3A_1778 {strides = array<i32>} : memref<768xf32, #tpu.memory_space<vmem>>, vector<16xf32>,
          %get3A_1781 = arith.constant 672 : index
          %get3A_1782 = tpu.vector_load %arg12[%get3A_1781] {strides = array<i32>} : memref<768xf32, #tpu.memory_space<vmem>>, vector<16xf32>,
          %get3A_1783 = arith.index_cast %while3A_1444 : i32 to index
          %get3A_1784 = arith.constant 672 : index
          %get3A_1785 = tpu.vector_load %arg11[%get3A_1783, %get3A_1784] {strides = array<i32>} : memref<16x768xf32, #tpu.memory_space<vmem>>, vector<16xf32>,
          %add3A_1786 = arith.addf %get3A_1782, %get3A_1785 : vector<16xf32>
          %swap3A_1787 = arith.constant 672 : index
          %swap3A_1788 = tpu.vector_load %arg12[%swap3A_1787] {strides = array<i32>} : memref<768xf32, #tpu.memory_space<vmem>>, vector<16xf32>,
          tpu.vector_store %arg12[%swap3A_1787], %add3A_1786 {strides = array<i32>} : memref<768xf32, #tpu.memory_space<vmem>>, vector<16xf32>,
          %get3A_1789 = arith.constant 688 : index
          %get3A_1790 = tpu.vector_load %arg12[%get3A_1789] {strides = array<i32>} : memref<768xf32, #tpu.memory_space<vmem>>, vector<16xf32>,
          %get3A_1791 = arith.index_cast %while3A_1444 : i32 to index
          %get3A_1792 = arith.constant 688 : index
          %get3A_1793 = tpu.vector_load %arg11[%get3A_1791, %get3A_1792] {strides = array<i32>} : memref<16x768xf32, #tpu.memory_space<vmem>>, vector<16xf32>,
          %add3A_1794 = arith.addf %get3A_1790, %get3A_1793 : vector<16xf32>
          %swap3A_1795 = arith.constant 688 : index
          %swap3A_1796 = tpu.vector_load %arg12[%swap3A_1795] {strides = array<i32>} : memref<768xf32, #tpu.memory_space<vmem>>, vector<16xf32>,
          tpu.vector_store %arg12[%swap3A_1795], %add3A_1794 {strides = array<i32>} : memref<768xf32, #tpu.memory_space<vmem>>, vector<16xf32>,
          %get3A_1797 = arith.constant 704 : index
          %get3A_1798 = tpu.vector_load %arg12[%get3A_1797] {strides = array<i32>} : memref<768xf32, #tpu.memory_space<vmem>>, vector<16xf32>,
          %get3A_1799 = arith.index_cast %while3A_1444 : i32 to index
          %get3A_1800 = arith.constant 704 : index
          %get3A_1801 = tpu.vector_load %arg11[%get3A_1799, %get3A_1800] {strides = array<i32>} : memref<16x768xf32, #tpu.memory_space<vmem>>, vector<16xf32>,
          %add3A_1802 = arith.addf %get3A_1798, %get3A_1801 : vector<16xf32>
          %swap3A_1803 = arith.constant 704 : index
          %swap3A_1804 = tpu.vector_load %arg12[%swap3A_1803] {strides = array<i32>} : memref<768xf32, #tpu.memory_space<vmem>>, vector<16xf32>,
          tpu.vector_store %arg12[%swap3A_1803], %add3A_1802 {strides = array<i32>} : memref<768xf32, #tpu.memory_space<vmem>>, vector<16xf32>,
          %get3A_1805 = arith.constant 720 : index
          %get3A_1806 = tpu.vector_load %arg12[%get3A_1805] {strides = array<i32>} : memref<768xf32, #tpu.memory_space<vmem>>, vector<16xf32>,
          %get3A_1807 = arith.index_cast %while3A_1444 : i32 to index
          %get3A_1808 = arith.constant 720 : index
          %get3A_1809 = tpu.vector_load %arg11[%get3A_1807, %get3A_1808] {strides = array<i32>} : memref<16x768xf32, #tpu.memory_space<vmem>>, vector<16xf32>,
          %add3A_1810 = arith.addf %get3A_1806, %get3A_1809 : vector<16xf32>
          %swap3A_1811 = arith.constant 720 : index
          %swap3A_1812 = tpu.vector_load %arg12[%swap3A_1811] {strides = array<i32>} : memref<768xf32, #tpu.memory_space<vmem>>, vector<16xf32>,
          tpu.vector_store %arg12[%swap3A_1811], %add3A_1810 {strides = array<i32>} : memref<768xf32, #tpu.memory_space<vmem>>, vector<16xf32>,
          %get3A_1813 = arith.constant 736 : index
          %get3A_1814 = tpu.vector_load %arg12[%get3A_1813] {strides = array<i32>} : memref<768xf32, #tpu.memory_space<vmem>>, vector<16xf32>,
          %get3A_1815 = arith.index_cast %while3A_1444 : i32 to index
          %get3A_1816 = arith.constant 736 : index
          %get3A_1817 = tpu.vector_load %arg11[%get3A_1815, %get3A_1816] {strides = array<i32>} : memref<16x768xf32, #tpu.memory_space<vmem>>, vector<16xf32>,
          %add3A_1818 = arith.addf %get3A_1814, %get3A_1817 : vector<16xf32>
          %swap3A_1819 = arith.constant 736 : index
          %swap3A_1820 = tpu.vector_load %arg12[%swap3A_1819] {strides = array<i32>} : memref<768xf32, #tpu.memory_space<vmem>>, vector<16xf32>,
          tpu.vector_store %arg12[%swap3A_1819], %add3A_1818 {strides = array<i32>} : memref<768xf32, #tpu.memory_space<vmem>>, vector<16xf32>,
          %get3A_1821 = arith.constant 752 : index
          %get3A_1822 = tpu.vector_load %arg12[%get3A_1821] {strides = array<i32>} : memref<768xf32, #tpu.memory_space<vmem>>, vector<16xf32>,
          %get3A_1823 = arith.index_cast %while3A_1444 : i32 to index
          %get3A_1824 = arith.constant 752 : index
          %get3A_1825 = tpu.vector_load %arg11[%get3A_1823, %get3A_1824] {strides = array<i32>} : memref<16x768xf32, #tpu.memory_space<vmem>>, vector<16xf32>,
          %add3A_1826 = arith.addf %get3A_1822, %get3A_1825 : vector<16xf32>
          %swap3A_1827 = arith.constant 752 : index
          %swap3A_1828 = tpu.vector_load %arg12[%swap3A_1827] {strides = array<i32>} : memref<768xf32, #tpu.memory_space<vmem>>, vector<16xf32>,
          tpu.vector_store %arg12[%swap3A_1827], %add3A_1826 {strides = array<i32>} : memref<768xf32, #tpu.memory_space<vmem>>, vector<16xf32>,
        }
        %while3A_1443 = arith.constant 1 : i32
        scf.for %while3A_1444 = %while3A_1441 to %while3A_1437 step %while3A_1443  : i32 {
          %get3A_1445 = arith.constant 0 : index
          %get3A_1446 = tpu.vector_load %arg12[%get3A_1445] {strides = array<i32>} : memref<768xf32, #tpu.memory_space<vmem>>, vector<16xf32>,
          %get3A_1447 = arith.index_cast %while3A_1444 : i32 to index
          %get3A_1448 = arith.constant 0 : index
          %get3A_1449 = tpu.vector_load %arg11[%get3A_1447, %get3A_1448] {strides = array<i32>} : memref<16x768xf32, #tpu.memory_space<vmem>>, vector<16xf32>,
          %add3A_1450 = arith.addf %get3A_1446, %get3A_1449 : vector<16xf32>
          %swap3A_1451 = arith.constant 0 : index
          %swap3A_1452 = tpu.vector_load %arg12[%swap3A_1451] {strides = array<i32>} : memref<768xf32, #tpu.memory_space<vmem>>, vector<16xf32>,
          tpu.vector_store %arg12[%swap3A_1451], %add3A_1450 {strides = array<i32>} : memref<768xf32, #tpu.memory_space<vmem>>, vector<16xf32>,
          %get3A_1453 = arith.constant 16 : index
          %get3A_1454 = tpu.vector_load %arg12[%get3A_1453] {strides = array<i32>} : memref<768xf32, #tpu.memory_space<vmem>>, vector<16xf32>,
          %get3A_1455 = arith.index_cast %while3A_1444 : i32 to index
          %get3A_1456 = arith.constant 16 : index
          %get3A_1457 = tpu.vector_load %arg11[%get3A_1455, %get3A_1456] {strides = array<i32>} : memref<16x768xf32, #tpu.memory_space<vmem>>, vector<16xf32>,
          %add3A_1458 = arith.addf %get3A_1454, %get3A_1457 : vector<16xf32>
          %swap3A_1459 = arith.constant 16 : index
          %swap3A_1460 = tpu.vector_load %arg12[%swap3A_1459] {strides = array<i32>} : memref<768xf32, #tpu.memory_space<vmem>>, vector<16xf32>,
          tpu.vector_store %arg12[%swap3A_1459], %add3A_1458 {strides = array<i32>} : memref<768xf32, #tpu.memory_space<vmem>>, vector<16xf32>,
          %get3A_1461 = arith.constant 32 : index
          %get3A_1462 = tpu.vector_load %arg12[%get3A_1461] {strides = array<i32>} : memref<768xf32, #tpu.memory_space<vmem>>, vector<16xf32>,
          %get3A_1463 = arith.index_cast %while3A_1444 : i32 to index
          %get3A_1464 = arith.constant 32 : index
          %get3A_1465 = tpu.vector_load %arg11[%get3A_1463, %get3A_1464] {strides = array<i32>} : memref<16x768xf32, #tpu.memory_space<vmem>>, vector<16xf32>,
          %add3A_1466 = arith.addf %get3A_1462, %get3A_1465 : vector<16xf32>
          %swap3A_1467 = arith.constant 32 : index
          %swap3A_1468 = tpu.vector_load %arg12[%swap3A_1467] {strides = array<i32>} : memref<768xf32, #tpu.memory_space<vmem>>, vector<16xf32>,
          tpu.vector_store %arg12[%swap3A_1467], %add3A_1466 {strides = array<i32>} : memref<768xf32, #tpu.memory_space<vmem>>, vector<16xf32>,
          %get3A_1469 = arith.constant 48 : index
          %get3A_1470 = tpu.vector_load %arg12[%get3A_1469] {strides = array<i32>} : memref<768xf32, #tpu.memory_space<vmem>>, vector<16xf32>,
          %get3A_1471 = arith.index_cast %while3A_1444 : i32 to index
          %get3A_1472 = arith.constant 48 : index
          %get3A_1473 = tpu.vector_load %arg11[%get3A_1471, %get3A_1472] {strides = array<i32>} : memref<16x768xf32, #tpu.memory_space<vmem>>, vector<16xf32>,
          %add3A_1474 = arith.addf %get3A_1470, %get3A_1473 : vector<16xf32>
          %swap3A_1475 = arith.constant 48 : index
          %swap3A_1476 = tpu.vector_load %arg12[%swap3A_1475] {strides = array<i32>} : memref<768xf32, #tpu.memory_space<vmem>>, vector<16xf32>,
          tpu.vector_store %arg12[%swap3A_1475], %add3A_1474 {strides = array<i32>} : memref<768xf32, #tpu.memory_space<vmem>>, vector<16xf32>,
          %get3A_1477 = arith.constant 64 : index
          %get3A_1478 = tpu.vector_load %arg12[%get3A_1477] {strides = array<i32>} : memref<768xf32, #tpu.memory_space<vmem>>, vector<16xf32>,
          %get3A_1479 = arith.index_cast %while3A_1444 : i32 to index
          %get3A_1480 = arith.constant 64 : index
          %get3A_1481 = tpu.vector_load %arg11[%get3A_1479, %get3A_1480] {strides = array<i32>} : memref<16x768xf32, #tpu.memory_space<vmem>>, vector<16xf32>,
          %add3A_1482 = arith.addf %get3A_1478, %get3A_1481 : vector<16xf32>
          %swap3A_1483 = arith.constant 64 : index
          %swap3A_1484 = tpu.vector_load %arg12[%swap3A_1483] {strides = array<i32>} : memref<768xf32, #tpu.memory_space<vmem>>, vector<16xf32>,
          tpu.vector_store %arg12[%swap3A_1483], %add3A_1482 {strides = array<i32>} : memref<768xf32, #tpu.memory_space<vmem>>, vector<16xf32>,
          %get3A_1485 = arith.constant 80 : index
          %get3A_1486 = tpu.vector_load %arg12[%get3A_1485] {strides = array<i32>} : memref<768xf32, #tpu.memory_space<vmem>>, vector<16xf32>,
          %get3A_1487 = arith.index_cast %while3A_1444 : i32 to index
          %get3A_1488 = arith.constant 80 : index
          %get3A_1489 = tpu.vector_load %arg11[%get3A_1487, %get3A_1488] {strides = array<i32>} : memref<16x768xf32, #tpu.memory_space<vmem>>, vector<16xf32>,
          %add3A_1490 = arith.addf %get3A_1486, %get3A_1489 : vector<16xf32>
          %swap3A_1491 = arith.constant 80 : index
          %swap3A_1492 = tpu.vector_load %arg12[%swap3A_1491] {strides = array<i32>} : memref<768xf32, #tpu.memory_space<vmem>>, vector<16xf32>,
          tpu.vector_store %arg12[%swap3A_1491], %add3A_1490 {strides = array<i32>} : memref<768xf32, #tpu.memory_space<vmem>>, vector<16xf32>,
          %get3A_1493 = arith.constant 96 : index
          %get3A_1494 = tpu.vector_load %arg12[%get3A_1493] {strides = array<i32>} : memref<768xf32, #tpu.memory_space<vmem>>, vector<16xf32>,
          %get3A_1495 = arith.index_cast %while3A_1444 : i32 to index
          %get3A_1496 = arith.constant 96 : index
          %get3A_1497 = tpu.vector_load %arg11[%get3A_1495, %get3A_1496] {strides = array<i32>} : memref<16x768xf32, #tpu.memory_space<vmem>>, vector<16xf32>,
          %add3A_1498 = arith.addf %get3A_1494, %get3A_1497 : vector<16xf32>
          %swap3A_1499 = arith.constant 96 : index
          %swap3A_1500 = tpu.vector_load %arg12[%swap3A_1499] {strides = array<i32>} : memref<768xf32, #tpu.memory_space<vmem>>, vector<16xf32>,
          tpu.vector_store %arg12[%swap3A_1499], %add3A_1498 {strides = array<i32>} : memref<768xf32, #tpu.memory_space<vmem>>, vector<16xf32>,
          %get3A_1501 = arith.constant 112 : index
          %get3A_1502 = tpu.vector_load %arg12[%get3A_1501] {strides = array<i32>} : memref<768xf32, #tpu.memory_space<vmem>>, vector<16xf32>,
          %get3A_1503 = arith.index_cast %while3A_1444 : i32 to index
          %get3A_1504 = arith.constant 112 : index
          %get3A_1505 = tpu.vector_load %arg11[%get3A_1503, %get3A_1504] {strides = array<i32>} : memref<16x768xf32, #tpu.memory_space<vmem>>, vector<16xf32>,
          %add3A_1506 = arith.addf %get3A_1502, %get3A_1505 : vector<16xf32>
          %swap3A_1507 = arith.constant 112 : index
          %swap3A_1508 = tpu.vector_load %arg12[%swap3A_1507] {strides = array<i32>} : memref<768xf32, #tpu.memory_space<vmem>>, vector<16xf32>,
          tpu.vector_store %arg12[%swap3A_1507], %add3A_1506 {strides = array<i32>} : memref<768xf32, #tpu.memory_space<vmem>>, vector<16xf32>,
          %get3A_1509 = arith.constant 128 : index
          %get3A_1510 = tpu.vector_load %arg12[%get3A_1509] {strides = array<i32>} : memref<768xf32, #tpu.memory_space<vmem>>, vector<16xf32>,
          %get3A_1511 = arith.index_cast %while3A_1444 : i32 to index
          %get3A_1512 = arith.constant 128 : index
          %get3A_1513 = tpu.vector_load %arg11[%get3A_1511, %get3A_1512] {strides = array<i32>} : memref<16x768xf32, #tpu.memory_space<vmem>>, vector<16xf32>,
          %add3A_1514 = arith.addf %get3A_1510, %get3A_1513 : vector<16xf32>
          %swap3A_1515 = arith.constant 128 : index
          %swap3A_1516 = tpu.vector_load %arg12[%swap3A_1515] {strides = array<i32>} : memref<768xf32, #tpu.memory_space<vmem>>, vector<16xf32>,
          tpu.vector_store %arg12[%swap3A_1515], %add3A_1514 {strides = array<i32>} : memref<768xf32, #tpu.memory_space<vmem>>, vector<16xf32>,
          %get3A_1517 = arith.constant 144 : index
          %get3A_1518 = tpu.vector_load %arg12[%get3A_1517] {strides = array<i32>} : memref<768xf32, #tpu.memory_space<vmem>>, vector<16xf32>,
          %get3A_1519 = arith.index_cast %while3A_1444 : i32 to index
          %get3A_1520 = arith.constant 144 : index
          %get3A_1521 = tpu.vector_load %arg11[%get3A_1519, %get3A_1520] {strides = array<i32>} : memref<16x768xf32, #tpu.memory_space<vmem>>, vector<16xf32>,
          %add3A_1522 = arith.addf %get3A_1518, %get3A_1521 : vector<16xf32>
          %swap3A_1523 = arith.constant 144 : index
          %swap3A_1524 = tpu.vector_load %arg12[%swap3A_1523] {strides = array<i32>} : memref<768xf32, #tpu.memory_space<vmem>>, vector<16xf32>,
          tpu.vector_store %arg12[%swap3A_1523], %add3A_1522 {strides = array<i32>} : memref<768xf32, #tpu.memory_space<vmem>>, vector<16xf32>,
          %get3A_1525 = arith.constant 160 : index
          %get3A_1526 = tpu.vector_load %arg12[%get3A_1525] {strides = array<i32>} : memref<768xf32, #tpu.memory_space<vmem>>, vector<16xf32>,
          %get3A_1527 = arith.index_cast %while3A_1444 : i32 to index
          %get3A_1528 = arith.constant 160 : index
          %get3A_1529 = tpu.vector_load %arg11[%get3A_1527, %get3A_1528] {strides = array<i32>} : memref<16x768xf32, #tpu.memory_space<vmem>>, vector<16xf32>,
          %add3A_1530 = arith.addf %get3A_1526, %get3A_1529 : vector<16xf32>
          %swap3A_1531 = arith.constant 160 : index
          %swap3A_1532 = tpu.vector_load %arg12[%swap3A_1531] {strides = array<i32>} : memref<768xf32, #tpu.memory_space<vmem>>, vector<16xf32>,
          tpu.vector_store %arg12[%swap3A_1531], %add3A_1530 {strides = array<i32>} : memref<768xf32, #tpu.memory_space<vmem>>, vector<16xf32>,
          %get3A_1533 = arith.constant 176 : index
          %get3A_1534 = tpu.vector_load %arg12[%get3A_1533] {strides = array<i32>} : memref<768xf32, #tpu.memory_space<vmem>>, vector<16xf32>,
          %get3A_1535 = arith.index_cast %while3A_1444 : i32 to index
          %get3A_1536 = arith.constant 176 : index
          %get3A_1537 = tpu.vector_load %arg11[%get3A_1535, %get3A_1536] {strides = array<i32>} : memref<16x768xf32, #tpu.memory_space<vmem>>, vector<16xf32>,
          %add3A_1538 = arith.addf %get3A_1534, %get3A_1537 : vector<16xf32>
          %swap3A_1539 = arith.constant 176 : index
          %swap3A_1540 = tpu.vector_load %arg12[%swap3A_1539] {strides = array<i32>} : memref<768xf32, #tpu.memory_space<vmem>>, vector<16xf32>,
          tpu.vector_store %arg12[%swap3A_1539], %add3A_1538 {strides = array<i32>} : memref<768xf32, #tpu.memory_space<vmem>>, vector<16xf32>,
          %get3A_1541 = arith.constant 192 : index
          %get3A_1542 = tpu.vector_load %arg12[%get3A_1541] {strides = array<i32>} : memref<768xf32, #tpu.memory_space<vmem>>, vector<16xf32>,
          %get3A_1543 = arith.index_cast %while3A_1444 : i32 to index
          %get3A_1544 = arith.constant 192 : index
          %get3A_1545 = tpu.vector_load %arg11[%get3A_1543, %get3A_1544] {strides = array<i32>} : memref<16x768xf32, #tpu.memory_space<vmem>>, vector<16xf32>,
          %add3A_1546 = arith.addf %get3A_1542, %get3A_1545 : vector<16xf32>
          %swap3A_1547 = arith.constant 192 : index
          %swap3A_1548 = tpu.vector_load %arg12[%swap3A_1547] {strides = array<i32>} : memref<768xf32, #tpu.memory_space<vmem>>, vector<16xf32>,
          tpu.vector_store %arg12[%swap3A_1547], %add3A_1546 {strides = array<i32>} : memref<768xf32, #tpu.memory_space<vmem>>, vector<16xf32>,
          %get3A_1549 = arith.constant 208 : index
          %get3A_1550 = tpu.vector_load %arg12[%get3A_1549] {strides = array<i32>} : memref<768xf32, #tpu.memory_space<vmem>>, vector<16xf32>,
          %get3A_1551 = arith.index_cast %while3A_1444 : i32 to index
          %get3A_1552 = arith.constant 208 : index
          %get3A_1553 = tpu.vector_load %arg11[%get3A_1551, %get3A_1552] {strides = array<i32>} : memref<16x768xf32, #tpu.memory_space<vmem>>, vector<16xf32>,
          %add3A_1554 = arith.addf %get3A_1550, %get3A_1553 : vector<16xf32>
          %swap3A_1555 = arith.constant 208 : index
          %swap3A_1556 = tpu.vector_load %arg12[%swap3A_1555] {strides = array<i32>} : memref<768xf32, #tpu.memory_space<vmem>>, vector<16xf32>,
          tpu.vector_store %arg12[%swap3A_1555], %add3A_1554 {strides = array<i32>} : memref<768xf32, #tpu.memory_space<vmem>>, vector<16xf32>,
          %get3A_1557 = arith.constant 224 : index
          %get3A_1558 = tpu.vector_load %arg12[%get3A_1557] {strides = array<i32>} : memref<768xf32, #tpu.memory_space<vmem>>, vector<16xf32>,
          %get3A_1559 = arith.index_cast %while3A_1444 : i32 to index
          %get3A_1560 = arith.constant 224 : index
          %get3A_1561 = tpu.vector_load %arg11[%get3A_1559, %get3A_1560] {strides = array<i32>} : memref<16x768xf32, #tpu.memory_space<vmem>>, vector<16xf32>,
          %add3A_1562 = arith.addf %get3A_1558, %get3A_1561 : vector<16xf32>
          %swap3A_1563 = arith.constant 224 : index
          %swap3A_1564 = tpu.vector_load %arg12[%swap3A_1563] {strides = array<i32>} : memref<768xf32, #tpu.memory_space<vmem>>, vector<16xf32>,
          tpu.vector_store %arg12[%swap3A_1563], %add3A_1562 {strides = array<i32>} : memref<768xf32, #tpu.memory_space<vmem>>, vector<16xf32>,
          %get3A_1565 = arith.constant 240 : index
          %get3A_1566 = tpu.vector_load %arg12[%get3A_1565] {strides = array<i32>} : memref<768xf32, #tpu.memory_space<vmem>>, vector<16xf32>,
          %get3A_1567 = arith.index_cast %while3A_1444 : i32 to index
          %get3A_1568 = arith.constant 240 : index
          %get3A_1569 = tpu.vector_load %arg11[%get3A_1567, %get3A_1568] {strides = array<i32>} : memref<16x768xf32, #tpu.memory_space<vmem>>, vector<16xf32>,
          %add3A_1570 = arith.addf %get3A_1566, %get3A_1569 : vector<16xf32>
          %swap3A_1571 = arith.constant 240 : index
          %swap3A_1572 = tpu.vector_load %arg12[%swap3A_1571] {strides = array<i32>} : memref<768xf32, #tpu.memory_space<vmem>>, vector<16xf32>,
          tpu.vector_store %arg12[%swap3A_1571], %add3A_1570 {strides = array<i32>} : memref<768xf32, #tpu.memory_space<vmem>>, vector<16xf32>,
          %get3A_1573 = arith.constant 256 : index
          %get3A_1574 = tpu.vector_load %arg12[%get3A_1573] {strides = array<i32>} : memref<768xf32, #tpu.memory_space<vmem>>, vector<16xf32>,
          %get3A_1575 = arith.index_cast %while3A_1444 : i32 to index
          %get3A_1576 = arith.constant 256 : index
          %get3A_1577 = tpu.vector_load %arg11[%get3A_1575, %get3A_1576] {strides = array<i32>} : memref<16x768xf32, #tpu.memory_space<vmem>>, vector<16xf32>,
          %add3A_1578 = arith.addf %get3A_1574, %get3A_1577 : vector<16xf32>
          %swap3A_1579 = arith.constant 256 : index
          %swap3A_1580 = tpu.vector_load %arg12[%swap3A_1579] {strides = array<i32>} : memref<768xf32, #tpu.memory_space<vmem>>, vector<16xf32>,
          tpu.vector_store %arg12[%swap3A_1579], %add3A_1578 {strides = array<i32>} : memref<768xf32, #tpu.memory_space<vmem>>, vector<16xf32>,
          %get3A_1581 = arith.constant 272 : index
          %get3A_1582 = tpu.vector_load %arg12[%get3A_1581] {strides = array<i32>} : memref<768xf32, #tpu.memory_space<vmem>>, vector<16xf32>,
          %get3A_1583 = arith.index_cast %while3A_1444 : i32 to index
          %get3A_1584 = arith.constant 272 : index
          %get3A_1585 = tpu.vector_load %arg11[%get3A_1583, %get3A_1584] {strides = array<i32>} : memref<16x768xf32, #tpu.memory_space<vmem>>, vector<16xf32>,
          %add3A_1586 = arith.addf %get3A_1582, %get3A_1585 : vector<16xf32>
          %swap3A_1587 = arith.constant 272 : index
          %swap3A_1588 = tpu.vector_load %arg12[%swap3A_1587] {strides = array<i32>} : memref<768xf32, #tpu.memory_space<vmem>>, vector<16xf32>,
          tpu.vector_store %arg12[%swap3A_1587], %add3A_1586 {strides = array<i32>} : memref<768xf32, #tpu.memory_space<vmem>>, vector<16xf32>,
          %get3A_1589 = arith.constant 288 : index
          %get3A_1590 = tpu.vector_load %arg12[%get3A_1589] {strides = array<i32>} : memref<768xf32, #tpu.memory_space<vmem>>, vector<16xf32>,
          %get3A_1591 = arith.index_cast %while3A_1444 : i32 to index
          %get3A_1592 = arith.constant 288 : index
          %get3A_1593 = tpu.vector_load %arg11[%get3A_1591, %get3A_1592] {strides = array<i32>} : memref<16x768xf32, #tpu.memory_space<vmem>>, vector<16xf32>,
          %add3A_1594 = arith.addf %get3A_1590, %get3A_1593 : vector<16xf32>
          %swap3A_1595 = arith.constant 288 : index
          %swap3A_1596 = tpu.vector_load %arg12[%swap3A_1595] {strides = array<i32>} : memref<768xf32, #tpu.memory_space<vmem>>, vector<16xf32>,
          tpu.vector_store %arg12[%swap3A_1595], %add3A_1594 {strides = array<i32>} : memref<768xf32, #tpu.memory_space<vmem>>, vector<16xf32>,
          %get3A_1597 = arith.constant 304 : index
          %get3A_1598 = tpu.vector_load %arg12[%get3A_1597] {strides = array<i32>} : memref<768xf32, #tpu.memory_space<vmem>>, vector<16xf32>,
          %get3A_1599 = arith.index_cast %while3A_1444 : i32 to index
          %get3A_1600 = arith.constant 304 : index
          %get3A_1601 = tpu.vector_load %arg11[%get3A_1599, %get3A_1600] {strides = array<i32>} : memref<16x768xf32, #tpu.memory_space<vmem>>, vector<16xf32>,
          %add3A_1602 = arith.addf %get3A_1598, %get3A_1601 : vector<16xf32>
          %swap3A_1603 = arith.constant 304 : index
          %swap3A_1604 = tpu.vector_load %arg12[%swap3A_1603] {strides = array<i32>} : memref<768xf32, #tpu.memory_space<vmem>>, vector<16xf32>,
          tpu.vector_store %arg12[%swap3A_1603], %add3A_1602 {strides = array<i32>} : memref<768xf32, #tpu.memory_space<vmem>>, vector<16xf32>,
          %get3A_1605 = arith.constant 320 : index
          %get3A_1606 = tpu.vector_load %arg12[%get3A_1605] {strides = array<i32>} : memref<768xf32, #tpu.memory_space<vmem>>, vector<16xf32>,
          %get3A_1607 = arith.index_cast %while3A_1444 : i32 to index
          %get3A_1608 = arith.constant 320 : index
          %get3A_1609 = tpu.vector_load %arg11[%get3A_1607, %get3A_1608] {strides = array<i32>} : memref<16x768xf32, #tpu.memory_space<vmem>>, vector<16xf32>,
          %add3A_1610 = arith.addf %get3A_1606, %get3A_1609 : vector<16xf32>
          %swap3A_1611 = arith.constant 320 : index
          %swap3A_1612 = tpu.vector_load %arg12[%swap3A_1611] {strides = array<i32>} : memref<768xf32, #tpu.memory_space<vmem>>, vector<16xf32>,
          tpu.vector_store %arg12[%swap3A_1611], %add3A_1610 {strides = array<i32>} : memref<768xf32, #tpu.memory_space<vmem>>, vector<16xf32>,
          %get3A_1613 = arith.constant 336 : index
          %get3A_1614 = tpu.vector_load %arg12[%get3A_1613] {strides = array<i32>} : memref<768xf32, #tpu.memory_space<vmem>>, vector<16xf32>,
          %get3A_1615 = arith.index_cast %while3A_1444 : i32 to index
          %get3A_1616 = arith.constant 336 : index
          %get3A_1617 = tpu.vector_load %arg11[%get3A_1615, %get3A_1616] {strides = array<i32>} : memref<16x768xf32, #tpu.memory_space<vmem>>, vector<16xf32>,
          %add3A_1618 = arith.addf %get3A_1614, %get3A_1617 : vector<16xf32>
          %swap3A_1619 = arith.constant 336 : index
          %swap3A_1620 = tpu.vector_load %arg12[%swap3A_1619] {strides = array<i32>} : memref<768xf32, #tpu.memory_space<vmem>>, vector<16xf32>,
          tpu.vector_store %arg12[%swap3A_1619], %add3A_1618 {strides = array<i32>} : memref<768xf32, #tpu.memory_space<vmem>>, vector<16xf32>,
          %get3A_1621 = arith.constant 352 : index
          %get3A_1622 = tpu.vector_load %arg12[%get3A_1621] {strides = array<i32>} : memref<768xf32, #tpu.memory_space<vmem>>, vector<16xf32>,
          %get3A_1623 = arith.index_cast %while3A_1444 : i32 to index
          %get3A_1624 = arith.constant 352 : index
          %get3A_1625 = tpu.vector_load %arg11[%get3A_1623, %get3A_1624] {strides = array<i32>} : memref<16x768xf32, #tpu.memory_space<vmem>>, vector<16xf32>,
          %add3A_1626 = arith.addf %get3A_1622, %get3A_1625 : vector<16xf32>
          %swap3A_1627 = arith.constant 352 : index
          %swap3A_1628 = tpu.vector_load %arg12[%swap3A_1627] {strides = array<i32>} : memref<768xf32, #tpu.memory_space<vmem>>, vector<16xf32>,
          tpu.vector_store %arg12[%swap3A_1627], %add3A_1626 {strides = array<i32>} : memref<768xf32, #tpu.memory_space<vmem>>, vector<16xf32>,
          %get3A_1629 = arith.constant 368 : index
          %get3A_1630 = tpu.vector_load %arg12[%get3A_1629] {strides = array<i32>} : memref<768xf32, #tpu.memory_space<vmem>>, vector<16xf32>,
          %get3A_1631 = arith.index_cast %while3A_1444 : i32 to index
          %get3A_1632 = arith.constant 368 : index
          %get3A_1633 = tpu.vector_load %arg11[%get3A_1631, %get3A_1632] {strides = array<i32>} : memref<16x768xf32, #tpu.memory_space<vmem>>, vector<16xf32>,
          %add3A_1634 = arith.addf %get3A_1630, %get3A_1633 : vector<16xf32>
          %swap3A_1635 = arith.constant 368 : index
          %swap3A_1636 = tpu.vector_load %arg12[%swap3A_1635] {strides = array<i32>} : memref<768xf32, #tpu.memory_space<vmem>>, vector<16xf32>,
          tpu.vector_store %arg12[%swap3A_1635], %add3A_1634 {strides = array<i32>} : memref<768xf32, #tpu.memory_space<vmem>>, vector<16xf32>,
          %get3A_1637 = arith.constant 384 : index
          %get3A_1638 = tpu.vector_load %arg12[%get3A_1637] {strides = array<i32>} : memref<768xf32, #tpu.memory_space<vmem>>, vector<16xf32>,
          %get3A_1639 = arith.index_cast %while3A_1444 : i32 to index
          %get3A_1640 = arith.constant 384 : index
          %get3A_1641 = tpu.vector_load %arg11[%get3A_1639, %get3A_1640] {strides = array<i32>} : memref<16x768xf32, #tpu.memory_space<vmem>>, vector<16xf32>,
          %add3A_1642 = arith.addf %get3A_1638, %get3A_1641 : vector<16xf32>
          %swap3A_1643 = arith.constant 384 : index
          %swap3A_1644 = tpu.vector_load %arg12[%swap3A_1643] {strides = array<i32>} : memref<768xf32, #tpu.memory_space<vmem>>, vector<16xf32>,
          tpu.vector_store %arg12[%swap3A_1643], %add3A_1642 {strides = array<i32>} : memref<768xf32, #tpu.memory_space<vmem>>, vector<16xf32>,
          %get3A_1645 = arith.constant 400 : index
          %get3A_1646 = tpu.vector_load %arg12[%get3A_1645] {strides = array<i32>} : memref<768xf32, #tpu.memory_space<vmem>>, vector<16xf32>,
          %get3A_1647 = arith.index_cast %while3A_1444 : i32 to index
          %get3A_1648 = arith.constant 400 : index
          %get3A_1649 = tpu.vector_load %arg11[%get3A_1647, %get3A_1648] {strides = array<i32>} : memref<16x768xf32, #tpu.memory_space<vmem>>, vector<16xf32>,
          %add3A_1650 = arith.addf %get3A_1646, %get3A_1649 : vector<16xf32>
          %swap3A_1651 = arith.constant 400 : index
          %swap3A_1652 = tpu.vector_load %arg12[%swap3A_1651] {strides = array<i32>} : memref<768xf32, #tpu.memory_space<vmem>>, vector<16xf32>,
          tpu.vector_store %arg12[%swap3A_1651], %add3A_1650 {strides = array<i32>} : memref<768xf32, #tpu.memory_space<vmem>>, vector<16xf32>,
          %get3A_1653 = arith.constant 416 : index
          %get3A_1654 = tpu.vector_load %arg12[%get3A_1653] {strides = array<i32>} : memref<768xf32, #tpu.memory_space<vmem>>, vector<16xf32>,
          %get3A_1655 = arith.index_cast %while3A_1444 : i32 to index
          %get3A_1656 = arith.constant 416 : index
          %get3A_1657 = tpu.vector_load %arg11[%get3A_1655, %get3A_1656] {strides = array<i32>} : memref<16x768xf32, #tpu.memory_space<vmem>>, vector<16xf32>,
          %add3A_1658 = arith.addf %get3A_1654, %get3A_1657 : vector<16xf32>
          %swap3A_1659 = arith.constant 416 : index
          %swap3A_1660 = tpu.vector_load %arg12[%swap3A_1659] {strides = array<i32>} : memref<768xf32, #tpu.memory_space<vmem>>, vector<16xf32>,
          tpu.vector_store %arg12[%swap3A_1659], %add3A_1658 {strides = array<i32>} : memref<768xf32, #tpu.memory_space<vmem>>, vector<16xf32>,
          %get3A_1661 = arith.constant 432 : index
          %get3A_1662 = tpu.vector_load %arg12[%get3A_1661] {strides = array<i32>} : memref<768xf32, #tpu.memory_space<vmem>>, vector<16xf32>,
          %get3A_1663 = arith.index_cast %while3A_1444 : i32 to index
          %get3A_1664 = arith.constant 432 : index
          %get3A_1665 = tpu.vector_load %arg11[%get3A_1663, %get3A_1664] {strides = array<i32>} : memref<16x768xf32, #tpu.memory_space<vmem>>, vector<16xf32>,
          %add3A_1666 = arith.addf %get3A_1662, %get3A_1665 : vector<16xf32>
          %swap3A_1667 = arith.constant 432 : index
          %swap3A_1668 = tpu.vector_load %arg12[%swap3A_1667] {strides = array<i32>} : memref<768xf32, #tpu.memory_space<vmem>>, vector<16xf32>,
          tpu.vector_store %arg12[%swap3A_1667], %add3A_1666 {strides = array<i32>} : memref<768xf32, #tpu.memory_space<vmem>>, vector<16xf32>,
          %get3A_1669 = arith.constant 448 : index
          %get3A_1670 = tpu.vector_load %arg12[%get3A_1669] {strides = array<i32>} : memref<768xf32, #tpu.memory_space<vmem>>, vector<16xf32>,
          %get3A_1671 = arith.index_cast %while3A_1444 : i32 to index
          %get3A_1672 = arith.constant 448 : index
          %get3A_1673 = tpu.vector_load %arg11[%get3A_1671, %get3A_1672] {strides = array<i32>} : memref<16x768xf32, #tpu.memory_space<vmem>>, vector<16xf32>,
          %add3A_1674 = arith.addf %get3A_1670, %get3A_1673 : vector<16xf32>
          %swap3A_1675 = arith.constant 448 : index
          %swap3A_1676 = tpu.vector_load %arg12[%swap3A_1675] {strides = array<i32>} : memref<768xf32, #tpu.memory_space<vmem>>, vector<16xf32>,
          tpu.vector_store %arg12[%swap3A_1675], %add3A_1674 {strides = array<i32>} : memref<768xf32, #tpu.memory_space<vmem>>, vector<16xf32>,
          %get3A_1677 = arith.constant 464 : index
          %get3A_1678 = tpu.vector_load %arg12[%get3A_1677] {strides = array<i32>} : memref<768xf32, #tpu.memory_space<vmem>>, vector<16xf32>,
          %get3A_1679 = arith.index_cast %while3A_1444 : i32 to index
          %get3A_1680 = arith.constant 464 : index
          %get3A_1681 = tpu.vector_load %arg11[%get3A_1679, %get3A_1680] {strides = array<i32>} : memref<16x768xf32, #tpu.memory_space<vmem>>, vector<16xf32>,
          %add3A_1682 = arith.addf %get3A_1678, %get3A_1681 : vector<16xf32>
          %swap3A_1683 = arith.constant 464 : index
          %swap3A_1684 = tpu.vector_load %arg12[%swap3A_1683] {strides = array<i32>} : memref<768xf32, #tpu.memory_space<vmem>>, vector<16xf32>,
          tpu.vector_store %arg12[%swap3A_1683], %add3A_1682 {strides = array<i32>} : memref<768xf32, #tpu.memory_space<vmem>>, vector<16xf32>,
          %get3A_1685 = arith.constant 480 : index
          %get3A_1686 = tpu.vector_load %arg12[%get3A_1685] {strides = array<i32>} : memref<768xf32, #tpu.memory_space<vmem>>, vector<16xf32>,
          %get3A_1687 = arith.index_cast %while3A_1444 : i32 to index
          %get3A_1688 = arith.constant 480 : index
          %get3A_1689 = tpu.vector_load %arg11[%get3A_1687, %get3A_1688] {strides = array<i32>} : memref<16x768xf32, #tpu.memory_space<vmem>>, vector<16xf32>,
          %add3A_1690 = arith.addf %get3A_1686, %get3A_1689 : vector<16xf32>
          %swap3A_1691 = arith.constant 480 : index
          %swap3A_1692 = tpu.vector_load %arg12[%swap3A_1691] {strides = array<i32>} : memref<768xf32, #tpu.memory_space<vmem>>, vector<16xf32>,
          tpu.vector_store %arg12[%swap3A_1691], %add3A_1690 {strides = array<i32>} : memref<768xf32, #tpu.memory_space<vmem>>, vector<16xf32>,
          %get3A_1693 = arith.constant 496 : index
          %get3A_1694 = tpu.vector_load %arg12[%get3A_1693] {strides = array<i32>} : memref<768xf32, #tpu.memory_space<vmem>>, vector<16xf32>,
          %get3A_1695 = arith.index_cast %while3A_1444 : i32 to index
          %get3A_1696 = arith.constant 496 : index
          %get3A_1697 = tpu.vector_load %arg11[%get3A_1695, %get3A_1696] {strides = array<i32>} : memref<16x768xf32, #tpu.memory_space<vmem>>, vector<16xf32>,
          %add3A_1698 = arith.addf %get3A_1694, %get3A_1697 : vector<16xf32>
          %swap3A_1699 = arith.constant 496 : index
          %swap3A_1700 = tpu.vector_load %arg12[%swap3A_1699] {strides = array<i32>} : memref<768xf32, #tpu.memory_space<vmem>>, vector<16xf32>,
          tpu.vector_store %arg12[%swap3A_1699], %add3A_1698 {strides = array<i32>} : memref<768xf32, #tpu.memory_space<vmem>>, vector<16xf32>,
          %get3A_1701 = arith.constant 512 : index
          %get3A_1702 = tpu.vector_load %arg12[%get3A_1701] {strides = array<i32>} : memref<768xf32, #tpu.memory_space<vmem>>, vector<16xf32>,
          %get3A_1703 = arith.index_cast %while3A_1444 : i32 to index
          %get3A_1704 = arith.constant 512 : index
          %get3A_1705 = tpu.vector_load %arg11[%get3A_1703, %get3A_1704] {strides = array<i32>} : memref<16x768xf32, #tpu.memory_space<vmem>>, vector<16xf32>,
          %add3A_1706 = arith.addf %get3A_1702, %get3A_1705 : vector<16xf32>
          %swap3A_1707 = arith.constant 512 : index
          %swap3A_1708 = tpu.vector_load %arg12[%swap3A_1707] {strides = array<i32>} : memref<768xf32, #tpu.memory_space<vmem>>, vector<16xf32>,
          tpu.vector_store %arg12[%swap3A_1707], %add3A_1706 {strides = array<i32>} : memref<768xf32, #tpu.memory_space<vmem>>, vector<16xf32>,
          %get3A_1709 = arith.constant 528 : index
          %get3A_1710 = tpu.vector_load %arg12[%get3A_1709] {strides = array<i32>} : memref<768xf32, #tpu.memory_space<vmem>>, vector<16xf32>,
          %get3A_1711 = arith.index_cast %while3A_1444 : i32 to index
          %get3A_1712 = arith.constant 528 : index
          %get3A_1713 = tpu.vector_load %arg11[%get3A_1711, %get3A_1712] {strides = array<i32>} : memref<16x768xf32, #tpu.memory_space<vmem>>, vector<16xf32>,
          %add3A_1714 = arith.addf %get3A_1710, %get3A_1713 : vector<16xf32>
          %swap3A_1715 = arith.constant 528 : index
          %swap3A_1716 = tpu.vector_load %arg12[%swap3A_1715] {strides = array<i32>} : memref<768xf32, #tpu.memory_space<vmem>>, vector<16xf32>,
          tpu.vector_store %arg12[%swap3A_1715], %add3A_1714 {strides = array<i32>} : memref<768xf32, #tpu.memory_space<vmem>>, vector<16xf32>,
          %get3A_1717 = arith.constant 544 : index
          %get3A_1718 = tpu.vector_load %arg12[%get3A_1717] {strides = array<i32>} : memref<768xf32, #tpu.memory_space<vmem>>, vector<16xf32>,
          %get3A_1719 = arith.index_cast %while3A_1444 : i32 to index
          %get3A_1720 = arith.constant 544 : index
          %get3A_1721 = tpu.vector_load %arg11[%get3A_1719, %get3A_1720] {strides = array<i32>} : memref<16x768xf32, #tpu.memory_space<vmem>>, vector<16xf32>,
          %add3A_1722 = arith.addf %get3A_1718, %get3A_1721 : vector<16xf32>
          %swap3A_1723 = arith.constant 544 : index
          %swap3A_1724 = tpu.vector_load %arg12[%swap3A_1723] {strides = array<i32>} : memref<768xf32, #tpu.memory_space<vmem>>, vector<16xf32>,
          tpu.vector_store %arg12[%swap3A_1723], %add3A_1722 {strides = array<i32>} : memref<768xf32, #tpu.memory_space<vmem>>, vector<16xf32>,
          %get3A_1725 = arith.constant 560 : index
          %get3A_1726 = tpu.vector_load %arg12[%get3A_1725] {strides = array<i32>} : memref<768xf32, #tpu.memory_space<vmem>>, vector<16xf32>,
          %get3A_1727 = arith.index_cast %while3A_1444 : i32 to index
          %get3A_1728 = arith.constant 560 : index
          %get3A_1729 = tpu.vector_load %arg11[%get3A_1727, %get3A_1728] {strides = array<i32>} : memref<16x768xf32, #tpu.memory_space<vmem>>, vector<16xf32>,
          %add3A_1730 = arith.addf %get3A_1726, %get3A_1729 : vector<16xf32>
          %swap3A_1731 = arith.constant 560 : index
          %swap3A_1732 = tpu.vector_load %arg12[%swap3A_1731] {strides = array<i32>} : memref<768xf32, #tpu.memory_space<vmem>>, vector<16xf32>,
          tpu.vector_store %arg12[%swap3A_1731], %add3A_1730 {strides = array<i32>} : memref<768xf32, #tpu.memory_space<vmem>>, vector<16xf32>,
          %get3A_1733 = arith.constant 576 : index
          %get3A_1734 = tpu.vector_load %arg12[%get3A_1733] {strides = array<i32>} : memref<768xf32, #tpu.memory_space<vmem>>, vector<16xf32>,
          %get3A_1735 = arith.index_cast %while3A_1444 : i32 to index
          %get3A_1736 = arith.constant 576 : index
          %get3A_1737 = tpu.vector_load %arg11[%get3A_1735, %get3A_1736] {strides = array<i32>} : memref<16x768xf32, #tpu.memory_space<vmem>>, vector<16xf32>,
          %add3A_1738 = arith.addf %get3A_1734, %get3A_1737 : vector<16xf32>
          %swap3A_1739 = arith.constant 576 : index
          %swap3A_1740 = tpu.vector_load %arg12[%swap3A_1739] {strides = array<i32>} : memref<768xf32, #tpu.memory_space<vmem>>, vector<16xf32>,
          tpu.vector_store %arg12[%swap3A_1739], %add3A_1738 {strides = array<i32>} : memref<768xf32, #tpu.memory_space<vmem>>, vector<16xf32>,
          %get3A_1741 = arith.constant 592 : index
          %get3A_1742 = tpu.vector_load %arg12[%get3A_1741] {strides = array<i32>} : memref<768xf32, #tpu.memory_space<vmem>>, vector<16xf32>,
          %get3A_1743 = arith.index_cast %while3A_1444 : i32 to index
          %get3A_1744 = arith.constant 592 : index
          %get3A_1745 = tpu.vector_load %arg11[%get3A_1743, %get3A_1744] {strides = array<i32>} : memref<16x768xf32, #tpu.memory_space<vmem>>, vector<16xf32>,
          %add3A_1746 = arith.addf %get3A_1742, %get3A_1745 : vector<16xf32>
          %swap3A_1747 = arith.constant 592 : index
          %swap3A_1748 = tpu.vector_load %arg12[%swap3A_1747] {strides = array<i32>} : memref<768xf32, #tpu.memory_space<vmem>>, vector<16xf32>,
          tpu.vector_store %arg12[%swap3A_1747], %add3A_1746 {strides = array<i32>} : memref<768xf32, #tpu.memory_space<vmem>>, vector<16xf32>,
          %get3A_1749 = arith.constant 608 : index
          %get3A_1750 = tpu.vector_load %arg12[%get3A_1749] {strides = array<i32>} : memref<768xf32, #tpu.memory_space<vmem>>, vector<16xf32>,
          %get3A_1751 = arith.index_cast %while3A_1444 : i32 to index
          %get3A_1752 = arith.constant 608 : index
          %get3A_1753 = tpu.vector_load %arg11[%get3A_1751, %get3A_1752] {strides = array<i32>} : memref<16x768xf32, #tpu.memory_space<vmem>>, vector<16xf32>,
          %add3A_1754 = arith.addf %get3A_1750, %get3A_1753 : vector<16xf32>
          %swap3A_1755 = arith.constant 608 : index
          %swap3A_1756 = tpu.vector_load %arg12[%swap3A_1755] {strides = array<i32>} : memref<768xf32, #tpu.memory_space<vmem>>, vector<16xf32>,
          tpu.vector_store %arg12[%swap3A_1755], %add3A_1754 {strides = array<i32>} : memref<768xf32, #tpu.memory_space<vmem>>, vector<16xf32>,
          %get3A_1757 = arith.constant 624 : index
          %get3A_1758 = tpu.vector_load %arg12[%get3A_1757] {strides = array<i32>} : memref<768xf32, #tpu.memory_space<vmem>>, vector<16xf32>,
          %get3A_1759 = arith.index_cast %while3A_1444 : i32 to index
          %get3A_1760 = arith.constant 624 : index
          %get3A_1761 = tpu.vector_load %arg11[%get3A_1759, %get3A_1760] {strides = array<i32>} : memref<16x768xf32, #tpu.memory_space<vmem>>, vector<16xf32>,
          %add3A_1762 = arith.addf %get3A_1758, %get3A_1761 : vector<16xf32>
          %swap3A_1763 = arith.constant 624 : index
          %swap3A_1764 = tpu.vector_load %arg12[%swap3A_1763] {strides = array<i32>} : memref<768xf32, #tpu.memory_space<vmem>>, vector<16xf32>,
          tpu.vector_store %arg12[%swap3A_1763], %add3A_1762 {strides = array<i32>} : memref<768xf32, #tpu.memory_space<vmem>>, vector<16xf32>,
          %get3A_1765 = arith.constant 640 : index
          %get3A_1766 = tpu.vector_load %arg12[%get3A_1765] {strides = array<i32>} : memref<768xf32, #tpu.memory_space<vmem>>, vector<16xf32>,
          %get3A_1767 = arith.index_cast %while3A_1444 : i32 to index
          %get3A_1768 = arith.constant 640 : index
          %get3A_1769 = tpu.vector_load %arg11[%get3A_1767, %get3A_1768] {strides = array<i32>} : memref<16x768xf32, #tpu.memory_space<vmem>>, vector<16xf32>,
          %add3A_1770 = arith.addf %get3A_1766, %get3A_1769 : vector<16xf32>
          %swap3A_1771 = arith.constant 640 : index
          %swap3A_1772 = tpu.vector_load %arg12[%swap3A_1771] {strides = array<i32>} : memref<768xf32, #tpu.memory_space<vmem>>, vector<16xf32>,
          tpu.vector_store %arg12[%swap3A_1771], %add3A_1770 {strides = array<i32>} : memref<768xf32, #tpu.memory_space<vmem>>, vector<16xf32>,
          %get3A_1773 = arith.constant 656 : index
          %get3A_1774 = tpu.vector_load %arg12[%get3A_1773] {strides = array<i32>} : memref<768xf32, #tpu.memory_space<vmem>>, vector<16xf32>,
          %get3A_1775 = arith.index_cast %while3A_1444 : i32 to index
          %get3A_1776 = arith.constant 656 : index
          %get3A_1777 = tpu.vector_load %arg11[%get3A_1775, %get3A_1776] {strides = array<i32>} : memref<16x768xf32, #tpu.memory_space<vmem>>, vector<16xf32>,
          %add3A_1778 = arith.addf %get3A_1774, %get3A_1777 : vector<16xf32>
          %swap3A_1779 = arith.constant 656 : index
          %swap3A_1780 = tpu.vector_load %arg12[%swap3A_1779] {strides = array<i32>} : memref<768xf32, #tpu.memory_space<vmem>>, vector<16xf32>,
          tpu.vector_store %arg12[%swap3A_1779], %add3A_1778 {strides = array<i32>} : memref<768xf32, #tpu.memory_space<vmem>>, vector<16xf32>,
          %get3A_1781 = arith.constant 672 : index
          %get3A_1782 = tpu.vector_load %arg12[%get3A_1781] {strides = array<i32>} : memref<768xf32, #tpu.memory_space<vmem>>, vector<16xf32>,
          %get3A_1783 = arith.index_cast %while3A_1444 : i32 to index
          %get3A_1784 = arith.constant 672 : index
          %get3A_1785 = tpu.vector_load %arg11[%get3A_1783, %get3A_1784] {strides = array<i32>} : memref<16x768xf32, #tpu.memory_space<vmem>>, vector<16xf32>,
          %add3A_1786 = arith.addf %get3A_1782, %get3A_1785 : vector<16xf32>
          %swap3A_1787 = arith.constant 672 : index
          %swap3A_1788 = tpu.vector_load %arg12[%swap3A_1787] {strides = array<i32>} : memref<768xf32, #tpu.memory_space<vmem>>, vector<16xf32>,
          tpu.vector_store %arg12[%swap3A_1787], %add3A_1786 {strides = array<i32>} : memref<768xf32, #tpu.memory_space<vmem>>, vector<16xf32>,
          %get3A_1789 = arith.constant 688 : index
          %get3A_1790 = tpu.vector_load %arg12[%get3A_1789] {strides = array<i32>} : memref<768xf32, #tpu.memory_space<vmem>>, vector<16xf32>,
          %get3A_1791 = arith.index_cast %while3A_1444 : i32 to index
          %get3A_1792 = arith.constant 688 : index
          %get3A_1793 = tpu.vector_load %arg11[%get3A_1791, %get3A_1792] {strides = array<i32>} : memref<16x768xf32, #tpu.memory_space<vmem>>, vector<16xf32>,
          %add3A_1794 = arith.addf %get3A_1790, %get3A_1793 : vector<16xf32>
          %swap3A_1795 = arith.constant 688 : index
          %swap3A_1796 = tpu.vector_load %arg12[%swap3A_1795] {strides = array<i32>} : memref<768xf32, #tpu.memory_space<vmem>>, vector<16xf32>,
          tpu.vector_store %arg12[%swap3A_1795], %add3A_1794 {strides = array<i32>} : memref<768xf32, #tpu.memory_space<vmem>>, vector<16xf32>,
          %get3A_1797 = arith.constant 704 : index
          %get3A_1798 = tpu.vector_load %arg12[%get3A_1797] {strides = array<i32>} : memref<768xf32, #tpu.memory_space<vmem>>, vector<16xf32>,
          %get3A_1799 = arith.index_cast %while3A_1444 : i32 to index
          %get3A_1800 = arith.constant 704 : index
          %get3A_1801 = tpu.vector_load %arg11[%get3A_1799, %get3A_1800] {strides = array<i32>} : memref<16x768xf32, #tpu.memory_space<vmem>>, vector<16xf32>,
          %add3A_1802 = arith.addf %get3A_1798, %get3A_1801 : vector<16xf32>
          %swap3A_1803 = arith.constant 704 : index
          %swap3A_1804 = tpu.vector_load %arg12[%swap3A_1803] {strides = array<i32>} : memref<768xf32, #tpu.memory_space<vmem>>, vector<16xf32>,
          tpu.vector_store %arg12[%swap3A_1803], %add3A_1802 {strides = array<i32>} : memref<768xf32, #tpu.memory_space<vmem>>, vector<16xf32>,
          %get3A_1805 = arith.constant 720 : index
          %get3A_1806 = tpu.vector_load %arg12[%get3A_1805] {strides = array<i32>} : memref<768xf32, #tpu.memory_space<vmem>>, vector<16xf32>,
          %get3A_1807 = arith.index_cast %while3A_1444 : i32 to index
          %get3A_1808 = arith.constant 720 : index
          %get3A_1809 = tpu.vector_load %arg11[%get3A_1807, %get3A_1808] {strides = array<i32>} : memref<16x768xf32, #tpu.memory_space<vmem>>, vector<16xf32>,
          %add3A_1810 = arith.addf %get3A_1806, %get3A_1809 : vector<16xf32>
          %swap3A_1811 = arith.constant 720 : index
          %swap3A_1812 = tpu.vector_load %arg12[%swap3A_1811] {strides = array<i32>} : memref<768xf32, #tpu.memory_space<vmem>>, vector<16xf32>,
          tpu.vector_store %arg12[%swap3A_1811], %add3A_1810 {strides = array<i32>} : memref<768xf32, #tpu.memory_space<vmem>>, vector<16xf32>,
          %get3A_1813 = arith.constant 736 : index
          %get3A_1814 = tpu.vector_load %arg12[%get3A_1813] {strides = array<i32>} : memref<768xf32, #tpu.memory_space<vmem>>, vector<16xf32>,
          %get3A_1815 = arith.index_cast %while3A_1444 : i32 to index
          %get3A_1816 = arith.constant 736 : index
          %get3A_1817 = tpu.vector_load %arg11[%get3A_1815, %get3A_1816] {strides = array<i32>} : memref<16x768xf32, #tpu.memory_space<vmem>>, vector<16xf32>,
          %add3A_1818 = arith.addf %get3A_1814, %get3A_1817 : vector<16xf32>
          %swap3A_1819 = arith.constant 736 : index
          %swap3A_1820 = tpu.vector_load %arg12[%swap3A_1819] {strides = array<i32>} : memref<768xf32, #tpu.memory_space<vmem>>, vector<16xf32>,
          tpu.vector_store %arg12[%swap3A_1819], %add3A_1818 {strides = array<i32>} : memref<768xf32, #tpu.memory_space<vmem>>, vector<16xf32>,
          %get3A_1821 = arith.constant 752 : index
          %get3A_1822 = tpu.vector_load %arg12[%get3A_1821] {strides = array<i32>} : memref<768xf32, #tpu.memory_space<vmem>>, vector<16xf32>,
          %get3A_1823 = arith.index_cast %while3A_1444 : i32 to index
          %get3A_1824 = arith.constant 752 : index
          %get3A_1825 = tpu.vector_load %arg11[%get3A_1823, %get3A_1824] {strides = array<i32>} : memref<16x768xf32, #tpu.memory_space<vmem>>, vector<16xf32>,
          %add3A_1826 = arith.addf %get3A_1822, %get3A_1825 : vector<16xf32>
          %swap3A_1827 = arith.constant 752 : index
          %swap3A_1828 = tpu.vector_load %arg12[%swap3A_1827] {strides = array<i32>} : memref<768xf32, #tpu.memory_space<vmem>>, vector<16xf32>,
          tpu.vector_store %arg12[%swap3A_1827], %add3A_1826 {strides = array<i32>} : memref<768xf32, #tpu.memory_space<vmem>>, vector<16xf32>,
        }
      }
      %while3A_163 = arith.constant 1 : i32
      scf.for %while3A_1421 = %while3A_161 to %while3A_157 step %while3A_163  : i32 {
        %mul3A_1422 = arith.constant 16 : i32
        %mul3A_1423 = arith.muli %while3A_1421, %mul3A_1422 : i32
        %dma_start3A_1424 = tpu.memref_slice %arg10[%mul3A_1423] : memref<9232xi32, #tpu.memory_space<vmem>> -> memref<16xi32, #tpu.memory_space<vmem>>
        %dma_start3A_1425 = arith.constant 0 : i32
        %dma_start3A_1426 = tpu.memref_slice %arg3[%dma_start3A_1425, %multiple_of3A_7] : memref<9216x9216xf32, #tpu.memory_space<hbm>> -> memref<9216x768xf32, #tpu.memory_space<hbm>>
        tpu.enqueue_indirect_dma source(%dma_start3A_1426 : memref<9216x768xf32, #tpu.memory_space<hbm>>) target(%arg11 : memref<16x768xf32, #tpu.memory_space<vmem>>) offsets(%dma_start3A_1424 : memref<16xi32, #tpu.memory_space<vmem>>) semaphore(%arg17 : memref<!tpu.dma_semaphore, #tpu.memory_space<semaphore_mem>>)
        %dma_wait3A_1427 = tpu.memref_slice %arg10[%mul3A_1423] : memref<9232xi32, #tpu.memory_space<vmem>> -> memref<16xi32, #tpu.memory_space<vmem>>
        %dma_wait3A_1428 = arith.constant 0 : i32
        %dma_wait3A_1429 = tpu.memref_slice %arg3[%dma_wait3A_1428, %multiple_of3A_7] : memref<9216x9216xf32, #tpu.memory_space<hbm>> -> memref<9216x768xf32, #tpu.memory_space<hbm>>
        tpu.wait_indirect_dma semaphore(%arg17 : memref<!tpu.dma_semaphore, #tpu.memory_space<semaphore_mem>>) src(%dma_wait3A_1429 : memref<9216x768xf32, #tpu.memory_space<hbm>>) dst(%arg11 : memref<16x768xf32, #tpu.memory_space<vmem>>)
        %mul3A_1430 = arith.constant 16 : i32
        %mul3A_1431 = arith.muli %while3A_1421, %mul3A_1430 : i32
        %sub3A_1432 = arith.subi %cond3A_133, %mul3A_1431 : i32
        %min3A = arith.constant 16 : i32
        %min3A_1433 = arith.minsi %min3A, %sub3A_1432 : i32
        %while3A_1434 = arith.constant 0 : i32
        %while3A_1435 = arith.constant 0 : i32
        %while3A_1436 = arith.subi %min3A_1433, %while3A_1435 : i32
        %while3A_1437 = arith.addi %while3A_1435, %while3A_1436 : i32
        %while3A_1438 = arith.constant 1 : i32
        %while3A_1439 = arith.divsi %while3A_1436, %while3A_1438 : i32
        %while3A_1440 = arith.muli %while3A_1439, %while3A_1438 : i32
        %while3A_1441 = arith.addi %while3A_1435, %while3A_1440 : i32
        %while3A_1442 = arith.constant 1 : i32
        scf.for %while3A_1444 = %while3A_1435 to %while3A_1441 step %while3A_1442  : i32 {
          %get3A_1445 = arith.constant 0 : index
          %get3A_1446 = tpu.vector_load %arg12[%get3A_1445] {strides = array<i32>} : memref<768xf32, #tpu.memory_space<vmem>>, vector<16xf32>,
          %get3A_1447 = arith.index_cast %while3A_1444 : i32 to index
          %get3A_1448 = arith.constant 0 : index
          %get3A_1449 = tpu.vector_load %arg11[%get3A_1447, %get3A_1448] {strides = array<i32>} : memref<16x768xf32, #tpu.memory_space<vmem>>, vector<16xf32>,
          %add3A_1450 = arith.addf %get3A_1446, %get3A_1449 : vector<16xf32>
          %swap3A_1451 = arith.constant 0 : index
          %swap3A_1452 = tpu.vector_load %arg12[%swap3A_1451] {strides = array<i32>} : memref<768xf32, #tpu.memory_space<vmem>>, vector<16xf32>,
          tpu.vector_store %arg12[%swap3A_1451], %add3A_1450 {strides = array<i32>} : memref<768xf32, #tpu.memory_space<vmem>>, vector<16xf32>,
          %get3A_1453 = arith.constant 16 : index
          %get3A_1454 = tpu.vector_load %arg12[%get3A_1453] {strides = array<i32>} : memref<768xf32, #tpu.memory_space<vmem>>, vector<16xf32>,
          %get3A_1455 = arith.index_cast %while3A_1444 : i32 to index
          %get3A_1456 = arith.constant 16 : index
          %get3A_1457 = tpu.vector_load %arg11[%get3A_1455, %get3A_1456] {strides = array<i32>} : memref<16x768xf32, #tpu.memory_space<vmem>>, vector<16xf32>,
          %add3A_1458 = arith.addf %get3A_1454, %get3A_1457 : vector<16xf32>
          %swap3A_1459 = arith.constant 16 : index
          %swap3A_1460 = tpu.vector_load %arg12[%swap3A_1459] {strides = array<i32>} : memref<768xf32, #tpu.memory_space<vmem>>, vector<16xf32>,
          tpu.vector_store %arg12[%swap3A_1459], %add3A_1458 {strides = array<i32>} : memref<768xf32, #tpu.memory_space<vmem>>, vector<16xf32>,
          %get3A_1461 = arith.constant 32 : index
          %get3A_1462 = tpu.vector_load %arg12[%get3A_1461] {strides = array<i32>} : memref<768xf32, #tpu.memory_space<vmem>>, vector<16xf32>,
          %get3A_1463 = arith.index_cast %while3A_1444 : i32 to index
          %get3A_1464 = arith.constant 32 : index
          %get3A_1465 = tpu.vector_load %arg11[%get3A_1463, %get3A_1464] {strides = array<i32>} : memref<16x768xf32, #tpu.memory_space<vmem>>, vector<16xf32>,
          %add3A_1466 = arith.addf %get3A_1462, %get3A_1465 : vector<16xf32>
          %swap3A_1467 = arith.constant 32 : index
          %swap3A_1468 = tpu.vector_load %arg12[%swap3A_1467] {strides = array<i32>} : memref<768xf32, #tpu.memory_space<vmem>>, vector<16xf32>,
          tpu.vector_store %arg12[%swap3A_1467], %add3A_1466 {strides = array<i32>} : memref<768xf32, #tpu.memory_space<vmem>>, vector<16xf32>,
          %get3A_1469 = arith.constant 48 : index
          %get3A_1470 = tpu.vector_load %arg12[%get3A_1469] {strides = array<i32>} : memref<768xf32, #tpu.memory_space<vmem>>, vector<16xf32>,
          %get3A_1471 = arith.index_cast %while3A_1444 : i32 to index
          %get3A_1472 = arith.constant 48 : index
          %get3A_1473 = tpu.vector_load %arg11[%get3A_1471, %get3A_1472] {strides = array<i32>} : memref<16x768xf32, #tpu.memory_space<vmem>>, vector<16xf32>,
          %add3A_1474 = arith.addf %get3A_1470, %get3A_1473 : vector<16xf32>
          %swap3A_1475 = arith.constant 48 : index
          %swap3A_1476 = tpu.vector_load %arg12[%swap3A_1475] {strides = array<i32>} : memref<768xf32, #tpu.memory_space<vmem>>, vector<16xf32>,
          tpu.vector_store %arg12[%swap3A_1475], %add3A_1474 {strides = array<i32>} : memref<768xf32, #tpu.memory_space<vmem>>, vector<16xf32>,
          %get3A_1477 = arith.constant 64 : index
          %get3A_1478 = tpu.vector_load %arg12[%get3A_1477] {strides = array<i32>} : memref<768xf32, #tpu.memory_space<vmem>>, vector<16xf32>,
          %get3A_1479 = arith.index_cast %while3A_1444 : i32 to index
          %get3A_1480 = arith.constant 64 : index
          %get3A_1481 = tpu.vector_load %arg11[%get3A_1479, %get3A_1480] {strides = array<i32>} : memref<16x768xf32, #tpu.memory_space<vmem>>, vector<16xf32>,
          %add3A_1482 = arith.addf %get3A_1478, %get3A_1481 : vector<16xf32>
          %swap3A_1483 = arith.constant 64 : index
          %swap3A_1484 = tpu.vector_load %arg12[%swap3A_1483] {strides = array<i32>} : memref<768xf32, #tpu.memory_space<vmem>>, vector<16xf32>,
          tpu.vector_store %arg12[%swap3A_1483], %add3A_1482 {strides = array<i32>} : memref<768xf32, #tpu.memory_space<vmem>>, vector<16xf32>,
          %get3A_1485 = arith.constant 80 : index
          %get3A_1486 = tpu.vector_load %arg12[%get3A_1485] {strides = array<i32>} : memref<768xf32, #tpu.memory_space<vmem>>, vector<16xf32>,
          %get3A_1487 = arith.index_cast %while3A_1444 : i32 to index
          %get3A_1488 = arith.constant 80 : index
          %get3A_1489 = tpu.vector_load %arg11[%get3A_1487, %get3A_1488] {strides = array<i32>} : memref<16x768xf32, #tpu.memory_space<vmem>>, vector<16xf32>,
          %add3A_1490 = arith.addf %get3A_1486, %get3A_1489 : vector<16xf32>
          %swap3A_1491 = arith.constant 80 : index
          %swap3A_1492 = tpu.vector_load %arg12[%swap3A_1491] {strides = array<i32>} : memref<768xf32, #tpu.memory_space<vmem>>, vector<16xf32>,
          tpu.vector_store %arg12[%swap3A_1491], %add3A_1490 {strides = array<i32>} : memref<768xf32, #tpu.memory_space<vmem>>, vector<16xf32>,
          %get3A_1493 = arith.constant 96 : index
          %get3A_1494 = tpu.vector_load %arg12[%get3A_1493] {strides = array<i32>} : memref<768xf32, #tpu.memory_space<vmem>>, vector<16xf32>,
          %get3A_1495 = arith.index_cast %while3A_1444 : i32 to index
          %get3A_1496 = arith.constant 96 : index
          %get3A_1497 = tpu.vector_load %arg11[%get3A_1495, %get3A_1496] {strides = array<i32>} : memref<16x768xf32, #tpu.memory_space<vmem>>, vector<16xf32>,
          %add3A_1498 = arith.addf %get3A_1494, %get3A_1497 : vector<16xf32>
          %swap3A_1499 = arith.constant 96 : index
          %swap3A_1500 = tpu.vector_load %arg12[%swap3A_1499] {strides = array<i32>} : memref<768xf32, #tpu.memory_space<vmem>>, vector<16xf32>,
          tpu.vector_store %arg12[%swap3A_1499], %add3A_1498 {strides = array<i32>} : memref<768xf32, #tpu.memory_space<vmem>>, vector<16xf32>,
          %get3A_1501 = arith.constant 112 : index
          %get3A_1502 = tpu.vector_load %arg12[%get3A_1501] {strides = array<i32>} : memref<768xf32, #tpu.memory_space<vmem>>, vector<16xf32>,
          %get3A_1503 = arith.index_cast %while3A_1444 : i32 to index
          %get3A_1504 = arith.constant 112 : index
          %get3A_1505 = tpu.vector_load %arg11[%get3A_1503, %get3A_1504] {strides = array<i32>} : memref<16x768xf32, #tpu.memory_space<vmem>>, vector<16xf32>,
          %add3A_1506 = arith.addf %get3A_1502, %get3A_1505 : vector<16xf32>
          %swap3A_1507 = arith.constant 112 : index
          %swap3A_1508 = tpu.vector_load %arg12[%swap3A_1507] {strides = array<i32>} : memref<768xf32, #tpu.memory_space<vmem>>, vector<16xf32>,
          tpu.vector_store %arg12[%swap3A_1507], %add3A_1506 {strides = array<i32>} : memref<768xf32, #tpu.memory_space<vmem>>, vector<16xf32>,
          %get3A_1509 = arith.constant 128 : index
          %get3A_1510 = tpu.vector_load %arg12[%get3A_1509] {strides = array<i32>} : memref<768xf32, #tpu.memory_space<vmem>>, vector<16xf32>,
          %get3A_1511 = arith.index_cast %while3A_1444 : i32 to index
          %get3A_1512 = arith.constant 128 : index
          %get3A_1513 = tpu.vector_load %arg11[%get3A_1511, %get3A_1512] {strides = array<i32>} : memref<16x768xf32, #tpu.memory_space<vmem>>, vector<16xf32>,
          %add3A_1514 = arith.addf %get3A_1510, %get3A_1513 : vector<16xf32>
          %swap3A_1515 = arith.constant 128 : index
          %swap3A_1516 = tpu.vector_load %arg12[%swap3A_1515] {strides = array<i32>} : memref<768xf32, #tpu.memory_space<vmem>>, vector<16xf32>,
          tpu.vector_store %arg12[%swap3A_1515], %add3A_1514 {strides = array<i32>} : memref<768xf32, #tpu.memory_space<vmem>>, vector<16xf32>,
          %get3A_1517 = arith.constant 144 : index
          %get3A_1518 = tpu.vector_load %arg12[%get3A_1517] {strides = array<i32>} : memref<768xf32, #tpu.memory_space<vmem>>, vector<16xf32>,
          %get3A_1519 = arith.index_cast %while3A_1444 : i32 to index
          %get3A_1520 = arith.constant 144 : index
          %get3A_1521 = tpu.vector_load %arg11[%get3A_1519, %get3A_1520] {strides = array<i32>} : memref<16x768xf32, #tpu.memory_space<vmem>>, vector<16xf32>,
          %add3A_1522 = arith.addf %get3A_1518, %get3A_1521 : vector<16xf32>
          %swap3A_1523 = arith.constant 144 : index
          %swap3A_1524 = tpu.vector_load %arg12[%swap3A_1523] {strides = array<i32>} : memref<768xf32, #tpu.memory_space<vmem>>, vector<16xf32>,
          tpu.vector_store %arg12[%swap3A_1523], %add3A_1522 {strides = array<i32>} : memref<768xf32, #tpu.memory_space<vmem>>, vector<16xf32>,
          %get3A_1525 = arith.constant 160 : index
          %get3A_1526 = tpu.vector_load %arg12[%get3A_1525] {strides = array<i32>} : memref<768xf32, #tpu.memory_space<vmem>>, vector<16xf32>,
          %get3A_1527 = arith.index_cast %while3A_1444 : i32 to index
          %get3A_1528 = arith.constant 160 : index
          %get3A_1529 = tpu.vector_load %arg11[%get3A_1527, %get3A_1528] {strides = array<i32>} : memref<16x768xf32, #tpu.memory_space<vmem>>, vector<16xf32>,
          %add3A_1530 = arith.addf %get3A_1526, %get3A_1529 : vector<16xf32>
          %swap3A_1531 = arith.constant 160 : index
          %swap3A_1532 = tpu.vector_load %arg12[%swap3A_1531] {strides = array<i32>} : memref<768xf32, #tpu.memory_space<vmem>>, vector<16xf32>,
          tpu.vector_store %arg12[%swap3A_1531], %add3A_1530 {strides = array<i32>} : memref<768xf32, #tpu.memory_space<vmem>>, vector<16xf32>,
          %get3A_1533 = arith.constant 176 : index
          %get3A_1534 = tpu.vector_load %arg12[%get3A_1533] {strides = array<i32>} : memref<768xf32, #tpu.memory_space<vmem>>, vector<16xf32>,
          %get3A_1535 = arith.index_cast %while3A_1444 : i32 to index
          %get3A_1536 = arith.constant 176 : index
          %get3A_1537 = tpu.vector_load %arg11[%get3A_1535, %get3A_1536] {strides = array<i32>} : memref<16x768xf32, #tpu.memory_space<vmem>>, vector<16xf32>,
          %add3A_1538 = arith.addf %get3A_1534, %get3A_1537 : vector<16xf32>
          %swap3A_1539 = arith.constant 176 : index
          %swap3A_1540 = tpu.vector_load %arg12[%swap3A_1539] {strides = array<i32>} : memref<768xf32, #tpu.memory_space<vmem>>, vector<16xf32>,
          tpu.vector_store %arg12[%swap3A_1539], %add3A_1538 {strides = array<i32>} : memref<768xf32, #tpu.memory_space<vmem>>, vector<16xf32>,
          %get3A_1541 = arith.constant 192 : index
          %get3A_1542 = tpu.vector_load %arg12[%get3A_1541] {strides = array<i32>} : memref<768xf32, #tpu.memory_space<vmem>>, vector<16xf32>,
          %get3A_1543 = arith.index_cast %while3A_1444 : i32 to index
          %get3A_1544 = arith.constant 192 : index
          %get3A_1545 = tpu.vector_load %arg11[%get3A_1543, %get3A_1544] {strides = array<i32>} : memref<16x768xf32, #tpu.memory_space<vmem>>, vector<16xf32>,
          %add3A_1546 = arith.addf %get3A_1542, %get3A_1545 : vector<16xf32>
          %swap3A_1547 = arith.constant 192 : index
          %swap3A_1548 = tpu.vector_load %arg12[%swap3A_1547] {strides = array<i32>} : memref<768xf32, #tpu.memory_space<vmem>>, vector<16xf32>,
          tpu.vector_store %arg12[%swap3A_1547], %add3A_1546 {strides = array<i32>} : memref<768xf32, #tpu.memory_space<vmem>>, vector<16xf32>,
          %get3A_1549 = arith.constant 208 : index
          %get3A_1550 = tpu.vector_load %arg12[%get3A_1549] {strides = array<i32>} : memref<768xf32, #tpu.memory_space<vmem>>, vector<16xf32>,
          %get3A_1551 = arith.index_cast %while3A_1444 : i32 to index
          %get3A_1552 = arith.constant 208 : index
          %get3A_1553 = tpu.vector_load %arg11[%get3A_1551, %get3A_1552] {strides = array<i32>} : memref<16x768xf32, #tpu.memory_space<vmem>>, vector<16xf32>,
          %add3A_1554 = arith.addf %get3A_1550, %get3A_1553 : vector<16xf32>
          %swap3A_1555 = arith.constant 208 : index
          %swap3A_1556 = tpu.vector_load %arg12[%swap3A_1555] {strides = array<i32>} : memref<768xf32, #tpu.memory_space<vmem>>, vector<16xf32>,
          tpu.vector_store %arg12[%swap3A_1555], %add3A_1554 {strides = array<i32>} : memref<768xf32, #tpu.memory_space<vmem>>, vector<16xf32>,
          %get3A_1557 = arith.constant 224 : index
          %get3A_1558 = tpu.vector_load %arg12[%get3A_1557] {strides = array<i32>} : memref<768xf32, #tpu.memory_space<vmem>>, vector<16xf32>,
          %get3A_1559 = arith.index_cast %while3A_1444 : i32 to index
          %get3A_1560 = arith.constant 224 : index
          %get3A_1561 = tpu.vector_load %arg11[%get3A_1559, %get3A_1560] {strides = array<i32>} : memref<16x768xf32, #tpu.memory_space<vmem>>, vector<16xf32>,
          %add3A_1562 = arith.addf %get3A_1558, %get3A_1561 : vector<16xf32>
          %swap3A_1563 = arith.constant 224 : index
          %swap3A_1564 = tpu.vector_load %arg12[%swap3A_1563] {strides = array<i32>} : memref<768xf32, #tpu.memory_space<vmem>>, vector<16xf32>,
          tpu.vector_store %arg12[%swap3A_1563], %add3A_1562 {strides = array<i32>} : memref<768xf32, #tpu.memory_space<vmem>>, vector<16xf32>,
          %get3A_1565 = arith.constant 240 : index
          %get3A_1566 = tpu.vector_load %arg12[%get3A_1565] {strides = array<i32>} : memref<768xf32, #tpu.memory_space<vmem>>, vector<16xf32>,
          %get3A_1567 = arith.index_cast %while3A_1444 : i32 to index
          %get3A_1568 = arith.constant 240 : index
          %get3A_1569 = tpu.vector_load %arg11[%get3A_1567, %get3A_1568] {strides = array<i32>} : memref<16x768xf32, #tpu.memory_space<vmem>>, vector<16xf32>,
          %add3A_1570 = arith.addf %get3A_1566, %get3A_1569 : vector<16xf32>
          %swap3A_1571 = arith.constant 240 : index
          %swap3A_1572 = tpu.vector_load %arg12[%swap3A_1571] {strides = array<i32>} : memref<768xf32, #tpu.memory_space<vmem>>, vector<16xf32>,
          tpu.vector_store %arg12[%swap3A_1571], %add3A_1570 {strides = array<i32>} : memref<768xf32, #tpu.memory_space<vmem>>, vector<16xf32>,
          %get3A_1573 = arith.constant 256 : index
          %get3A_1574 = tpu.vector_load %arg12[%get3A_1573] {strides = array<i32>} : memref<768xf32, #tpu.memory_space<vmem>>, vector<16xf32>,
          %get3A_1575 = arith.index_cast %while3A_1444 : i32 to index
          %get3A_1576 = arith.constant 256 : index
          %get3A_1577 = tpu.vector_load %arg11[%get3A_1575, %get3A_1576] {strides = array<i32>} : memref<16x768xf32, #tpu.memory_space<vmem>>, vector<16xf32>,
          %add3A_1578 = arith.addf %get3A_1574, %get3A_1577 : vector<16xf32>
          %swap3A_1579 = arith.constant 256 : index
          %swap3A_1580 = tpu.vector_load %arg12[%swap3A_1579] {strides = array<i32>} : memref<768xf32, #tpu.memory_space<vmem>>, vector<16xf32>,
          tpu.vector_store %arg12[%swap3A_1579], %add3A_1578 {strides = array<i32>} : memref<768xf32, #tpu.memory_space<vmem>>, vector<16xf32>,
          %get3A_1581 = arith.constant 272 : index
          %get3A_1582 = tpu.vector_load %arg12[%get3A_1581] {strides = array<i32>} : memref<768xf32, #tpu.memory_space<vmem>>, vector<16xf32>,
          %get3A_1583 = arith.index_cast %while3A_1444 : i32 to index
          %get3A_1584 = arith.constant 272 : index
          %get3A_1585 = tpu.vector_load %arg11[%get3A_1583, %get3A_1584] {strides = array<i32>} : memref<16x768xf32, #tpu.memory_space<vmem>>, vector<16xf32>,
          %add3A_1586 = arith.addf %get3A_1582, %get3A_1585 : vector<16xf32>
          %swap3A_1587 = arith.constant 272 : index
          %swap3A_1588 = tpu.vector_load %arg12[%swap3A_1587] {strides = array<i32>} : memref<768xf32, #tpu.memory_space<vmem>>, vector<16xf32>,
          tpu.vector_store %arg12[%swap3A_1587], %add3A_1586 {strides = array<i32>} : memref<768xf32, #tpu.memory_space<vmem>>, vector<16xf32>,
          %get3A_1589 = arith.constant 288 : index
          %get3A_1590 = tpu.vector_load %arg12[%get3A_1589] {strides = array<i32>} : memref<768xf32, #tpu.memory_space<vmem>>, vector<16xf32>,
          %get3A_1591 = arith.index_cast %while3A_1444 : i32 to index
          %get3A_1592 = arith.constant 288 : index
          %get3A_1593 = tpu.vector_load %arg11[%get3A_1591, %get3A_1592] {strides = array<i32>} : memref<16x768xf32, #tpu.memory_space<vmem>>, vector<16xf32>,
          %add3A_1594 = arith.addf %get3A_1590, %get3A_1593 : vector<16xf32>
          %swap3A_1595 = arith.constant 288 : index
          %swap3A_1596 = tpu.vector_load %arg12[%swap3A_1595] {strides = array<i32>} : memref<768xf32, #tpu.memory_space<vmem>>, vector<16xf32>,
          tpu.vector_store %arg12[%swap3A_1595], %add3A_1594 {strides = array<i32>} : memref<768xf32, #tpu.memory_space<vmem>>, vector<16xf32>,
          %get3A_1597 = arith.constant 304 : index
          %get3A_1598 = tpu.vector_load %arg12[%get3A_1597] {strides = array<i32>} : memref<768xf32, #tpu.memory_space<vmem>>, vector<16xf32>,
          %get3A_1599 = arith.index_cast %while3A_1444 : i32 to index
          %get3A_1600 = arith.constant 304 : index
          %get3A_1601 = tpu.vector_load %arg11[%get3A_1599, %get3A_1600] {strides = array<i32>} : memref<16x768xf32, #tpu.memory_space<vmem>>, vector<16xf32>,
          %add3A_1602 = arith.addf %get3A_1598, %get3A_1601 : vector<16xf32>
          %swap3A_1603 = arith.constant 304 : index
          %swap3A_1604 = tpu.vector_load %arg12[%swap3A_1603] {strides = array<i32>} : memref<768xf32, #tpu.memory_space<vmem>>, vector<16xf32>,
          tpu.vector_store %arg12[%swap3A_1603], %add3A_1602 {strides = array<i32>} : memref<768xf32, #tpu.memory_space<vmem>>, vector<16xf32>,
          %get3A_1605 = arith.constant 320 : index
          %get3A_1606 = tpu.vector_load %arg12[%get3A_1605] {strides = array<i32>} : memref<768xf32, #tpu.memory_space<vmem>>, vector<16xf32>,
          %get3A_1607 = arith.index_cast %while3A_1444 : i32 to index
          %get3A_1608 = arith.constant 320 : index
          %get3A_1609 = tpu.vector_load %arg11[%get3A_1607, %get3A_1608] {strides = array<i32>} : memref<16x768xf32, #tpu.memory_space<vmem>>, vector<16xf32>,
          %add3A_1610 = arith.addf %get3A_1606, %get3A_1609 : vector<16xf32>
          %swap3A_1611 = arith.constant 320 : index
          %swap3A_1612 = tpu.vector_load %arg12[%swap3A_1611] {strides = array<i32>} : memref<768xf32, #tpu.memory_space<vmem>>, vector<16xf32>,
          tpu.vector_store %arg12[%swap3A_1611], %add3A_1610 {strides = array<i32>} : memref<768xf32, #tpu.memory_space<vmem>>, vector<16xf32>,
          %get3A_1613 = arith.constant 336 : index
          %get3A_1614 = tpu.vector_load %arg12[%get3A_1613] {strides = array<i32>} : memref<768xf32, #tpu.memory_space<vmem>>, vector<16xf32>,
          %get3A_1615 = arith.index_cast %while3A_1444 : i32 to index
          %get3A_1616 = arith.constant 336 : index
          %get3A_1617 = tpu.vector_load %arg11[%get3A_1615, %get3A_1616] {strides = array<i32>} : memref<16x768xf32, #tpu.memory_space<vmem>>, vector<16xf32>,
          %add3A_1618 = arith.addf %get3A_1614, %get3A_1617 : vector<16xf32>
          %swap3A_1619 = arith.constant 336 : index
          %swap3A_1620 = tpu.vector_load %arg12[%swap3A_1619] {strides = array<i32>} : memref<768xf32, #tpu.memory_space<vmem>>, vector<16xf32>,
          tpu.vector_store %arg12[%swap3A_1619], %add3A_1618 {strides = array<i32>} : memref<768xf32, #tpu.memory_space<vmem>>, vector<16xf32>,
          %get3A_1621 = arith.constant 352 : index
          %get3A_1622 = tpu.vector_load %arg12[%get3A_1621] {strides = array<i32>} : memref<768xf32, #tpu.memory_space<vmem>>, vector<16xf32>,
          %get3A_1623 = arith.index_cast %while3A_1444 : i32 to index
          %get3A_1624 = arith.constant 352 : index
          %get3A_1625 = tpu.vector_load %arg11[%get3A_1623, %get3A_1624] {strides = array<i32>} : memref<16x768xf32, #tpu.memory_space<vmem>>, vector<16xf32>,
          %add3A_1626 = arith.addf %get3A_1622, %get3A_1625 : vector<16xf32>
          %swap3A_1627 = arith.constant 352 : index
          %swap3A_1628 = tpu.vector_load %arg12[%swap3A_1627] {strides = array<i32>} : memref<768xf32, #tpu.memory_space<vmem>>, vector<16xf32>,
          tpu.vector_store %arg12[%swap3A_1627], %add3A_1626 {strides = array<i32>} : memref<768xf32, #tpu.memory_space<vmem>>, vector<16xf32>,
          %get3A_1629 = arith.constant 368 : index
          %get3A_1630 = tpu.vector_load %arg12[%get3A_1629] {strides = array<i32>} : memref<768xf32, #tpu.memory_space<vmem>>, vector<16xf32>,
          %get3A_1631 = arith.index_cast %while3A_1444 : i32 to index
          %get3A_1632 = arith.constant 368 : index
          %get3A_1633 = tpu.vector_load %arg11[%get3A_1631, %get3A_1632] {strides = array<i32>} : memref<16x768xf32, #tpu.memory_space<vmem>>, vector<16xf32>,
          %add3A_1634 = arith.addf %get3A_1630, %get3A_1633 : vector<16xf32>
          %swap3A_1635 = arith.constant 368 : index
          %swap3A_1636 = tpu.vector_load %arg12[%swap3A_1635] {strides = array<i32>} : memref<768xf32, #tpu.memory_space<vmem>>, vector<16xf32>,
          tpu.vector_store %arg12[%swap3A_1635], %add3A_1634 {strides = array<i32>} : memref<768xf32, #tpu.memory_space<vmem>>, vector<16xf32>,
          %get3A_1637 = arith.constant 384 : index
          %get3A_1638 = tpu.vector_load %arg12[%get3A_1637] {strides = array<i32>} : memref<768xf32, #tpu.memory_space<vmem>>, vector<16xf32>,
          %get3A_1639 = arith.index_cast %while3A_1444 : i32 to index
          %get3A_1640 = arith.constant 384 : index
          %get3A_1641 = tpu.vector_load %arg11[%get3A_1639, %get3A_1640] {strides = array<i32>} : memref<16x768xf32, #tpu.memory_space<vmem>>, vector<16xf32>,
          %add3A_1642 = arith.addf %get3A_1638, %get3A_1641 : vector<16xf32>
          %swap3A_1643 = arith.constant 384 : index
          %swap3A_1644 = tpu.vector_load %arg12[%swap3A_1643] {strides = array<i32>} : memref<768xf32, #tpu.memory_space<vmem>>, vector<16xf32>,
          tpu.vector_store %arg12[%swap3A_1643], %add3A_1642 {strides = array<i32>} : memref<768xf32, #tpu.memory_space<vmem>>, vector<16xf32>,
          %get3A_1645 = arith.constant 400 : index
          %get3A_1646 = tpu.vector_load %arg12[%get3A_1645] {strides = array<i32>} : memref<768xf32, #tpu.memory_space<vmem>>, vector<16xf32>,
          %get3A_1647 = arith.index_cast %while3A_1444 : i32 to index
          %get3A_1648 = arith.constant 400 : index
          %get3A_1649 = tpu.vector_load %arg11[%get3A_1647, %get3A_1648] {strides = array<i32>} : memref<16x768xf32, #tpu.memory_space<vmem>>, vector<16xf32>,
          %add3A_1650 = arith.addf %get3A_1646, %get3A_1649 : vector<16xf32>
          %swap3A_1651 = arith.constant 400 : index
          %swap3A_1652 = tpu.vector_load %arg12[%swap3A_1651] {strides = array<i32>} : memref<768xf32, #tpu.memory_space<vmem>>, vector<16xf32>,
          tpu.vector_store %arg12[%swap3A_1651], %add3A_1650 {strides = array<i32>} : memref<768xf32, #tpu.memory_space<vmem>>, vector<16xf32>,
          %get3A_1653 = arith.constant 416 : index
          %get3A_1654 = tpu.vector_load %arg12[%get3A_1653] {strides = array<i32>} : memref<768xf32, #tpu.memory_space<vmem>>, vector<16xf32>,
          %get3A_1655 = arith.index_cast %while3A_1444 : i32 to index
          %get3A_1656 = arith.constant 416 : index
          %get3A_1657 = tpu.vector_load %arg11[%get3A_1655, %get3A_1656] {strides = array<i32>} : memref<16x768xf32, #tpu.memory_space<vmem>>, vector<16xf32>,
          %add3A_1658 = arith.addf %get3A_1654, %get3A_1657 : vector<16xf32>
          %swap3A_1659 = arith.constant 416 : index
          %swap3A_1660 = tpu.vector_load %arg12[%swap3A_1659] {strides = array<i32>} : memref<768xf32, #tpu.memory_space<vmem>>, vector<16xf32>,
          tpu.vector_store %arg12[%swap3A_1659], %add3A_1658 {strides = array<i32>} : memref<768xf32, #tpu.memory_space<vmem>>, vector<16xf32>,
          %get3A_1661 = arith.constant 432 : index
          %get3A_1662 = tpu.vector_load %arg12[%get3A_1661] {strides = array<i32>} : memref<768xf32, #tpu.memory_space<vmem>>, vector<16xf32>,
          %get3A_1663 = arith.index_cast %while3A_1444 : i32 to index
          %get3A_1664 = arith.constant 432 : index
          %get3A_1665 = tpu.vector_load %arg11[%get3A_1663, %get3A_1664] {strides = array<i32>} : memref<16x768xf32, #tpu.memory_space<vmem>>, vector<16xf32>,
          %add3A_1666 = arith.addf %get3A_1662, %get3A_1665 : vector<16xf32>
          %swap3A_1667 = arith.constant 432 : index
          %swap3A_1668 = tpu.vector_load %arg12[%swap3A_1667] {strides = array<i32>} : memref<768xf32, #tpu.memory_space<vmem>>, vector<16xf32>,
          tpu.vector_store %arg12[%swap3A_1667], %add3A_1666 {strides = array<i32>} : memref<768xf32, #tpu.memory_space<vmem>>, vector<16xf32>,
          %get3A_1669 = arith.constant 448 : index
          %get3A_1670 = tpu.vector_load %arg12[%get3A_1669] {strides = array<i32>} : memref<768xf32, #tpu.memory_space<vmem>>, vector<16xf32>,
          %get3A_1671 = arith.index_cast %while3A_1444 : i32 to index
          %get3A_1672 = arith.constant 448 : index
          %get3A_1673 = tpu.vector_load %arg11[%get3A_1671, %get3A_1672] {strides = array<i32>} : memref<16x768xf32, #tpu.memory_space<vmem>>, vector<16xf32>,
          %add3A_1674 = arith.addf %get3A_1670, %get3A_1673 : vector<16xf32>
          %swap3A_1675 = arith.constant 448 : index
          %swap3A_1676 = tpu.vector_load %arg12[%swap3A_1675] {strides = array<i32>} : memref<768xf32, #tpu.memory_space<vmem>>, vector<16xf32>,
          tpu.vector_store %arg12[%swap3A_1675], %add3A_1674 {strides = array<i32>} : memref<768xf32, #tpu.memory_space<vmem>>, vector<16xf32>,
          %get3A_1677 = arith.constant 464 : index
          %get3A_1678 = tpu.vector_load %arg12[%get3A_1677] {strides = array<i32>} : memref<768xf32, #tpu.memory_space<vmem>>, vector<16xf32>,
          %get3A_1679 = arith.index_cast %while3A_1444 : i32 to index
          %get3A_1680 = arith.constant 464 : index
          %get3A_1681 = tpu.vector_load %arg11[%get3A_1679, %get3A_1680] {strides = array<i32>} : memref<16x768xf32, #tpu.memory_space<vmem>>, vector<16xf32>,
          %add3A_1682 = arith.addf %get3A_1678, %get3A_1681 : vector<16xf32>
          %swap3A_1683 = arith.constant 464 : index
          %swap3A_1684 = tpu.vector_load %arg12[%swap3A_1683] {strides = array<i32>} : memref<768xf32, #tpu.memory_space<vmem>>, vector<16xf32>,
          tpu.vector_store %arg12[%swap3A_1683], %add3A_1682 {strides = array<i32>} : memref<768xf32, #tpu.memory_space<vmem>>, vector<16xf32>,
          %get3A_1685 = arith.constant 480 : index
          %get3A_1686 = tpu.vector_load %arg12[%get3A_1685] {strides = array<i32>} : memref<768xf32, #tpu.memory_space<vmem>>, vector<16xf32>,
          %get3A_1687 = arith.index_cast %while3A_1444 : i32 to index
          %get3A_1688 = arith.constant 480 : index
          %get3A_1689 = tpu.vector_load %arg11[%get3A_1687, %get3A_1688] {strides = array<i32>} : memref<16x768xf32, #tpu.memory_space<vmem>>, vector<16xf32>,
          %add3A_1690 = arith.addf %get3A_1686, %get3A_1689 : vector<16xf32>
          %swap3A_1691 = arith.constant 480 : index
          %swap3A_1692 = tpu.vector_load %arg12[%swap3A_1691] {strides = array<i32>} : memref<768xf32, #tpu.memory_space<vmem>>, vector<16xf32>,
          tpu.vector_store %arg12[%swap3A_1691], %add3A_1690 {strides = array<i32>} : memref<768xf32, #tpu.memory_space<vmem>>, vector<16xf32>,
          %get3A_1693 = arith.constant 496 : index
          %get3A_1694 = tpu.vector_load %arg12[%get3A_1693] {strides = array<i32>} : memref<768xf32, #tpu.memory_space<vmem>>, vector<16xf32>,
          %get3A_1695 = arith.index_cast %while3A_1444 : i32 to index
          %get3A_1696 = arith.constant 496 : index
          %get3A_1697 = tpu.vector_load %arg11[%get3A_1695, %get3A_1696] {strides = array<i32>} : memref<16x768xf32, #tpu.memory_space<vmem>>, vector<16xf32>,
          %add3A_1698 = arith.addf %get3A_1694, %get3A_1697 : vector<16xf32>
          %swap3A_1699 = arith.constant 496 : index
          %swap3A_1700 = tpu.vector_load %arg12[%swap3A_1699] {strides = array<i32>} : memref<768xf32, #tpu.memory_space<vmem>>, vector<16xf32>,
          tpu.vector_store %arg12[%swap3A_1699], %add3A_1698 {strides = array<i32>} : memref<768xf32, #tpu.memory_space<vmem>>, vector<16xf32>,
          %get3A_1701 = arith.constant 512 : index
          %get3A_1702 = tpu.vector_load %arg12[%get3A_1701] {strides = array<i32>} : memref<768xf32, #tpu.memory_space<vmem>>, vector<16xf32>,
          %get3A_1703 = arith.index_cast %while3A_1444 : i32 to index
          %get3A_1704 = arith.constant 512 : index
          %get3A_1705 = tpu.vector_load %arg11[%get3A_1703, %get3A_1704] {strides = array<i32>} : memref<16x768xf32, #tpu.memory_space<vmem>>, vector<16xf32>,
          %add3A_1706 = arith.addf %get3A_1702, %get3A_1705 : vector<16xf32>
          %swap3A_1707 = arith.constant 512 : index
          %swap3A_1708 = tpu.vector_load %arg12[%swap3A_1707] {strides = array<i32>} : memref<768xf32, #tpu.memory_space<vmem>>, vector<16xf32>,
          tpu.vector_store %arg12[%swap3A_1707], %add3A_1706 {strides = array<i32>} : memref<768xf32, #tpu.memory_space<vmem>>, vector<16xf32>,
          %get3A_1709 = arith.constant 528 : index
          %get3A_1710 = tpu.vector_load %arg12[%get3A_1709] {strides = array<i32>} : memref<768xf32, #tpu.memory_space<vmem>>, vector<16xf32>,
          %get3A_1711 = arith.index_cast %while3A_1444 : i32 to index
          %get3A_1712 = arith.constant 528 : index
          %get3A_1713 = tpu.vector_load %arg11[%get3A_1711, %get3A_1712] {strides = array<i32>} : memref<16x768xf32, #tpu.memory_space<vmem>>, vector<16xf32>,
          %add3A_1714 = arith.addf %get3A_1710, %get3A_1713 : vector<16xf32>
          %swap3A_1715 = arith.constant 528 : index
          %swap3A_1716 = tpu.vector_load %arg12[%swap3A_1715] {strides = array<i32>} : memref<768xf32, #tpu.memory_space<vmem>>, vector<16xf32>,
          tpu.vector_store %arg12[%swap3A_1715], %add3A_1714 {strides = array<i32>} : memref<768xf32, #tpu.memory_space<vmem>>, vector<16xf32>,
          %get3A_1717 = arith.constant 544 : index
          %get3A_1718 = tpu.vector_load %arg12[%get3A_1717] {strides = array<i32>} : memref<768xf32, #tpu.memory_space<vmem>>, vector<16xf32>,
          %get3A_1719 = arith.index_cast %while3A_1444 : i32 to index
          %get3A_1720 = arith.constant 544 : index
          %get3A_1721 = tpu.vector_load %arg11[%get3A_1719, %get3A_1720] {strides = array<i32>} : memref<16x768xf32, #tpu.memory_space<vmem>>, vector<16xf32>,
          %add3A_1722 = arith.addf %get3A_1718, %get3A_1721 : vector<16xf32>
          %swap3A_1723 = arith.constant 544 : index
          %swap3A_1724 = tpu.vector_load %arg12[%swap3A_1723] {strides = array<i32>} : memref<768xf32, #tpu.memory_space<vmem>>, vector<16xf32>,
          tpu.vector_store %arg12[%swap3A_1723], %add3A_1722 {strides = array<i32>} : memref<768xf32, #tpu.memory_space<vmem>>, vector<16xf32>,
          %get3A_1725 = arith.constant 560 : index
          %get3A_1726 = tpu.vector_load %arg12[%get3A_1725] {strides = array<i32>} : memref<768xf32, #tpu.memory_space<vmem>>, vector<16xf32>,
          %get3A_1727 = arith.index_cast %while3A_1444 : i32 to index
          %get3A_1728 = arith.constant 560 : index
          %get3A_1729 = tpu.vector_load %arg11[%get3A_1727, %get3A_1728] {strides = array<i32>} : memref<16x768xf32, #tpu.memory_space<vmem>>, vector<16xf32>,
          %add3A_1730 = arith.addf %get3A_1726, %get3A_1729 : vector<16xf32>
          %swap3A_1731 = arith.constant 560 : index
          %swap3A_1732 = tpu.vector_load %arg12[%swap3A_1731] {strides = array<i32>} : memref<768xf32, #tpu.memory_space<vmem>>, vector<16xf32>,
          tpu.vector_store %arg12[%swap3A_1731], %add3A_1730 {strides = array<i32>} : memref<768xf32, #tpu.memory_space<vmem>>, vector<16xf32>,
          %get3A_1733 = arith.constant 576 : index
          %get3A_1734 = tpu.vector_load %arg12[%get3A_1733] {strides = array<i32>} : memref<768xf32, #tpu.memory_space<vmem>>, vector<16xf32>,
          %get3A_1735 = arith.index_cast %while3A_1444 : i32 to index
          %get3A_1736 = arith.constant 576 : index
          %get3A_1737 = tpu.vector_load %arg11[%get3A_1735, %get3A_1736] {strides = array<i32>} : memref<16x768xf32, #tpu.memory_space<vmem>>, vector<16xf32>,
          %add3A_1738 = arith.addf %get3A_1734, %get3A_1737 : vector<16xf32>
          %swap3A_1739 = arith.constant 576 : index
          %swap3A_1740 = tpu.vector_load %arg12[%swap3A_1739] {strides = array<i32>} : memref<768xf32, #tpu.memory_space<vmem>>, vector<16xf32>,
          tpu.vector_store %arg12[%swap3A_1739], %add3A_1738 {strides = array<i32>} : memref<768xf32, #tpu.memory_space<vmem>>, vector<16xf32>,
          %get3A_1741 = arith.constant 592 : index
          %get3A_1742 = tpu.vector_load %arg12[%get3A_1741] {strides = array<i32>} : memref<768xf32, #tpu.memory_space<vmem>>, vector<16xf32>,
          %get3A_1743 = arith.index_cast %while3A_1444 : i32 to index
          %get3A_1744 = arith.constant 592 : index
          %get3A_1745 = tpu.vector_load %arg11[%get3A_1743, %get3A_1744] {strides = array<i32>} : memref<16x768xf32, #tpu.memory_space<vmem>>, vector<16xf32>,
          %add3A_1746 = arith.addf %get3A_1742, %get3A_1745 : vector<16xf32>
          %swap3A_1747 = arith.constant 592 : index
          %swap3A_1748 = tpu.vector_load %arg12[%swap3A_1747] {strides = array<i32>} : memref<768xf32, #tpu.memory_space<vmem>>, vector<16xf32>,
          tpu.vector_store %arg12[%swap3A_1747], %add3A_1746 {strides = array<i32>} : memref<768xf32, #tpu.memory_space<vmem>>, vector<16xf32>,
          %get3A_1749 = arith.constant 608 : index
          %get3A_1750 = tpu.vector_load %arg12[%get3A_1749] {strides = array<i32>} : memref<768xf32, #tpu.memory_space<vmem>>, vector<16xf32>,
          %get3A_1751 = arith.index_cast %while3A_1444 : i32 to index
          %get3A_1752 = arith.constant 608 : index
          %get3A_1753 = tpu.vector_load %arg11[%get3A_1751, %get3A_1752] {strides = array<i32>} : memref<16x768xf32, #tpu.memory_space<vmem>>, vector<16xf32>,
          %add3A_1754 = arith.addf %get3A_1750, %get3A_1753 : vector<16xf32>
          %swap3A_1755 = arith.constant 608 : index
          %swap3A_1756 = tpu.vector_load %arg12[%swap3A_1755] {strides = array<i32>} : memref<768xf32, #tpu.memory_space<vmem>>, vector<16xf32>,
          tpu.vector_store %arg12[%swap3A_1755], %add3A_1754 {strides = array<i32>} : memref<768xf32, #tpu.memory_space<vmem>>, vector<16xf32>,
          %get3A_1757 = arith.constant 624 : index
          %get3A_1758 = tpu.vector_load %arg12[%get3A_1757] {strides = array<i32>} : memref<768xf32, #tpu.memory_space<vmem>>, vector<16xf32>,
          %get3A_1759 = arith.index_cast %while3A_1444 : i32 to index
          %get3A_1760 = arith.constant 624 : index
          %get3A_1761 = tpu.vector_load %arg11[%get3A_1759, %get3A_1760] {strides = array<i32>} : memref<16x768xf32, #tpu.memory_space<vmem>>, vector<16xf32>,
          %add3A_1762 = arith.addf %get3A_1758, %get3A_1761 : vector<16xf32>
          %swap3A_1763 = arith.constant 624 : index
          %swap3A_1764 = tpu.vector_load %arg12[%swap3A_1763] {strides = array<i32>} : memref<768xf32, #tpu.memory_space<vmem>>, vector<16xf32>,
          tpu.vector_store %arg12[%swap3A_1763], %add3A_1762 {strides = array<i32>} : memref<768xf32, #tpu.memory_space<vmem>>, vector<16xf32>,
          %get3A_1765 = arith.constant 640 : index
          %get3A_1766 = tpu.vector_load %arg12[%get3A_1765] {strides = array<i32>} : memref<768xf32, #tpu.memory_space<vmem>>, vector<16xf32>,
          %get3A_1767 = arith.index_cast %while3A_1444 : i32 to index
          %get3A_1768 = arith.constant 640 : index
          %get3A_1769 = tpu.vector_load %arg11[%get3A_1767, %get3A_1768] {strides = array<i32>} : memref<16x768xf32, #tpu.memory_space<vmem>>, vector<16xf32>,
          %add3A_1770 = arith.addf %get3A_1766, %get3A_1769 : vector<16xf32>
          %swap3A_1771 = arith.constant 640 : index
          %swap3A_1772 = tpu.vector_load %arg12[%swap3A_1771] {strides = array<i32>} : memref<768xf32, #tpu.memory_space<vmem>>, vector<16xf32>,
          tpu.vector_store %arg12[%swap3A_1771], %add3A_1770 {strides = array<i32>} : memref<768xf32, #tpu.memory_space<vmem>>, vector<16xf32>,
          %get3A_1773 = arith.constant 656 : index
          %get3A_1774 = tpu.vector_load %arg12[%get3A_1773] {strides = array<i32>} : memref<768xf32, #tpu.memory_space<vmem>>, vector<16xf32>,
          %get3A_1775 = arith.index_cast %while3A_1444 : i32 to index
          %get3A_1776 = arith.constant 656 : index
          %get3A_1777 = tpu.vector_load %arg11[%get3A_1775, %get3A_1776] {strides = array<i32>} : memref<16x768xf32, #tpu.memory_space<vmem>>, vector<16xf32>,
          %add3A_1778 = arith.addf %get3A_1774, %get3A_1777 : vector<16xf32>
          %swap3A_1779 = arith.constant 656 : index
          %swap3A_1780 = tpu.vector_load %arg12[%swap3A_1779] {strides = array<i32>} : memref<768xf32, #tpu.memory_space<vmem>>, vector<16xf32>,
          tpu.vector_store %arg12[%swap3A_1779], %add3A_1778 {strides = array<i32>} : memref<768xf32, #tpu.memory_space<vmem>>, vector<16xf32>,
          %get3A_1781 = arith.constant 672 : index
          %get3A_1782 = tpu.vector_load %arg12[%get3A_1781] {strides = array<i32>} : memref<768xf32, #tpu.memory_space<vmem>>, vector<16xf32>,
          %get3A_1783 = arith.index_cast %while3A_1444 : i32 to index
          %get3A_1784 = arith.constant 672 : index
          %get3A_1785 = tpu.vector_load %arg11[%get3A_1783, %get3A_1784] {strides = array<i32>} : memref<16x768xf32, #tpu.memory_space<vmem>>, vector<16xf32>,
          %add3A_1786 = arith.addf %get3A_1782, %get3A_1785 : vector<16xf32>
          %swap3A_1787 = arith.constant 672 : index
          %swap3A_1788 = tpu.vector_load %arg12[%swap3A_1787] {strides = array<i32>} : memref<768xf32, #tpu.memory_space<vmem>>, vector<16xf32>,
          tpu.vector_store %arg12[%swap3A_1787], %add3A_1786 {strides = array<i32>} : memref<768xf32, #tpu.memory_space<vmem>>, vector<16xf32>,
          %get3A_1789 = arith.constant 688 : index
          %get3A_1790 = tpu.vector_load %arg12[%get3A_1789] {strides = array<i32>} : memref<768xf32, #tpu.memory_space<vmem>>, vector<16xf32>,
          %get3A_1791 = arith.index_cast %while3A_1444 : i32 to index
          %get3A_1792 = arith.constant 688 : index
          %get3A_1793 = tpu.vector_load %arg11[%get3A_1791, %get3A_1792] {strides = array<i32>} : memref<16x768xf32, #tpu.memory_space<vmem>>, vector<16xf32>,
          %add3A_1794 = arith.addf %get3A_1790, %get3A_1793 : vector<16xf32>
          %swap3A_1795 = arith.constant 688 : index
          %swap3A_1796 = tpu.vector_load %arg12[%swap3A_1795] {strides = array<i32>} : memref<768xf32, #tpu.memory_space<vmem>>, vector<16xf32>,
          tpu.vector_store %arg12[%swap3A_1795], %add3A_1794 {strides = array<i32>} : memref<768xf32, #tpu.memory_space<vmem>>, vector<16xf32>,
          %get3A_1797 = arith.constant 704 : index
          %get3A_1798 = tpu.vector_load %arg12[%get3A_1797] {strides = array<i32>} : memref<768xf32, #tpu.memory_space<vmem>>, vector<16xf32>,
          %get3A_1799 = arith.index_cast %while3A_1444 : i32 to index
          %get3A_1800 = arith.constant 704 : index
          %get3A_1801 = tpu.vector_load %arg11[%get3A_1799, %get3A_1800] {strides = array<i32>} : memref<16x768xf32, #tpu.memory_space<vmem>>, vector<16xf32>,
          %add3A_1802 = arith.addf %get3A_1798, %get3A_1801 : vector<16xf32>
          %swap3A_1803 = arith.constant 704 : index
          %swap3A_1804 = tpu.vector_load %arg12[%swap3A_1803] {strides = array<i32>} : memref<768xf32, #tpu.memory_space<vmem>>, vector<16xf32>,
          tpu.vector_store %arg12[%swap3A_1803], %add3A_1802 {strides = array<i32>} : memref<768xf32, #tpu.memory_space<vmem>>, vector<16xf32>,
          %get3A_1805 = arith.constant 720 : index
          %get3A_1806 = tpu.vector_load %arg12[%get3A_1805] {strides = array<i32>} : memref<768xf32, #tpu.memory_space<vmem>>, vector<16xf32>,
          %get3A_1807 = arith.index_cast %while3A_1444 : i32 to index
          %get3A_1808 = arith.constant 720 : index
          %get3A_1809 = tpu.vector_load %arg11[%get3A_1807, %get3A_1808] {strides = array<i32>} : memref<16x768xf32, #tpu.memory_space<vmem>>, vector<16xf32>,
          %add3A_1810 = arith.addf %get3A_1806, %get3A_1809 : vector<16xf32>
          %swap3A_1811 = arith.constant 720 : index
          %swap3A_1812 = tpu.vector_load %arg12[%swap3A_1811] {strides = array<i32>} : memref<768xf32, #tpu.memory_space<vmem>>, vector<16xf32>,
          tpu.vector_store %arg12[%swap3A_1811], %add3A_1810 {strides = array<i32>} : memref<768xf32, #tpu.memory_space<vmem>>, vector<16xf32>,
          %get3A_1813 = arith.constant 736 : index
          %get3A_1814 = tpu.vector_load %arg12[%get3A_1813] {strides = array<i32>} : memref<768xf32, #tpu.memory_space<vmem>>, vector<16xf32>,
          %get3A_1815 = arith.index_cast %while3A_1444 : i32 to index
          %get3A_1816 = arith.constant 736 : index
          %get3A_1817 = tpu.vector_load %arg11[%get3A_1815, %get3A_1816] {strides = array<i32>} : memref<16x768xf32, #tpu.memory_space<vmem>>, vector<16xf32>,
          %add3A_1818 = arith.addf %get3A_1814, %get3A_1817 : vector<16xf32>
          %swap3A_1819 = arith.constant 736 : index
          %swap3A_1820 = tpu.vector_load %arg12[%swap3A_1819] {strides = array<i32>} : memref<768xf32, #tpu.memory_space<vmem>>, vector<16xf32>,
          tpu.vector_store %arg12[%swap3A_1819], %add3A_1818 {strides = array<i32>} : memref<768xf32, #tpu.memory_space<vmem>>, vector<16xf32>,
          %get3A_1821 = arith.constant 752 : index
          %get3A_1822 = tpu.vector_load %arg12[%get3A_1821] {strides = array<i32>} : memref<768xf32, #tpu.memory_space<vmem>>, vector<16xf32>,
          %get3A_1823 = arith.index_cast %while3A_1444 : i32 to index
          %get3A_1824 = arith.constant 752 : index
          %get3A_1825 = tpu.vector_load %arg11[%get3A_1823, %get3A_1824] {strides = array<i32>} : memref<16x768xf32, #tpu.memory_space<vmem>>, vector<16xf32>,
          %add3A_1826 = arith.addf %get3A_1822, %get3A_1825 : vector<16xf32>
          %swap3A_1827 = arith.constant 752 : index
          %swap3A_1828 = tpu.vector_load %arg12[%swap3A_1827] {strides = array<i32>} : memref<768xf32, #tpu.memory_space<vmem>>, vector<16xf32>,
          tpu.vector_store %arg12[%swap3A_1827], %add3A_1826 {strides = array<i32>} : memref<768xf32, #tpu.memory_space<vmem>>, vector<16xf32>,
        }
        %while3A_1443 = arith.constant 1 : i32
        scf.for %while3A_1444 = %while3A_1441 to %while3A_1437 step %while3A_1443  : i32 {
          %get3A_1445 = arith.constant 0 : index
          %get3A_1446 = tpu.vector_load %arg12[%get3A_1445] {strides = array<i32>} : memref<768xf32, #tpu.memory_space<vmem>>, vector<16xf32>,
          %get3A_1447 = arith.index_cast %while3A_1444 : i32 to index
          %get3A_1448 = arith.constant 0 : index
          %get3A_1449 = tpu.vector_load %arg11[%get3A_1447, %get3A_1448] {strides = array<i32>} : memref<16x768xf32, #tpu.memory_space<vmem>>, vector<16xf32>,
          %add3A_1450 = arith.addf %get3A_1446, %get3A_1449 : vector<16xf32>
          %swap3A_1451 = arith.constant 0 : index
          %swap3A_1452 = tpu.vector_load %arg12[%swap3A_1451] {strides = array<i32>} : memref<768xf32, #tpu.memory_space<vmem>>, vector<16xf32>,
          tpu.vector_store %arg12[%swap3A_1451], %add3A_1450 {strides = array<i32>} : memref<768xf32, #tpu.memory_space<vmem>>, vector<16xf32>,
          %get3A_1453 = arith.constant 16 : index
          %get3A_1454 = tpu.vector_load %arg12[%get3A_1453] {strides = array<i32>} : memref<768xf32, #tpu.memory_space<vmem>>, vector<16xf32>,
          %get3A_1455 = arith.index_cast %while3A_1444 : i32 to index
          %get3A_1456 = arith.constant 16 : index
          %get3A_1457 = tpu.vector_load %arg11[%get3A_1455, %get3A_1456] {strides = array<i32>} : memref<16x768xf32, #tpu.memory_space<vmem>>, vector<16xf32>,
          %add3A_1458 = arith.addf %get3A_1454, %get3A_1457 : vector<16xf32>
          %swap3A_1459 = arith.constant 16 : index
          %swap3A_1460 = tpu.vector_load %arg12[%swap3A_1459] {strides = array<i32>} : memref<768xf32, #tpu.memory_space<vmem>>, vector<16xf32>,
          tpu.vector_store %arg12[%swap3A_1459], %add3A_1458 {strides = array<i32>} : memref<768xf32, #tpu.memory_space<vmem>>, vector<16xf32>,
          %get3A_1461 = arith.constant 32 : index
          %get3A_1462 = tpu.vector_load %arg12[%get3A_1461] {strides = array<i32>} : memref<768xf32, #tpu.memory_space<vmem>>, vector<16xf32>,
          %get3A_1463 = arith.index_cast %while3A_1444 : i32 to index
          %get3A_1464 = arith.constant 32 : index
          %get3A_1465 = tpu.vector_load %arg11[%get3A_1463, %get3A_1464] {strides = array<i32>} : memref<16x768xf32, #tpu.memory_space<vmem>>, vector<16xf32>,
          %add3A_1466 = arith.addf %get3A_1462, %get3A_1465 : vector<16xf32>
          %swap3A_1467 = arith.constant 32 : index
          %swap3A_1468 = tpu.vector_load %arg12[%swap3A_1467] {strides = array<i32>} : memref<768xf32, #tpu.memory_space<vmem>>, vector<16xf32>,
          tpu.vector_store %arg12[%swap3A_1467], %add3A_1466 {strides = array<i32>} : memref<768xf32, #tpu.memory_space<vmem>>, vector<16xf32>,
          %get3A_1469 = arith.constant 48 : index
          %get3A_1470 = tpu.vector_load %arg12[%get3A_1469] {strides = array<i32>} : memref<768xf32, #tpu.memory_space<vmem>>, vector<16xf32>,
          %get3A_1471 = arith.index_cast %while3A_1444 : i32 to index
          %get3A_1472 = arith.constant 48 : index
          %get3A_1473 = tpu.vector_load %arg11[%get3A_1471, %get3A_1472] {strides = array<i32>} : memref<16x768xf32, #tpu.memory_space<vmem>>, vector<16xf32>,
          %add3A_1474 = arith.addf %get3A_1470, %get3A_1473 : vector<16xf32>
          %swap3A_1475 = arith.constant 48 : index
          %swap3A_1476 = tpu.vector_load %arg12[%swap3A_1475] {strides = array<i32>} : memref<768xf32, #tpu.memory_space<vmem>>, vector<16xf32>,
          tpu.vector_store %arg12[%swap3A_1475], %add3A_1474 {strides = array<i32>} : memref<768xf32, #tpu.memory_space<vmem>>, vector<16xf32>,
          %get3A_1477 = arith.constant 64 : index
          %get3A_1478 = tpu.vector_load %arg12[%get3A_1477] {strides = array<i32>} : memref<768xf32, #tpu.memory_space<vmem>>, vector<16xf32>,
          %get3A_1479 = arith.index_cast %while3A_1444 : i32 to index
          %get3A_1480 = arith.constant 64 : index
          %get3A_1481 = tpu.vector_load %arg11[%get3A_1479, %get3A_1480] {strides = array<i32>} : memref<16x768xf32, #tpu.memory_space<vmem>>, vector<16xf32>,
          %add3A_1482 = arith.addf %get3A_1478, %get3A_1481 : vector<16xf32>
          %swap3A_1483 = arith.constant 64 : index
          %swap3A_1484 = tpu.vector_load %arg12[%swap3A_1483] {strides = array<i32>} : memref<768xf32, #tpu.memory_space<vmem>>, vector<16xf32>,
          tpu.vector_store %arg12[%swap3A_1483], %add3A_1482 {strides = array<i32>} : memref<768xf32, #tpu.memory_space<vmem>>, vector<16xf32>,
          %get3A_1485 = arith.constant 80 : index
          %get3A_1486 = tpu.vector_load %arg12[%get3A_1485] {strides = array<i32>} : memref<768xf32, #tpu.memory_space<vmem>>, vector<16xf32>,
          %get3A_1487 = arith.index_cast %while3A_1444 : i32 to index
          %get3A_1488 = arith.constant 80 : index
          %get3A_1489 = tpu.vector_load %arg11[%get3A_1487, %get3A_1488] {strides = array<i32>} : memref<16x768xf32, #tpu.memory_space<vmem>>, vector<16xf32>,
          %add3A_1490 = arith.addf %get3A_1486, %get3A_1489 : vector<16xf32>
          %swap3A_1491 = arith.constant 80 : index
          %swap3A_1492 = tpu.vector_load %arg12[%swap3A_1491] {strides = array<i32>} : memref<768xf32, #tpu.memory_space<vmem>>, vector<16xf32>,
          tpu.vector_store %arg12[%swap3A_1491], %add3A_1490 {strides = array<i32>} : memref<768xf32, #tpu.memory_space<vmem>>, vector<16xf32>,
          %get3A_1493 = arith.constant 96 : index
          %get3A_1494 = tpu.vector_load %arg12[%get3A_1493] {strides = array<i32>} : memref<768xf32, #tpu.memory_space<vmem>>, vector<16xf32>,
          %get3A_1495 = arith.index_cast %while3A_1444 : i32 to index
          %get3A_1496 = arith.constant 96 : index
          %get3A_1497 = tpu.vector_load %arg11[%get3A_1495, %get3A_1496] {strides = array<i32>} : memref<16x768xf32, #tpu.memory_space<vmem>>, vector<16xf32>,
          %add3A_1498 = arith.addf %get3A_1494, %get3A_1497 : vector<16xf32>
          %swap3A_1499 = arith.constant 96 : index
          %swap3A_1500 = tpu.vector_load %arg12[%swap3A_1499] {strides = array<i32>} : memref<768xf32, #tpu.memory_space<vmem>>, vector<16xf32>,
          tpu.vector_store %arg12[%swap3A_1499], %add3A_1498 {strides = array<i32>} : memref<768xf32, #tpu.memory_space<vmem>>, vector<16xf32>,
          %get3A_1501 = arith.constant 112 : index
          %get3A_1502 = tpu.vector_load %arg12[%get3A_1501] {strides = array<i32>} : memref<768xf32, #tpu.memory_space<vmem>>, vector<16xf32>,
          %get3A_1503 = arith.index_cast %while3A_1444 : i32 to index
          %get3A_1504 = arith.constant 112 : index
          %get3A_1505 = tpu.vector_load %arg11[%get3A_1503, %get3A_1504] {strides = array<i32>} : memref<16x768xf32, #tpu.memory_space<vmem>>, vector<16xf32>,
          %add3A_1506 = arith.addf %get3A_1502, %get3A_1505 : vector<16xf32>
          %swap3A_1507 = arith.constant 112 : index
          %swap3A_1508 = tpu.vector_load %arg12[%swap3A_1507] {strides = array<i32>} : memref<768xf32, #tpu.memory_space<vmem>>, vector<16xf32>,
          tpu.vector_store %arg12[%swap3A_1507], %add3A_1506 {strides = array<i32>} : memref<768xf32, #tpu.memory_space<vmem>>, vector<16xf32>,
          %get3A_1509 = arith.constant 128 : index
          %get3A_1510 = tpu.vector_load %arg12[%get3A_1509] {strides = array<i32>} : memref<768xf32, #tpu.memory_space<vmem>>, vector<16xf32>,
          %get3A_1511 = arith.index_cast %while3A_1444 : i32 to index
          %get3A_1512 = arith.constant 128 : index
          %get3A_1513 = tpu.vector_load %arg11[%get3A_1511, %get3A_1512] {strides = array<i32>} : memref<16x768xf32, #tpu.memory_space<vmem>>, vector<16xf32>,
          %add3A_1514 = arith.addf %get3A_1510, %get3A_1513 : vector<16xf32>
          %swap3A_1515 = arith.constant 128 : index
          %swap3A_1516 = tpu.vector_load %arg12[%swap3A_1515] {strides = array<i32>} : memref<768xf32, #tpu.memory_space<vmem>>, vector<16xf32>,
          tpu.vector_store %arg12[%swap3A_1515], %add3A_1514 {strides = array<i32>} : memref<768xf32, #tpu.memory_space<vmem>>, vector<16xf32>,
          %get3A_1517 = arith.constant 144 : index
          %get3A_1518 = tpu.vector_load %arg12[%get3A_1517] {strides = array<i32>} : memref<768xf32, #tpu.memory_space<vmem>>, vector<16xf32>,
          %get3A_1519 = arith.index_cast %while3A_1444 : i32 to index
          %get3A_1520 = arith.constant 144 : index
          %get3A_1521 = tpu.vector_load %arg11[%get3A_1519, %get3A_1520] {strides = array<i32>} : memref<16x768xf32, #tpu.memory_space<vmem>>, vector<16xf32>,
          %add3A_1522 = arith.addf %get3A_1518, %get3A_1521 : vector<16xf32>
          %swap3A_1523 = arith.constant 144 : index
          %swap3A_1524 = tpu.vector_load %arg12[%swap3A_1523] {strides = array<i32>} : memref<768xf32, #tpu.memory_space<vmem>>, vector<16xf32>,
          tpu.vector_store %arg12[%swap3A_1523], %add3A_1522 {strides = array<i32>} : memref<768xf32, #tpu.memory_space<vmem>>, vector<16xf32>,
          %get3A_1525 = arith.constant 160 : index
          %get3A_1526 = tpu.vector_load %arg12[%get3A_1525] {strides = array<i32>} : memref<768xf32, #tpu.memory_space<vmem>>, vector<16xf32>,
          %get3A_1527 = arith.index_cast %while3A_1444 : i32 to index
          %get3A_1528 = arith.constant 160 : index
          %get3A_1529 = tpu.vector_load %arg11[%get3A_1527, %get3A_1528] {strides = array<i32>} : memref<16x768xf32, #tpu.memory_space<vmem>>, vector<16xf32>,
          %add3A_1530 = arith.addf %get3A_1526, %get3A_1529 : vector<16xf32>
          %swap3A_1531 = arith.constant 160 : index
          %swap3A_1532 = tpu.vector_load %arg12[%swap3A_1531] {strides = array<i32>} : memref<768xf32, #tpu.memory_space<vmem>>, vector<16xf32>,
          tpu.vector_store %arg12[%swap3A_1531], %add3A_1530 {strides = array<i32>} : memref<768xf32, #tpu.memory_space<vmem>>, vector<16xf32>,
          %get3A_1533 = arith.constant 176 : index
          %get3A_1534 = tpu.vector_load %arg12[%get3A_1533] {strides = array<i32>} : memref<768xf32, #tpu.memory_space<vmem>>, vector<16xf32>,
          %get3A_1535 = arith.index_cast %while3A_1444 : i32 to index
          %get3A_1536 = arith.constant 176 : index
          %get3A_1537 = tpu.vector_load %arg11[%get3A_1535, %get3A_1536] {strides = array<i32>} : memref<16x768xf32, #tpu.memory_space<vmem>>, vector<16xf32>,
          %add3A_1538 = arith.addf %get3A_1534, %get3A_1537 : vector<16xf32>
          %swap3A_1539 = arith.constant 176 : index
          %swap3A_1540 = tpu.vector_load %arg12[%swap3A_1539] {strides = array<i32>} : memref<768xf32, #tpu.memory_space<vmem>>, vector<16xf32>,
          tpu.vector_store %arg12[%swap3A_1539], %add3A_1538 {strides = array<i32>} : memref<768xf32, #tpu.memory_space<vmem>>, vector<16xf32>,
          %get3A_1541 = arith.constant 192 : index
          %get3A_1542 = tpu.vector_load %arg12[%get3A_1541] {strides = array<i32>} : memref<768xf32, #tpu.memory_space<vmem>>, vector<16xf32>,
          %get3A_1543 = arith.index_cast %while3A_1444 : i32 to index
          %get3A_1544 = arith.constant 192 : index
          %get3A_1545 = tpu.vector_load %arg11[%get3A_1543, %get3A_1544] {strides = array<i32>} : memref<16x768xf32, #tpu.memory_space<vmem>>, vector<16xf32>,
          %add3A_1546 = arith.addf %get3A_1542, %get3A_1545 : vector<16xf32>
          %swap3A_1547 = arith.constant 192 : index
          %swap3A_1548 = tpu.vector_load %arg12[%swap3A_1547] {strides = array<i32>} : memref<768xf32, #tpu.memory_space<vmem>>, vector<16xf32>,
          tpu.vector_store %arg12[%swap3A_1547], %add3A_1546 {strides = array<i32>} : memref<768xf32, #tpu.memory_space<vmem>>, vector<16xf32>,
          %get3A_1549 = arith.constant 208 : index
          %get3A_1550 = tpu.vector_load %arg12[%get3A_1549] {strides = array<i32>} : memref<768xf32, #tpu.memory_space<vmem>>, vector<16xf32>,
          %get3A_1551 = arith.index_cast %while3A_1444 : i32 to index
          %get3A_1552 = arith.constant 208 : index
          %get3A_1553 = tpu.vector_load %arg11[%get3A_1551, %get3A_1552] {strides = array<i32>} : memref<16x768xf32, #tpu.memory_space<vmem>>, vector<16xf32>,
          %add3A_1554 = arith.addf %get3A_1550, %get3A_1553 : vector<16xf32>
          %swap3A_1555 = arith.constant 208 : index
          %swap3A_1556 = tpu.vector_load %arg12[%swap3A_1555] {strides = array<i32>} : memref<768xf32, #tpu.memory_space<vmem>>, vector<16xf32>,
          tpu.vector_store %arg12[%swap3A_1555], %add3A_1554 {strides = array<i32>} : memref<768xf32, #tpu.memory_space<vmem>>, vector<16xf32>,
          %get3A_1557 = arith.constant 224 : index
          %get3A_1558 = tpu.vector_load %arg12[%get3A_1557] {strides = array<i32>} : memref<768xf32, #tpu.memory_space<vmem>>, vector<16xf32>,
          %get3A_1559 = arith.index_cast %while3A_1444 : i32 to index
          %get3A_1560 = arith.constant 224 : index
          %get3A_1561 = tpu.vector_load %arg11[%get3A_1559, %get3A_1560] {strides = array<i32>} : memref<16x768xf32, #tpu.memory_space<vmem>>, vector<16xf32>,
          %add3A_1562 = arith.addf %get3A_1558, %get3A_1561 : vector<16xf32>
          %swap3A_1563 = arith.constant 224 : index
          %swap3A_1564 = tpu.vector_load %arg12[%swap3A_1563] {strides = array<i32>} : memref<768xf32, #tpu.memory_space<vmem>>, vector<16xf32>,
          tpu.vector_store %arg12[%swap3A_1563], %add3A_1562 {strides = array<i32>} : memref<768xf32, #tpu.memory_space<vmem>>, vector<16xf32>,
          %get3A_1565 = arith.constant 240 : index
          %get3A_1566 = tpu.vector_load %arg12[%get3A_1565] {strides = array<i32>} : memref<768xf32, #tpu.memory_space<vmem>>, vector<16xf32>,
          %get3A_1567 = arith.index_cast %while3A_1444 : i32 to index
          %get3A_1568 = arith.constant 240 : index
          %get3A_1569 = tpu.vector_load %arg11[%get3A_1567, %get3A_1568] {strides = array<i32>} : memref<16x768xf32, #tpu.memory_space<vmem>>, vector<16xf32>,
          %add3A_1570 = arith.addf %get3A_1566, %get3A_1569 : vector<16xf32>
          %swap3A_1571 = arith.constant 240 : index
          %swap3A_1572 = tpu.vector_load %arg12[%swap3A_1571] {strides = array<i32>} : memref<768xf32, #tpu.memory_space<vmem>>, vector<16xf32>,
          tpu.vector_store %arg12[%swap3A_1571], %add3A_1570 {strides = array<i32>} : memref<768xf32, #tpu.memory_space<vmem>>, vector<16xf32>,
          %get3A_1573 = arith.constant 256 : index
          %get3A_1574 = tpu.vector_load %arg12[%get3A_1573] {strides = array<i32>} : memref<768xf32, #tpu.memory_space<vmem>>, vector<16xf32>,
          %get3A_1575 = arith.index_cast %while3A_1444 : i32 to index
          %get3A_1576 = arith.constant 256 : index
          %get3A_1577 = tpu.vector_load %arg11[%get3A_1575, %get3A_1576] {strides = array<i32>} : memref<16x768xf32, #tpu.memory_space<vmem>>, vector<16xf32>,
          %add3A_1578 = arith.addf %get3A_1574, %get3A_1577 : vector<16xf32>
          %swap3A_1579 = arith.constant 256 : index
          %swap3A_1580 = tpu.vector_load %arg12[%swap3A_1579] {strides = array<i32>} : memref<768xf32, #tpu.memory_space<vmem>>, vector<16xf32>,
          tpu.vector_store %arg12[%swap3A_1579], %add3A_1578 {strides = array<i32>} : memref<768xf32, #tpu.memory_space<vmem>>, vector<16xf32>,
          %get3A_1581 = arith.constant 272 : index
          %get3A_1582 = tpu.vector_load %arg12[%get3A_1581] {strides = array<i32>} : memref<768xf32, #tpu.memory_space<vmem>>, vector<16xf32>,
          %get3A_1583 = arith.index_cast %while3A_1444 : i32 to index
          %get3A_1584 = arith.constant 272 : index
          %get3A_1585 = tpu.vector_load %arg11[%get3A_1583, %get3A_1584] {strides = array<i32>} : memref<16x768xf32, #tpu.memory_space<vmem>>, vector<16xf32>,
          %add3A_1586 = arith.addf %get3A_1582, %get3A_1585 : vector<16xf32>
          %swap3A_1587 = arith.constant 272 : index
          %swap3A_1588 = tpu.vector_load %arg12[%swap3A_1587] {strides = array<i32>} : memref<768xf32, #tpu.memory_space<vmem>>, vector<16xf32>,
          tpu.vector_store %arg12[%swap3A_1587], %add3A_1586 {strides = array<i32>} : memref<768xf32, #tpu.memory_space<vmem>>, vector<16xf32>,
          %get3A_1589 = arith.constant 288 : index
          %get3A_1590 = tpu.vector_load %arg12[%get3A_1589] {strides = array<i32>} : memref<768xf32, #tpu.memory_space<vmem>>, vector<16xf32>,
          %get3A_1591 = arith.index_cast %while3A_1444 : i32 to index
          %get3A_1592 = arith.constant 288 : index
          %get3A_1593 = tpu.vector_load %arg11[%get3A_1591, %get3A_1592] {strides = array<i32>} : memref<16x768xf32, #tpu.memory_space<vmem>>, vector<16xf32>,
          %add3A_1594 = arith.addf %get3A_1590, %get3A_1593 : vector<16xf32>
          %swap3A_1595 = arith.constant 288 : index
          %swap3A_1596 = tpu.vector_load %arg12[%swap3A_1595] {strides = array<i32>} : memref<768xf32, #tpu.memory_space<vmem>>, vector<16xf32>,
          tpu.vector_store %arg12[%swap3A_1595], %add3A_1594 {strides = array<i32>} : memref<768xf32, #tpu.memory_space<vmem>>, vector<16xf32>,
          %get3A_1597 = arith.constant 304 : index
          %get3A_1598 = tpu.vector_load %arg12[%get3A_1597] {strides = array<i32>} : memref<768xf32, #tpu.memory_space<vmem>>, vector<16xf32>,
          %get3A_1599 = arith.index_cast %while3A_1444 : i32 to index
          %get3A_1600 = arith.constant 304 : index
          %get3A_1601 = tpu.vector_load %arg11[%get3A_1599, %get3A_1600] {strides = array<i32>} : memref<16x768xf32, #tpu.memory_space<vmem>>, vector<16xf32>,
          %add3A_1602 = arith.addf %get3A_1598, %get3A_1601 : vector<16xf32>
          %swap3A_1603 = arith.constant 304 : index
          %swap3A_1604 = tpu.vector_load %arg12[%swap3A_1603] {strides = array<i32>} : memref<768xf32, #tpu.memory_space<vmem>>, vector<16xf32>,
          tpu.vector_store %arg12[%swap3A_1603], %add3A_1602 {strides = array<i32>} : memref<768xf32, #tpu.memory_space<vmem>>, vector<16xf32>,
          %get3A_1605 = arith.constant 320 : index
          %get3A_1606 = tpu.vector_load %arg12[%get3A_1605] {strides = array<i32>} : memref<768xf32, #tpu.memory_space<vmem>>, vector<16xf32>,
          %get3A_1607 = arith.index_cast %while3A_1444 : i32 to index
          %get3A_1608 = arith.constant 320 : index
          %get3A_1609 = tpu.vector_load %arg11[%get3A_1607, %get3A_1608] {strides = array<i32>} : memref<16x768xf32, #tpu.memory_space<vmem>>, vector<16xf32>,
          %add3A_1610 = arith.addf %get3A_1606, %get3A_1609 : vector<16xf32>
          %swap3A_1611 = arith.constant 320 : index
          %swap3A_1612 = tpu.vector_load %arg12[%swap3A_1611] {strides = array<i32>} : memref<768xf32, #tpu.memory_space<vmem>>, vector<16xf32>,
          tpu.vector_store %arg12[%swap3A_1611], %add3A_1610 {strides = array<i32>} : memref<768xf32, #tpu.memory_space<vmem>>, vector<16xf32>,
          %get3A_1613 = arith.constant 336 : index
          %get3A_1614 = tpu.vector_load %arg12[%get3A_1613] {strides = array<i32>} : memref<768xf32, #tpu.memory_space<vmem>>, vector<16xf32>,
          %get3A_1615 = arith.index_cast %while3A_1444 : i32 to index
          %get3A_1616 = arith.constant 336 : index
          %get3A_1617 = tpu.vector_load %arg11[%get3A_1615, %get3A_1616] {strides = array<i32>} : memref<16x768xf32, #tpu.memory_space<vmem>>, vector<16xf32>,
          %add3A_1618 = arith.addf %get3A_1614, %get3A_1617 : vector<16xf32>
          %swap3A_1619 = arith.constant 336 : index
          %swap3A_1620 = tpu.vector_load %arg12[%swap3A_1619] {strides = array<i32>} : memref<768xf32, #tpu.memory_space<vmem>>, vector<16xf32>,
          tpu.vector_store %arg12[%swap3A_1619], %add3A_1618 {strides = array<i32>} : memref<768xf32, #tpu.memory_space<vmem>>, vector<16xf32>,
          %get3A_1621 = arith.constant 352 : index
          %get3A_1622 = tpu.vector_load %arg12[%get3A_1621] {strides = array<i32>} : memref<768xf32, #tpu.memory_space<vmem>>, vector<16xf32>,
          %get3A_1623 = arith.index_cast %while3A_1444 : i32 to index
          %get3A_1624 = arith.constant 352 : index
          %get3A_1625 = tpu.vector_load %arg11[%get3A_1623, %get3A_1624] {strides = array<i32>} : memref<16x768xf32, #tpu.memory_space<vmem>>, vector<16xf32>,
          %add3A_1626 = arith.addf %get3A_1622, %get3A_1625 : vector<16xf32>
          %swap3A_1627 = arith.constant 352 : index
          %swap3A_1628 = tpu.vector_load %arg12[%swap3A_1627] {strides = array<i32>} : memref<768xf32, #tpu.memory_space<vmem>>, vector<16xf32>,
          tpu.vector_store %arg12[%swap3A_1627], %add3A_1626 {strides = array<i32>} : memref<768xf32, #tpu.memory_space<vmem>>, vector<16xf32>,
          %get3A_1629 = arith.constant 368 : index
          %get3A_1630 = tpu.vector_load %arg12[%get3A_1629] {strides = array<i32>} : memref<768xf32, #tpu.memory_space<vmem>>, vector<16xf32>,
          %get3A_1631 = arith.index_cast %while3A_1444 : i32 to index
          %get3A_1632 = arith.constant 368 : index
          %get3A_1633 = tpu.vector_load %arg11[%get3A_1631, %get3A_1632] {strides = array<i32>} : memref<16x768xf32, #tpu.memory_space<vmem>>, vector<16xf32>,
          %add3A_1634 = arith.addf %get3A_1630, %get3A_1633 : vector<16xf32>
          %swap3A_1635 = arith.constant 368 : index
          %swap3A_1636 = tpu.vector_load %arg12[%swap3A_1635] {strides = array<i32>} : memref<768xf32, #tpu.memory_space<vmem>>, vector<16xf32>,
          tpu.vector_store %arg12[%swap3A_1635], %add3A_1634 {strides = array<i32>} : memref<768xf32, #tpu.memory_space<vmem>>, vector<16xf32>,
          %get3A_1637 = arith.constant 384 : index
          %get3A_1638 = tpu.vector_load %arg12[%get3A_1637] {strides = array<i32>} : memref<768xf32, #tpu.memory_space<vmem>>, vector<16xf32>,
          %get3A_1639 = arith.index_cast %while3A_1444 : i32 to index
          %get3A_1640 = arith.constant 384 : index
          %get3A_1641 = tpu.vector_load %arg11[%get3A_1639, %get3A_1640] {strides = array<i32>} : memref<16x768xf32, #tpu.memory_space<vmem>>, vector<16xf32>,
          %add3A_1642 = arith.addf %get3A_1638, %get3A_1641 : vector<16xf32>
          %swap3A_1643 = arith.constant 384 : index
          %swap3A_1644 = tpu.vector_load %arg12[%swap3A_1643] {strides = array<i32>} : memref<768xf32, #tpu.memory_space<vmem>>, vector<16xf32>,
          tpu.vector_store %arg12[%swap3A_1643], %add3A_1642 {strides = array<i32>} : memref<768xf32, #tpu.memory_space<vmem>>, vector<16xf32>,
          %get3A_1645 = arith.constant 400 : index
          %get3A_1646 = tpu.vector_load %arg12[%get3A_1645] {strides = array<i32>} : memref<768xf32, #tpu.memory_space<vmem>>, vector<16xf32>,
          %get3A_1647 = arith.index_cast %while3A_1444 : i32 to index
          %get3A_1648 = arith.constant 400 : index
          %get3A_1649 = tpu.vector_load %arg11[%get3A_1647, %get3A_1648] {strides = array<i32>} : memref<16x768xf32, #tpu.memory_space<vmem>>, vector<16xf32>,
          %add3A_1650 = arith.addf %get3A_1646, %get3A_1649 : vector<16xf32>
          %swap3A_1651 = arith.constant 400 : index
          %swap3A_1652 = tpu.vector_load %arg12[%swap3A_1651] {strides = array<i32>} : memref<768xf32, #tpu.memory_space<vmem>>, vector<16xf32>,
          tpu.vector_store %arg12[%swap3A_1651], %add3A_1650 {strides = array<i32>} : memref<768xf32, #tpu.memory_space<vmem>>, vector<16xf32>,
          %get3A_1653 = arith.constant 416 : index
          %get3A_1654 = tpu.vector_load %arg12[%get3A_1653] {strides = array<i32>} : memref<768xf32, #tpu.memory_space<vmem>>, vector<16xf32>,
          %get3A_1655 = arith.index_cast %while3A_1444 : i32 to index
          %get3A_1656 = arith.constant 416 : index
          %get3A_1657 = tpu.vector_load %arg11[%get3A_1655, %get3A_1656] {strides = array<i32>} : memref<16x768xf32, #tpu.memory_space<vmem>>, vector<16xf32>,
          %add3A_1658 = arith.addf %get3A_1654, %get3A_1657 : vector<16xf32>
          %swap3A_1659 = arith.constant 416 : index
          %swap3A_1660 = tpu.vector_load %arg12[%swap3A_1659] {strides = array<i32>} : memref<768xf32, #tpu.memory_space<vmem>>, vector<16xf32>,
          tpu.vector_store %arg12[%swap3A_1659], %add3A_1658 {strides = array<i32>} : memref<768xf32, #tpu.memory_space<vmem>>, vector<16xf32>,
          %get3A_1661 = arith.constant 432 : index
          %get3A_1662 = tpu.vector_load %arg12[%get3A_1661] {strides = array<i32>} : memref<768xf32, #tpu.memory_space<vmem>>, vector<16xf32>,
          %get3A_1663 = arith.index_cast %while3A_1444 : i32 to index
          %get3A_1664 = arith.constant 432 : index
          %get3A_1665 = tpu.vector_load %arg11[%get3A_1663, %get3A_1664] {strides = array<i32>} : memref<16x768xf32, #tpu.memory_space<vmem>>, vector<16xf32>,
          %add3A_1666 = arith.addf %get3A_1662, %get3A_1665 : vector<16xf32>
          %swap3A_1667 = arith.constant 432 : index
          %swap3A_1668 = tpu.vector_load %arg12[%swap3A_1667] {strides = array<i32>} : memref<768xf32, #tpu.memory_space<vmem>>, vector<16xf32>,
          tpu.vector_store %arg12[%swap3A_1667], %add3A_1666 {strides = array<i32>} : memref<768xf32, #tpu.memory_space<vmem>>, vector<16xf32>,
          %get3A_1669 = arith.constant 448 : index
          %get3A_1670 = tpu.vector_load %arg12[%get3A_1669] {strides = array<i32>} : memref<768xf32, #tpu.memory_space<vmem>>, vector<16xf32>,
          %get3A_1671 = arith.index_cast %while3A_1444 : i32 to index
          %get3A_1672 = arith.constant 448 : index
          %get3A_1673 = tpu.vector_load %arg11[%get3A_1671, %get3A_1672] {strides = array<i32>} : memref<16x768xf32, #tpu.memory_space<vmem>>, vector<16xf32>,
          %add3A_1674 = arith.addf %get3A_1670, %get3A_1673 : vector<16xf32>
          %swap3A_1675 = arith.constant 448 : index
          %swap3A_1676 = tpu.vector_load %arg12[%swap3A_1675] {strides = array<i32>} : memref<768xf32, #tpu.memory_space<vmem>>, vector<16xf32>,
          tpu.vector_store %arg12[%swap3A_1675], %add3A_1674 {strides = array<i32>} : memref<768xf32, #tpu.memory_space<vmem>>, vector<16xf32>,
          %get3A_1677 = arith.constant 464 : index
          %get3A_1678 = tpu.vector_load %arg12[%get3A_1677] {strides = array<i32>} : memref<768xf32, #tpu.memory_space<vmem>>, vector<16xf32>,
          %get3A_1679 = arith.index_cast %while3A_1444 : i32 to index
          %get3A_1680 = arith.constant 464 : index
          %get3A_1681 = tpu.vector_load %arg11[%get3A_1679, %get3A_1680] {strides = array<i32>} : memref<16x768xf32, #tpu.memory_space<vmem>>, vector<16xf32>,
          %add3A_1682 = arith.addf %get3A_1678, %get3A_1681 : vector<16xf32>
          %swap3A_1683 = arith.constant 464 : index
          %swap3A_1684 = tpu.vector_load %arg12[%swap3A_1683] {strides = array<i32>} : memref<768xf32, #tpu.memory_space<vmem>>, vector<16xf32>,
          tpu.vector_store %arg12[%swap3A_1683], %add3A_1682 {strides = array<i32>} : memref<768xf32, #tpu.memory_space<vmem>>, vector<16xf32>,
          %get3A_1685 = arith.constant 480 : index
          %get3A_1686 = tpu.vector_load %arg12[%get3A_1685] {strides = array<i32>} : memref<768xf32, #tpu.memory_space<vmem>>, vector<16xf32>,
          %get3A_1687 = arith.index_cast %while3A_1444 : i32 to index
          %get3A_1688 = arith.constant 480 : index
          %get3A_1689 = tpu.vector_load %arg11[%get3A_1687, %get3A_1688] {strides = array<i32>} : memref<16x768xf32, #tpu.memory_space<vmem>>, vector<16xf32>,
          %add3A_1690 = arith.addf %get3A_1686, %get3A_1689 : vector<16xf32>
          %swap3A_1691 = arith.constant 480 : index
          %swap3A_1692 = tpu.vector_load %arg12[%swap3A_1691] {strides = array<i32>} : memref<768xf32, #tpu.memory_space<vmem>>, vector<16xf32>,
          tpu.vector_store %arg12[%swap3A_1691], %add3A_1690 {strides = array<i32>} : memref<768xf32, #tpu.memory_space<vmem>>, vector<16xf32>,
          %get3A_1693 = arith.constant 496 : index
          %get3A_1694 = tpu.vector_load %arg12[%get3A_1693] {strides = array<i32>} : memref<768xf32, #tpu.memory_space<vmem>>, vector<16xf32>,
          %get3A_1695 = arith.index_cast %while3A_1444 : i32 to index
          %get3A_1696 = arith.constant 496 : index
          %get3A_1697 = tpu.vector_load %arg11[%get3A_1695, %get3A_1696] {strides = array<i32>} : memref<16x768xf32, #tpu.memory_space<vmem>>, vector<16xf32>,
          %add3A_1698 = arith.addf %get3A_1694, %get3A_1697 : vector<16xf32>
          %swap3A_1699 = arith.constant 496 : index
          %swap3A_1700 = tpu.vector_load %arg12[%swap3A_1699] {strides = array<i32>} : memref<768xf32, #tpu.memory_space<vmem>>, vector<16xf32>,
          tpu.vector_store %arg12[%swap3A_1699], %add3A_1698 {strides = array<i32>} : memref<768xf32, #tpu.memory_space<vmem>>, vector<16xf32>,
          %get3A_1701 = arith.constant 512 : index
          %get3A_1702 = tpu.vector_load %arg12[%get3A_1701] {strides = array<i32>} : memref<768xf32, #tpu.memory_space<vmem>>, vector<16xf32>,
          %get3A_1703 = arith.index_cast %while3A_1444 : i32 to index
          %get3A_1704 = arith.constant 512 : index
          %get3A_1705 = tpu.vector_load %arg11[%get3A_1703, %get3A_1704] {strides = array<i32>} : memref<16x768xf32, #tpu.memory_space<vmem>>, vector<16xf32>,
          %add3A_1706 = arith.addf %get3A_1702, %get3A_1705 : vector<16xf32>
          %swap3A_1707 = arith.constant 512 : index
          %swap3A_1708 = tpu.vector_load %arg12[%swap3A_1707] {strides = array<i32>} : memref<768xf32, #tpu.memory_space<vmem>>, vector<16xf32>,
          tpu.vector_store %arg12[%swap3A_1707], %add3A_1706 {strides = array<i32>} : memref<768xf32, #tpu.memory_space<vmem>>, vector<16xf32>,
          %get3A_1709 = arith.constant 528 : index
          %get3A_1710 = tpu.vector_load %arg12[%get3A_1709] {strides = array<i32>} : memref<768xf32, #tpu.memory_space<vmem>>, vector<16xf32>,
          %get3A_1711 = arith.index_cast %while3A_1444 : i32 to index
          %get3A_1712 = arith.constant 528 : index
          %get3A_1713 = tpu.vector_load %arg11[%get3A_1711, %get3A_1712] {strides = array<i32>} : memref<16x768xf32, #tpu.memory_space<vmem>>, vector<16xf32>,
          %add3A_1714 = arith.addf %get3A_1710, %get3A_1713 : vector<16xf32>
          %swap3A_1715 = arith.constant 528 : index
          %swap3A_1716 = tpu.vector_load %arg12[%swap3A_1715] {strides = array<i32>} : memref<768xf32, #tpu.memory_space<vmem>>, vector<16xf32>,
          tpu.vector_store %arg12[%swap3A_1715], %add3A_1714 {strides = array<i32>} : memref<768xf32, #tpu.memory_space<vmem>>, vector<16xf32>,
          %get3A_1717 = arith.constant 544 : index
          %get3A_1718 = tpu.vector_load %arg12[%get3A_1717] {strides = array<i32>} : memref<768xf32, #tpu.memory_space<vmem>>, vector<16xf32>,
          %get3A_1719 = arith.index_cast %while3A_1444 : i32 to index
          %get3A_1720 = arith.constant 544 : index
          %get3A_1721 = tpu.vector_load %arg11[%get3A_1719, %get3A_1720] {strides = array<i32>} : memref<16x768xf32, #tpu.memory_space<vmem>>, vector<16xf32>,
          %add3A_1722 = arith.addf %get3A_1718, %get3A_1721 : vector<16xf32>
          %swap3A_1723 = arith.constant 544 : index
          %swap3A_1724 = tpu.vector_load %arg12[%swap3A_1723] {strides = array<i32>} : memref<768xf32, #tpu.memory_space<vmem>>, vector<16xf32>,
          tpu.vector_store %arg12[%swap3A_1723], %add3A_1722 {strides = array<i32>} : memref<768xf32, #tpu.memory_space<vmem>>, vector<16xf32>,
          %get3A_1725 = arith.constant 560 : index
          %get3A_1726 = tpu.vector_load %arg12[%get3A_1725] {strides = array<i32>} : memref<768xf32, #tpu.memory_space<vmem>>, vector<16xf32>,
          %get3A_1727 = arith.index_cast %while3A_1444 : i32 to index
          %get3A_1728 = arith.constant 560 : index
          %get3A_1729 = tpu.vector_load %arg11[%get3A_1727, %get3A_1728] {strides = array<i32>} : memref<16x768xf32, #tpu.memory_space<vmem>>, vector<16xf32>,
          %add3A_1730 = arith.addf %get3A_1726, %get3A_1729 : vector<16xf32>
          %swap3A_1731 = arith.constant 560 : index
          %swap3A_1732 = tpu.vector_load %arg12[%swap3A_1731] {strides = array<i32>} : memref<768xf32, #tpu.memory_space<vmem>>, vector<16xf32>,
          tpu.vector_store %arg12[%swap3A_1731], %add3A_1730 {strides = array<i32>} : memref<768xf32, #tpu.memory_space<vmem>>, vector<16xf32>,
          %get3A_1733 = arith.constant 576 : index
          %get3A_1734 = tpu.vector_load %arg12[%get3A_1733] {strides = array<i32>} : memref<768xf32, #tpu.memory_space<vmem>>, vector<16xf32>,
          %get3A_1735 = arith.index_cast %while3A_1444 : i32 to index
          %get3A_1736 = arith.constant 576 : index
          %get3A_1737 = tpu.vector_load %arg11[%get3A_1735, %get3A_1736] {strides = array<i32>} : memref<16x768xf32, #tpu.memory_space<vmem>>, vector<16xf32>,
          %add3A_1738 = arith.addf %get3A_1734, %get3A_1737 : vector<16xf32>
          %swap3A_1739 = arith.constant 576 : index
          %swap3A_1740 = tpu.vector_load %arg12[%swap3A_1739] {strides = array<i32>} : memref<768xf32, #tpu.memory_space<vmem>>, vector<16xf32>,
          tpu.vector_store %arg12[%swap3A_1739], %add3A_1738 {strides = array<i32>} : memref<768xf32, #tpu.memory_space<vmem>>, vector<16xf32>,
          %get3A_1741 = arith.constant 592 : index
          %get3A_1742 = tpu.vector_load %arg12[%get3A_1741] {strides = array<i32>} : memref<768xf32, #tpu.memory_space<vmem>>, vector<16xf32>,
          %get3A_1743 = arith.index_cast %while3A_1444 : i32 to index
          %get3A_1744 = arith.constant 592 : index
          %get3A_1745 = tpu.vector_load %arg11[%get3A_1743, %get3A_1744] {strides = array<i32>} : memref<16x768xf32, #tpu.memory_space<vmem>>, vector<16xf32>,
          %add3A_1746 = arith.addf %get3A_1742, %get3A_1745 : vector<16xf32>
          %swap3A_1747 = arith.constant 592 : index
          %swap3A_1748 = tpu.vector_load %arg12[%swap3A_1747] {strides = array<i32>} : memref<768xf32, #tpu.memory_space<vmem>>, vector<16xf32>,
          tpu.vector_store %arg12[%swap3A_1747], %add3A_1746 {strides = array<i32>} : memref<768xf32, #tpu.memory_space<vmem>>, vector<16xf32>,
          %get3A_1749 = arith.constant 608 : index
          %get3A_1750 = tpu.vector_load %arg12[%get3A_1749] {strides = array<i32>} : memref<768xf32, #tpu.memory_space<vmem>>, vector<16xf32>,
          %get3A_1751 = arith.index_cast %while3A_1444 : i32 to index
          %get3A_1752 = arith.constant 608 : index
          %get3A_1753 = tpu.vector_load %arg11[%get3A_1751, %get3A_1752] {strides = array<i32>} : memref<16x768xf32, #tpu.memory_space<vmem>>, vector<16xf32>,
          %add3A_1754 = arith.addf %get3A_1750, %get3A_1753 : vector<16xf32>
          %swap3A_1755 = arith.constant 608 : index
          %swap3A_1756 = tpu.vector_load %arg12[%swap3A_1755] {strides = array<i32>} : memref<768xf32, #tpu.memory_space<vmem>>, vector<16xf32>,
          tpu.vector_store %arg12[%swap3A_1755], %add3A_1754 {strides = array<i32>} : memref<768xf32, #tpu.memory_space<vmem>>, vector<16xf32>,
          %get3A_1757 = arith.constant 624 : index
          %get3A_1758 = tpu.vector_load %arg12[%get3A_1757] {strides = array<i32>} : memref<768xf32, #tpu.memory_space<vmem>>, vector<16xf32>,
          %get3A_1759 = arith.index_cast %while3A_1444 : i32 to index
          %get3A_1760 = arith.constant 624 : index
          %get3A_1761 = tpu.vector_load %arg11[%get3A_1759, %get3A_1760] {strides = array<i32>} : memref<16x768xf32, #tpu.memory_space<vmem>>, vector<16xf32>,
          %add3A_1762 = arith.addf %get3A_1758, %get3A_1761 : vector<16xf32>
          %swap3A_1763 = arith.constant 624 : index
          %swap3A_1764 = tpu.vector_load %arg12[%swap3A_1763] {strides = array<i32>} : memref<768xf32, #tpu.memory_space<vmem>>, vector<16xf32>,
          tpu.vector_store %arg12[%swap3A_1763], %add3A_1762 {strides = array<i32>} : memref<768xf32, #tpu.memory_space<vmem>>, vector<16xf32>,
          %get3A_1765 = arith.constant 640 : index
          %get3A_1766 = tpu.vector_load %arg12[%get3A_1765] {strides = array<i32>} : memref<768xf32, #tpu.memory_space<vmem>>, vector<16xf32>,
          %get3A_1767 = arith.index_cast %while3A_1444 : i32 to index
          %get3A_1768 = arith.constant 640 : index
          %get3A_1769 = tpu.vector_load %arg11[%get3A_1767, %get3A_1768] {strides = array<i32>} : memref<16x768xf32, #tpu.memory_space<vmem>>, vector<16xf32>,
          %add3A_1770 = arith.addf %get3A_1766, %get3A_1769 : vector<16xf32>
          %swap3A_1771 = arith.constant 640 : index
          %swap3A_1772 = tpu.vector_load %arg12[%swap3A_1771] {strides = array<i32>} : memref<768xf32, #tpu.memory_space<vmem>>, vector<16xf32>,
          tpu.vector_store %arg12[%swap3A_1771], %add3A_1770 {strides = array<i32>} : memref<768xf32, #tpu.memory_space<vmem>>, vector<16xf32>,
          %get3A_1773 = arith.constant 656 : index
          %get3A_1774 = tpu.vector_load %arg12[%get3A_1773] {strides = array<i32>} : memref<768xf32, #tpu.memory_space<vmem>>, vector<16xf32>,
          %get3A_1775 = arith.index_cast %while3A_1444 : i32 to index
          %get3A_1776 = arith.constant 656 : index
          %get3A_1777 = tpu.vector_load %arg11[%get3A_1775, %get3A_1776] {strides = array<i32>} : memref<16x768xf32, #tpu.memory_space<vmem>>, vector<16xf32>,
          %add3A_1778 = arith.addf %get3A_1774, %get3A_1777 : vector<16xf32>
          %swap3A_1779 = arith.constant 656 : index
          %swap3A_1780 = tpu.vector_load %arg12[%swap3A_1779] {strides = array<i32>} : memref<768xf32, #tpu.memory_space<vmem>>, vector<16xf32>,
          tpu.vector_store %arg12[%swap3A_1779], %add3A_1778 {strides = array<i32>} : memref<768xf32, #tpu.memory_space<vmem>>, vector<16xf32>,
          %get3A_1781 = arith.constant 672 : index
          %get3A_1782 = tpu.vector_load %arg12[%get3A_1781] {strides = array<i32>} : memref<768xf32, #tpu.memory_space<vmem>>, vector<16xf32>,
          %get3A_1783 = arith.index_cast %while3A_1444 : i32 to index
          %get3A_1784 = arith.constant 672 : index
          %get3A_1785 = tpu.vector_load %arg11[%get3A_1783, %get3A_1784] {strides = array<i32>} : memref<16x768xf32, #tpu.memory_space<vmem>>, vector<16xf32>,
          %add3A_1786 = arith.addf %get3A_1782, %get3A_1785 : vector<16xf32>
          %swap3A_1787 = arith.constant 672 : index
          %swap3A_1788 = tpu.vector_load %arg12[%swap3A_1787] {strides = array<i32>} : memref<768xf32, #tpu.memory_space<vmem>>, vector<16xf32>,
          tpu.vector_store %arg12[%swap3A_1787], %add3A_1786 {strides = array<i32>} : memref<768xf32, #tpu.memory_space<vmem>>, vector<16xf32>,
          %get3A_1789 = arith.constant 688 : index
          %get3A_1790 = tpu.vector_load %arg12[%get3A_1789] {strides = array<i32>} : memref<768xf32, #tpu.memory_space<vmem>>, vector<16xf32>,
          %get3A_1791 = arith.index_cast %while3A_1444 : i32 to index
          %get3A_1792 = arith.constant 688 : index
          %get3A_1793 = tpu.vector_load %arg11[%get3A_1791, %get3A_1792] {strides = array<i32>} : memref<16x768xf32, #tpu.memory_space<vmem>>, vector<16xf32>,
          %add3A_1794 = arith.addf %get3A_1790, %get3A_1793 : vector<16xf32>
          %swap3A_1795 = arith.constant 688 : index
          %swap3A_1796 = tpu.vector_load %arg12[%swap3A_1795] {strides = array<i32>} : memref<768xf32, #tpu.memory_space<vmem>>, vector<16xf32>,
          tpu.vector_store %arg12[%swap3A_1795], %add3A_1794 {strides = array<i32>} : memref<768xf32, #tpu.memory_space<vmem>>, vector<16xf32>,
          %get3A_1797 = arith.constant 704 : index
          %get3A_1798 = tpu.vector_load %arg12[%get3A_1797] {strides = array<i32>} : memref<768xf32, #tpu.memory_space<vmem>>, vector<16xf32>,
          %get3A_1799 = arith.index_cast %while3A_1444 : i32 to index
          %get3A_1800 = arith.constant 704 : index
          %get3A_1801 = tpu.vector_load %arg11[%get3A_1799, %get3A_1800] {strides = array<i32>} : memref<16x768xf32, #tpu.memory_space<vmem>>, vector<16xf32>,
          %add3A_1802 = arith.addf %get3A_1798, %get3A_1801 : vector<16xf32>
          %swap3A_1803 = arith.constant 704 : index
          %swap3A_1804 = tpu.vector_load %arg12[%swap3A_1803] {strides = array<i32>} : memref<768xf32, #tpu.memory_space<vmem>>, vector<16xf32>,
          tpu.vector_store %arg12[%swap3A_1803], %add3A_1802 {strides = array<i32>} : memref<768xf32, #tpu.memory_space<vmem>>, vector<16xf32>,
          %get3A_1805 = arith.constant 720 : index
          %get3A_1806 = tpu.vector_load %arg12[%get3A_1805] {strides = array<i32>} : memref<768xf32, #tpu.memory_space<vmem>>, vector<16xf32>,
          %get3A_1807 = arith.index_cast %while3A_1444 : i32 to index
          %get3A_1808 = arith.constant 720 : index
          %get3A_1809 = tpu.vector_load %arg11[%get3A_1807, %get3A_1808] {strides = array<i32>} : memref<16x768xf32, #tpu.memory_space<vmem>>, vector<16xf32>,
          %add3A_1810 = arith.addf %get3A_1806, %get3A_1809 : vector<16xf32>
          %swap3A_1811 = arith.constant 720 : index
          %swap3A_1812 = tpu.vector_load %arg12[%swap3A_1811] {strides = array<i32>} : memref<768xf32, #tpu.memory_space<vmem>>, vector<16xf32>,
          tpu.vector_store %arg12[%swap3A_1811], %add3A_1810 {strides = array<i32>} : memref<768xf32, #tpu.memory_space<vmem>>, vector<16xf32>,
          %get3A_1813 = arith.constant 736 : index
          %get3A_1814 = tpu.vector_load %arg12[%get3A_1813] {strides = array<i32>} : memref<768xf32, #tpu.memory_space<vmem>>, vector<16xf32>,
          %get3A_1815 = arith.index_cast %while3A_1444 : i32 to index
          %get3A_1816 = arith.constant 736 : index
          %get3A_1817 = tpu.vector_load %arg11[%get3A_1815, %get3A_1816] {strides = array<i32>} : memref<16x768xf32, #tpu.memory_space<vmem>>, vector<16xf32>,
          %add3A_1818 = arith.addf %get3A_1814, %get3A_1817 : vector<16xf32>
          %swap3A_1819 = arith.constant 736 : index
          %swap3A_1820 = tpu.vector_load %arg12[%swap3A_1819] {strides = array<i32>} : memref<768xf32, #tpu.memory_space<vmem>>, vector<16xf32>,
          tpu.vector_store %arg12[%swap3A_1819], %add3A_1818 {strides = array<i32>} : memref<768xf32, #tpu.memory_space<vmem>>, vector<16xf32>,
          %get3A_1821 = arith.constant 752 : index
          %get3A_1822 = tpu.vector_load %arg12[%get3A_1821] {strides = array<i32>} : memref<768xf32, #tpu.memory_space<vmem>>, vector<16xf32>,
          %get3A_1823 = arith.index_cast %while3A_1444 : i32 to index
          %get3A_1824 = arith.constant 752 : index
          %get3A_1825 = tpu.vector_load %arg11[%get3A_1823, %get3A_1824] {strides = array<i32>} : memref<16x768xf32, #tpu.memory_space<vmem>>, vector<16xf32>,
          %add3A_1826 = arith.addf %get3A_1822, %get3A_1825 : vector<16xf32>
          %swap3A_1827 = arith.constant 752 : index
          %swap3A_1828 = tpu.vector_load %arg12[%swap3A_1827] {strides = array<i32>} : memref<768xf32, #tpu.memory_space<vmem>>, vector<16xf32>,
          tpu.vector_store %arg12[%swap3A_1827], %add3A_1826 {strides = array<i32>} : memref<768xf32, #tpu.memory_space<vmem>>, vector<16xf32>,
        }
      }
      %dma_wait3A = arith.constant 0 : i32
      %dma_wait3A_164 = tpu.memref_slice %arg4[%multiple_of3A, %dma_wait3A] : memref<96x96xf32, #tpu.memory_space<hbm>> -> memref<8x96xf32, #tpu.memory_space<hbm>>
      %dma_wait3A_165 = arith.constant 0 : i32
      %dma_wait3A_166 = tpu.memref_slice %arg4[%multiple_of3A, %dma_wait3A_165] : memref<96x96xf32, #tpu.memory_space<hbm>> -> memref<8x96xf32, #tpu.memory_space<hbm>>
      tpu.wait_dma2 semaphore(%arg18 : memref<!tpu.dma_semaphore, #tpu.memory_space<semaphore_mem>>) src(%dma_wait3A_166 : memref<8x96xf32, #tpu.memory_space<hbm>>) dst(%arg13 : memref<8x96xf32, #tpu.memory_space<vmem>>)
      %dma_wait3A_167 = arith.constant 0 : i32
      %dma_wait3A_168 = tpu.memref_slice %arg5[%multiple_of3A, %dma_wait3A_167] : memref<96x96xf32, #tpu.memory_space<hbm>> -> memref<8x96xf32, #tpu.memory_space<hbm>>
      %dma_wait3A_169 = arith.constant 0 : i32
      %dma_wait3A_170 = tpu.memref_slice %arg5[%multiple_of3A, %dma_wait3A_169] : memref<96x96xf32, #tpu.memory_space<hbm>> -> memref<8x96xf32, #tpu.memory_space<hbm>>
      tpu.wait_dma2 semaphore(%arg18 : memref<!tpu.dma_semaphore, #tpu.memory_space<semaphore_mem>>) src(%dma_wait3A_170 : memref<8x96xf32, #tpu.memory_space<hbm>>) dst(%arg14 : memref<8x96xf32, #tpu.memory_space<vmem>>)
      %dma_wait3A_171 = arith.constant 0 : i32
      %dma_wait3A_172 = tpu.memref_slice %arg6[%multiple_of3A, %dma_wait3A_171] : memref<96x96xf32, #tpu.memory_space<hbm>> -> memref<8x96xf32, #tpu.memory_space<hbm>>
      %dma_wait3A_173 = arith.constant 0 : i32
      %dma_wait3A_174 = tpu.memref_slice %arg6[%multiple_of3A, %dma_wait3A_173] : memref<96x96xf32, #tpu.memory_space<hbm>> -> memref<8x96xf32, #tpu.memory_space<hbm>>
      tpu.wait_dma2 semaphore(%arg18 : memref<!tpu.dma_semaphore, #tpu.memory_space<semaphore_mem>>) src(%dma_wait3A_174 : memref<8x96xf32, #tpu.memory_space<hbm>>) dst(%arg15 : memref<8x96xf32, #tpu.memory_space<vmem>>)
      %get3A = arith.constant 0 : i32
      %get3A_175 = arith.index_cast %get3A : i32 to index
      %get3A_176 = arith.constant 0 : index
      %get3A_177 = tpu.vector_load %arg14[%get3A_175, %get3A_176] {strides = array<i32>} : memref<8x96xf32, #tpu.memory_space<vmem>>, vector<16xf32>,
      %mul3A_178 = arith.constant 0.899999976 : f32
      %mul3A_179 = vector.broadcast %mul3A_178 : f32 to vector<16xf32>
      %mul3A_180 = arith.mulf %mul3A_179, %get3A_177 : vector<16xf32>
      %get3A_181 = arith.constant 0 : i32
      %get3A_182 = arith.index_cast %get3A_181 : i32 to index
      %get3A_183 = arith.constant 0 : index
      %get3A_184 = tpu.vector_load %arg13[%get3A_182, %get3A_183] {strides = array<i32>} : memref<8x96xf32, #tpu.memory_space<vmem>>, vector<16xf32>,
      %add3A_185 = arith.addf %mul3A_180, %get3A_184 : vector<16xf32>
      %get3A_186 = arith.constant 0 : index
      %get3A_187 = tpu.vector_load %arg12[%get3A_186] {strides = array<i32>} : memref<768xf32, #tpu.memory_space<vmem>>, vector<16xf32>,
      %add3A_188 = arith.addf %add3A_185, %get3A_187 : vector<16xf32>
      %get3A_189 = arith.constant 0 : i32
      %get3A_190 = arith.index_cast %get3A_189 : i32 to index
      %get3A_191 = arith.constant 0 : index
      %get3A_192 = tpu.vector_load %arg15[%get3A_190, %get3A_191] {strides = array<i32>} : memref<8x96xf32, #tpu.memory_space<vmem>>, vector<16xf32>,
      %gt3A = arith.cmpf ogt, %add3A_188, %get3A_192 : vector<16xf32>
      %convert_element_type3A_193 = arith.extui %gt3A : vector<16xi1> to vector<16xi32>
      %convert_element_type3A_194 = arith.sitofp %convert_element_type3A_193 : vector<16xi32> to vector<16xf32>
      %swap3A_195 = arith.constant 0 : i32
      %swap3A_196 = arith.index_cast %swap3A_195 : i32 to index
      %swap3A_197 = arith.constant 0 : index
      %swap3A_198 = tpu.vector_load %arg16[%swap3A_196, %swap3A_197] {strides = array<i32>} : memref<8x96xf32, #tpu.memory_space<vmem>>, vector<16xf32>,
      tpu.vector_store %arg16[%swap3A_196, %swap3A_197], %convert_element_type3A_194 {strides = array<i32>} : memref<8x96xf32, #tpu.memory_space<vmem>>, vector<16xf32>,
      %get3A_199 = arith.constant 0 : i32
      %get3A_200 = arith.index_cast %get3A_199 : i32 to index
      %get3A_201 = arith.constant 16 : index
      %get3A_202 = tpu.vector_load %arg14[%get3A_200, %get3A_201] {strides = array<i32>} : memref<8x96xf32, #tpu.memory_space<vmem>>, vector<16xf32>,
      %mul3A_203 = arith.constant 0.899999976 : f32
      %mul3A_204 = vector.broadcast %mul3A_203 : f32 to vector<16xf32>
      %mul3A_205 = arith.mulf %mul3A_204, %get3A_202 : vector<16xf32>
      %get3A_206 = arith.constant 0 : i32
      %get3A_207 = arith.index_cast %get3A_206 : i32 to index
      %get3A_208 = arith.constant 16 : index
      %get3A_209 = tpu.vector_load %arg13[%get3A_207, %get3A_208] {strides = array<i32>} : memref<8x96xf32, #tpu.memory_space<vmem>>, vector<16xf32>,
      %add3A_210 = arith.addf %mul3A_205, %get3A_209 : vector<16xf32>
      %get3A_211 = arith.constant 16 : index
      %get3A_212 = tpu.vector_load %arg12[%get3A_211] {strides = array<i32>} : memref<768xf32, #tpu.memory_space<vmem>>, vector<16xf32>,
      %add3A_213 = arith.addf %add3A_210, %get3A_212 : vector<16xf32>
      %get3A_214 = arith.constant 0 : i32
      %get3A_215 = arith.index_cast %get3A_214 : i32 to index
      %get3A_216 = arith.constant 16 : index
      %get3A_217 = tpu.vector_load %arg15[%get3A_215, %get3A_216] {strides = array<i32>} : memref<8x96xf32, #tpu.memory_space<vmem>>, vector<16xf32>,
      %gt3A_218 = arith.cmpf ogt, %add3A_213, %get3A_217 : vector<16xf32>
      %convert_element_type3A_219 = arith.extui %gt3A_218 : vector<16xi1> to vector<16xi32>
      %convert_element_type3A_220 = arith.sitofp %convert_element_type3A_219 : vector<16xi32> to vector<16xf32>
      %swap3A_221 = arith.constant 0 : i32
      %swap3A_222 = arith.index_cast %swap3A_221 : i32 to index
      %swap3A_223 = arith.constant 16 : index
      %swap3A_224 = tpu.vector_load %arg16[%swap3A_222, %swap3A_223] {strides = array<i32>} : memref<8x96xf32, #tpu.memory_space<vmem>>, vector<16xf32>,
      tpu.vector_store %arg16[%swap3A_222, %swap3A_223], %convert_element_type3A_220 {strides = array<i32>} : memref<8x96xf32, #tpu.memory_space<vmem>>, vector<16xf32>,
      %get3A_225 = arith.constant 0 : i32
      %get3A_226 = arith.index_cast %get3A_225 : i32 to index
      %get3A_227 = arith.constant 32 : index
      %get3A_228 = tpu.vector_load %arg14[%get3A_226, %get3A_227] {strides = array<i32>} : memref<8x96xf32, #tpu.memory_space<vmem>>, vector<16xf32>,
      %mul3A_229 = arith.constant 0.899999976 : f32
      %mul3A_230 = vector.broadcast %mul3A_229 : f32 to vector<16xf32>
      %mul3A_231 = arith.mulf %mul3A_230, %get3A_228 : vector<16xf32>
      %get3A_232 = arith.constant 0 : i32
      %get3A_233 = arith.index_cast %get3A_232 : i32 to index
      %get3A_234 = arith.constant 32 : index
      %get3A_235 = tpu.vector_load %arg13[%get3A_233, %get3A_234] {strides = array<i32>} : memref<8x96xf32, #tpu.memory_space<vmem>>, vector<16xf32>,
      %add3A_236 = arith.addf %mul3A_231, %get3A_235 : vector<16xf32>
      %get3A_237 = arith.constant 32 : index
      %get3A_238 = tpu.vector_load %arg12[%get3A_237] {strides = array<i32>} : memref<768xf32, #tpu.memory_space<vmem>>, vector<16xf32>,
      %add3A_239 = arith.addf %add3A_236, %get3A_238 : vector<16xf32>
      %get3A_240 = arith.constant 0 : i32
      %get3A_241 = arith.index_cast %get3A_240 : i32 to index
      %get3A_242 = arith.constant 32 : index
      %get3A_243 = tpu.vector_load %arg15[%get3A_241, %get3A_242] {strides = array<i32>} : memref<8x96xf32, #tpu.memory_space<vmem>>, vector<16xf32>,
      %gt3A_244 = arith.cmpf ogt, %add3A_239, %get3A_243 : vector<16xf32>
      %convert_element_type3A_245 = arith.extui %gt3A_244 : vector<16xi1> to vector<16xi32>
      %convert_element_type3A_246 = arith.sitofp %convert_element_type3A_245 : vector<16xi32> to vector<16xf32>
      %swap3A_247 = arith.constant 0 : i32
      %swap3A_248 = arith.index_cast %swap3A_247 : i32 to index
      %swap3A_249 = arith.constant 32 : index
      %swap3A_250 = tpu.vector_load %arg16[%swap3A_248, %swap3A_249] {strides = array<i32>} : memref<8x96xf32, #tpu.memory_space<vmem>>, vector<16xf32>,
      tpu.vector_store %arg16[%swap3A_248, %swap3A_249], %convert_element_type3A_246 {strides = array<i32>} : memref<8x96xf32, #tpu.memory_space<vmem>>, vector<16xf32>,
      %get3A_251 = arith.constant 0 : i32
      %get3A_252 = arith.index_cast %get3A_251 : i32 to index
      %get3A_253 = arith.constant 48 : index
      %get3A_254 = tpu.vector_load %arg14[%get3A_252, %get3A_253] {strides = array<i32>} : memref<8x96xf32, #tpu.memory_space<vmem>>, vector<16xf32>,
      %mul3A_255 = arith.constant 0.899999976 : f32
      %mul3A_256 = vector.broadcast %mul3A_255 : f32 to vector<16xf32>
      %mul3A_257 = arith.mulf %mul3A_256, %get3A_254 : vector<16xf32>
      %get3A_258 = arith.constant 0 : i32
      %get3A_259 = arith.index_cast %get3A_258 : i32 to index
      %get3A_260 = arith.constant 48 : index
      %get3A_261 = tpu.vector_load %arg13[%get3A_259, %get3A_260] {strides = array<i32>} : memref<8x96xf32, #tpu.memory_space<vmem>>, vector<16xf32>,
      %add3A_262 = arith.addf %mul3A_257, %get3A_261 : vector<16xf32>
      %get3A_263 = arith.constant 48 : index
      %get3A_264 = tpu.vector_load %arg12[%get3A_263] {strides = array<i32>} : memref<768xf32, #tpu.memory_space<vmem>>, vector<16xf32>,
      %add3A_265 = arith.addf %add3A_262, %get3A_264 : vector<16xf32>
      %get3A_266 = arith.constant 0 : i32
      %get3A_267 = arith.index_cast %get3A_266 : i32 to index
      %get3A_268 = arith.constant 48 : index
      %get3A_269 = tpu.vector_load %arg15[%get3A_267, %get3A_268] {strides = array<i32>} : memref<8x96xf32, #tpu.memory_space<vmem>>, vector<16xf32>,
      %gt3A_270 = arith.cmpf ogt, %add3A_265, %get3A_269 : vector<16xf32>
      %convert_element_type3A_271 = arith.extui %gt3A_270 : vector<16xi1> to vector<16xi32>
      %convert_element_type3A_272 = arith.sitofp %convert_element_type3A_271 : vector<16xi32> to vector<16xf32>
      %swap3A_273 = arith.constant 0 : i32
      %swap3A_274 = arith.index_cast %swap3A_273 : i32 to index
      %swap3A_275 = arith.constant 48 : index
      %swap3A_276 = tpu.vector_load %arg16[%swap3A_274, %swap3A_275] {strides = array<i32>} : memref<8x96xf32, #tpu.memory_space<vmem>>, vector<16xf32>,
      tpu.vector_store %arg16[%swap3A_274, %swap3A_275], %convert_element_type3A_272 {strides = array<i32>} : memref<8x96xf32, #tpu.memory_space<vmem>>, vector<16xf32>,
      %get3A_277 = arith.constant 0 : i32
      %get3A_278 = arith.index_cast %get3A_277 : i32 to index
      %get3A_279 = arith.constant 64 : index
      %get3A_280 = tpu.vector_load %arg14[%get3A_278, %get3A_279] {strides = array<i32>} : memref<8x96xf32, #tpu.memory_space<vmem>>, vector<16xf32>,
      %mul3A_281 = arith.constant 0.899999976 : f32
      %mul3A_282 = vector.broadcast %mul3A_281 : f32 to vector<16xf32>
      %mul3A_283 = arith.mulf %mul3A_282, %get3A_280 : vector<16xf32>
      %get3A_284 = arith.constant 0 : i32
      %get3A_285 = arith.index_cast %get3A_284 : i32 to index
      %get3A_286 = arith.constant 64 : index
      %get3A_287 = tpu.vector_load %arg13[%get3A_285, %get3A_286] {strides = array<i32>} : memref<8x96xf32, #tpu.memory_space<vmem>>, vector<16xf32>,
      %add3A_288 = arith.addf %mul3A_283, %get3A_287 : vector<16xf32>
      %get3A_289 = arith.constant 64 : index
      %get3A_290 = tpu.vector_load %arg12[%get3A_289] {strides = array<i32>} : memref<768xf32, #tpu.memory_space<vmem>>, vector<16xf32>,
      %add3A_291 = arith.addf %add3A_288, %get3A_290 : vector<16xf32>
      %get3A_292 = arith.constant 0 : i32
      %get3A_293 = arith.index_cast %get3A_292 : i32 to index
      %get3A_294 = arith.constant 64 : index
      %get3A_295 = tpu.vector_load %arg15[%get3A_293, %get3A_294] {strides = array<i32>} : memref<8x96xf32, #tpu.memory_space<vmem>>, vector<16xf32>,
      %gt3A_296 = arith.cmpf ogt, %add3A_291, %get3A_295 : vector<16xf32>
      %convert_element_type3A_297 = arith.extui %gt3A_296 : vector<16xi1> to vector<16xi32>
      %convert_element_type3A_298 = arith.sitofp %convert_element_type3A_297 : vector<16xi32> to vector<16xf32>
      %swap3A_299 = arith.constant 0 : i32
      %swap3A_300 = arith.index_cast %swap3A_299 : i32 to index
      %swap3A_301 = arith.constant 64 : index
      %swap3A_302 = tpu.vector_load %arg16[%swap3A_300, %swap3A_301] {strides = array<i32>} : memref<8x96xf32, #tpu.memory_space<vmem>>, vector<16xf32>,
      tpu.vector_store %arg16[%swap3A_300, %swap3A_301], %convert_element_type3A_298 {strides = array<i32>} : memref<8x96xf32, #tpu.memory_space<vmem>>, vector<16xf32>,
      %get3A_303 = arith.constant 0 : i32
      %get3A_304 = arith.index_cast %get3A_303 : i32 to index
      %get3A_305 = arith.constant 80 : index
      %get3A_306 = tpu.vector_load %arg14[%get3A_304, %get3A_305] {strides = array<i32>} : memref<8x96xf32, #tpu.memory_space<vmem>>, vector<16xf32>,
      %mul3A_307 = arith.constant 0.899999976 : f32
      %mul3A_308 = vector.broadcast %mul3A_307 : f32 to vector<16xf32>
      %mul3A_309 = arith.mulf %mul3A_308, %get3A_306 : vector<16xf32>
      %get3A_310 = arith.constant 0 : i32
      %get3A_311 = arith.index_cast %get3A_310 : i32 to index
      %get3A_312 = arith.constant 80 : index
      %get3A_313 = tpu.vector_load %arg13[%get3A_311, %get3A_312] {strides = array<i32>} : memref<8x96xf32, #tpu.memory_space<vmem>>, vector<16xf32>,
      %add3A_314 = arith.addf %mul3A_309, %get3A_313 : vector<16xf32>
      %get3A_315 = arith.constant 80 : index
      %get3A_316 = tpu.vector_load %arg12[%get3A_315] {strides = array<i32>} : memref<768xf32, #tpu.memory_space<vmem>>, vector<16xf32>,
      %add3A_317 = arith.addf %add3A_314, %get3A_316 : vector<16xf32>
      %get3A_318 = arith.constant 0 : i32
      %get3A_319 = arith.index_cast %get3A_318 : i32 to index
      %get3A_320 = arith.constant 80 : index
      %get3A_321 = tpu.vector_load %arg15[%get3A_319, %get3A_320] {strides = array<i32>} : memref<8x96xf32, #tpu.memory_space<vmem>>, vector<16xf32>,
      %gt3A_322 = arith.cmpf ogt, %add3A_317, %get3A_321 : vector<16xf32>
      %convert_element_type3A_323 = arith.extui %gt3A_322 : vector<16xi1> to vector<16xi32>
      %convert_element_type3A_324 = arith.sitofp %convert_element_type3A_323 : vector<16xi32> to vector<16xf32>
      %swap3A_325 = arith.constant 0 : i32
      %swap3A_326 = arith.index_cast %swap3A_325 : i32 to index
      %swap3A_327 = arith.constant 80 : index
      %swap3A_328 = tpu.vector_load %arg16[%swap3A_326, %swap3A_327] {strides = array<i32>} : memref<8x96xf32, #tpu.memory_space<vmem>>, vector<16xf32>,
      tpu.vector_store %arg16[%swap3A_326, %swap3A_327], %convert_element_type3A_324 {strides = array<i32>} : memref<8x96xf32, #tpu.memory_space<vmem>>, vector<16xf32>,
      %get3A_329 = arith.constant 1 : i32
      %get3A_330 = arith.index_cast %get3A_329 : i32 to index
      %get3A_331 = arith.constant 0 : index
      %get3A_332 = tpu.vector_load %arg14[%get3A_330, %get3A_331] {strides = array<i32>} : memref<8x96xf32, #tpu.memory_space<vmem>>, vector<16xf32>,
      %mul3A_333 = arith.constant 0.899999976 : f32
      %mul3A_334 = vector.broadcast %mul3A_333 : f32 to vector<16xf32>
      %mul3A_335 = arith.mulf %mul3A_334, %get3A_332 : vector<16xf32>
      %get3A_336 = arith.constant 1 : i32
      %get3A_337 = arith.index_cast %get3A_336 : i32 to index
      %get3A_338 = arith.constant 0 : index
      %get3A_339 = tpu.vector_load %arg13[%get3A_337, %get3A_338] {strides = array<i32>} : memref<8x96xf32, #tpu.memory_space<vmem>>, vector<16xf32>,
      %add3A_340 = arith.addf %mul3A_335, %get3A_339 : vector<16xf32>
      %get3A_341 = arith.constant 96 : index
      %get3A_342 = tpu.vector_load %arg12[%get3A_341] {strides = array<i32>} : memref<768xf32, #tpu.memory_space<vmem>>, vector<16xf32>,
      %add3A_343 = arith.addf %add3A_340, %get3A_342 : vector<16xf32>
      %get3A_344 = arith.constant 1 : i32
      %get3A_345 = arith.index_cast %get3A_344 : i32 to index
      %get3A_346 = arith.constant 0 : index
      %get3A_347 = tpu.vector_load %arg15[%get3A_345, %get3A_346] {strides = array<i32>} : memref<8x96xf32, #tpu.memory_space<vmem>>, vector<16xf32>,
      %gt3A_348 = arith.cmpf ogt, %add3A_343, %get3A_347 : vector<16xf32>
      %convert_element_type3A_349 = arith.extui %gt3A_348 : vector<16xi1> to vector<16xi32>
      %convert_element_type3A_350 = arith.sitofp %convert_element_type3A_349 : vector<16xi32> to vector<16xf32>
      %swap3A_351 = arith.constant 1 : i32
      %swap3A_352 = arith.index_cast %swap3A_351 : i32 to index
      %swap3A_353 = arith.constant 0 : index
      %swap3A_354 = tpu.vector_load %arg16[%swap3A_352, %swap3A_353] {strides = array<i32>} : memref<8x96xf32, #tpu.memory_space<vmem>>, vector<16xf32>,
      tpu.vector_store %arg16[%swap3A_352, %swap3A_353], %convert_element_type3A_350 {strides = array<i32>} : memref<8x96xf32, #tpu.memory_space<vmem>>, vector<16xf32>,
      %get3A_355 = arith.constant 1 : i32
      %get3A_356 = arith.index_cast %get3A_355 : i32 to index
      %get3A_357 = arith.constant 16 : index
      %get3A_358 = tpu.vector_load %arg14[%get3A_356, %get3A_357] {strides = array<i32>} : memref<8x96xf32, #tpu.memory_space<vmem>>, vector<16xf32>,
      %mul3A_359 = arith.constant 0.899999976 : f32
      %mul3A_360 = vector.broadcast %mul3A_359 : f32 to vector<16xf32>
      %mul3A_361 = arith.mulf %mul3A_360, %get3A_358 : vector<16xf32>
      %get3A_362 = arith.constant 1 : i32
      %get3A_363 = arith.index_cast %get3A_362 : i32 to index
      %get3A_364 = arith.constant 16 : index
      %get3A_365 = tpu.vector_load %arg13[%get3A_363, %get3A_364] {strides = array<i32>} : memref<8x96xf32, #tpu.memory_space<vmem>>, vector<16xf32>,
      %add3A_366 = arith.addf %mul3A_361, %get3A_365 : vector<16xf32>
      %get3A_367 = arith.constant 112 : index
      %get3A_368 = tpu.vector_load %arg12[%get3A_367] {strides = array<i32>} : memref<768xf32, #tpu.memory_space<vmem>>, vector<16xf32>,
      %add3A_369 = arith.addf %add3A_366, %get3A_368 : vector<16xf32>
      %get3A_370 = arith.constant 1 : i32
      %get3A_371 = arith.index_cast %get3A_370 : i32 to index
      %get3A_372 = arith.constant 16 : index
      %get3A_373 = tpu.vector_load %arg15[%get3A_371, %get3A_372] {strides = array<i32>} : memref<8x96xf32, #tpu.memory_space<vmem>>, vector<16xf32>,
      %gt3A_374 = arith.cmpf ogt, %add3A_369, %get3A_373 : vector<16xf32>
      %convert_element_type3A_375 = arith.extui %gt3A_374 : vector<16xi1> to vector<16xi32>
      %convert_element_type3A_376 = arith.sitofp %convert_element_type3A_375 : vector<16xi32> to vector<16xf32>
      %swap3A_377 = arith.constant 1 : i32
      %swap3A_378 = arith.index_cast %swap3A_377 : i32 to index
      %swap3A_379 = arith.constant 16 : index
      %swap3A_380 = tpu.vector_load %arg16[%swap3A_378, %swap3A_379] {strides = array<i32>} : memref<8x96xf32, #tpu.memory_space<vmem>>, vector<16xf32>,
      tpu.vector_store %arg16[%swap3A_378, %swap3A_379], %convert_element_type3A_376 {strides = array<i32>} : memref<8x96xf32, #tpu.memory_space<vmem>>, vector<16xf32>,
      %get3A_381 = arith.constant 1 : i32
      %get3A_382 = arith.index_cast %get3A_381 : i32 to index
      %get3A_383 = arith.constant 32 : index
      %get3A_384 = tpu.vector_load %arg14[%get3A_382, %get3A_383] {strides = array<i32>} : memref<8x96xf32, #tpu.memory_space<vmem>>, vector<16xf32>,
      %mul3A_385 = arith.constant 0.899999976 : f32
      %mul3A_386 = vector.broadcast %mul3A_385 : f32 to vector<16xf32>
      %mul3A_387 = arith.mulf %mul3A_386, %get3A_384 : vector<16xf32>
      %get3A_388 = arith.constant 1 : i32
      %get3A_389 = arith.index_cast %get3A_388 : i32 to index
      %get3A_390 = arith.constant 32 : index
      %get3A_391 = tpu.vector_load %arg13[%get3A_389, %get3A_390] {strides = array<i32>} : memref<8x96xf32, #tpu.memory_space<vmem>>, vector<16xf32>,
      %add3A_392 = arith.addf %mul3A_387, %get3A_391 : vector<16xf32>
      %get3A_393 = arith.constant 128 : index
      %get3A_394 = tpu.vector_load %arg12[%get3A_393] {strides = array<i32>} : memref<768xf32, #tpu.memory_space<vmem>>, vector<16xf32>,
      %add3A_395 = arith.addf %add3A_392, %get3A_394 : vector<16xf32>
      %get3A_396 = arith.constant 1 : i32
      %get3A_397 = arith.index_cast %get3A_396 : i32 to index
      %get3A_398 = arith.constant 32 : index
      %get3A_399 = tpu.vector_load %arg15[%get3A_397, %get3A_398] {strides = array<i32>} : memref<8x96xf32, #tpu.memory_space<vmem>>, vector<16xf32>,
      %gt3A_400 = arith.cmpf ogt, %add3A_395, %get3A_399 : vector<16xf32>
      %convert_element_type3A_401 = arith.extui %gt3A_400 : vector<16xi1> to vector<16xi32>
      %convert_element_type3A_402 = arith.sitofp %convert_element_type3A_401 : vector<16xi32> to vector<16xf32>
      %swap3A_403 = arith.constant 1 : i32
      %swap3A_404 = arith.index_cast %swap3A_403 : i32 to index
      %swap3A_405 = arith.constant 32 : index
      %swap3A_406 = tpu.vector_load %arg16[%swap3A_404, %swap3A_405] {strides = array<i32>} : memref<8x96xf32, #tpu.memory_space<vmem>>, vector<16xf32>,
      tpu.vector_store %arg16[%swap3A_404, %swap3A_405], %convert_element_type3A_402 {strides = array<i32>} : memref<8x96xf32, #tpu.memory_space<vmem>>, vector<16xf32>,
      %get3A_407 = arith.constant 1 : i32
      %get3A_408 = arith.index_cast %get3A_407 : i32 to index
      %get3A_409 = arith.constant 48 : index
      %get3A_410 = tpu.vector_load %arg14[%get3A_408, %get3A_409] {strides = array<i32>} : memref<8x96xf32, #tpu.memory_space<vmem>>, vector<16xf32>,
      %mul3A_411 = arith.constant 0.899999976 : f32
      %mul3A_412 = vector.broadcast %mul3A_411 : f32 to vector<16xf32>
      %mul3A_413 = arith.mulf %mul3A_412, %get3A_410 : vector<16xf32>
      %get3A_414 = arith.constant 1 : i32
      %get3A_415 = arith.index_cast %get3A_414 : i32 to index
      %get3A_416 = arith.constant 48 : index
      %get3A_417 = tpu.vector_load %arg13[%get3A_415, %get3A_416] {strides = array<i32>} : memref<8x96xf32, #tpu.memory_space<vmem>>, vector<16xf32>,
      %add3A_418 = arith.addf %mul3A_413, %get3A_417 : vector<16xf32>
      %get3A_419 = arith.constant 144 : index
      %get3A_420 = tpu.vector_load %arg12[%get3A_419] {strides = array<i32>} : memref<768xf32, #tpu.memory_space<vmem>>, vector<16xf32>,
      %add3A_421 = arith.addf %add3A_418, %get3A_420 : vector<16xf32>
      %get3A_422 = arith.constant 1 : i32
      %get3A_423 = arith.index_cast %get3A_422 : i32 to index
      %get3A_424 = arith.constant 48 : index
      %get3A_425 = tpu.vector_load %arg15[%get3A_423, %get3A_424] {strides = array<i32>} : memref<8x96xf32, #tpu.memory_space<vmem>>, vector<16xf32>,
      %gt3A_426 = arith.cmpf ogt, %add3A_421, %get3A_425 : vector<16xf32>
      %convert_element_type3A_427 = arith.extui %gt3A_426 : vector<16xi1> to vector<16xi32>
      %convert_element_type3A_428 = arith.sitofp %convert_element_type3A_427 : vector<16xi32> to vector<16xf32>
      %swap3A_429 = arith.constant 1 : i32
      %swap3A_430 = arith.index_cast %swap3A_429 : i32 to index
      %swap3A_431 = arith.constant 48 : index
      %swap3A_432 = tpu.vector_load %arg16[%swap3A_430, %swap3A_431] {strides = array<i32>} : memref<8x96xf32, #tpu.memory_space<vmem>>, vector<16xf32>,
      tpu.vector_store %arg16[%swap3A_430, %swap3A_431], %convert_element_type3A_428 {strides = array<i32>} : memref<8x96xf32, #tpu.memory_space<vmem>>, vector<16xf32>,
      %get3A_433 = arith.constant 1 : i32
      %get3A_434 = arith.index_cast %get3A_433 : i32 to index
      %get3A_435 = arith.constant 64 : index
      %get3A_436 = tpu.vector_load %arg14[%get3A_434, %get3A_435] {strides = array<i32>} : memref<8x96xf32, #tpu.memory_space<vmem>>, vector<16xf32>,
      %mul3A_437 = arith.constant 0.899999976 : f32
      %mul3A_438 = vector.broadcast %mul3A_437 : f32 to vector<16xf32>
      %mul3A_439 = arith.mulf %mul3A_438, %get3A_436 : vector<16xf32>
      %get3A_440 = arith.constant 1 : i32
      %get3A_441 = arith.index_cast %get3A_440 : i32 to index
      %get3A_442 = arith.constant 64 : index
      %get3A_443 = tpu.vector_load %arg13[%get3A_441, %get3A_442] {strides = array<i32>} : memref<8x96xf32, #tpu.memory_space<vmem>>, vector<16xf32>,
      %add3A_444 = arith.addf %mul3A_439, %get3A_443 : vector<16xf32>
      %get3A_445 = arith.constant 160 : index
      %get3A_446 = tpu.vector_load %arg12[%get3A_445] {strides = array<i32>} : memref<768xf32, #tpu.memory_space<vmem>>, vector<16xf32>,
      %add3A_447 = arith.addf %add3A_444, %get3A_446 : vector<16xf32>
      %get3A_448 = arith.constant 1 : i32
      %get3A_449 = arith.index_cast %get3A_448 : i32 to index
      %get3A_450 = arith.constant 64 : index
      %get3A_451 = tpu.vector_load %arg15[%get3A_449, %get3A_450] {strides = array<i32>} : memref<8x96xf32, #tpu.memory_space<vmem>>, vector<16xf32>,
      %gt3A_452 = arith.cmpf ogt, %add3A_447, %get3A_451 : vector<16xf32>
      %convert_element_type3A_453 = arith.extui %gt3A_452 : vector<16xi1> to vector<16xi32>
      %convert_element_type3A_454 = arith.sitofp %convert_element_type3A_453 : vector<16xi32> to vector<16xf32>
      %swap3A_455 = arith.constant 1 : i32
      %swap3A_456 = arith.index_cast %swap3A_455 : i32 to index
      %swap3A_457 = arith.constant 64 : index
      %swap3A_458 = tpu.vector_load %arg16[%swap3A_456, %swap3A_457] {strides = array<i32>} : memref<8x96xf32, #tpu.memory_space<vmem>>, vector<16xf32>,
      tpu.vector_store %arg16[%swap3A_456, %swap3A_457], %convert_element_type3A_454 {strides = array<i32>} : memref<8x96xf32, #tpu.memory_space<vmem>>, vector<16xf32>,
      %get3A_459 = arith.constant 1 : i32
      %get3A_460 = arith.index_cast %get3A_459 : i32 to index
      %get3A_461 = arith.constant 80 : index
      %get3A_462 = tpu.vector_load %arg14[%get3A_460, %get3A_461] {strides = array<i32>} : memref<8x96xf32, #tpu.memory_space<vmem>>, vector<16xf32>,
      %mul3A_463 = arith.constant 0.899999976 : f32
      %mul3A_464 = vector.broadcast %mul3A_463 : f32 to vector<16xf32>
      %mul3A_465 = arith.mulf %mul3A_464, %get3A_462 : vector<16xf32>
      %get3A_466 = arith.constant 1 : i32
      %get3A_467 = arith.index_cast %get3A_466 : i32 to index
      %get3A_468 = arith.constant 80 : index
      %get3A_469 = tpu.vector_load %arg13[%get3A_467, %get3A_468] {strides = array<i32>} : memref<8x96xf32, #tpu.memory_space<vmem>>, vector<16xf32>,
      %add3A_470 = arith.addf %mul3A_465, %get3A_469 : vector<16xf32>
      %get3A_471 = arith.constant 176 : index
      %get3A_472 = tpu.vector_load %arg12[%get3A_471] {strides = array<i32>} : memref<768xf32, #tpu.memory_space<vmem>>, vector<16xf32>,
      %add3A_473 = arith.addf %add3A_470, %get3A_472 : vector<16xf32>
      %get3A_474 = arith.constant 1 : i32
      %get3A_475 = arith.index_cast %get3A_474 : i32 to index
      %get3A_476 = arith.constant 80 : index
      %get3A_477 = tpu.vector_load %arg15[%get3A_475, %get3A_476] {strides = array<i32>} : memref<8x96xf32, #tpu.memory_space<vmem>>, vector<16xf32>,
      %gt3A_478 = arith.cmpf ogt, %add3A_473, %get3A_477 : vector<16xf32>
      %convert_element_type3A_479 = arith.extui %gt3A_478 : vector<16xi1> to vector<16xi32>
      %convert_element_type3A_480 = arith.sitofp %convert_element_type3A_479 : vector<16xi32> to vector<16xf32>
      %swap3A_481 = arith.constant 1 : i32
      %swap3A_482 = arith.index_cast %swap3A_481 : i32 to index
      %swap3A_483 = arith.constant 80 : index
      %swap3A_484 = tpu.vector_load %arg16[%swap3A_482, %swap3A_483] {strides = array<i32>} : memref<8x96xf32, #tpu.memory_space<vmem>>, vector<16xf32>,
      tpu.vector_store %arg16[%swap3A_482, %swap3A_483], %convert_element_type3A_480 {strides = array<i32>} : memref<8x96xf32, #tpu.memory_space<vmem>>, vector<16xf32>,
      %get3A_485 = arith.constant 2 : i32
      %get3A_486 = arith.index_cast %get3A_485 : i32 to index
      %get3A_487 = arith.constant 0 : index
      %get3A_488 = tpu.vector_load %arg14[%get3A_486, %get3A_487] {strides = array<i32>} : memref<8x96xf32, #tpu.memory_space<vmem>>, vector<16xf32>,
      %mul3A_489 = arith.constant 0.899999976 : f32
      %mul3A_490 = vector.broadcast %mul3A_489 : f32 to vector<16xf32>
      %mul3A_491 = arith.mulf %mul3A_490, %get3A_488 : vector<16xf32>
      %get3A_492 = arith.constant 2 : i32
      %get3A_493 = arith.index_cast %get3A_492 : i32 to index
      %get3A_494 = arith.constant 0 : index
      %get3A_495 = tpu.vector_load %arg13[%get3A_493, %get3A_494] {strides = array<i32>} : memref<8x96xf32, #tpu.memory_space<vmem>>, vector<16xf32>,
      %add3A_496 = arith.addf %mul3A_491, %get3A_495 : vector<16xf32>
      %get3A_497 = arith.constant 192 : index
      %get3A_498 = tpu.vector_load %arg12[%get3A_497] {strides = array<i32>} : memref<768xf32, #tpu.memory_space<vmem>>, vector<16xf32>,
      %add3A_499 = arith.addf %add3A_496, %get3A_498 : vector<16xf32>
      %get3A_500 = arith.constant 2 : i32
      %get3A_501 = arith.index_cast %get3A_500 : i32 to index
      %get3A_502 = arith.constant 0 : index
      %get3A_503 = tpu.vector_load %arg15[%get3A_501, %get3A_502] {strides = array<i32>} : memref<8x96xf32, #tpu.memory_space<vmem>>, vector<16xf32>,
      %gt3A_504 = arith.cmpf ogt, %add3A_499, %get3A_503 : vector<16xf32>
      %convert_element_type3A_505 = arith.extui %gt3A_504 : vector<16xi1> to vector<16xi32>
      %convert_element_type3A_506 = arith.sitofp %convert_element_type3A_505 : vector<16xi32> to vector<16xf32>
      %swap3A_507 = arith.constant 2 : i32
      %swap3A_508 = arith.index_cast %swap3A_507 : i32 to index
      %swap3A_509 = arith.constant 0 : index
      %swap3A_510 = tpu.vector_load %arg16[%swap3A_508, %swap3A_509] {strides = array<i32>} : memref<8x96xf32, #tpu.memory_space<vmem>>, vector<16xf32>,
      tpu.vector_store %arg16[%swap3A_508, %swap3A_509], %convert_element_type3A_506 {strides = array<i32>} : memref<8x96xf32, #tpu.memory_space<vmem>>, vector<16xf32>,
      %get3A_511 = arith.constant 2 : i32
      %get3A_512 = arith.index_cast %get3A_511 : i32 to index
      %get3A_513 = arith.constant 16 : index
      %get3A_514 = tpu.vector_load %arg14[%get3A_512, %get3A_513] {strides = array<i32>} : memref<8x96xf32, #tpu.memory_space<vmem>>, vector<16xf32>,
      %mul3A_515 = arith.constant 0.899999976 : f32
      %mul3A_516 = vector.broadcast %mul3A_515 : f32 to vector<16xf32>
      %mul3A_517 = arith.mulf %mul3A_516, %get3A_514 : vector<16xf32>
      %get3A_518 = arith.constant 2 : i32
      %get3A_519 = arith.index_cast %get3A_518 : i32 to index
      %get3A_520 = arith.constant 16 : index
      %get3A_521 = tpu.vector_load %arg13[%get3A_519, %get3A_520] {strides = array<i32>} : memref<8x96xf32, #tpu.memory_space<vmem>>, vector<16xf32>,
      %add3A_522 = arith.addf %mul3A_517, %get3A_521 : vector<16xf32>
      %get3A_523 = arith.constant 208 : index
      %get3A_524 = tpu.vector_load %arg12[%get3A_523] {strides = array<i32>} : memref<768xf32, #tpu.memory_space<vmem>>, vector<16xf32>,
      %add3A_525 = arith.addf %add3A_522, %get3A_524 : vector<16xf32>
      %get3A_526 = arith.constant 2 : i32
      %get3A_527 = arith.index_cast %get3A_526 : i32 to index
      %get3A_528 = arith.constant 16 : index
      %get3A_529 = tpu.vector_load %arg15[%get3A_527, %get3A_528] {strides = array<i32>} : memref<8x96xf32, #tpu.memory_space<vmem>>, vector<16xf32>,
      %gt3A_530 = arith.cmpf ogt, %add3A_525, %get3A_529 : vector<16xf32>
      %convert_element_type3A_531 = arith.extui %gt3A_530 : vector<16xi1> to vector<16xi32>
      %convert_element_type3A_532 = arith.sitofp %convert_element_type3A_531 : vector<16xi32> to vector<16xf32>
      %swap3A_533 = arith.constant 2 : i32
      %swap3A_534 = arith.index_cast %swap3A_533 : i32 to index
      %swap3A_535 = arith.constant 16 : index
      %swap3A_536 = tpu.vector_load %arg16[%swap3A_534, %swap3A_535] {strides = array<i32>} : memref<8x96xf32, #tpu.memory_space<vmem>>, vector<16xf32>,
      tpu.vector_store %arg16[%swap3A_534, %swap3A_535], %convert_element_type3A_532 {strides = array<i32>} : memref<8x96xf32, #tpu.memory_space<vmem>>, vector<16xf32>,
      %get3A_537 = arith.constant 2 : i32
      %get3A_538 = arith.index_cast %get3A_537 : i32 to index
      %get3A_539 = arith.constant 32 : index
      %get3A_540 = tpu.vector_load %arg14[%get3A_538, %get3A_539] {strides = array<i32>} : memref<8x96xf32, #tpu.memory_space<vmem>>, vector<16xf32>,
      %mul3A_541 = arith.constant 0.899999976 : f32
      %mul3A_542 = vector.broadcast %mul3A_541 : f32 to vector<16xf32>
      %mul3A_543 = arith.mulf %mul3A_542, %get3A_540 : vector<16xf32>
      %get3A_544 = arith.constant 2 : i32
      %get3A_545 = arith.index_cast %get3A_544 : i32 to index
      %get3A_546 = arith.constant 32 : index
      %get3A_547 = tpu.vector_load %arg13[%get3A_545, %get3A_546] {strides = array<i32>} : memref<8x96xf32, #tpu.memory_space<vmem>>, vector<16xf32>,
      %add3A_548 = arith.addf %mul3A_543, %get3A_547 : vector<16xf32>
      %get3A_549 = arith.constant 224 : index
      %get3A_550 = tpu.vector_load %arg12[%get3A_549] {strides = array<i32>} : memref<768xf32, #tpu.memory_space<vmem>>, vector<16xf32>,
      %add3A_551 = arith.addf %add3A_548, %get3A_550 : vector<16xf32>
      %get3A_552 = arith.constant 2 : i32
      %get3A_553 = arith.index_cast %get3A_552 : i32 to index
      %get3A_554 = arith.constant 32 : index
      %get3A_555 = tpu.vector_load %arg15[%get3A_553, %get3A_554] {strides = array<i32>} : memref<8x96xf32, #tpu.memory_space<vmem>>, vector<16xf32>,
      %gt3A_556 = arith.cmpf ogt, %add3A_551, %get3A_555 : vector<16xf32>
      %convert_element_type3A_557 = arith.extui %gt3A_556 : vector<16xi1> to vector<16xi32>
      %convert_element_type3A_558 = arith.sitofp %convert_element_type3A_557 : vector<16xi32> to vector<16xf32>
      %swap3A_559 = arith.constant 2 : i32
      %swap3A_560 = arith.index_cast %swap3A_559 : i32 to index
      %swap3A_561 = arith.constant 32 : index
      %swap3A_562 = tpu.vector_load %arg16[%swap3A_560, %swap3A_561] {strides = array<i32>} : memref<8x96xf32, #tpu.memory_space<vmem>>, vector<16xf32>,
      tpu.vector_store %arg16[%swap3A_560, %swap3A_561], %convert_element_type3A_558 {strides = array<i32>} : memref<8x96xf32, #tpu.memory_space<vmem>>, vector<16xf32>,
      %get3A_563 = arith.constant 2 : i32
      %get3A_564 = arith.index_cast %get3A_563 : i32 to index
      %get3A_565 = arith.constant 48 : index
      %get3A_566 = tpu.vector_load %arg14[%get3A_564, %get3A_565] {strides = array<i32>} : memref<8x96xf32, #tpu.memory_space<vmem>>, vector<16xf32>,
      %mul3A_567 = arith.constant 0.899999976 : f32
      %mul3A_568 = vector.broadcast %mul3A_567 : f32 to vector<16xf32>
      %mul3A_569 = arith.mulf %mul3A_568, %get3A_566 : vector<16xf32>
      %get3A_570 = arith.constant 2 : i32
      %get3A_571 = arith.index_cast %get3A_570 : i32 to index
      %get3A_572 = arith.constant 48 : index
      %get3A_573 = tpu.vector_load %arg13[%get3A_571, %get3A_572] {strides = array<i32>} : memref<8x96xf32, #tpu.memory_space<vmem>>, vector<16xf32>,
      %add3A_574 = arith.addf %mul3A_569, %get3A_573 : vector<16xf32>
      %get3A_575 = arith.constant 240 : index
      %get3A_576 = tpu.vector_load %arg12[%get3A_575] {strides = array<i32>} : memref<768xf32, #tpu.memory_space<vmem>>, vector<16xf32>,
      %add3A_577 = arith.addf %add3A_574, %get3A_576 : vector<16xf32>
      %get3A_578 = arith.constant 2 : i32
      %get3A_579 = arith.index_cast %get3A_578 : i32 to index
      %get3A_580 = arith.constant 48 : index
      %get3A_581 = tpu.vector_load %arg15[%get3A_579, %get3A_580] {strides = array<i32>} : memref<8x96xf32, #tpu.memory_space<vmem>>, vector<16xf32>,
      %gt3A_582 = arith.cmpf ogt, %add3A_577, %get3A_581 : vector<16xf32>
      %convert_element_type3A_583 = arith.extui %gt3A_582 : vector<16xi1> to vector<16xi32>
      %convert_element_type3A_584 = arith.sitofp %convert_element_type3A_583 : vector<16xi32> to vector<16xf32>
      %swap3A_585 = arith.constant 2 : i32
      %swap3A_586 = arith.index_cast %swap3A_585 : i32 to index
      %swap3A_587 = arith.constant 48 : index
      %swap3A_588 = tpu.vector_load %arg16[%swap3A_586, %swap3A_587] {strides = array<i32>} : memref<8x96xf32, #tpu.memory_space<vmem>>, vector<16xf32>,
      tpu.vector_store %arg16[%swap3A_586, %swap3A_587], %convert_element_type3A_584 {strides = array<i32>} : memref<8x96xf32, #tpu.memory_space<vmem>>, vector<16xf32>,
      %get3A_589 = arith.constant 2 : i32
      %get3A_590 = arith.index_cast %get3A_589 : i32 to index
      %get3A_591 = arith.constant 64 : index
      %get3A_592 = tpu.vector_load %arg14[%get3A_590, %get3A_591] {strides = array<i32>} : memref<8x96xf32, #tpu.memory_space<vmem>>, vector<16xf32>,
      %mul3A_593 = arith.constant 0.899999976 : f32
      %mul3A_594 = vector.broadcast %mul3A_593 : f32 to vector<16xf32>
      %mul3A_595 = arith.mulf %mul3A_594, %get3A_592 : vector<16xf32>
      %get3A_596 = arith.constant 2 : i32
      %get3A_597 = arith.index_cast %get3A_596 : i32 to index
      %get3A_598 = arith.constant 64 : index
      %get3A_599 = tpu.vector_load %arg13[%get3A_597, %get3A_598] {strides = array<i32>} : memref<8x96xf32, #tpu.memory_space<vmem>>, vector<16xf32>,
      %add3A_600 = arith.addf %mul3A_595, %get3A_599 : vector<16xf32>
      %get3A_601 = arith.constant 256 : index
      %get3A_602 = tpu.vector_load %arg12[%get3A_601] {strides = array<i32>} : memref<768xf32, #tpu.memory_space<vmem>>, vector<16xf32>,
      %add3A_603 = arith.addf %add3A_600, %get3A_602 : vector<16xf32>
      %get3A_604 = arith.constant 2 : i32
      %get3A_605 = arith.index_cast %get3A_604 : i32 to index
      %get3A_606 = arith.constant 64 : index
      %get3A_607 = tpu.vector_load %arg15[%get3A_605, %get3A_606] {strides = array<i32>} : memref<8x96xf32, #tpu.memory_space<vmem>>, vector<16xf32>,
      %gt3A_608 = arith.cmpf ogt, %add3A_603, %get3A_607 : vector<16xf32>
      %convert_element_type3A_609 = arith.extui %gt3A_608 : vector<16xi1> to vector<16xi32>
      %convert_element_type3A_610 = arith.sitofp %convert_element_type3A_609 : vector<16xi32> to vector<16xf32>
      %swap3A_611 = arith.constant 2 : i32
      %swap3A_612 = arith.index_cast %swap3A_611 : i32 to index
      %swap3A_613 = arith.constant 64 : index
      %swap3A_614 = tpu.vector_load %arg16[%swap3A_612, %swap3A_613] {strides = array<i32>} : memref<8x96xf32, #tpu.memory_space<vmem>>, vector<16xf32>,
      tpu.vector_store %arg16[%swap3A_612, %swap3A_613], %convert_element_type3A_610 {strides = array<i32>} : memref<8x96xf32, #tpu.memory_space<vmem>>, vector<16xf32>,
      %get3A_615 = arith.constant 2 : i32
      %get3A_616 = arith.index_cast %get3A_615 : i32 to index
      %get3A_617 = arith.constant 80 : index
      %get3A_618 = tpu.vector_load %arg14[%get3A_616, %get3A_617] {strides = array<i32>} : memref<8x96xf32, #tpu.memory_space<vmem>>, vector<16xf32>,
      %mul3A_619 = arith.constant 0.899999976 : f32
      %mul3A_620 = vector.broadcast %mul3A_619 : f32 to vector<16xf32>
      %mul3A_621 = arith.mulf %mul3A_620, %get3A_618 : vector<16xf32>
      %get3A_622 = arith.constant 2 : i32
      %get3A_623 = arith.index_cast %get3A_622 : i32 to index
      %get3A_624 = arith.constant 80 : index
      %get3A_625 = tpu.vector_load %arg13[%get3A_623, %get3A_624] {strides = array<i32>} : memref<8x96xf32, #tpu.memory_space<vmem>>, vector<16xf32>,
      %add3A_626 = arith.addf %mul3A_621, %get3A_625 : vector<16xf32>
      %get3A_627 = arith.constant 272 : index
      %get3A_628 = tpu.vector_load %arg12[%get3A_627] {strides = array<i32>} : memref<768xf32, #tpu.memory_space<vmem>>, vector<16xf32>,
      %add3A_629 = arith.addf %add3A_626, %get3A_628 : vector<16xf32>
      %get3A_630 = arith.constant 2 : i32
      %get3A_631 = arith.index_cast %get3A_630 : i32 to index
      %get3A_632 = arith.constant 80 : index
      %get3A_633 = tpu.vector_load %arg15[%get3A_631, %get3A_632] {strides = array<i32>} : memref<8x96xf32, #tpu.memory_space<vmem>>, vector<16xf32>,
      %gt3A_634 = arith.cmpf ogt, %add3A_629, %get3A_633 : vector<16xf32>
      %convert_element_type3A_635 = arith.extui %gt3A_634 : vector<16xi1> to vector<16xi32>
      %convert_element_type3A_636 = arith.sitofp %convert_element_type3A_635 : vector<16xi32> to vector<16xf32>
      %swap3A_637 = arith.constant 2 : i32
      %swap3A_638 = arith.index_cast %swap3A_637 : i32 to index
      %swap3A_639 = arith.constant 80 : index
      %swap3A_640 = tpu.vector_load %arg16[%swap3A_638, %swap3A_639] {strides = array<i32>} : memref<8x96xf32, #tpu.memory_space<vmem>>, vector<16xf32>,
      tpu.vector_store %arg16[%swap3A_638, %swap3A_639], %convert_element_type3A_636 {strides = array<i32>} : memref<8x96xf32, #tpu.memory_space<vmem>>, vector<16xf32>,
      %get3A_641 = arith.constant 3 : i32
      %get3A_642 = arith.index_cast %get3A_641 : i32 to index
      %get3A_643 = arith.constant 0 : index
      %get3A_644 = tpu.vector_load %arg14[%get3A_642, %get3A_643] {strides = array<i32>} : memref<8x96xf32, #tpu.memory_space<vmem>>, vector<16xf32>,
      %mul3A_645 = arith.constant 0.899999976 : f32
      %mul3A_646 = vector.broadcast %mul3A_645 : f32 to vector<16xf32>
      %mul3A_647 = arith.mulf %mul3A_646, %get3A_644 : vector<16xf32>
      %get3A_648 = arith.constant 3 : i32
      %get3A_649 = arith.index_cast %get3A_648 : i32 to index
      %get3A_650 = arith.constant 0 : index
      %get3A_651 = tpu.vector_load %arg13[%get3A_649, %get3A_650] {strides = array<i32>} : memref<8x96xf32, #tpu.memory_space<vmem>>, vector<16xf32>,
      %add3A_652 = arith.addf %mul3A_647, %get3A_651 : vector<16xf32>
      %get3A_653 = arith.constant 288 : index
      %get3A_654 = tpu.vector_load %arg12[%get3A_653] {strides = array<i32>} : memref<768xf32, #tpu.memory_space<vmem>>, vector<16xf32>,
      %add3A_655 = arith.addf %add3A_652, %get3A_654 : vector<16xf32>
      %get3A_656 = arith.constant 3 : i32
      %get3A_657 = arith.index_cast %get3A_656 : i32 to index
      %get3A_658 = arith.constant 0 : index
      %get3A_659 = tpu.vector_load %arg15[%get3A_657, %get3A_658] {strides = array<i32>} : memref<8x96xf32, #tpu.memory_space<vmem>>, vector<16xf32>,
      %gt3A_660 = arith.cmpf ogt, %add3A_655, %get3A_659 : vector<16xf32>
      %convert_element_type3A_661 = arith.extui %gt3A_660 : vector<16xi1> to vector<16xi32>
      %convert_element_type3A_662 = arith.sitofp %convert_element_type3A_661 : vector<16xi32> to vector<16xf32>
      %swap3A_663 = arith.constant 3 : i32
      %swap3A_664 = arith.index_cast %swap3A_663 : i32 to index
      %swap3A_665 = arith.constant 0 : index
      %swap3A_666 = tpu.vector_load %arg16[%swap3A_664, %swap3A_665] {strides = array<i32>} : memref<8x96xf32, #tpu.memory_space<vmem>>, vector<16xf32>,
      tpu.vector_store %arg16[%swap3A_664, %swap3A_665], %convert_element_type3A_662 {strides = array<i32>} : memref<8x96xf32, #tpu.memory_space<vmem>>, vector<16xf32>,
      %get3A_667 = arith.constant 3 : i32
      %get3A_668 = arith.index_cast %get3A_667 : i32 to index
      %get3A_669 = arith.constant 16 : index
      %get3A_670 = tpu.vector_load %arg14[%get3A_668, %get3A_669] {strides = array<i32>} : memref<8x96xf32, #tpu.memory_space<vmem>>, vector<16xf32>,
      %mul3A_671 = arith.constant 0.899999976 : f32
      %mul3A_672 = vector.broadcast %mul3A_671 : f32 to vector<16xf32>
      %mul3A_673 = arith.mulf %mul3A_672, %get3A_670 : vector<16xf32>
      %get3A_674 = arith.constant 3 : i32
      %get3A_675 = arith.index_cast %get3A_674 : i32 to index
      %get3A_676 = arith.constant 16 : index
      %get3A_677 = tpu.vector_load %arg13[%get3A_675, %get3A_676] {strides = array<i32>} : memref<8x96xf32, #tpu.memory_space<vmem>>, vector<16xf32>,
      %add3A_678 = arith.addf %mul3A_673, %get3A_677 : vector<16xf32>
      %get3A_679 = arith.constant 304 : index
      %get3A_680 = tpu.vector_load %arg12[%get3A_679] {strides = array<i32>} : memref<768xf32, #tpu.memory_space<vmem>>, vector<16xf32>,
      %add3A_681 = arith.addf %add3A_678, %get3A_680 : vector<16xf32>
      %get3A_682 = arith.constant 3 : i32
      %get3A_683 = arith.index_cast %get3A_682 : i32 to index
      %get3A_684 = arith.constant 16 : index
      %get3A_685 = tpu.vector_load %arg15[%get3A_683, %get3A_684] {strides = array<i32>} : memref<8x96xf32, #tpu.memory_space<vmem>>, vector<16xf32>,
      %gt3A_686 = arith.cmpf ogt, %add3A_681, %get3A_685 : vector<16xf32>
      %convert_element_type3A_687 = arith.extui %gt3A_686 : vector<16xi1> to vector<16xi32>
      %convert_element_type3A_688 = arith.sitofp %convert_element_type3A_687 : vector<16xi32> to vector<16xf32>
      %swap3A_689 = arith.constant 3 : i32
      %swap3A_690 = arith.index_cast %swap3A_689 : i32 to index
      %swap3A_691 = arith.constant 16 : index
      %swap3A_692 = tpu.vector_load %arg16[%swap3A_690, %swap3A_691] {strides = array<i32>} : memref<8x96xf32, #tpu.memory_space<vmem>>, vector<16xf32>,
      tpu.vector_store %arg16[%swap3A_690, %swap3A_691], %convert_element_type3A_688 {strides = array<i32>} : memref<8x96xf32, #tpu.memory_space<vmem>>, vector<16xf32>,
      %get3A_693 = arith.constant 3 : i32
      %get3A_694 = arith.index_cast %get3A_693 : i32 to index
      %get3A_695 = arith.constant 32 : index
      %get3A_696 = tpu.vector_load %arg14[%get3A_694, %get3A_695] {strides = array<i32>} : memref<8x96xf32, #tpu.memory_space<vmem>>, vector<16xf32>,
      %mul3A_697 = arith.constant 0.899999976 : f32
      %mul3A_698 = vector.broadcast %mul3A_697 : f32 to vector<16xf32>
      %mul3A_699 = arith.mulf %mul3A_698, %get3A_696 : vector<16xf32>
      %get3A_700 = arith.constant 3 : i32
      %get3A_701 = arith.index_cast %get3A_700 : i32 to index
      %get3A_702 = arith.constant 32 : index
      %get3A_703 = tpu.vector_load %arg13[%get3A_701, %get3A_702] {strides = array<i32>} : memref<8x96xf32, #tpu.memory_space<vmem>>, vector<16xf32>,
      %add3A_704 = arith.addf %mul3A_699, %get3A_703 : vector<16xf32>
      %get3A_705 = arith.constant 320 : index
      %get3A_706 = tpu.vector_load %arg12[%get3A_705] {strides = array<i32>} : memref<768xf32, #tpu.memory_space<vmem>>, vector<16xf32>,
      %add3A_707 = arith.addf %add3A_704, %get3A_706 : vector<16xf32>
      %get3A_708 = arith.constant 3 : i32
      %get3A_709 = arith.index_cast %get3A_708 : i32 to index
      %get3A_710 = arith.constant 32 : index
      %get3A_711 = tpu.vector_load %arg15[%get3A_709, %get3A_710] {strides = array<i32>} : memref<8x96xf32, #tpu.memory_space<vmem>>, vector<16xf32>,
      %gt3A_712 = arith.cmpf ogt, %add3A_707, %get3A_711 : vector<16xf32>
      %convert_element_type3A_713 = arith.extui %gt3A_712 : vector<16xi1> to vector<16xi32>
      %convert_element_type3A_714 = arith.sitofp %convert_element_type3A_713 : vector<16xi32> to vector<16xf32>
      %swap3A_715 = arith.constant 3 : i32
      %swap3A_716 = arith.index_cast %swap3A_715 : i32 to index
      %swap3A_717 = arith.constant 32 : index
      %swap3A_718 = tpu.vector_load %arg16[%swap3A_716, %swap3A_717] {strides = array<i32>} : memref<8x96xf32, #tpu.memory_space<vmem>>, vector<16xf32>,
      tpu.vector_store %arg16[%swap3A_716, %swap3A_717], %convert_element_type3A_714 {strides = array<i32>} : memref<8x96xf32, #tpu.memory_space<vmem>>, vector<16xf32>,
      %get3A_719 = arith.constant 3 : i32
      %get3A_720 = arith.index_cast %get3A_719 : i32 to index
      %get3A_721 = arith.constant 48 : index
      %get3A_722 = tpu.vector_load %arg14[%get3A_720, %get3A_721] {strides = array<i32>} : memref<8x96xf32, #tpu.memory_space<vmem>>, vector<16xf32>,
      %mul3A_723 = arith.constant 0.899999976 : f32
      %mul3A_724 = vector.broadcast %mul3A_723 : f32 to vector<16xf32>
      %mul3A_725 = arith.mulf %mul3A_724, %get3A_722 : vector<16xf32>
      %get3A_726 = arith.constant 3 : i32
      %get3A_727 = arith.index_cast %get3A_726 : i32 to index
      %get3A_728 = arith.constant 48 : index
      %get3A_729 = tpu.vector_load %arg13[%get3A_727, %get3A_728] {strides = array<i32>} : memref<8x96xf32, #tpu.memory_space<vmem>>, vector<16xf32>,
      %add3A_730 = arith.addf %mul3A_725, %get3A_729 : vector<16xf32>
      %get3A_731 = arith.constant 336 : index
      %get3A_732 = tpu.vector_load %arg12[%get3A_731] {strides = array<i32>} : memref<768xf32, #tpu.memory_space<vmem>>, vector<16xf32>,
      %add3A_733 = arith.addf %add3A_730, %get3A_732 : vector<16xf32>
      %get3A_734 = arith.constant 3 : i32
      %get3A_735 = arith.index_cast %get3A_734 : i32 to index
      %get3A_736 = arith.constant 48 : index
      %get3A_737 = tpu.vector_load %arg15[%get3A_735, %get3A_736] {strides = array<i32>} : memref<8x96xf32, #tpu.memory_space<vmem>>, vector<16xf32>,
      %gt3A_738 = arith.cmpf ogt, %add3A_733, %get3A_737 : vector<16xf32>
      %convert_element_type3A_739 = arith.extui %gt3A_738 : vector<16xi1> to vector<16xi32>
      %convert_element_type3A_740 = arith.sitofp %convert_element_type3A_739 : vector<16xi32> to vector<16xf32>
      %swap3A_741 = arith.constant 3 : i32
      %swap3A_742 = arith.index_cast %swap3A_741 : i32 to index
      %swap3A_743 = arith.constant 48 : index
      %swap3A_744 = tpu.vector_load %arg16[%swap3A_742, %swap3A_743] {strides = array<i32>} : memref<8x96xf32, #tpu.memory_space<vmem>>, vector<16xf32>,
      tpu.vector_store %arg16[%swap3A_742, %swap3A_743], %convert_element_type3A_740 {strides = array<i32>} : memref<8x96xf32, #tpu.memory_space<vmem>>, vector<16xf32>,
      %get3A_745 = arith.constant 3 : i32
      %get3A_746 = arith.index_cast %get3A_745 : i32 to index
      %get3A_747 = arith.constant 64 : index
      %get3A_748 = tpu.vector_load %arg14[%get3A_746, %get3A_747] {strides = array<i32>} : memref<8x96xf32, #tpu.memory_space<vmem>>, vector<16xf32>,
      %mul3A_749 = arith.constant 0.899999976 : f32
      %mul3A_750 = vector.broadcast %mul3A_749 : f32 to vector<16xf32>
      %mul3A_751 = arith.mulf %mul3A_750, %get3A_748 : vector<16xf32>
      %get3A_752 = arith.constant 3 : i32
      %get3A_753 = arith.index_cast %get3A_752 : i32 to index
      %get3A_754 = arith.constant 64 : index
      %get3A_755 = tpu.vector_load %arg13[%get3A_753, %get3A_754] {strides = array<i32>} : memref<8x96xf32, #tpu.memory_space<vmem>>, vector<16xf32>,
      %add3A_756 = arith.addf %mul3A_751, %get3A_755 : vector<16xf32>
      %get3A_757 = arith.constant 352 : index
      %get3A_758 = tpu.vector_load %arg12[%get3A_757] {strides = array<i32>} : memref<768xf32, #tpu.memory_space<vmem>>, vector<16xf32>,
      %add3A_759 = arith.addf %add3A_756, %get3A_758 : vector<16xf32>
      %get3A_760 = arith.constant 3 : i32
      %get3A_761 = arith.index_cast %get3A_760 : i32 to index
      %get3A_762 = arith.constant 64 : index
      %get3A_763 = tpu.vector_load %arg15[%get3A_761, %get3A_762] {strides = array<i32>} : memref<8x96xf32, #tpu.memory_space<vmem>>, vector<16xf32>,
      %gt3A_764 = arith.cmpf ogt, %add3A_759, %get3A_763 : vector<16xf32>
      %convert_element_type3A_765 = arith.extui %gt3A_764 : vector<16xi1> to vector<16xi32>
      %convert_element_type3A_766 = arith.sitofp %convert_element_type3A_765 : vector<16xi32> to vector<16xf32>
      %swap3A_767 = arith.constant 3 : i32
      %swap3A_768 = arith.index_cast %swap3A_767 : i32 to index
      %swap3A_769 = arith.constant 64 : index
      %swap3A_770 = tpu.vector_load %arg16[%swap3A_768, %swap3A_769] {strides = array<i32>} : memref<8x96xf32, #tpu.memory_space<vmem>>, vector<16xf32>,
      tpu.vector_store %arg16[%swap3A_768, %swap3A_769], %convert_element_type3A_766 {strides = array<i32>} : memref<8x96xf32, #tpu.memory_space<vmem>>, vector<16xf32>,
      %get3A_771 = arith.constant 3 : i32
      %get3A_772 = arith.index_cast %get3A_771 : i32 to index
      %get3A_773 = arith.constant 80 : index
      %get3A_774 = tpu.vector_load %arg14[%get3A_772, %get3A_773] {strides = array<i32>} : memref<8x96xf32, #tpu.memory_space<vmem>>, vector<16xf32>,
      %mul3A_775 = arith.constant 0.899999976 : f32
      %mul3A_776 = vector.broadcast %mul3A_775 : f32 to vector<16xf32>
      %mul3A_777 = arith.mulf %mul3A_776, %get3A_774 : vector<16xf32>
      %get3A_778 = arith.constant 3 : i32
      %get3A_779 = arith.index_cast %get3A_778 : i32 to index
      %get3A_780 = arith.constant 80 : index
      %get3A_781 = tpu.vector_load %arg13[%get3A_779, %get3A_780] {strides = array<i32>} : memref<8x96xf32, #tpu.memory_space<vmem>>, vector<16xf32>,
      %add3A_782 = arith.addf %mul3A_777, %get3A_781 : vector<16xf32>
      %get3A_783 = arith.constant 368 : index
      %get3A_784 = tpu.vector_load %arg12[%get3A_783] {strides = array<i32>} : memref<768xf32, #tpu.memory_space<vmem>>, vector<16xf32>,
      %add3A_785 = arith.addf %add3A_782, %get3A_784 : vector<16xf32>
      %get3A_786 = arith.constant 3 : i32
      %get3A_787 = arith.index_cast %get3A_786 : i32 to index
      %get3A_788 = arith.constant 80 : index
      %get3A_789 = tpu.vector_load %arg15[%get3A_787, %get3A_788] {strides = array<i32>} : memref<8x96xf32, #tpu.memory_space<vmem>>, vector<16xf32>,
      %gt3A_790 = arith.cmpf ogt, %add3A_785, %get3A_789 : vector<16xf32>
      %convert_element_type3A_791 = arith.extui %gt3A_790 : vector<16xi1> to vector<16xi32>
      %convert_element_type3A_792 = arith.sitofp %convert_element_type3A_791 : vector<16xi32> to vector<16xf32>
      %swap3A_793 = arith.constant 3 : i32
      %swap3A_794 = arith.index_cast %swap3A_793 : i32 to index
      %swap3A_795 = arith.constant 80 : index
      %swap3A_796 = tpu.vector_load %arg16[%swap3A_794, %swap3A_795] {strides = array<i32>} : memref<8x96xf32, #tpu.memory_space<vmem>>, vector<16xf32>,
      tpu.vector_store %arg16[%swap3A_794, %swap3A_795], %convert_element_type3A_792 {strides = array<i32>} : memref<8x96xf32, #tpu.memory_space<vmem>>, vector<16xf32>,
      %get3A_797 = arith.constant 4 : i32
      %get3A_798 = arith.index_cast %get3A_797 : i32 to index
      %get3A_799 = arith.constant 0 : index
      %get3A_800 = tpu.vector_load %arg14[%get3A_798, %get3A_799] {strides = array<i32>} : memref<8x96xf32, #tpu.memory_space<vmem>>, vector<16xf32>,
      %mul3A_801 = arith.constant 0.899999976 : f32
      %mul3A_802 = vector.broadcast %mul3A_801 : f32 to vector<16xf32>
      %mul3A_803 = arith.mulf %mul3A_802, %get3A_800 : vector<16xf32>
      %get3A_804 = arith.constant 4 : i32
      %get3A_805 = arith.index_cast %get3A_804 : i32 to index
      %get3A_806 = arith.constant 0 : index
      %get3A_807 = tpu.vector_load %arg13[%get3A_805, %get3A_806] {strides = array<i32>} : memref<8x96xf32, #tpu.memory_space<vmem>>, vector<16xf32>,
      %add3A_808 = arith.addf %mul3A_803, %get3A_807 : vector<16xf32>
      %get3A_809 = arith.constant 384 : index
      %get3A_810 = tpu.vector_load %arg12[%get3A_809] {strides = array<i32>} : memref<768xf32, #tpu.memory_space<vmem>>, vector<16xf32>,
      %add3A_811 = arith.addf %add3A_808, %get3A_810 : vector<16xf32>
      %get3A_812 = arith.constant 4 : i32
      %get3A_813 = arith.index_cast %get3A_812 : i32 to index
      %get3A_814 = arith.constant 0 : index
      %get3A_815 = tpu.vector_load %arg15[%get3A_813, %get3A_814] {strides = array<i32>} : memref<8x96xf32, #tpu.memory_space<vmem>>, vector<16xf32>,
      %gt3A_816 = arith.cmpf ogt, %add3A_811, %get3A_815 : vector<16xf32>
      %convert_element_type3A_817 = arith.extui %gt3A_816 : vector<16xi1> to vector<16xi32>
      %convert_element_type3A_818 = arith.sitofp %convert_element_type3A_817 : vector<16xi32> to vector<16xf32>
      %swap3A_819 = arith.constant 4 : i32
      %swap3A_820 = arith.index_cast %swap3A_819 : i32 to index
      %swap3A_821 = arith.constant 0 : index
      %swap3A_822 = tpu.vector_load %arg16[%swap3A_820, %swap3A_821] {strides = array<i32>} : memref<8x96xf32, #tpu.memory_space<vmem>>, vector<16xf32>,
      tpu.vector_store %arg16[%swap3A_820, %swap3A_821], %convert_element_type3A_818 {strides = array<i32>} : memref<8x96xf32, #tpu.memory_space<vmem>>, vector<16xf32>,
      %get3A_823 = arith.constant 4 : i32
      %get3A_824 = arith.index_cast %get3A_823 : i32 to index
      %get3A_825 = arith.constant 16 : index
      %get3A_826 = tpu.vector_load %arg14[%get3A_824, %get3A_825] {strides = array<i32>} : memref<8x96xf32, #tpu.memory_space<vmem>>, vector<16xf32>,
      %mul3A_827 = arith.constant 0.899999976 : f32
      %mul3A_828 = vector.broadcast %mul3A_827 : f32 to vector<16xf32>
      %mul3A_829 = arith.mulf %mul3A_828, %get3A_826 : vector<16xf32>
      %get3A_830 = arith.constant 4 : i32
      %get3A_831 = arith.index_cast %get3A_830 : i32 to index
      %get3A_832 = arith.constant 16 : index
      %get3A_833 = tpu.vector_load %arg13[%get3A_831, %get3A_832] {strides = array<i32>} : memref<8x96xf32, #tpu.memory_space<vmem>>, vector<16xf32>,
      %add3A_834 = arith.addf %mul3A_829, %get3A_833 : vector<16xf32>
      %get3A_835 = arith.constant 400 : index
      %get3A_836 = tpu.vector_load %arg12[%get3A_835] {strides = array<i32>} : memref<768xf32, #tpu.memory_space<vmem>>, vector<16xf32>,
      %add3A_837 = arith.addf %add3A_834, %get3A_836 : vector<16xf32>
      %get3A_838 = arith.constant 4 : i32
      %get3A_839 = arith.index_cast %get3A_838 : i32 to index
      %get3A_840 = arith.constant 16 : index
      %get3A_841 = tpu.vector_load %arg15[%get3A_839, %get3A_840] {strides = array<i32>} : memref<8x96xf32, #tpu.memory_space<vmem>>, vector<16xf32>,
      %gt3A_842 = arith.cmpf ogt, %add3A_837, %get3A_841 : vector<16xf32>
      %convert_element_type3A_843 = arith.extui %gt3A_842 : vector<16xi1> to vector<16xi32>
      %convert_element_type3A_844 = arith.sitofp %convert_element_type3A_843 : vector<16xi32> to vector<16xf32>
      %swap3A_845 = arith.constant 4 : i32
      %swap3A_846 = arith.index_cast %swap3A_845 : i32 to index
      %swap3A_847 = arith.constant 16 : index
      %swap3A_848 = tpu.vector_load %arg16[%swap3A_846, %swap3A_847] {strides = array<i32>} : memref<8x96xf32, #tpu.memory_space<vmem>>, vector<16xf32>,
      tpu.vector_store %arg16[%swap3A_846, %swap3A_847], %convert_element_type3A_844 {strides = array<i32>} : memref<8x96xf32, #tpu.memory_space<vmem>>, vector<16xf32>,
      %get3A_849 = arith.constant 4 : i32
      %get3A_850 = arith.index_cast %get3A_849 : i32 to index
      %get3A_851 = arith.constant 32 : index
      %get3A_852 = tpu.vector_load %arg14[%get3A_850, %get3A_851] {strides = array<i32>} : memref<8x96xf32, #tpu.memory_space<vmem>>, vector<16xf32>,
      %mul3A_853 = arith.constant 0.899999976 : f32
      %mul3A_854 = vector.broadcast %mul3A_853 : f32 to vector<16xf32>
      %mul3A_855 = arith.mulf %mul3A_854, %get3A_852 : vector<16xf32>
      %get3A_856 = arith.constant 4 : i32
      %get3A_857 = arith.index_cast %get3A_856 : i32 to index
      %get3A_858 = arith.constant 32 : index
      %get3A_859 = tpu.vector_load %arg13[%get3A_857, %get3A_858] {strides = array<i32>} : memref<8x96xf32, #tpu.memory_space<vmem>>, vector<16xf32>,
      %add3A_860 = arith.addf %mul3A_855, %get3A_859 : vector<16xf32>
      %get3A_861 = arith.constant 416 : index
      %get3A_862 = tpu.vector_load %arg12[%get3A_861] {strides = array<i32>} : memref<768xf32, #tpu.memory_space<vmem>>, vector<16xf32>,
      %add3A_863 = arith.addf %add3A_860, %get3A_862 : vector<16xf32>
      %get3A_864 = arith.constant 4 : i32
      %get3A_865 = arith.index_cast %get3A_864 : i32 to index
      %get3A_866 = arith.constant 32 : index
      %get3A_867 = tpu.vector_load %arg15[%get3A_865, %get3A_866] {strides = array<i32>} : memref<8x96xf32, #tpu.memory_space<vmem>>, vector<16xf32>,
      %gt3A_868 = arith.cmpf ogt, %add3A_863, %get3A_867 : vector<16xf32>
      %convert_element_type3A_869 = arith.extui %gt3A_868 : vector<16xi1> to vector<16xi32>
      %convert_element_type3A_870 = arith.sitofp %convert_element_type3A_869 : vector<16xi32> to vector<16xf32>
      %swap3A_871 = arith.constant 4 : i32
      %swap3A_872 = arith.index_cast %swap3A_871 : i32 to index
      %swap3A_873 = arith.constant 32 : index
      %swap3A_874 = tpu.vector_load %arg16[%swap3A_872, %swap3A_873] {strides = array<i32>} : memref<8x96xf32, #tpu.memory_space<vmem>>, vector<16xf32>,
      tpu.vector_store %arg16[%swap3A_872, %swap3A_873], %convert_element_type3A_870 {strides = array<i32>} : memref<8x96xf32, #tpu.memory_space<vmem>>, vector<16xf32>,
      %get3A_875 = arith.constant 4 : i32
      %get3A_876 = arith.index_cast %get3A_875 : i32 to index
      %get3A_877 = arith.constant 48 : index
      %get3A_878 = tpu.vector_load %arg14[%get3A_876, %get3A_877] {strides = array<i32>} : memref<8x96xf32, #tpu.memory_space<vmem>>, vector<16xf32>,
      %mul3A_879 = arith.constant 0.899999976 : f32
      %mul3A_880 = vector.broadcast %mul3A_879 : f32 to vector<16xf32>
      %mul3A_881 = arith.mulf %mul3A_880, %get3A_878 : vector<16xf32>
      %get3A_882 = arith.constant 4 : i32
      %get3A_883 = arith.index_cast %get3A_882 : i32 to index
      %get3A_884 = arith.constant 48 : index
      %get3A_885 = tpu.vector_load %arg13[%get3A_883, %get3A_884] {strides = array<i32>} : memref<8x96xf32, #tpu.memory_space<vmem>>, vector<16xf32>,
      %add3A_886 = arith.addf %mul3A_881, %get3A_885 : vector<16xf32>
      %get3A_887 = arith.constant 432 : index
      %get3A_888 = tpu.vector_load %arg12[%get3A_887] {strides = array<i32>} : memref<768xf32, #tpu.memory_space<vmem>>, vector<16xf32>,
      %add3A_889 = arith.addf %add3A_886, %get3A_888 : vector<16xf32>
      %get3A_890 = arith.constant 4 : i32
      %get3A_891 = arith.index_cast %get3A_890 : i32 to index
      %get3A_892 = arith.constant 48 : index
      %get3A_893 = tpu.vector_load %arg15[%get3A_891, %get3A_892] {strides = array<i32>} : memref<8x96xf32, #tpu.memory_space<vmem>>, vector<16xf32>,
      %gt3A_894 = arith.cmpf ogt, %add3A_889, %get3A_893 : vector<16xf32>
      %convert_element_type3A_895 = arith.extui %gt3A_894 : vector<16xi1> to vector<16xi32>
      %convert_element_type3A_896 = arith.sitofp %convert_element_type3A_895 : vector<16xi32> to vector<16xf32>
      %swap3A_897 = arith.constant 4 : i32
      %swap3A_898 = arith.index_cast %swap3A_897 : i32 to index
      %swap3A_899 = arith.constant 48 : index
      %swap3A_900 = tpu.vector_load %arg16[%swap3A_898, %swap3A_899] {strides = array<i32>} : memref<8x96xf32, #tpu.memory_space<vmem>>, vector<16xf32>,
      tpu.vector_store %arg16[%swap3A_898, %swap3A_899], %convert_element_type3A_896 {strides = array<i32>} : memref<8x96xf32, #tpu.memory_space<vmem>>, vector<16xf32>,
      %get3A_901 = arith.constant 4 : i32
      %get3A_902 = arith.index_cast %get3A_901 : i32 to index
      %get3A_903 = arith.constant 64 : index
      %get3A_904 = tpu.vector_load %arg14[%get3A_902, %get3A_903] {strides = array<i32>} : memref<8x96xf32, #tpu.memory_space<vmem>>, vector<16xf32>,
      %mul3A_905 = arith.constant 0.899999976 : f32
      %mul3A_906 = vector.broadcast %mul3A_905 : f32 to vector<16xf32>
      %mul3A_907 = arith.mulf %mul3A_906, %get3A_904 : vector<16xf32>
      %get3A_908 = arith.constant 4 : i32
      %get3A_909 = arith.index_cast %get3A_908 : i32 to index
      %get3A_910 = arith.constant 64 : index
      %get3A_911 = tpu.vector_load %arg13[%get3A_909, %get3A_910] {strides = array<i32>} : memref<8x96xf32, #tpu.memory_space<vmem>>, vector<16xf32>,
      %add3A_912 = arith.addf %mul3A_907, %get3A_911 : vector<16xf32>
      %get3A_913 = arith.constant 448 : index
      %get3A_914 = tpu.vector_load %arg12[%get3A_913] {strides = array<i32>} : memref<768xf32, #tpu.memory_space<vmem>>, vector<16xf32>,
      %add3A_915 = arith.addf %add3A_912, %get3A_914 : vector<16xf32>
      %get3A_916 = arith.constant 4 : i32
      %get3A_917 = arith.index_cast %get3A_916 : i32 to index
      %get3A_918 = arith.constant 64 : index
      %get3A_919 = tpu.vector_load %arg15[%get3A_917, %get3A_918] {strides = array<i32>} : memref<8x96xf32, #tpu.memory_space<vmem>>, vector<16xf32>,
      %gt3A_920 = arith.cmpf ogt, %add3A_915, %get3A_919 : vector<16xf32>
      %convert_element_type3A_921 = arith.extui %gt3A_920 : vector<16xi1> to vector<16xi32>
      %convert_element_type3A_922 = arith.sitofp %convert_element_type3A_921 : vector<16xi32> to vector<16xf32>
      %swap3A_923 = arith.constant 4 : i32
      %swap3A_924 = arith.index_cast %swap3A_923 : i32 to index
      %swap3A_925 = arith.constant 64 : index
      %swap3A_926 = tpu.vector_load %arg16[%swap3A_924, %swap3A_925] {strides = array<i32>} : memref<8x96xf32, #tpu.memory_space<vmem>>, vector<16xf32>,
      tpu.vector_store %arg16[%swap3A_924, %swap3A_925], %convert_element_type3A_922 {strides = array<i32>} : memref<8x96xf32, #tpu.memory_space<vmem>>, vector<16xf32>,
      %get3A_927 = arith.constant 4 : i32
      %get3A_928 = arith.index_cast %get3A_927 : i32 to index
      %get3A_929 = arith.constant 80 : index
      %get3A_930 = tpu.vector_load %arg14[%get3A_928, %get3A_929] {strides = array<i32>} : memref<8x96xf32, #tpu.memory_space<vmem>>, vector<16xf32>,
      %mul3A_931 = arith.constant 0.899999976 : f32
      %mul3A_932 = vector.broadcast %mul3A_931 : f32 to vector<16xf32>
      %mul3A_933 = arith.mulf %mul3A_932, %get3A_930 : vector<16xf32>
      %get3A_934 = arith.constant 4 : i32
      %get3A_935 = arith.index_cast %get3A_934 : i32 to index
      %get3A_936 = arith.constant 80 : index
      %get3A_937 = tpu.vector_load %arg13[%get3A_935, %get3A_936] {strides = array<i32>} : memref<8x96xf32, #tpu.memory_space<vmem>>, vector<16xf32>,
      %add3A_938 = arith.addf %mul3A_933, %get3A_937 : vector<16xf32>
      %get3A_939 = arith.constant 464 : index
      %get3A_940 = tpu.vector_load %arg12[%get3A_939] {strides = array<i32>} : memref<768xf32, #tpu.memory_space<vmem>>, vector<16xf32>,
      %add3A_941 = arith.addf %add3A_938, %get3A_940 : vector<16xf32>
      %get3A_942 = arith.constant 4 : i32
      %get3A_943 = arith.index_cast %get3A_942 : i32 to index
      %get3A_944 = arith.constant 80 : index
      %get3A_945 = tpu.vector_load %arg15[%get3A_943, %get3A_944] {strides = array<i32>} : memref<8x96xf32, #tpu.memory_space<vmem>>, vector<16xf32>,
      %gt3A_946 = arith.cmpf ogt, %add3A_941, %get3A_945 : vector<16xf32>
      %convert_element_type3A_947 = arith.extui %gt3A_946 : vector<16xi1> to vector<16xi32>
      %convert_element_type3A_948 = arith.sitofp %convert_element_type3A_947 : vector<16xi32> to vector<16xf32>
      %swap3A_949 = arith.constant 4 : i32
      %swap3A_950 = arith.index_cast %swap3A_949 : i32 to index
      %swap3A_951 = arith.constant 80 : index
      %swap3A_952 = tpu.vector_load %arg16[%swap3A_950, %swap3A_951] {strides = array<i32>} : memref<8x96xf32, #tpu.memory_space<vmem>>, vector<16xf32>,
      tpu.vector_store %arg16[%swap3A_950, %swap3A_951], %convert_element_type3A_948 {strides = array<i32>} : memref<8x96xf32, #tpu.memory_space<vmem>>, vector<16xf32>,
      %get3A_953 = arith.constant 5 : i32
      %get3A_954 = arith.index_cast %get3A_953 : i32 to index
      %get3A_955 = arith.constant 0 : index
      %get3A_956 = tpu.vector_load %arg14[%get3A_954, %get3A_955] {strides = array<i32>} : memref<8x96xf32, #tpu.memory_space<vmem>>, vector<16xf32>,
      %mul3A_957 = arith.constant 0.899999976 : f32
      %mul3A_958 = vector.broadcast %mul3A_957 : f32 to vector<16xf32>
      %mul3A_959 = arith.mulf %mul3A_958, %get3A_956 : vector<16xf32>
      %get3A_960 = arith.constant 5 : i32
      %get3A_961 = arith.index_cast %get3A_960 : i32 to index
      %get3A_962 = arith.constant 0 : index
      %get3A_963 = tpu.vector_load %arg13[%get3A_961, %get3A_962] {strides = array<i32>} : memref<8x96xf32, #tpu.memory_space<vmem>>, vector<16xf32>,
      %add3A_964 = arith.addf %mul3A_959, %get3A_963 : vector<16xf32>
      %get3A_965 = arith.constant 480 : index
      %get3A_966 = tpu.vector_load %arg12[%get3A_965] {strides = array<i32>} : memref<768xf32, #tpu.memory_space<vmem>>, vector<16xf32>,
      %add3A_967 = arith.addf %add3A_964, %get3A_966 : vector<16xf32>
      %get3A_968 = arith.constant 5 : i32
      %get3A_969 = arith.index_cast %get3A_968 : i32 to index
      %get3A_970 = arith.constant 0 : index
      %get3A_971 = tpu.vector_load %arg15[%get3A_969, %get3A_970] {strides = array<i32>} : memref<8x96xf32, #tpu.memory_space<vmem>>, vector<16xf32>,
      %gt3A_972 = arith.cmpf ogt, %add3A_967, %get3A_971 : vector<16xf32>
      %convert_element_type3A_973 = arith.extui %gt3A_972 : vector<16xi1> to vector<16xi32>
      %convert_element_type3A_974 = arith.sitofp %convert_element_type3A_973 : vector<16xi32> to vector<16xf32>
      %swap3A_975 = arith.constant 5 : i32
      %swap3A_976 = arith.index_cast %swap3A_975 : i32 to index
      %swap3A_977 = arith.constant 0 : index
      %swap3A_978 = tpu.vector_load %arg16[%swap3A_976, %swap3A_977] {strides = array<i32>} : memref<8x96xf32, #tpu.memory_space<vmem>>, vector<16xf32>,
      tpu.vector_store %arg16[%swap3A_976, %swap3A_977], %convert_element_type3A_974 {strides = array<i32>} : memref<8x96xf32, #tpu.memory_space<vmem>>, vector<16xf32>,
      %get3A_979 = arith.constant 5 : i32
      %get3A_980 = arith.index_cast %get3A_979 : i32 to index
      %get3A_981 = arith.constant 16 : index
      %get3A_982 = tpu.vector_load %arg14[%get3A_980, %get3A_981] {strides = array<i32>} : memref<8x96xf32, #tpu.memory_space<vmem>>, vector<16xf32>,
      %mul3A_983 = arith.constant 0.899999976 : f32
      %mul3A_984 = vector.broadcast %mul3A_983 : f32 to vector<16xf32>
      %mul3A_985 = arith.mulf %mul3A_984, %get3A_982 : vector<16xf32>
      %get3A_986 = arith.constant 5 : i32
      %get3A_987 = arith.index_cast %get3A_986 : i32 to index
      %get3A_988 = arith.constant 16 : index
      %get3A_989 = tpu.vector_load %arg13[%get3A_987, %get3A_988] {strides = array<i32>} : memref<8x96xf32, #tpu.memory_space<vmem>>, vector<16xf32>,
      %add3A_990 = arith.addf %mul3A_985, %get3A_989 : vector<16xf32>
      %get3A_991 = arith.constant 496 : index
      %get3A_992 = tpu.vector_load %arg12[%get3A_991] {strides = array<i32>} : memref<768xf32, #tpu.memory_space<vmem>>, vector<16xf32>,
      %add3A_993 = arith.addf %add3A_990, %get3A_992 : vector<16xf32>
      %get3A_994 = arith.constant 5 : i32
      %get3A_995 = arith.index_cast %get3A_994 : i32 to index
      %get3A_996 = arith.constant 16 : index
      %get3A_997 = tpu.vector_load %arg15[%get3A_995, %get3A_996] {strides = array<i32>} : memref<8x96xf32, #tpu.memory_space<vmem>>, vector<16xf32>,
      %gt3A_998 = arith.cmpf ogt, %add3A_993, %get3A_997 : vector<16xf32>
      %convert_element_type3A_999 = arith.extui %gt3A_998 : vector<16xi1> to vector<16xi32>
      %convert_element_type3A_1000 = arith.sitofp %convert_element_type3A_999 : vector<16xi32> to vector<16xf32>
      %swap3A_1001 = arith.constant 5 : i32
      %swap3A_1002 = arith.index_cast %swap3A_1001 : i32 to index
      %swap3A_1003 = arith.constant 16 : index
      %swap3A_1004 = tpu.vector_load %arg16[%swap3A_1002, %swap3A_1003] {strides = array<i32>} : memref<8x96xf32, #tpu.memory_space<vmem>>, vector<16xf32>,
      tpu.vector_store %arg16[%swap3A_1002, %swap3A_1003], %convert_element_type3A_1000 {strides = array<i32>} : memref<8x96xf32, #tpu.memory_space<vmem>>, vector<16xf32>,
      %get3A_1005 = arith.constant 5 : i32
      %get3A_1006 = arith.index_cast %get3A_1005 : i32 to index
      %get3A_1007 = arith.constant 32 : index
      %get3A_1008 = tpu.vector_load %arg14[%get3A_1006, %get3A_1007] {strides = array<i32>} : memref<8x96xf32, #tpu.memory_space<vmem>>, vector<16xf32>,
      %mul3A_1009 = arith.constant 0.899999976 : f32
      %mul3A_1010 = vector.broadcast %mul3A_1009 : f32 to vector<16xf32>
      %mul3A_1011 = arith.mulf %mul3A_1010, %get3A_1008 : vector<16xf32>
      %get3A_1012 = arith.constant 5 : i32
      %get3A_1013 = arith.index_cast %get3A_1012 : i32 to index
      %get3A_1014 = arith.constant 32 : index
      %get3A_1015 = tpu.vector_load %arg13[%get3A_1013, %get3A_1014] {strides = array<i32>} : memref<8x96xf32, #tpu.memory_space<vmem>>, vector<16xf32>,
      %add3A_1016 = arith.addf %mul3A_1011, %get3A_1015 : vector<16xf32>
      %get3A_1017 = arith.constant 512 : index
      %get3A_1018 = tpu.vector_load %arg12[%get3A_1017] {strides = array<i32>} : memref<768xf32, #tpu.memory_space<vmem>>, vector<16xf32>,
      %add3A_1019 = arith.addf %add3A_1016, %get3A_1018 : vector<16xf32>
      %get3A_1020 = arith.constant 5 : i32
      %get3A_1021 = arith.index_cast %get3A_1020 : i32 to index
      %get3A_1022 = arith.constant 32 : index
      %get3A_1023 = tpu.vector_load %arg15[%get3A_1021, %get3A_1022] {strides = array<i32>} : memref<8x96xf32, #tpu.memory_space<vmem>>, vector<16xf32>,
      %gt3A_1024 = arith.cmpf ogt, %add3A_1019, %get3A_1023 : vector<16xf32>
      %convert_element_type3A_1025 = arith.extui %gt3A_1024 : vector<16xi1> to vector<16xi32>
      %convert_element_type3A_1026 = arith.sitofp %convert_element_type3A_1025 : vector<16xi32> to vector<16xf32>
      %swap3A_1027 = arith.constant 5 : i32
      %swap3A_1028 = arith.index_cast %swap3A_1027 : i32 to index
      %swap3A_1029 = arith.constant 32 : index
      %swap3A_1030 = tpu.vector_load %arg16[%swap3A_1028, %swap3A_1029] {strides = array<i32>} : memref<8x96xf32, #tpu.memory_space<vmem>>, vector<16xf32>,
      tpu.vector_store %arg16[%swap3A_1028, %swap3A_1029], %convert_element_type3A_1026 {strides = array<i32>} : memref<8x96xf32, #tpu.memory_space<vmem>>, vector<16xf32>,
      %get3A_1031 = arith.constant 5 : i32
      %get3A_1032 = arith.index_cast %get3A_1031 : i32 to index
      %get3A_1033 = arith.constant 48 : index
      %get3A_1034 = tpu.vector_load %arg14[%get3A_1032, %get3A_1033] {strides = array<i32>} : memref<8x96xf32, #tpu.memory_space<vmem>>, vector<16xf32>,
      %mul3A_1035 = arith.constant 0.899999976 : f32
      %mul3A_1036 = vector.broadcast %mul3A_1035 : f32 to vector<16xf32>
      %mul3A_1037 = arith.mulf %mul3A_1036, %get3A_1034 : vector<16xf32>
      %get3A_1038 = arith.constant 5 : i32
      %get3A_1039 = arith.index_cast %get3A_1038 : i32 to index
      %get3A_1040 = arith.constant 48 : index
      %get3A_1041 = tpu.vector_load %arg13[%get3A_1039, %get3A_1040] {strides = array<i32>} : memref<8x96xf32, #tpu.memory_space<vmem>>, vector<16xf32>,
      %add3A_1042 = arith.addf %mul3A_1037, %get3A_1041 : vector<16xf32>
      %get3A_1043 = arith.constant 528 : index
      %get3A_1044 = tpu.vector_load %arg12[%get3A_1043] {strides = array<i32>} : memref<768xf32, #tpu.memory_space<vmem>>, vector<16xf32>,
      %add3A_1045 = arith.addf %add3A_1042, %get3A_1044 : vector<16xf32>
      %get3A_1046 = arith.constant 5 : i32
      %get3A_1047 = arith.index_cast %get3A_1046 : i32 to index
      %get3A_1048 = arith.constant 48 : index
      %get3A_1049 = tpu.vector_load %arg15[%get3A_1047, %get3A_1048] {strides = array<i32>} : memref<8x96xf32, #tpu.memory_space<vmem>>, vector<16xf32>,
      %gt3A_1050 = arith.cmpf ogt, %add3A_1045, %get3A_1049 : vector<16xf32>
      %convert_element_type3A_1051 = arith.extui %gt3A_1050 : vector<16xi1> to vector<16xi32>
      %convert_element_type3A_1052 = arith.sitofp %convert_element_type3A_1051 : vector<16xi32> to vector<16xf32>
      %swap3A_1053 = arith.constant 5 : i32
      %swap3A_1054 = arith.index_cast %swap3A_1053 : i32 to index
      %swap3A_1055 = arith.constant 48 : index
      %swap3A_1056 = tpu.vector_load %arg16[%swap3A_1054, %swap3A_1055] {strides = array<i32>} : memref<8x96xf32, #tpu.memory_space<vmem>>, vector<16xf32>,
      tpu.vector_store %arg16[%swap3A_1054, %swap3A_1055], %convert_element_type3A_1052 {strides = array<i32>} : memref<8x96xf32, #tpu.memory_space<vmem>>, vector<16xf32>,
      %get3A_1057 = arith.constant 5 : i32
      %get3A_1058 = arith.index_cast %get3A_1057 : i32 to index
      %get3A_1059 = arith.constant 64 : index
      %get3A_1060 = tpu.vector_load %arg14[%get3A_1058, %get3A_1059] {strides = array<i32>} : memref<8x96xf32, #tpu.memory_space<vmem>>, vector<16xf32>,
      %mul3A_1061 = arith.constant 0.899999976 : f32
      %mul3A_1062 = vector.broadcast %mul3A_1061 : f32 to vector<16xf32>
      %mul3A_1063 = arith.mulf %mul3A_1062, %get3A_1060 : vector<16xf32>
      %get3A_1064 = arith.constant 5 : i32
      %get3A_1065 = arith.index_cast %get3A_1064 : i32 to index
      %get3A_1066 = arith.constant 64 : index
      %get3A_1067 = tpu.vector_load %arg13[%get3A_1065, %get3A_1066] {strides = array<i32>} : memref<8x96xf32, #tpu.memory_space<vmem>>, vector<16xf32>,
      %add3A_1068 = arith.addf %mul3A_1063, %get3A_1067 : vector<16xf32>
      %get3A_1069 = arith.constant 544 : index
      %get3A_1070 = tpu.vector_load %arg12[%get3A_1069] {strides = array<i32>} : memref<768xf32, #tpu.memory_space<vmem>>, vector<16xf32>,
      %add3A_1071 = arith.addf %add3A_1068, %get3A_1070 : vector<16xf32>
      %get3A_1072 = arith.constant 5 : i32
      %get3A_1073 = arith.index_cast %get3A_1072 : i32 to index
      %get3A_1074 = arith.constant 64 : index
      %get3A_1075 = tpu.vector_load %arg15[%get3A_1073, %get3A_1074] {strides = array<i32>} : memref<8x96xf32, #tpu.memory_space<vmem>>, vector<16xf32>,
      %gt3A_1076 = arith.cmpf ogt, %add3A_1071, %get3A_1075 : vector<16xf32>
      %convert_element_type3A_1077 = arith.extui %gt3A_1076 : vector<16xi1> to vector<16xi32>
      %convert_element_type3A_1078 = arith.sitofp %convert_element_type3A_1077 : vector<16xi32> to vector<16xf32>
      %swap3A_1079 = arith.constant 5 : i32
      %swap3A_1080 = arith.index_cast %swap3A_1079 : i32 to index
      %swap3A_1081 = arith.constant 64 : index
      %swap3A_1082 = tpu.vector_load %arg16[%swap3A_1080, %swap3A_1081] {strides = array<i32>} : memref<8x96xf32, #tpu.memory_space<vmem>>, vector<16xf32>,
      tpu.vector_store %arg16[%swap3A_1080, %swap3A_1081], %convert_element_type3A_1078 {strides = array<i32>} : memref<8x96xf32, #tpu.memory_space<vmem>>, vector<16xf32>,
      %get3A_1083 = arith.constant 5 : i32
      %get3A_1084 = arith.index_cast %get3A_1083 : i32 to index
      %get3A_1085 = arith.constant 80 : index
      %get3A_1086 = tpu.vector_load %arg14[%get3A_1084, %get3A_1085] {strides = array<i32>} : memref<8x96xf32, #tpu.memory_space<vmem>>, vector<16xf32>,
      %mul3A_1087 = arith.constant 0.899999976 : f32
      %mul3A_1088 = vector.broadcast %mul3A_1087 : f32 to vector<16xf32>
      %mul3A_1089 = arith.mulf %mul3A_1088, %get3A_1086 : vector<16xf32>
      %get3A_1090 = arith.constant 5 : i32
      %get3A_1091 = arith.index_cast %get3A_1090 : i32 to index
      %get3A_1092 = arith.constant 80 : index
      %get3A_1093 = tpu.vector_load %arg13[%get3A_1091, %get3A_1092] {strides = array<i32>} : memref<8x96xf32, #tpu.memory_space<vmem>>, vector<16xf32>,
      %add3A_1094 = arith.addf %mul3A_1089, %get3A_1093 : vector<16xf32>
      %get3A_1095 = arith.constant 560 : index
      %get3A_1096 = tpu.vector_load %arg12[%get3A_1095] {strides = array<i32>} : memref<768xf32, #tpu.memory_space<vmem>>, vector<16xf32>,
      %add3A_1097 = arith.addf %add3A_1094, %get3A_1096 : vector<16xf32>
      %get3A_1098 = arith.constant 5 : i32
      %get3A_1099 = arith.index_cast %get3A_1098 : i32 to index
      %get3A_1100 = arith.constant 80 : index
      %get3A_1101 = tpu.vector_load %arg15[%get3A_1099, %get3A_1100] {strides = array<i32>} : memref<8x96xf32, #tpu.memory_space<vmem>>, vector<16xf32>,
      %gt3A_1102 = arith.cmpf ogt, %add3A_1097, %get3A_1101 : vector<16xf32>
      %convert_element_type3A_1103 = arith.extui %gt3A_1102 : vector<16xi1> to vector<16xi32>
      %convert_element_type3A_1104 = arith.sitofp %convert_element_type3A_1103 : vector<16xi32> to vector<16xf32>
      %swap3A_1105 = arith.constant 5 : i32
      %swap3A_1106 = arith.index_cast %swap3A_1105 : i32 to index
      %swap3A_1107 = arith.constant 80 : index
      %swap3A_1108 = tpu.vector_load %arg16[%swap3A_1106, %swap3A_1107] {strides = array<i32>} : memref<8x96xf32, #tpu.memory_space<vmem>>, vector<16xf32>,
      tpu.vector_store %arg16[%swap3A_1106, %swap3A_1107], %convert_element_type3A_1104 {strides = array<i32>} : memref<8x96xf32, #tpu.memory_space<vmem>>, vector<16xf32>,
      %get3A_1109 = arith.constant 6 : i32
      %get3A_1110 = arith.index_cast %get3A_1109 : i32 to index
      %get3A_1111 = arith.constant 0 : index
      %get3A_1112 = tpu.vector_load %arg14[%get3A_1110, %get3A_1111] {strides = array<i32>} : memref<8x96xf32, #tpu.memory_space<vmem>>, vector<16xf32>,
      %mul3A_1113 = arith.constant 0.899999976 : f32
      %mul3A_1114 = vector.broadcast %mul3A_1113 : f32 to vector<16xf32>
      %mul3A_1115 = arith.mulf %mul3A_1114, %get3A_1112 : vector<16xf32>
      %get3A_1116 = arith.constant 6 : i32
      %get3A_1117 = arith.index_cast %get3A_1116 : i32 to index
      %get3A_1118 = arith.constant 0 : index
      %get3A_1119 = tpu.vector_load %arg13[%get3A_1117, %get3A_1118] {strides = array<i32>} : memref<8x96xf32, #tpu.memory_space<vmem>>, vector<16xf32>,
      %add3A_1120 = arith.addf %mul3A_1115, %get3A_1119 : vector<16xf32>
      %get3A_1121 = arith.constant 576 : index
      %get3A_1122 = tpu.vector_load %arg12[%get3A_1121] {strides = array<i32>} : memref<768xf32, #tpu.memory_space<vmem>>, vector<16xf32>,
      %add3A_1123 = arith.addf %add3A_1120, %get3A_1122 : vector<16xf32>
      %get3A_1124 = arith.constant 6 : i32
      %get3A_1125 = arith.index_cast %get3A_1124 : i32 to index
      %get3A_1126 = arith.constant 0 : index
      %get3A_1127 = tpu.vector_load %arg15[%get3A_1125, %get3A_1126] {strides = array<i32>} : memref<8x96xf32, #tpu.memory_space<vmem>>, vector<16xf32>,
      %gt3A_1128 = arith.cmpf ogt, %add3A_1123, %get3A_1127 : vector<16xf32>
      %convert_element_type3A_1129 = arith.extui %gt3A_1128 : vector<16xi1> to vector<16xi32>
      %convert_element_type3A_1130 = arith.sitofp %convert_element_type3A_1129 : vector<16xi32> to vector<16xf32>
      %swap3A_1131 = arith.constant 6 : i32
      %swap3A_1132 = arith.index_cast %swap3A_1131 : i32 to index
      %swap3A_1133 = arith.constant 0 : index
      %swap3A_1134 = tpu.vector_load %arg16[%swap3A_1132, %swap3A_1133] {strides = array<i32>} : memref<8x96xf32, #tpu.memory_space<vmem>>, vector<16xf32>,
      tpu.vector_store %arg16[%swap3A_1132, %swap3A_1133], %convert_element_type3A_1130 {strides = array<i32>} : memref<8x96xf32, #tpu.memory_space<vmem>>, vector<16xf32>,
      %get3A_1135 = arith.constant 6 : i32
      %get3A_1136 = arith.index_cast %get3A_1135 : i32 to index
      %get3A_1137 = arith.constant 16 : index
      %get3A_1138 = tpu.vector_load %arg14[%get3A_1136, %get3A_1137] {strides = array<i32>} : memref<8x96xf32, #tpu.memory_space<vmem>>, vector<16xf32>,
      %mul3A_1139 = arith.constant 0.899999976 : f32
      %mul3A_1140 = vector.broadcast %mul3A_1139 : f32 to vector<16xf32>
      %mul3A_1141 = arith.mulf %mul3A_1140, %get3A_1138 : vector<16xf32>
      %get3A_1142 = arith.constant 6 : i32
      %get3A_1143 = arith.index_cast %get3A_1142 : i32 to index
      %get3A_1144 = arith.constant 16 : index
      %get3A_1145 = tpu.vector_load %arg13[%get3A_1143, %get3A_1144] {strides = array<i32>} : memref<8x96xf32, #tpu.memory_space<vmem>>, vector<16xf32>,
      %add3A_1146 = arith.addf %mul3A_1141, %get3A_1145 : vector<16xf32>
      %get3A_1147 = arith.constant 592 : index
      %get3A_1148 = tpu.vector_load %arg12[%get3A_1147] {strides = array<i32>} : memref<768xf32, #tpu.memory_space<vmem>>, vector<16xf32>,
      %add3A_1149 = arith.addf %add3A_1146, %get3A_1148 : vector<16xf32>
      %get3A_1150 = arith.constant 6 : i32
      %get3A_1151 = arith.index_cast %get3A_1150 : i32 to index
      %get3A_1152 = arith.constant 16 : index
      %get3A_1153 = tpu.vector_load %arg15[%get3A_1151, %get3A_1152] {strides = array<i32>} : memref<8x96xf32, #tpu.memory_space<vmem>>, vector<16xf32>,
      %gt3A_1154 = arith.cmpf ogt, %add3A_1149, %get3A_1153 : vector<16xf32>
      %convert_element_type3A_1155 = arith.extui %gt3A_1154 : vector<16xi1> to vector<16xi32>
      %convert_element_type3A_1156 = arith.sitofp %convert_element_type3A_1155 : vector<16xi32> to vector<16xf32>
      %swap3A_1157 = arith.constant 6 : i32
      %swap3A_1158 = arith.index_cast %swap3A_1157 : i32 to index
      %swap3A_1159 = arith.constant 16 : index
      %swap3A_1160 = tpu.vector_load %arg16[%swap3A_1158, %swap3A_1159] {strides = array<i32>} : memref<8x96xf32, #tpu.memory_space<vmem>>, vector<16xf32>,
      tpu.vector_store %arg16[%swap3A_1158, %swap3A_1159], %convert_element_type3A_1156 {strides = array<i32>} : memref<8x96xf32, #tpu.memory_space<vmem>>, vector<16xf32>,
      %get3A_1161 = arith.constant 6 : i32
      %get3A_1162 = arith.index_cast %get3A_1161 : i32 to index
      %get3A_1163 = arith.constant 32 : index
      %get3A_1164 = tpu.vector_load %arg14[%get3A_1162, %get3A_1163] {strides = array<i32>} : memref<8x96xf32, #tpu.memory_space<vmem>>, vector<16xf32>,
      %mul3A_1165 = arith.constant 0.899999976 : f32
      %mul3A_1166 = vector.broadcast %mul3A_1165 : f32 to vector<16xf32>
      %mul3A_1167 = arith.mulf %mul3A_1166, %get3A_1164 : vector<16xf32>
      %get3A_1168 = arith.constant 6 : i32
      %get3A_1169 = arith.index_cast %get3A_1168 : i32 to index
      %get3A_1170 = arith.constant 32 : index
      %get3A_1171 = tpu.vector_load %arg13[%get3A_1169, %get3A_1170] {strides = array<i32>} : memref<8x96xf32, #tpu.memory_space<vmem>>, vector<16xf32>,
      %add3A_1172 = arith.addf %mul3A_1167, %get3A_1171 : vector<16xf32>
      %get3A_1173 = arith.constant 608 : index
      %get3A_1174 = tpu.vector_load %arg12[%get3A_1173] {strides = array<i32>} : memref<768xf32, #tpu.memory_space<vmem>>, vector<16xf32>,
      %add3A_1175 = arith.addf %add3A_1172, %get3A_1174 : vector<16xf32>
      %get3A_1176 = arith.constant 6 : i32
      %get3A_1177 = arith.index_cast %get3A_1176 : i32 to index
      %get3A_1178 = arith.constant 32 : index
      %get3A_1179 = tpu.vector_load %arg15[%get3A_1177, %get3A_1178] {strides = array<i32>} : memref<8x96xf32, #tpu.memory_space<vmem>>, vector<16xf32>,
      %gt3A_1180 = arith.cmpf ogt, %add3A_1175, %get3A_1179 : vector<16xf32>
      %convert_element_type3A_1181 = arith.extui %gt3A_1180 : vector<16xi1> to vector<16xi32>
      %convert_element_type3A_1182 = arith.sitofp %convert_element_type3A_1181 : vector<16xi32> to vector<16xf32>
      %swap3A_1183 = arith.constant 6 : i32
      %swap3A_1184 = arith.index_cast %swap3A_1183 : i32 to index
      %swap3A_1185 = arith.constant 32 : index
      %swap3A_1186 = tpu.vector_load %arg16[%swap3A_1184, %swap3A_1185] {strides = array<i32>} : memref<8x96xf32, #tpu.memory_space<vmem>>, vector<16xf32>,
      tpu.vector_store %arg16[%swap3A_1184, %swap3A_1185], %convert_element_type3A_1182 {strides = array<i32>} : memref<8x96xf32, #tpu.memory_space<vmem>>, vector<16xf32>,
      %get3A_1187 = arith.constant 6 : i32
      %get3A_1188 = arith.index_cast %get3A_1187 : i32 to index
      %get3A_1189 = arith.constant 48 : index
      %get3A_1190 = tpu.vector_load %arg14[%get3A_1188, %get3A_1189] {strides = array<i32>} : memref<8x96xf32, #tpu.memory_space<vmem>>, vector<16xf32>,
      %mul3A_1191 = arith.constant 0.899999976 : f32
      %mul3A_1192 = vector.broadcast %mul3A_1191 : f32 to vector<16xf32>
      %mul3A_1193 = arith.mulf %mul3A_1192, %get3A_1190 : vector<16xf32>
      %get3A_1194 = arith.constant 6 : i32
      %get3A_1195 = arith.index_cast %get3A_1194 : i32 to index
      %get3A_1196 = arith.constant 48 : index
      %get3A_1197 = tpu.vector_load %arg13[%get3A_1195, %get3A_1196] {strides = array<i32>} : memref<8x96xf32, #tpu.memory_space<vmem>>, vector<16xf32>,
      %add3A_1198 = arith.addf %mul3A_1193, %get3A_1197 : vector<16xf32>
      %get3A_1199 = arith.constant 624 : index
      %get3A_1200 = tpu.vector_load %arg12[%get3A_1199] {strides = array<i32>} : memref<768xf32, #tpu.memory_space<vmem>>, vector<16xf32>,
      %add3A_1201 = arith.addf %add3A_1198, %get3A_1200 : vector<16xf32>
      %get3A_1202 = arith.constant 6 : i32
      %get3A_1203 = arith.index_cast %get3A_1202 : i32 to index
      %get3A_1204 = arith.constant 48 : index
      %get3A_1205 = tpu.vector_load %arg15[%get3A_1203, %get3A_1204] {strides = array<i32>} : memref<8x96xf32, #tpu.memory_space<vmem>>, vector<16xf32>,
      %gt3A_1206 = arith.cmpf ogt, %add3A_1201, %get3A_1205 : vector<16xf32>
      %convert_element_type3A_1207 = arith.extui %gt3A_1206 : vector<16xi1> to vector<16xi32>
      %convert_element_type3A_1208 = arith.sitofp %convert_element_type3A_1207 : vector<16xi32> to vector<16xf32>
      %swap3A_1209 = arith.constant 6 : i32
      %swap3A_1210 = arith.index_cast %swap3A_1209 : i32 to index
      %swap3A_1211 = arith.constant 48 : index
      %swap3A_1212 = tpu.vector_load %arg16[%swap3A_1210, %swap3A_1211] {strides = array<i32>} : memref<8x96xf32, #tpu.memory_space<vmem>>, vector<16xf32>,
      tpu.vector_store %arg16[%swap3A_1210, %swap3A_1211], %convert_element_type3A_1208 {strides = array<i32>} : memref<8x96xf32, #tpu.memory_space<vmem>>, vector<16xf32>,
      %get3A_1213 = arith.constant 6 : i32
      %get3A_1214 = arith.index_cast %get3A_1213 : i32 to index
      %get3A_1215 = arith.constant 64 : index
      %get3A_1216 = tpu.vector_load %arg14[%get3A_1214, %get3A_1215] {strides = array<i32>} : memref<8x96xf32, #tpu.memory_space<vmem>>, vector<16xf32>,
      %mul3A_1217 = arith.constant 0.899999976 : f32
      %mul3A_1218 = vector.broadcast %mul3A_1217 : f32 to vector<16xf32>
      %mul3A_1219 = arith.mulf %mul3A_1218, %get3A_1216 : vector<16xf32>
      %get3A_1220 = arith.constant 6 : i32
      %get3A_1221 = arith.index_cast %get3A_1220 : i32 to index
      %get3A_1222 = arith.constant 64 : index
      %get3A_1223 = tpu.vector_load %arg13[%get3A_1221, %get3A_1222] {strides = array<i32>} : memref<8x96xf32, #tpu.memory_space<vmem>>, vector<16xf32>,
      %add3A_1224 = arith.addf %mul3A_1219, %get3A_1223 : vector<16xf32>
      %get3A_1225 = arith.constant 640 : index
      %get3A_1226 = tpu.vector_load %arg12[%get3A_1225] {strides = array<i32>} : memref<768xf32, #tpu.memory_space<vmem>>, vector<16xf32>,
      %add3A_1227 = arith.addf %add3A_1224, %get3A_1226 : vector<16xf32>
      %get3A_1228 = arith.constant 6 : i32
      %get3A_1229 = arith.index_cast %get3A_1228 : i32 to index
      %get3A_1230 = arith.constant 64 : index
      %get3A_1231 = tpu.vector_load %arg15[%get3A_1229, %get3A_1230] {strides = array<i32>} : memref<8x96xf32, #tpu.memory_space<vmem>>, vector<16xf32>,
      %gt3A_1232 = arith.cmpf ogt, %add3A_1227, %get3A_1231 : vector<16xf32>
      %convert_element_type3A_1233 = arith.extui %gt3A_1232 : vector<16xi1> to vector<16xi32>
      %convert_element_type3A_1234 = arith.sitofp %convert_element_type3A_1233 : vector<16xi32> to vector<16xf32>
      %swap3A_1235 = arith.constant 6 : i32
      %swap3A_1236 = arith.index_cast %swap3A_1235 : i32 to index
      %swap3A_1237 = arith.constant 64 : index
      %swap3A_1238 = tpu.vector_load %arg16[%swap3A_1236, %swap3A_1237] {strides = array<i32>} : memref<8x96xf32, #tpu.memory_space<vmem>>, vector<16xf32>,
      tpu.vector_store %arg16[%swap3A_1236, %swap3A_1237], %convert_element_type3A_1234 {strides = array<i32>} : memref<8x96xf32, #tpu.memory_space<vmem>>, vector<16xf32>,
      %get3A_1239 = arith.constant 6 : i32
      %get3A_1240 = arith.index_cast %get3A_1239 : i32 to index
      %get3A_1241 = arith.constant 80 : index
      %get3A_1242 = tpu.vector_load %arg14[%get3A_1240, %get3A_1241] {strides = array<i32>} : memref<8x96xf32, #tpu.memory_space<vmem>>, vector<16xf32>,
      %mul3A_1243 = arith.constant 0.899999976 : f32
      %mul3A_1244 = vector.broadcast %mul3A_1243 : f32 to vector<16xf32>
      %mul3A_1245 = arith.mulf %mul3A_1244, %get3A_1242 : vector<16xf32>
      %get3A_1246 = arith.constant 6 : i32
      %get3A_1247 = arith.index_cast %get3A_1246 : i32 to index
      %get3A_1248 = arith.constant 80 : index
      %get3A_1249 = tpu.vector_load %arg13[%get3A_1247, %get3A_1248] {strides = array<i32>} : memref<8x96xf32, #tpu.memory_space<vmem>>, vector<16xf32>,
      %add3A_1250 = arith.addf %mul3A_1245, %get3A_1249 : vector<16xf32>
      %get3A_1251 = arith.constant 656 : index
      %get3A_1252 = tpu.vector_load %arg12[%get3A_1251] {strides = array<i32>} : memref<768xf32, #tpu.memory_space<vmem>>, vector<16xf32>,
      %add3A_1253 = arith.addf %add3A_1250, %get3A_1252 : vector<16xf32>
      %get3A_1254 = arith.constant 6 : i32
      %get3A_1255 = arith.index_cast %get3A_1254 : i32 to index
      %get3A_1256 = arith.constant 80 : index
      %get3A_1257 = tpu.vector_load %arg15[%get3A_1255, %get3A_1256] {strides = array<i32>} : memref<8x96xf32, #tpu.memory_space<vmem>>, vector<16xf32>,
      %gt3A_1258 = arith.cmpf ogt, %add3A_1253, %get3A_1257 : vector<16xf32>
      %convert_element_type3A_1259 = arith.extui %gt3A_1258 : vector<16xi1> to vector<16xi32>
      %convert_element_type3A_1260 = arith.sitofp %convert_element_type3A_1259 : vector<16xi32> to vector<16xf32>
      %swap3A_1261 = arith.constant 6 : i32
      %swap3A_1262 = arith.index_cast %swap3A_1261 : i32 to index
      %swap3A_1263 = arith.constant 80 : index
      %swap3A_1264 = tpu.vector_load %arg16[%swap3A_1262, %swap3A_1263] {strides = array<i32>} : memref<8x96xf32, #tpu.memory_space<vmem>>, vector<16xf32>,
      tpu.vector_store %arg16[%swap3A_1262, %swap3A_1263], %convert_element_type3A_1260 {strides = array<i32>} : memref<8x96xf32, #tpu.memory_space<vmem>>, vector<16xf32>,
      %get3A_1265 = arith.constant 7 : i32
      %get3A_1266 = arith.index_cast %get3A_1265 : i32 to index
      %get3A_1267 = arith.constant 0 : index
      %get3A_1268 = tpu.vector_load %arg14[%get3A_1266, %get3A_1267] {strides = array<i32>} : memref<8x96xf32, #tpu.memory_space<vmem>>, vector<16xf32>,
      %mul3A_1269 = arith.constant 0.899999976 : f32
      %mul3A_1270 = vector.broadcast %mul3A_1269 : f32 to vector<16xf32>
      %mul3A_1271 = arith.mulf %mul3A_1270, %get3A_1268 : vector<16xf32>
      %get3A_1272 = arith.constant 7 : i32
      %get3A_1273 = arith.index_cast %get3A_1272 : i32 to index
      %get3A_1274 = arith.constant 0 : index
      %get3A_1275 = tpu.vector_load %arg13[%get3A_1273, %get3A_1274] {strides = array<i32>} : memref<8x96xf32, #tpu.memory_space<vmem>>, vector<16xf32>,
      %add3A_1276 = arith.addf %mul3A_1271, %get3A_1275 : vector<16xf32>
      %get3A_1277 = arith.constant 672 : index
      %get3A_1278 = tpu.vector_load %arg12[%get3A_1277] {strides = array<i32>} : memref<768xf32, #tpu.memory_space<vmem>>, vector<16xf32>,
      %add3A_1279 = arith.addf %add3A_1276, %get3A_1278 : vector<16xf32>
      %get3A_1280 = arith.constant 7 : i32
      %get3A_1281 = arith.index_cast %get3A_1280 : i32 to index
      %get3A_1282 = arith.constant 0 : index
      %get3A_1283 = tpu.vector_load %arg15[%get3A_1281, %get3A_1282] {strides = array<i32>} : memref<8x96xf32, #tpu.memory_space<vmem>>, vector<16xf32>,
      %gt3A_1284 = arith.cmpf ogt, %add3A_1279, %get3A_1283 : vector<16xf32>
      %convert_element_type3A_1285 = arith.extui %gt3A_1284 : vector<16xi1> to vector<16xi32>
      %convert_element_type3A_1286 = arith.sitofp %convert_element_type3A_1285 : vector<16xi32> to vector<16xf32>
      %swap3A_1287 = arith.constant 7 : i32
      %swap3A_1288 = arith.index_cast %swap3A_1287 : i32 to index
      %swap3A_1289 = arith.constant 0 : index
      %swap3A_1290 = tpu.vector_load %arg16[%swap3A_1288, %swap3A_1289] {strides = array<i32>} : memref<8x96xf32, #tpu.memory_space<vmem>>, vector<16xf32>,
      tpu.vector_store %arg16[%swap3A_1288, %swap3A_1289], %convert_element_type3A_1286 {strides = array<i32>} : memref<8x96xf32, #tpu.memory_space<vmem>>, vector<16xf32>,
      %get3A_1291 = arith.constant 7 : i32
      %get3A_1292 = arith.index_cast %get3A_1291 : i32 to index
      %get3A_1293 = arith.constant 16 : index
      %get3A_1294 = tpu.vector_load %arg14[%get3A_1292, %get3A_1293] {strides = array<i32>} : memref<8x96xf32, #tpu.memory_space<vmem>>, vector<16xf32>,
      %mul3A_1295 = arith.constant 0.899999976 : f32
      %mul3A_1296 = vector.broadcast %mul3A_1295 : f32 to vector<16xf32>
      %mul3A_1297 = arith.mulf %mul3A_1296, %get3A_1294 : vector<16xf32>
      %get3A_1298 = arith.constant 7 : i32
      %get3A_1299 = arith.index_cast %get3A_1298 : i32 to index
      %get3A_1300 = arith.constant 16 : index
      %get3A_1301 = tpu.vector_load %arg13[%get3A_1299, %get3A_1300] {strides = array<i32>} : memref<8x96xf32, #tpu.memory_space<vmem>>, vector<16xf32>,
      %add3A_1302 = arith.addf %mul3A_1297, %get3A_1301 : vector<16xf32>
      %get3A_1303 = arith.constant 688 : index
      %get3A_1304 = tpu.vector_load %arg12[%get3A_1303] {strides = array<i32>} : memref<768xf32, #tpu.memory_space<vmem>>, vector<16xf32>,
      %add3A_1305 = arith.addf %add3A_1302, %get3A_1304 : vector<16xf32>
      %get3A_1306 = arith.constant 7 : i32
      %get3A_1307 = arith.index_cast %get3A_1306 : i32 to index
      %get3A_1308 = arith.constant 16 : index
      %get3A_1309 = tpu.vector_load %arg15[%get3A_1307, %get3A_1308] {strides = array<i32>} : memref<8x96xf32, #tpu.memory_space<vmem>>, vector<16xf32>,
      %gt3A_1310 = arith.cmpf ogt, %add3A_1305, %get3A_1309 : vector<16xf32>
      %convert_element_type3A_1311 = arith.extui %gt3A_1310 : vector<16xi1> to vector<16xi32>
      %convert_element_type3A_1312 = arith.sitofp %convert_element_type3A_1311 : vector<16xi32> to vector<16xf32>
      %swap3A_1313 = arith.constant 7 : i32
      %swap3A_1314 = arith.index_cast %swap3A_1313 : i32 to index
      %swap3A_1315 = arith.constant 16 : index
      %swap3A_1316 = tpu.vector_load %arg16[%swap3A_1314, %swap3A_1315] {strides = array<i32>} : memref<8x96xf32, #tpu.memory_space<vmem>>, vector<16xf32>,
      tpu.vector_store %arg16[%swap3A_1314, %swap3A_1315], %convert_element_type3A_1312 {strides = array<i32>} : memref<8x96xf32, #tpu.memory_space<vmem>>, vector<16xf32>,
      %get3A_1317 = arith.constant 7 : i32
      %get3A_1318 = arith.index_cast %get3A_1317 : i32 to index
      %get3A_1319 = arith.constant 32 : index
      %get3A_1320 = tpu.vector_load %arg14[%get3A_1318, %get3A_1319] {strides = array<i32>} : memref<8x96xf32, #tpu.memory_space<vmem>>, vector<16xf32>,
      %mul3A_1321 = arith.constant 0.899999976 : f32
      %mul3A_1322 = vector.broadcast %mul3A_1321 : f32 to vector<16xf32>
      %mul3A_1323 = arith.mulf %mul3A_1322, %get3A_1320 : vector<16xf32>
      %get3A_1324 = arith.constant 7 : i32
      %get3A_1325 = arith.index_cast %get3A_1324 : i32 to index
      %get3A_1326 = arith.constant 32 : index
      %get3A_1327 = tpu.vector_load %arg13[%get3A_1325, %get3A_1326] {strides = array<i32>} : memref<8x96xf32, #tpu.memory_space<vmem>>, vector<16xf32>,
      %add3A_1328 = arith.addf %mul3A_1323, %get3A_1327 : vector<16xf32>
      %get3A_1329 = arith.constant 704 : index
      %get3A_1330 = tpu.vector_load %arg12[%get3A_1329] {strides = array<i32>} : memref<768xf32, #tpu.memory_space<vmem>>, vector<16xf32>,
      %add3A_1331 = arith.addf %add3A_1328, %get3A_1330 : vector<16xf32>
      %get3A_1332 = arith.constant 7 : i32
      %get3A_1333 = arith.index_cast %get3A_1332 : i32 to index
      %get3A_1334 = arith.constant 32 : index
      %get3A_1335 = tpu.vector_load %arg15[%get3A_1333, %get3A_1334] {strides = array<i32>} : memref<8x96xf32, #tpu.memory_space<vmem>>, vector<16xf32>,
      %gt3A_1336 = arith.cmpf ogt, %add3A_1331, %get3A_1335 : vector<16xf32>
      %convert_element_type3A_1337 = arith.extui %gt3A_1336 : vector<16xi1> to vector<16xi32>
      %convert_element_type3A_1338 = arith.sitofp %convert_element_type3A_1337 : vector<16xi32> to vector<16xf32>
      %swap3A_1339 = arith.constant 7 : i32
      %swap3A_1340 = arith.index_cast %swap3A_1339 : i32 to index
      %swap3A_1341 = arith.constant 32 : index
      %swap3A_1342 = tpu.vector_load %arg16[%swap3A_1340, %swap3A_1341] {strides = array<i32>} : memref<8x96xf32, #tpu.memory_space<vmem>>, vector<16xf32>,
      tpu.vector_store %arg16[%swap3A_1340, %swap3A_1341], %convert_element_type3A_1338 {strides = array<i32>} : memref<8x96xf32, #tpu.memory_space<vmem>>, vector<16xf32>,
      %get3A_1343 = arith.constant 7 : i32
      %get3A_1344 = arith.index_cast %get3A_1343 : i32 to index
      %get3A_1345 = arith.constant 48 : index
      %get3A_1346 = tpu.vector_load %arg14[%get3A_1344, %get3A_1345] {strides = array<i32>} : memref<8x96xf32, #tpu.memory_space<vmem>>, vector<16xf32>,
      %mul3A_1347 = arith.constant 0.899999976 : f32
      %mul3A_1348 = vector.broadcast %mul3A_1347 : f32 to vector<16xf32>
      %mul3A_1349 = arith.mulf %mul3A_1348, %get3A_1346 : vector<16xf32>
      %get3A_1350 = arith.constant 7 : i32
      %get3A_1351 = arith.index_cast %get3A_1350 : i32 to index
      %get3A_1352 = arith.constant 48 : index
      %get3A_1353 = tpu.vector_load %arg13[%get3A_1351, %get3A_1352] {strides = array<i32>} : memref<8x96xf32, #tpu.memory_space<vmem>>, vector<16xf32>,
      %add3A_1354 = arith.addf %mul3A_1349, %get3A_1353 : vector<16xf32>
      %get3A_1355 = arith.constant 720 : index
      %get3A_1356 = tpu.vector_load %arg12[%get3A_1355] {strides = array<i32>} : memref<768xf32, #tpu.memory_space<vmem>>, vector<16xf32>,
      %add3A_1357 = arith.addf %add3A_1354, %get3A_1356 : vector<16xf32>
      %get3A_1358 = arith.constant 7 : i32
      %get3A_1359 = arith.index_cast %get3A_1358 : i32 to index
      %get3A_1360 = arith.constant 48 : index
      %get3A_1361 = tpu.vector_load %arg15[%get3A_1359, %get3A_1360] {strides = array<i32>} : memref<8x96xf32, #tpu.memory_space<vmem>>, vector<16xf32>,
      %gt3A_1362 = arith.cmpf ogt, %add3A_1357, %get3A_1361 : vector<16xf32>
      %convert_element_type3A_1363 = arith.extui %gt3A_1362 : vector<16xi1> to vector<16xi32>
      %convert_element_type3A_1364 = arith.sitofp %convert_element_type3A_1363 : vector<16xi32> to vector<16xf32>
      %swap3A_1365 = arith.constant 7 : i32
      %swap3A_1366 = arith.index_cast %swap3A_1365 : i32 to index
      %swap3A_1367 = arith.constant 48 : index
      %swap3A_1368 = tpu.vector_load %arg16[%swap3A_1366, %swap3A_1367] {strides = array<i32>} : memref<8x96xf32, #tpu.memory_space<vmem>>, vector<16xf32>,
      tpu.vector_store %arg16[%swap3A_1366, %swap3A_1367], %convert_element_type3A_1364 {strides = array<i32>} : memref<8x96xf32, #tpu.memory_space<vmem>>, vector<16xf32>,
      %get3A_1369 = arith.constant 7 : i32
      %get3A_1370 = arith.index_cast %get3A_1369 : i32 to index
      %get3A_1371 = arith.constant 64 : index
      %get3A_1372 = tpu.vector_load %arg14[%get3A_1370, %get3A_1371] {strides = array<i32>} : memref<8x96xf32, #tpu.memory_space<vmem>>, vector<16xf32>,
      %mul3A_1373 = arith.constant 0.899999976 : f32
      %mul3A_1374 = vector.broadcast %mul3A_1373 : f32 to vector<16xf32>
      %mul3A_1375 = arith.mulf %mul3A_1374, %get3A_1372 : vector<16xf32>
      %get3A_1376 = arith.constant 7 : i32
      %get3A_1377 = arith.index_cast %get3A_1376 : i32 to index
      %get3A_1378 = arith.constant 64 : index
      %get3A_1379 = tpu.vector_load %arg13[%get3A_1377, %get3A_1378] {strides = array<i32>} : memref<8x96xf32, #tpu.memory_space<vmem>>, vector<16xf32>,
      %add3A_1380 = arith.addf %mul3A_1375, %get3A_1379 : vector<16xf32>
      %get3A_1381 = arith.constant 736 : index
      %get3A_1382 = tpu.vector_load %arg12[%get3A_1381] {strides = array<i32>} : memref<768xf32, #tpu.memory_space<vmem>>, vector<16xf32>,
      %add3A_1383 = arith.addf %add3A_1380, %get3A_1382 : vector<16xf32>
      %get3A_1384 = arith.constant 7 : i32
      %get3A_1385 = arith.index_cast %get3A_1384 : i32 to index
      %get3A_1386 = arith.constant 64 : index
      %get3A_1387 = tpu.vector_load %arg15[%get3A_1385, %get3A_1386] {strides = array<i32>} : memref<8x96xf32, #tpu.memory_space<vmem>>, vector<16xf32>,
      %gt3A_1388 = arith.cmpf ogt, %add3A_1383, %get3A_1387 : vector<16xf32>
      %convert_element_type3A_1389 = arith.extui %gt3A_1388 : vector<16xi1> to vector<16xi32>
      %convert_element_type3A_1390 = arith.sitofp %convert_element_type3A_1389 : vector<16xi32> to vector<16xf32>
      %swap3A_1391 = arith.constant 7 : i32
      %swap3A_1392 = arith.index_cast %swap3A_1391 : i32 to index
      %swap3A_1393 = arith.constant 64 : index
      %swap3A_1394 = tpu.vector_load %arg16[%swap3A_1392, %swap3A_1393] {strides = array<i32>} : memref<8x96xf32, #tpu.memory_space<vmem>>, vector<16xf32>,
      tpu.vector_store %arg16[%swap3A_1392, %swap3A_1393], %convert_element_type3A_1390 {strides = array<i32>} : memref<8x96xf32, #tpu.memory_space<vmem>>, vector<16xf32>,
      %get3A_1395 = arith.constant 7 : i32
      %get3A_1396 = arith.index_cast %get3A_1395 : i32 to index
      %get3A_1397 = arith.constant 80 : index
      %get3A_1398 = tpu.vector_load %arg14[%get3A_1396, %get3A_1397] {strides = array<i32>} : memref<8x96xf32, #tpu.memory_space<vmem>>, vector<16xf32>,
      %mul3A_1399 = arith.constant 0.899999976 : f32
      %mul3A_1400 = vector.broadcast %mul3A_1399 : f32 to vector<16xf32>
      %mul3A_1401 = arith.mulf %mul3A_1400, %get3A_1398 : vector<16xf32>
      %get3A_1402 = arith.constant 7 : i32
      %get3A_1403 = arith.index_cast %get3A_1402 : i32 to index
      %get3A_1404 = arith.constant 80 : index
      %get3A_1405 = tpu.vector_load %arg13[%get3A_1403, %get3A_1404] {strides = array<i32>} : memref<8x96xf32, #tpu.memory_space<vmem>>, vector<16xf32>,
      %add3A_1406 = arith.addf %mul3A_1401, %get3A_1405 : vector<16xf32>
      %get3A_1407 = arith.constant 752 : index
      %get3A_1408 = tpu.vector_load %arg12[%get3A_1407] {strides = array<i32>} : memref<768xf32, #tpu.memory_space<vmem>>, vector<16xf32>,
      %add3A_1409 = arith.addf %add3A_1406, %get3A_1408 : vector<16xf32>
      %get3A_1410 = arith.constant 7 : i32
      %get3A_1411 = arith.index_cast %get3A_1410 : i32 to index
      %get3A_1412 = arith.constant 80 : index
      %get3A_1413 = tpu.vector_load %arg15[%get3A_1411, %get3A_1412] {strides = array<i32>} : memref<8x96xf32, #tpu.memory_space<vmem>>, vector<16xf32>,
      %gt3A_1414 = arith.cmpf ogt, %add3A_1409, %get3A_1413 : vector<16xf32>
      %convert_element_type3A_1415 = arith.extui %gt3A_1414 : vector<16xi1> to vector<16xi32>
      %convert_element_type3A_1416 = arith.sitofp %convert_element_type3A_1415 : vector<16xi32> to vector<16xf32>
      %swap3A_1417 = arith.constant 7 : i32
      %swap3A_1418 = arith.index_cast %swap3A_1417 : i32 to index
      %swap3A_1419 = arith.constant 80 : index
      %swap3A_1420 = tpu.vector_load %arg16[%swap3A_1418, %swap3A_1419] {strides = array<i32>} : memref<8x96xf32, #tpu.memory_space<vmem>>, vector<16xf32>,
      tpu.vector_store %arg16[%swap3A_1418, %swap3A_1419], %convert_element_type3A_1416 {strides = array<i32>} : memref<8x96xf32, #tpu.memory_space<vmem>>, vector<16xf32>,
      "tpu.region"() ({
        %run_scoped3A = tpu.sem_alloc : memref<!tpu.dma_semaphore, #tpu.memory_space<semaphore_mem>>
        %dma_start3A_1421 = arith.constant 0 : i32
        %dma_start3A_1422 = tpu.memref_slice %arg7[%multiple_of3A, %dma_start3A_1421] : memref<96x96xf32, #tpu.memory_space<hbm>> -> memref<8x96xf32, #tpu.memory_space<hbm>>
        %dma_start3A_1423 = arith.constant 0 : i32
        %dma_start3A_1424 = tpu.memref_slice %arg7[%multiple_of3A, %dma_start3A_1423] : memref<96x96xf32, #tpu.memory_space<hbm>> -> memref<8x96xf32, #tpu.memory_space<hbm>>
        tpu.enqueue_dma source(%arg16 : memref<8x96xf32, #tpu.memory_space<vmem>>) target(%dma_start3A_1424 : memref<8x96xf32, #tpu.memory_space<hbm>>) target_semaphore(%run_scoped3A : memref<!tpu.dma_semaphore, #tpu.memory_space<semaphore_mem>>)
        %dma_wait3A_1425 = arith.constant 0 : i32
        %dma_wait3A_1426 = tpu.memref_slice %arg7[%multiple_of3A, %dma_wait3A_1425] : memref<96x96xf32, #tpu.memory_space<hbm>> -> memref<8x96xf32, #tpu.memory_space<hbm>>
        %dma_wait3A_1427 = arith.constant 0 : i32
        %dma_wait3A_1428 = tpu.memref_slice %arg7[%multiple_of3A, %dma_wait3A_1427] : memref<96x96xf32, #tpu.memory_space<hbm>> -> memref<8x96xf32, #tpu.memory_space<hbm>>
        tpu.wait_dma2 semaphore(%run_scoped3A : memref<!tpu.dma_semaphore, #tpu.memory_space<semaphore_mem>>) src(%arg16 : memref<8x96xf32, #tpu.memory_space<vmem>>) dst(%dma_wait3A_1428 : memref<8x96xf32, #tpu.memory_space<hbm>>)
        tpu.yield
      }) : () -> ()
    } else {
    }
    return
  }
}

</mosaic_0001>

<sc_bundles>
// kernel: kernel.3.cloned.1.call-start
scs
__scs_entry_jumppad:
0x0: {  	(pc) =	sbr.rel $0x88, $3  }
0x1: {  	(tag) =	ssettag $0x0;
	lr =	simm.s32 $0x1  }
0x2: {  	[smem:$0x3F9C] =	sst lr;
	_ =	strace $0xD0000000  }
0x3: {  	_ = 	snop  }
0x4: {  	_ = 	snop  }
0x5: {  	_ = 	snop  }
0x6: {  	_ = 	snop  }
0x7: {  	_ = 	snop  }
__scs_overlays_trampoline_lowered:
0x8: {  	[smem:$0x3FAB] =	sst s0  }
0x9: {  	[smem:$0x3FAC] =	sst s1  }
0xa: {  	[smem:$0x3FAD] =	sst s2  }
0xb: {  	[smem:$0x3FAE] =	sst s3  }
0xc: {  	[smem:$0x3FAF] =	sst s4  }
0xd: {  	[smem:$0x3FB0] =	sst s5  }
0xe: {  	[smem:$0x3FB1] =	sst s6  }
0xf: {  	[smem:$0x3FB2] =	sst s7  }
0x10: {  	[smem:$0x3FB3] =	sst s8  }
0x11: {  	[smem:$0x3FB4] =	sst s9;
	s0 =	simm.s32 @!p0 $0x0  }
0x12: {  	s1 =	sld [smem:$0x3F9A];
	s0 =	simm.s32 @p0 $0x1  }
0x13: {  	[smem:$0x3FB5] =	sst s0;
	s0 =	simm.s32 @!p1 $0x0  }
0x14: {  	s2 =	sld [smem:$0x3F99];
	s0 =	simm.s32 @p1 $0x1  }
0x15: {  	[smem:$0x3FB6] =	sst s0;
	s0 =	simm.s32 @!p2 $0x0  }
0x16: {  	s3 =	sld [smem:$0x3FDB];
	s0 =	simm.s32 @p2 $0x1  }
0x17: {  	s4 =	simm.s32 $0x1BF5;
	[smem:$0x3FB8] =	sst s0  }
0x18: {  	s0 =	sld [smem:$0x3F9B];
	_ =	swait.ge [sflag:s4], $0x0  }
0x19: {  	s7 =	sld [smem:$0x3F9C]  }
0x1a: {  	s8 =	sadd.s32 $0xFFFFE003, lr  }
0x1b: {  	s9 =	sadd.s32 $0xFFFFFEF7, lr;
	s5 =	simm.s32 $0xFFFFFFFF;
	p2 =	slt.u32 s8, $0xFFFFF086  }
0x1c: {  	p1 =	slt.u32 s9, $0xF7A;
	s5 =	simm.s32 @!p2 $0x0  }
0x1d: {  	s5 =	simm.s32 @p1 $0x1;
	p0 =	seq.s32 s7, s2  }
0x1e: {  	s7 =	smul.u32 @!p0 $0xF7A, s2;
	p2 =	seq.s32 @!p0 s5, $0x0  }
0x1f: {  	s9 =	smul.u32 $0xF7A, s1;
	s8 =	simm.s32 @!p0 $0x1BF5;
	p2 =	por !p2, p0  }
0x20: {  	[sflag:s8] =	ssyncset.s32 @!p0 $0xFFFFF086;
	s6 =	sadd.s32 @!p0 s3, s7;
	s7 =	simm.s32 @!p0 $0x108  }
0x21: {  	s3 =	sadd.s32 s3, s9;
	s6 =	sadd.s32 @!p0 $0x88, s6;
	s7 =	simm.s32 @p2 $0x1082  }
0x22: {  	[simem:s7], [sflag:s8] =	dma.local @!p0 [hbm:s6], $0xF7A  }
0x23: {  	s9 =	sor.u32 $0xD0000000, s2;
	s6 =	simm.s32 $0x108;
	_ =	swait.ge @!p0 [sflag:s8], $0x0  }
0x24: {  	s3 =	sadd.s32 $0x88, s3;
	s6 =	simm.s32 @!p1 $0x1082;
	[sflag:s4] =	ssyncset.s32 $0xFFFFF086  }
0x25: {  	[simem:s6], [sflag:s4] =	dma.local [hbm:s3], $0xF7A  }
0x26: {  	[smem:$0x3F9C] =	sst s1;
	(tag) =	ssettag s2;
	_ =	strace s9  }
0x27: {  	s1 =	sld [smem:$0x3FAC]  }
0x28: {  	s2 =	sld [smem:$0x3FAD]  }
0x29: {  	s4 =	sld [smem:$0x3FAF]  }
0x2a: {  	p0 =	seq.s32 s5, $0x0;
	s5 =	sld [smem:$0x3FB0]  }
0x2b: {  	s6 =	sld [smem:$0x3FB1]  }
0x2c: {  	s7 =	sld [smem:$0x3FB2]  }
0x2d: {  	s3 =	simm.s32 $0x108;
	s8 =	sld [smem:$0x3FB3]  }
0x2e: {  	s3 =	simm.s32 @!p0 $0x1082;
	s9 =	sld [smem:$0x3FB4]  }
0x2f: {  	lr =	sadd.s32 s0, s3;
	s0 =	sld [smem:$0x3FAB]  }
0x30: {  	s3 =	sld [smem:$0x3FAE]  }
0x31: {  	[smem:$0x3FB7] =	sst s10  }
0x32: {  	s10 =	sld [smem:$0x3FB5];
	_ =	sdelay $0x3  }
0x33: {  	p0 =	seq.s32 s10, $0x1;
	s10 =	sld [smem:$0x3FB7];
	_ =	sdelay $0x3  }
0x34: {  	[smem:$0x3FB7] =	sst s10  }
0x35: {  	s10 =	sld [smem:$0x3FB6];
	_ =	sdelay $0x3  }
0x36: {  	p1 =	seq.s32 s10, $0x1;
	s10 =	sld [smem:$0x3FB7];
	_ =	sdelay $0x3  }
0x37: {  	[smem:$0x3FB7] =	sst s10  }
0x38: {  	s10 =	sld [smem:$0x3FB8]  }
0x39: {  	_ = 	snop;
	(pc) =	sbr.ind lr, $3  }
0x3a: {  	_ = 	snop  }
0x3b: {  	_ = 	snop  }
0x3c: {  	p2 =	seq.s32 s10, $0x1;
	s10 =	sld [smem:$0x3FB7]  }
0x3d: {  	_ =	shalt  }
0x3e: {  	_ =	shalt  }
0x3f: {  	_ =	shalt  }
0x40: {  	_ =	shalt  }
0x41: {  	_ =	shalt  }
0x42: {  	_ =	shalt  }
0x43: {  	_ =	shalt  }
0x44: {  	_ =	shalt  }
0x45: {  	_ =	shalt  }
0x46: {  	_ =	shalt  }
0x47: {  	_ =	shalt  }
0x48: {  	_ =	shalt  }
0x49: {  	_ =	shalt  }
0x4a: {  	_ =	shalt  }
0x4b: {  	_ =	shalt  }
0x4c: {  	_ =	shalt  }
0x4d: {  	_ =	shalt  }
0x4e: {  	_ =	shalt  }
0x4f: {  	_ =	shalt  }
0x50: {  	_ =	shalt  }
0x51: {  	_ =	shalt  }
0x52: {  	_ =	shalt  }
0x53: {  	_ =	shalt  }
0x54: {  	_ =	shalt  }
0x55: {  	_ =	shalt  }
0x56: {  	_ =	shalt  }
0x57: {  	_ =	shalt  }
0x58: {  	_ =	shalt  }
0x59: {  	_ =	shalt  }
0x5a: {  	_ =	shalt  }
0x5b: {  	_ =	shalt  }
0x5c: {  	_ =	shalt  }
0x5d: {  	_ =	shalt  }
0x5e: {  	_ =	shalt  }
0x5f: {  	_ =	shalt  }
0x60: {  	_ =	shalt  }
0x61: {  	_ =	shalt  }
0x62: {  	_ =	shalt  }
0x63: {  	_ =	shalt  }
0x64: {  	_ =	shalt  }
0x65: {  	_ =	shalt  }
0x66: {  	_ =	shalt  }
0x67: {  	_ =	shalt  }
0x68: {  	_ =	shalt  }
0x69: {  	_ =	shalt  }
0x6a: {  	_ =	shalt  }
0x6b: {  	_ =	shalt  }
0x6c: {  	_ =	shalt  }
0x6d: {  	_ =	shalt  }
0x6e: {  	_ =	shalt  }
0x6f: {  	_ =	shalt  }
0x70: {  	_ =	shalt  }
0x71: {  	_ =	shalt  }
0x72: {  	_ =	shalt  }
0x73: {  	_ =	shalt  }
0x74: {  	_ =	shalt  }
0x75: {  	_ =	shalt  }
0x76: {  	_ =	shalt  }
0x77: {  	_ =	shalt  }
0x78: {  	_ =	shalt  }
0x79: {  	_ =	shalt  }
0x7a: {  	_ =	shalt  }
0x7b: {  	_ =	shalt  }
0x7c: {  	_ =	shalt  }
0x7d: {  	_ =	shalt  }
0x7e: {  	_ =	shalt  }
0x7f: {  	_ =	shalt  }
0x80: {  	_ =	shalt  }
0x81: {  	_ =	shalt  }
0x82: {  	_ =	shalt  }
0x83: {  	_ =	shalt  }
0x84: {  	_ =	shalt  }
0x85: {  	_ =	shalt  }
0x86: {  	_ =	shalt  }
0x87: {  	_ =	shalt  }
.Lfunc_end0:
.L_simem_size_0:
called_computation_lowered:
.L_overlay_start_0:
0x88: {  	s2 =	sld [smem:$0x3FD9]  }
0x89: {  	s3 =	sld [smem:$0x3FFE];
	_ =	sdelay $0x1  }
0x8a: {  	s1 =	srdreg.scid  }
0x8b: {  	s0 =	sand.u32 $0x1, s1  }
0x8c: {  	s17 =	sshll.u32 s0, $0xA;
	s2 =	sadd.s32 s3, s2  }
0x8d: {  	s2 =	sadd.s32 s2, s17  }
0x8e: {  	[smem:$0x3FC3] =	sst s2  }
0x8f: {  	_ = 	snop  }
0x90: {  	s2 =	sld [smem:$0x3FC9]  }
0x91: {  	s18 =	sld [smem:$0x3FC8]  }
0x92: {  	s4 =	sld [smem:$0x3FC7]  }
0x93: {  	s5 =	sld [smem:$0x3FC5]  }
0x94: {  	s6 =	sld [smem:$0x3FD0];
	(tm) =	ssettm $0x1  }
0x95: {  	s7 =	sld [smem:$0x3FFB];
	_ =	sdelay $0x3  }
0x96: {  	_ =	strace s7  }
0x97: {  	s7 =	sld [smem:$0x3FFC];
	_ =	sdelay $0x3  }
0x98: {  	_ =	strace s7  }
0x99: {  	s7 =	sld [smem:$0x3FFD];
	_ =	sdelay $0x3  }
0x9a: {  	_ =	strace s7  }
0x9b: {  	_ =	strace $0x8FFFFFFF  }
0x9c: {  	s19 =	sld [smem:$0x3FDB];
	_ =	sdelay $0x1  }
0x9d: {  	s8 =	simm.s32 $_scs_section_size  }
0x9e: {  	s9 =	simm.s32 $_size__tile_overlayer_lowered;
	s10 =	simm.s32 $_tile_overlayer_lowered  }
0x9f: {  	s22 =	simm.s32 $0x1BFF;
	s21 =	sshll.u32 s10, $0x1;
	s7 =	sadd.s32 s8, s19  }
0xa0: {  	s11 =	simm.s32 $0x0;
	s20 =	sshll.u32 s9, $0x1;
	s9 =	sadd.s32 s21, s7  }
0xa1: {  	[timem:s11], [sflag:s22] =	dma.local [hbm:s9], s20  }
0xa2: {  	_ =	swait.ge [sflag:s22], s20  }
0xa3: {  	s8 =	ssub.s32 $0x0, s20;
	[sflag:s22] =	ssyncset.done $0x0  }
0xa4: {  	[sflag:s22] =	ssyncadd.s32 s8;
	_ =	sdelay $0x1  }
0xa5: {  	s23 =	simm.s32 $0x1B8B  }
0xa6: {  	_ =	swait.ge [sflag:s23], $0x1  }
0xa7: {  	[sflag:s23] =	ssyncset.done $0x0  }
0xa8: {  	s25 =	simm.s32 $0x1B8E;
	s24 =	sld [smem:$0x3FFE];
	[sflag:s23] =	ssyncadd.s32 $0xFFFFFFFF  }
0xa9: {  	s26 =	simm.s32 $execute0_lowered;
	[smem:$0x3FD2] =	sst s25  }
0xaa: {  	s9 =	sshll.u32 s26, $0x1;
	_ =	strace $0x80000046;
	[dreg:$0x1] =	wrdreg $0xFFFFFFFF  }
0xab: {  	s28 =	simm.s32 $_size_execute0_lowered;
	s7 =	sadd.s32 s7, s9;
	[dreg:$0x0] =	wrdreg $0x0  }
0xac: {  	s9 =	sshll.u32 s28, $0x1;
	[dreg:$0x2] =	wrdreg s7  }
0xad: {  	[dreg:$0x3] =	wrdreg s9  }
0xae: {  	[dreg:$0x4] =	wrdreg $0xC0  }
0xaf: {  	_ =	task [dreg:s11], $0x5FFFF  }
0xb0: {  	[dreg:$0x1] =	wrdreg $0xFFFFFFFF  }
0xb1: {  	[dreg:$0x0] =	wrdreg $0x60  }
0xb2: {  	[dreg:$0x2] =	wrdreg s6  }
0xb3: {  	[dreg:$0x3] =	wrdreg s18  }
0xb4: {  	[dreg:$0x4] =	wrdreg s2  }
0xb5: {  	[dreg:$0x5] =	wrdreg s4  }
0xb6: {  	[dreg:$0x6] =	wrdreg s5  }
0xb7: {  	[dreg:$0x7] =	wrdreg s24  }
0xb8: {  	[dreg:$0x8] =	wrdreg $0x9  }
0xb9: {  	_ =	task.clear_ibuf [dreg:s11], $0x9FFFF;
	_ =	strace $0x90000046  }
0xba: {  	s29 =	simm.s32 $0x9;
	_ =	strace $0x80000048  }
0xbb: {  	_ =	swait.ge [sflag:s29], $0x1  }
0xbc: {  	[sflag:s29] =	ssyncadd.s32 $0xFFFFFFFF  }
0xbd: {  	_ =	strace $0x90000048  }
0xbe: {  	_ =	sfence  }
0xbf: {  	s30 =	sld [smem:$0x0];
	_ =	sdelay $0x2  }
0xc0: {  	s31 =	sshll.u32 s1, $0xD;
	s1 =	sshrl.u32 s1, $0x2  }
0xc1: {  	s3 =	sand.u32 $0x4000, s31;
	s1 =	sadd.s32 s1, s30  }
0xc2: {  	s0 =	sor.u32 s3, s0;
	s1 =	sshll.u32 s1, $0x11  }
0xc3: {  	s0 =	sor.u32 s1, s0  }
0xc4: {  	s0 =	sadd.s32 $0x8F2B, s0  }
0xc5: {  	[sflag:s0] =	ssyncadd.remote.s32 $0x1  }
0xc6: {  	_ =	sfence.sel $0xFFFF  }
0xc7: {  	[dreg:$0x0] =	wrdreg $0xFFFFFFFF;
	(pc) =	sbr.abs _section_cstart, $3  }
0xc8: {  	[dreg:$0x1] =	wrdreg $0xFFFFFFFF  }
0xc9: {  	_ =	task.clear_ibuf [dreg:s11], $0x2FFFF;
	_ =	strace $0x9FFFFFFF  }
0xca: {  	(tm) =	ssettm $0x7FFFFFFF  }
0xcb: {  	_ =	shalt  }
tec
execute0_lowered:
.L_overlay_start_1:
0x0: {  	(tag) =	ssettag $0x1  }
0x1: {  	s1 =	stileid.u32  }
0x2: {  	s4 =	rddreg [dreg:$0x1];
	p0 =	sgt.u32 s1, $0x5  }
.Ltmp0:
0x3: {  	s0 =	rddreg [dreg:$0x2];
	(pc) =	sbr.rel @p0 .LBB2_21-.Ltmp0, $4  }
0x4: {  	s2 =	rddreg [dreg:$0x3]  }
0x5: {  	s6 =	rddreg [dreg:$0x4];
	s3 =	simm.s32 $0x0  }
0x6: {  	[smem:$0x7FF] =	sst s3  }
0x7: {  	s5 =	rddreg [dreg:$0x5];
	_ =	strace $0x80000047  }
0x8: {  	s7 =	srdreg.scid;
	s1 =	stileid.u32;
	s13 =	simm.s32 $0x3  }
0x9: {  	s14 =	simm.s32 $0x1;
	s15 =	simm.s32 $0x3700;
	s17 =	simm.s32 $0x3F00  }
0xa: {  	s19 =	simm.s32 $0x4700;
	s20 =	simm.s32 $0x4F00;
	s21 =	simm.s32 $0x5700  }
0xb: {  	s22 =	simm.s32 $0x5F00;
	s7 =	sand.u32 $0x1, s7;
	s8 =	sshll.u32 s1, $0x1  }
0xc: {  	s23 =	simm.s32 $0x2;
	s24 =	simm.s32 $0x7600;
	s8 =	sor.u32 s7, s8  }
0xd: {  	s25 =	simm.s32 $0x900;
	s26 =	simm.s32 $0x1280;
	s9 =	smul.u32 $0x300, s8  }
.Ltmp1:
0xe: {  	s7 =	ssub.s32 $0x2, s7;
	s8 =	sshll.u32 s8, $0x7;
	(pc) =	sbr.rel .LBB2_2-.Ltmp1, $4  }
0xf: {  	v0 =	vlaneseq.u32;
	s28 =	simm.s32 $0x0;
	s31 =	sshrl.u32 s7, $0x1;
	s5 =	sadd.s32 s8, s5  }
0x10: {  	v1 =	vand.u32 $0x7, v0;
	s6 =	sadd.s32 s6, s8;
	s4 =	sadd.s32 s4, s9;
	s5 =	sadd.s32 $0x400, s5  }
0x11: {  	v55 =	vimm.f32 $0.0e+00;
	v2 =	vshrl.u32 v0, $0x3;
	v54 =	vor.u32 $0x8, v0;
	[tilespmem:$0x1FFE0] =	vst v1;
	s9 =	ssub.s32 s7, s31;
	s7 =	sadd.s32 s2, s8;
	s8 =	sadd.s32 s0, s8  }
0x12: {  	vm0 =	vmmov $0xffff;
	v5 =	vimm.s32 $0x0;
	v3 =	vmul.u32 $0x8, v2;
	[tilespmem:$0x1FFF0] =	vst v54;
	s9 =	smax.u32 s9, $0x1;
	s16 =	sadd.s32 $0x100, s4;
	s18 =	sadd.s32 $0x200, s4  }
.LBB2_20:
0x13: {  	_ =	swait.ge [sflag:s23], $0x400  }
0x14: {  	[sflag:s23] =	ssyncset.done $0x0  }
0x15: {  	[sflag:s23] =	ssyncadd.s32 $0xFFFFFC00  }
0x16: {  	_ =	swait.ge [sflag:s23], $0x400  }
0x17: {  	[sflag:s23] =	ssyncset.done $0x0  }
0x18: {  	[sflag:s23] =	ssyncadd.s32 $0xFFFFFC00  }
0x19: {  	_ =	swait.ge [sflag:s23], $0x400  }
0x1a: {  	[sflag:s23] =	ssyncset.done $0x0  }
0x1b: {  	[sflag:s23] =	ssyncadd.s32 $0xFFFFFC00  }
0x1c: {  	v7 =	vld [tilespmem:$0x6E00]  }
0x1d: {  	v14 =	vld [tilespmem:$0x6A00]  }
0x1e: {  	v20 =	vld [tilespmem:$0x6700]  }
0x1f: {  	v36 =	vld [tilespmem:$0x7200]  }
0x20: {  	v2 =	vld [tilespmem:$0x6E10]  }
0x21: {  	v8 =	vld [tilespmem:$0x6A10]  }
0x22: {  	v19 =	vld [tilespmem:$0x6710]  }
0x23: {  	v34 =	vld [tilespmem:$0x7210]  }
0x24: {  	v6 =	vld [tilespmem:$0x6E20]  }
0x25: {  	v17 =	vld [tilespmem:$0x6A20]  }
0x26: {  	v31 =	vld [tilespmem:$0x6720]  }
0x27: {  	v46 =	vld [tilespmem:$0x7220]  }
0x28: {  	v4 =	vld [tilespmem:$0x6E30]  }
0x29: {  	v15 =	vld [tilespmem:$0x6A30]  }
0x2a: {  	v26 =	vld [tilespmem:$0x6730]  }
0x2b: {  	v48 =	vld [tilespmem:$0x7230]  }
0x2c: {  	v51 =	vld [tilespmem:$0x67F0]  }
0x2d: {  	v1 =	vld [tilespmem:$0x6E40]  }
0x2e: {  	v9 =	vld [tilespmem:$0x6A40]  }
0x2f: {  	v21 =	vld [tilespmem:$0x6740]  }
0x30: {  	v40 =	vld [tilespmem:$0x7240]  }
0x31: {  	[tilespmem:$0x1FC00] =	vst v51;
	v51 =	vld [tilespmem:$0x6810]  }
0x32: {  	v10 =	vld [tilespmem:$0x6E50]  }
0x33: {  	v23 =	vld [tilespmem:$0x6A50]  }
0x34: {  	v37 =	vld [tilespmem:$0x6750]  }
0x35: {  	v50 =	vld [tilespmem:$0x7250]  }
0x36: {  	[tilespmem:$0x1FC60] =	vst v51;
	v51 =	vld [tilespmem:$0x6820]  }
0x37: {  	v11 =	vld [tilespmem:$0x6E80]  }
0x38: {  	v24 =	vld [tilespmem:$0x6A80]  }
0x39: {  	v39 =	vld [tilespmem:$0x6760]  }
0x3a: {  	v49 =	vld [tilespmem:$0x7280]  }
0x3b: {  	[tilespmem:$0x1FC70] =	vst v51;
	v51 =	vld [tilespmem:$0x6B90]  }
0x3c: {  	v12 =	vld [tilespmem:$0x6E90]  }
0x3d: {  	v22 =	vld [tilespmem:$0x6A90]  }
0x3e: {  	v42 =	vld [tilespmem:$0x6770]  }
0x3f: {  	v54 =	vld [tilespmem:$0x7290]  }
0x40: {  	[tilespmem:$0x1FC80] =	vst v51;
	v51 =	vld [tilespmem:$0x6830]  }
0x41: {  	v18 =	vld [tilespmem:$0x6EA0]  }
0x42: {  	v33 =	vld [tilespmem:$0x6AA0]  }
0x43: {  	v57 =	vld [tilespmem:$0x6780]  }
0x44: {  	v13 =	vld [tilespmem:$0x72A0]  }
0x45: {  	[tilespmem:$0x1FCD0] =	vst v51;
	v51 =	vld [tilespmem:$0x7390]  }
0x46: {  	v16 =	vld [tilespmem:$0x6EB0]  }
0x47: {  	v32 =	vld [tilespmem:$0x6AB0]  }
0x48: {  	v63 =	vld [tilespmem:$0x6790]  }
0x49: {  	v35 =	vld [tilespmem:$0x72B0]  }
0x4a: {  	[tilespmem:$0x1FD10] =	vst v51;
	v51 =	vld [tilespmem:$0x6FA0]  }
0x4b: {  	v25 =	vld [tilespmem:$0x6AC0]  }
0x4c: {  	v43 =	vld [tilespmem:$0x67A0]  }
0x4d: {  	v27 =	vld [tilespmem:$0x72C0]  }
0x4e: {  	v45 =	vld [tilespmem:$0x6AD0]  }
0x4f: {  	[tilespmem:$0x1FC90] =	vst v51;
	v51 =	vld [tilespmem:$0x6BA0]  }
0x50: {  	v52 =	vld [tilespmem:$0x67B0]  }
0x51: {  	v28 =	vld [tilespmem:$0x72D0]  }
0x52: {  	v60 =	vld [tilespmem:$0x6B00]  }
0x53: {  	v53 =	vld [tilespmem:$0x67C0]  }
0x54: {  	[tilespmem:$0x1FCE0] =	vst v51;
	v51 =	vld [tilespmem:$0x6840]  }
0x55: {  	v29 =	vld [tilespmem:$0x7300]  }
0x56: {  	v44 =	vld [tilespmem:$0x6B10]  }
0x57: {  	v30 =	vld [tilespmem:$0x67D0]  }
0x58: {  	v38 =	vld [tilespmem:$0x7310]  }
0x59: {  	[tilespmem:$0x1FD20] =	vst v51;
	v51 =	vld [tilespmem:$0x73A0]  }
0x5a: {  	v58 =	vld [tilespmem:$0x6B20]  }
0x5b: {  	v41 =	vld [tilespmem:$0x67E0]  }
0x5c: {  	v47 =	vld [tilespmem:$0x7320]  }
0x5d: {  	v62 =	vld [tilespmem:$0x6B30]  }
0x5e: {  	[tilespmem:$0x1FD60] =	vst v51;
	v51 =	vld [tilespmem:$0x6FB0]  }
0x5f: {  	v56 =	vld [tilespmem:$0x7330]  }
0x60: {  	v59 =	vld [tilespmem:$0x7340]  }
0x61: {  	v61 =	vld [tilespmem:$0x6B50]  }
0x62: {  	[tilespmem:$0x1FB80] =	vst v13;
	v13 =	vld [tilespmem:$0x6EC0]  }
0x63: {  	[tilespmem:$0x1FCB0] =	vst v51;
	v51 =	vld [tilespmem:$0x6BB0]  }
0x64: {  	[tilespmem:$0x1FBA0] =	vst v27;
	v27 =	vld [tilespmem:$0x6ED0]  }
0x65: {  	[tilespmem:$0x1FBB0] =	vst v28;
	v28 =	vld [tilespmem:$0x6F00]  }
0x66: {  	[tilespmem:$0x1FBD0] =	vst v29;
	v29 =	vld [tilespmem:$0x6F10]  }
0x67: {  	[tilespmem:$0x1FBF0] =	vst v38;
	v38 =	vld [tilespmem:$0x6F20]  }
0x68: {  	[tilespmem:$0x1FCF0] =	vst v51;
	v51 =	vld [tilespmem:$0x6850]  }
0x69: {  	[tilespmem:$0x1FB90] =	vst v35;
	v35 =	vld [tilespmem:$0x6F30]  }
0x6a: {  	[tilespmem:$0x1FBC0] =	vst v30;
	v30 =	vld [tilespmem:$0x6F40]  }
0x6b: {  	[tilespmem:$0x1FC40] =	vst v56;
	v56 =	vld [tilespmem:$0x6B40]  }
0x6c: {  	[tilespmem:$0x1FBE0] =	vst v41;
	v41 =	vld [tilespmem:$0x6800]  }
0x6d: {  	[tilespmem:$0x1FD40] =	vst v51;
	v51 =	vld [tilespmem:$0x73B0]  }
0x6e: {  	[tilespmem:$0x1FC20] =	vst v47;
	v47 =	vld [tilespmem:$0x6F50]  }
0x6f: {  	[tilespmem:$0x1FC50] =	vst v59;
	v59 =	vld [tilespmem:$0x7350];
	v7 =	vmul.f32 $8.999999760e-01, v7  }
0x70: {  	[tilespmem:$0x1FC30] =	vst v61;
	v61 =	vld [tilespmem:$0x7380]  }
0x71: {  	v6 =	vmul.f32 $8.999999760e-01, v6;
	v7 =	vadd.f32 v14, v7;
	v14 =	vld [tilespmem:$0x6C50]  }
0x72: {  	v4 =	vmul.f32 $8.999999760e-01, v4;
	[tilespmem:$0x1FD90] =	vst v51;
	v51 =	vld [tilespmem:$0x6FC0]  }
0x73: {  	v1 =	vmul.f32 $8.999999760e-01, v1;
	v6 =	vadd.f32 v17, v6;
	v17 =	vld [tilespmem:$0x74C0]  }
0x74: {  	v4 =	vadd.f32 v15, v4;
	v15 =	vld [tilespmem:$0x70D0];
	v7 =	vadd.f32 v20, v7  }
0x75: {  	v1 =	vadd.f32 v9, v1;
	v9 =	vld [tilespmem:$0x7100]  }
0x76: {  	v2 =	vmul.f32 $8.999999760e-01, v2;
	vm10 =	vgt.f32 v7, v36;
	v7 =	vld [tilespmem:$0x7080]  }
0x77: {  	[tilespmem:$0x1FD00] =	vst v51;
	v51 =	vld [tilespmem:$0x6BC0]  }
0x78: {  	v2 =	vadd.f32 v8, v2;
	v20 =	vld [tilespmem:$0x7450]  }
0x79: {  	v1 =	vadd.f32 v21, v1;
	v21 =	vld [tilespmem:$0x7090]  }
0x7a: {  	v2 =	vadd.f32 v19, v2;
	v19 =	vld [tilespmem:$0x6CA0]  }
0x7b: {  	[tilespmem:$0x1FF30] =	vst v7;
	v7 =	vld [tilespmem:$0x6C80]  }
0x7c: {  	[tilespmem:$0x1FD50] =	vst v51;
	v51 =	vld [tilespmem:$0x6860]  }
0x7d: {  	v4 =	vadd.f32 v26, v4;
	v26 =	vld [tilespmem:$0x6D20];
	[tilespmem:$0x1FC10] =	vst v41  }
0x7e: {  	[tilespmem:$0x1FCA0] =	vst v59;
	v41 =	vld [tilespmem:$0x6F80]  }
0x7f: {  	v59 =	vld [tilespmem:$0x6B80];
	[tilespmem:$0x1FCC0] =	vst v61  }
0x80: {  	v61 =	vld [tilespmem:$0x6F90];
	vm5 =	vgt.f32 v2, v34;
	v2 =	vadd.f32 v31, v6;
	v6 =	vmul.f32 $8.999999760e-01, v10;
	[tilespmem:$0x1FF60] =	vst v7  }
0x81: {  	v7 =	vmul.f32 $8.999999760e-01, v11;
	[tilespmem:$0x1FDA0] =	vst v51;
	v51 =	vld [tilespmem:$0x73C0]  }
0x82: {  	v31 =	vld [tilespmem:$0x68E0];
	vm11 =	vgt.f32 v2, v46;
	v2 =	vadd.f32 v23, v6;
	v6 =	vmul.f32 $8.999999760e-01, v12  }
0x83: {  	v34 =	vld [tilespmem:$0x7480];
	vm1 =	vgt.f32 v1, v40;
	v1 =	vadd.f32 v24, v7  }
0x84: {  	vm6 =	vgt.f32 v4, v48;
	v40 =	vld [tilespmem:$0x1FB80];
	v2 =	vadd.f32 v37, v2;
	v4 =	vadd.f32 v22, v6  }
0x85: {  	v48 =	vld [tilespmem:$0x1FBE0];
	v1 =	vadd.f32 v39, v1  }
0x86: {  	vm4 =	vgt.f32 v2, v50;
	v2 =	vadd.f32 v42, v4;
	[tilespmem:$0x1FDE0] =	vst v51;
	v51 =	vld [tilespmem:$0x6FD0]  }
0x87: {  	v6 =	vmul.f32 $8.999999760e-01, v18;
	v7 =	vld [tilespmem:$0x6C90];
	vm2 =	vgt.f32 v1, v49;
	v1 =	vimm.s32 $0x0  }
0x88: {  	[tilespmem:$0x1FF40] =	vst v14;
	v14 =	vld [tilespmem:$0x68D0];
	v1 =	vsel vm2, $0xFFFFFFFF, v1;
	vm2 =	vgt.f32 v2, v54;
	v2 =	vimm.s32 $0x0  }
0x89: {  	v23 =	vld [tilespmem:$0x70A0];
	v4 =	vadd.f32 v33, v6;
	v2 =	vsel vm2, $0xFFFFFFFF, v2  }
0x8a: {  	v46 =	vld [tilespmem:$0x1FBB0];
	[tilespmem:$0x1FDF0] =	vst v2  }
0x8b: {  	v2 =	vadd.f32 v57, v4;
	[tilespmem:$0x1FD30] =	vst v51;
	v51 =	vld [tilespmem:$0x6BD0]  }
0x8c: {  	v12 =	vld [tilespmem:$0x7110];
	[tilespmem:$0x1FF80] =	vst v7;
	v7 =	vmul.f32 $8.999999760e-01, v16  }
0x8d: {  	[tilespmem:$0x1FFA0] =	vst v20;
	v42 =	vld [tilespmem:$0x1FB90];
	vm2 =	vgt.f32 v2, v40;
	v2 =	vimm.s32 $0x0  }
0x8e: {  	v6 =	vld [tilespmem:$0x7490];
	[tilespmem:$0x1FDD0] =	vst v1;
	v1 =	vadd.f32 v32, v7;
	v4 =	vmul.f32 $8.999999760e-01, v27;
	v2 =	vsel vm2, $0xFFFFFFFF, v2  }
0x8f: {  	v20 =	vld [tilespmem:$0x6920];
	[tilespmem:$0x1FE10] =	vst v2  }
0x90: {  	v7 =	vadd.f32 v63, v1;
	v2 =	vadd.f32 v45, v4;
	[tilespmem:$0x1FD70] =	vst v51;
	v51 =	vld [tilespmem:$0x6870]  }
0x91: {  	v36 =	vmul.f32 $8.999999760e-01, v13;
	v37 =	vld [tilespmem:$0x68F0]  }
0x92: {  	vm8 =	vgt.f32 v7, v42;
	v7 =	vld [tilespmem:$0x1FBA0];
	v2 =	vadd.f32 v52, v2  }
0x93: {  	v18 =	vld [tilespmem:$0x74B0];
	[tilespmem:$0x1FFD0] =	vst v6;
	v6 =	vadd.f32 v25, v36  }
0x94: {  	vm12 =	vgt.f32 v2, v46;
	v2 =	vld [tilespmem:$0x1FBC0]  }
0x95: {  	v6 =	vadd.f32 v43, v6;
	v4 =	vmul.f32 $8.999999760e-01, v29;
	[tilespmem:$0x1FDB0] =	vst v51;
	v51 =	vld [tilespmem:$0x73D0]  }
0x96: {  	v22 =	vld [tilespmem:$0x6CC0]  }
0x97: {  	v4 =	vadd.f32 v44, v4;
	v52 =	vld [tilespmem:$0x1FBF0];
	vm9 =	vgt.f32 v6, v7;
	v7 =	vmul.f32 $8.999999760e-01, v38  }
0x98: {  	[tilespmem:$0x1FF70] =	vst v14;
	v14 =	vld [tilespmem:$0x6930]  }
0x99: {  	v39 =	vmul.f32 $8.999999760e-01, v28;
	v2 =	vadd.f32 v2, v4;
	v4 =	vadd.f32 v58, v7;
	v7 =	vld [tilespmem:$0x1FBD0]  }
0x9a: {  	[tilespmem:$0x1FE20] =	vst v51;
	v51 =	vld [tilespmem:$0x7000]  }
0x9b: {  	v11 =	vld [tilespmem:$0x6940];
	v6 =	vadd.f32 v60, v39  }
0x9c: {  	vm15 =	vgt.f32 v2, v52;
	v2 =	vld [tilespmem:$0x1FC00]  }
0x9d: {  	v36 =	vsel vm6, $0x3F800000, v5;
	v24 =	vld [tilespmem:$0x70B0];
	v43 =	vmul.f32 $8.999999760e-01, v35;
	v6 =	vadd.f32 v53, v6  }
0x9e: {  	[tilespmem:$0x7630] =	vst v36;
	v36 =	vld [tilespmem:$0x6960]  }
0x9f: {  	vm13 =	vgt.f32 v6, v7;
	v6 =	vadd.f32 v62, v43;
	[tilespmem:$0x1FD80] =	vst v51;
	v51 =	vld [tilespmem:$0x6C00]  }
0xa0: {  	v54 =	vld [tilespmem:$0x70C0]  }
0xa1: {  	v2 =	vadd.f32 v2, v6;
	v6 =	vld [tilespmem:$0x1FC10]  }
0xa2: {  	v16 =	vld [tilespmem:$0x74D0];
	v44 =	vmul.f32 $8.999999760e-01, v30  }
0xa3: {  	v57 =	vld [tilespmem:$0x74A0]  }
0xa4: {  	v7 =	vadd.f32 v56, v44;
	[tilespmem:$0x1FDC0] =	vst v51;
	v51 =	vld [tilespmem:$0x6880]  }
0xa5: {  	v32 =	vld [tilespmem:$0x1FCC0]  }
0xa6: {  	v6 =	vadd.f32 v6, v7;
	v7 =	vld [tilespmem:$0x1FC20]  }
0xa7: {  	[tilespmem:$0x1FFB0] =	vst v37;
	v37 =	vld [tilespmem:$0x1FD10]  }
0xa8: {  	v58 =	vld [tilespmem:$0x1FC50]  }
0xa9: {  	v4 =	vadd.f32 v48, v4;
	[tilespmem:$0x1FE30] =	vst v51;
	v51 =	vld [tilespmem:$0x7400]  }
0xaa: {  	v1 =	vld [tilespmem:$0x6900]  }
0xab: {  	vm3 =	vgt.f32 v4, v7;
	v4 =	vld [tilespmem:$0x1FC30]  }
0xac: {  	v45 =	vld [tilespmem:$0x6CB0]  }
0xad: {  	v56 =	vsel vm10, $0x3F800000, v5;
	vm10 =	vgt.f32 v6, v58;
	v6 =	vld [tilespmem:$0x1FC60]  }
0xae: {  	v49 =	vmul.f32 $8.999999760e-01, v47;
	[tilespmem:$0x1FE50] =	vst v51;
	v51 =	vld [tilespmem:$0x7010]  }
0xaf: {  	v39 =	vld [tilespmem:$0x6910]  }
0xb0: {  	v60 =	vld [tilespmem:$0x1FC90];
	v4 =	vadd.f32 v4, v49  }
0xb1: {  	v53 =	vld [tilespmem:$0x1FC40]  }
0xb2: {  	v6 =	vadd.f32 v6, v4;
	v4 =	vld [tilespmem:$0x1FC70]  }
0xb3: {  	[tilespmem:$0x1FE00] =	vst v51;
	v51 =	vld [tilespmem:$0x6C10]  }
0xb4: {  	v50 =	vmul.f32 $8.999999760e-01, v41;
	v62 =	vld [tilespmem:$0x1FCA0]  }
0xb5: {  	v41 =	vld [tilespmem:$0x1FD60]  }
0xb6: {  	v7 =	vadd.f32 v59, v50;
	v59 =	vld [tilespmem:$0x1FC80]  }
0xb7: {  	v33 =	vld [tilespmem:$0x1FCF0]  }
0xb8: {  	v7 =	vadd.f32 v4, v7;
	[tilespmem:$0x1FE40] =	vst v51;
	v51 =	vld [tilespmem:$0x6890]  }
0xb9: {  	vm14 =	vgt.f32 v2, v53;
	v49 =	vld [tilespmem:$0x1FE10]  }
0xba: {  	v2 =	vmul.f32 $8.999999760e-01, v61;
	v61 =	vsel vm5, $0x3F800000, v5;
	vm5 =	vgt.f32 v7, v32;
	v7 =	vld [tilespmem:$0x1FCD0]  }
0xbb: {  	vm2 =	vgt.f32 v6, v62;
	v6 =	vld [tilespmem:$0x1FCB0];
	v62 =	vsel vm13, $0x3F800000, v5  }
0xbc: {  	[tilespmem:$0x7700] =	vst v62;
	v62 =	vld [tilespmem:$0x1FF40]  }
0xbd: {  	v2 =	vadd.f32 v59, v2;
	[tilespmem:$0x1FE70] =	vst v51;
	v51 =	vld [tilespmem:$0x7410]  }
0xbe: {  	v4 =	vld [tilespmem:$0x6CD0]  }
0xbf: {  	v2 =	vadd.f32 v7, v2;
	v7 =	vld [tilespmem:$0x1FCE0]  }
0xc0: {  	v44 =	vld [tilespmem:$0x1FD90]  }
0xc1: {  	v15 =	vmul.f32 $8.999999760e-01, v15;
	vm6 =	vgt.f32 v2, v37;
	v2 =	vld [tilespmem:$0x1FD20]  }
0xc2: {  	v8 =	vmul.f32 $8.999999760e-01, v60;
	[tilespmem:$0x1FEA0] =	vst v51;
	v51 =	vld [tilespmem:$0x7020]  }
0xc3: {  	[tilespmem:$0x1FFC0] =	vst v34;
	v34 =	vld [tilespmem:$0x1FD00];
	v4 =	vadd.f32 v4, v15  }
0xc4: {  	v15 =	vld [tilespmem:$0x7190];
	v7 =	vadd.f32 v7, v8  }
0xc5: {  	v4 =	vadd.f32 v14, v4;
	v14 =	vld [tilespmem:$0x69B0]  }
0xc6: {  	v7 =	vadd.f32 v2, v7;
	v2 =	vld [tilespmem:$0x1FD30]  }
0xc7: {  	[tilespmem:$0x1FE60] =	vst v51;
	v51 =	vld [tilespmem:$0x6C20]  }
0xc8: {  	v63 =	vsel vm11, $0x3F800000, v5;
	v8 =	vld [tilespmem:$0x6D00];
	vm11 =	vgt.f32 v7, v41  }
0xc9: {  	v35 =	vmul.f32 $8.999999760e-01, v34;
	v41 =	vld [tilespmem:$0x7130];
	v34 =	vsel vm11, $0x3F800000, v5  }
0xca: {  	[tilespmem:$0x77A0] =	vst v34;
	v34 =	vld [tilespmem:$0x6D90]  }
0xcb: {  	v38 =	vmul.f32 $8.999999760e-01, v2;
	v2 =	vld [tilespmem:$0x1FD40]  }
0xcc: {  	v6 =	vmul.f32 $8.999999760e-01, v6;
	[tilespmem:$0x1FE80] =	vst v51;
	v51 =	vld [tilespmem:$0x68A0]  }
0xcd: {  	v7 =	vld [tilespmem:$0x1FD70]  }
0xce: {  	v6 =	vadd.f32 v33, v6;
	v47 =	vld [tilespmem:$0x1FDE0]  }
0xcf: {  	v46 =	vld [tilespmem:$0x1FDB0]  }
0xd0: {  	v6 =	vadd.f32 v2, v6;
	v2 =	vld [tilespmem:$0x1FD50]  }
0xd1: {  	[tilespmem:$0x1FEB0] =	vst v51;
	v51 =	vld [tilespmem:$0x7420]  }
0xd2: {  	v7 =	vadd.f32 v7, v38;
	v42 =	vld [tilespmem:$0x1FD80]  }
0xd3: {  	v38 =	vld [tilespmem:$0x7150]  }
0xd4: {  	[tilespmem:$0x1FF90] =	vst v31;
	v31 =	vadd.f32 v46, v7;
	v7 =	vld [tilespmem:$0x1FDC0]  }
0xd5: {  	v30 =	vsel vm4, $0x3F800000, v5;
	vm4 =	vgt.f32 v6, v44;
	v6 =	vld [tilespmem:$0x1FDA0]  }
0xd6: {  	[tilespmem:$0x1FEE0] =	vst v51;
	v51 =	vld [tilespmem:$0x7030]  }
0xd7: {  	v10 =	vadd.f32 v2, v35;
	v2 =	vld [tilespmem:$0x7500];
	v43 =	vmul.f32 $8.999999760e-01, v42  }
0xd8: {  	v50 =	vld [tilespmem:$0x1FE20]  }
0xd9: {  	v29 =	vadd.f32 v7, v43;
	v7 =	vld [tilespmem:$0x1FDD0]  }
0xda: {  	v35 =	vld [tilespmem:$0x6D40]  }
0xdb: {  	[tilespmem:$0x1FE90] =	vst v51;
	v51 =	vld [tilespmem:$0x6C30]  }
0xdc: {  	v6 =	vadd.f32 v6, v10;
	v10 =	vld [tilespmem:$0x6D10];
	v42 =	vsel vm14, $0x3F800000, v5  }
0xdd: {  	[tilespmem:$0x7730] =	vst v42;
	v42 =	vld [tilespmem:$0x6990]  }
0xde: {  	v40 =	vsel vm1, $0x3F800000, v5;
	v52 =	vld [tilespmem:$0x1FE30];
	vm1 =	vnez.u8 v7  }
0xdf: {  	v32 =	vsel vm1, $0x3F800000, v5;
	vm1 =	vgt.f32 v6, v47;
	v6 =	vld [tilespmem:$0x1FDF0]  }
0xe0: {  	[tilespmem:$0x1FEC0] =	vst v51;
	v51 =	vld [tilespmem:$0x68B0]  }
0xe1: {  	v7 =	vld [tilespmem:$0x6950]  }
0xe2: {  	v60 =	vld [tilespmem:$0x1FE50];
	[tilespmem:$0x7680] =	vst v32;
	v32 =	vsel vm10, $0x3F800000, v5  }
0xe3: {  	[tilespmem:$0x7740] =	vst v32;
	v32 =	vld [tilespmem:$0x7550]  }
0xe4: {  	vm7 =	vnez.u8 v6;
	v6 =	vld [tilespmem:$0x1FE00]  }
0xe5: {  	v33 =	vsel vm7, $0x3F800000, v5;
	vm7 =	vnez.u8 v49;
	[tilespmem:$0x1FEF0] =	vst v51;
	v51 =	vld [tilespmem:$0x7430]  }
0xe6: {  	v25 =	vsel vm7, $0x3F800000, v5;
	vm7 =	vgt.f32 v31, v50;
	v31 =	vld [tilespmem:$0x7120]  }
0xe7: {  	v58 =	vld [tilespmem:$0x1FE40]  }
0xe8: {  	[tilespmem:$0x7690] =	vst v33;
	v33 =	vld [tilespmem:$0x6970]  }
0xe9: {  	v43 =	vld [tilespmem:$0x1FE70]  }
0xea: {  	v48 =	vmul.f32 $8.999999760e-01, v6;
	[tilespmem:$0x1FF10] =	vst v51;
	v51 =	vld [tilespmem:$0x7040]  }
0xeb: {  	v6 =	vld [tilespmem:$0x7510]  }
0xec: {  	[tilespmem:$0x7610] =	vst v61;
	v13 =	vadd.f32 v58, v48;
	v61 =	vld [tilespmem:$0x1FE60]  }
0xed: {  	v47 =	vld [tilespmem:$0x1FEA0]  }
0xee: {  	v28 =	vadd.f32 v43, v13;
	v13 =	vld [tilespmem:$0x7520]  }
0xef: {  	v29 =	vadd.f32 v52, v29;
	v43 =	vsel vm2, $0x3F800000, v5;
	[tilespmem:$0x1FED0] =	vst v51;
	v51 =	vld [tilespmem:$0x6C40]  }
0xf0: {  	[tilespmem:$0x7750] =	vst v43;
	v43 =	vld [tilespmem:$0x7180]  }
0xf1: {  	v59 =	vsel vm12, $0x3F800000, v5;
	vm12 =	vgt.f32 v29, v60;
	v29 =	vmul.f32 $8.999999760e-01, v61;
	v61 =	vld [tilespmem:$0x1FF30]  }
0xf2: {  	[tilespmem:$0x7640] =	vst v40;
	v40 =	vsel vm3, $0x3F800000, v5;
	vm3 =	vgt.f32 v28, v47;
	v28 =	vld [tilespmem:$0x6D30]  }
0xf3: {  	v44 =	vld [tilespmem:$0x1FE80]  }
0xf4: {  	[tilespmem:$0x1FF00] =	vst v51;
	v51 =	vld [tilespmem:$0x68C0]  }
0xf5: {  	v48 =	vld [tilespmem:$0x1FEB0]  }
0xf6: {  	v37 =	vmul.f32 $8.999999760e-01, v61;
	v61 =	vld [tilespmem:$0x1FF80]  }
0xf7: {  	v52 =	vld [tilespmem:$0x1FEE0]  }
0xf8: {  	v46 =	vld [tilespmem:$0x1FE90]  }
0xf9: {  	[tilespmem:$0x1FF20] =	vst v51;
	v51 =	vld [tilespmem:$0x7440]  }
0xfa: {  	[tilespmem:$0x7620] =	vst v63;
	v49 =	vld [tilespmem:$0x1FEC0]  }
0xfb: {  	[tilespmem:$0x7600] =	vst v56;
	v53 =	vsel vm8, $0x3F800000, v5;
	v50 =	vld [tilespmem:$0x1FED0]  }
0xfc: {  	v56 =	vsel vm9, $0x3F800000, v5;
	[tilespmem:$0x76B0] =	vst v53;
	v53 =	vld [tilespmem:$0x1FEF0]  }
0xfd: {  	[tilespmem:$0x76C0] =	vst v56;
	v56 =	vld [tilespmem:$0x1FF00]  }
0xfe: {  	v21 =	vmul.f32 $8.999999760e-01, v21;
	v29 =	vadd.f32 v44, v29;
	[tilespmem:$0x1FF50] =	vst v51;
	v51 =	vld [tilespmem:$0x7050]  }
0xff: {  	v24 =	vmul.f32 $8.999999760e-01, v24;
	[tilespmem:$0x7650] =	vst v30;
	v30 =	vmul.f32 $8.999999760e-01, v46;
	v60 =	vld [tilespmem:$0x1FF20]  }
0x100: {  	v63 =	vsel vm15, $0x3F800000, v5;
	[tilespmem:$0x76A0] =	vst v25;
	v29 =	vadd.f32 v48, v29;
	v58 =	vld [tilespmem:$0x1FF10];
	v25 =	vmul.f32 $8.999999760e-01, v50  }
0x101: {  	[tilespmem:$0x7710] =	vst v63;
	v21 =	vadd.f32 v61, v21;
	v30 =	vadd.f32 v49, v30;
	v63 =	vld [tilespmem:$0x1FF50]  }
0x102: {  	v47 =	vld [tilespmem:$0x7530];
	v61 =	vadd.f32 v45, v24;
	v25 =	vadd.f32 v56, v25  }
0x103: {  	[tilespmem:$0x76D0] =	vst v59;
	v24 =	vld [tilespmem:$0x6D80];
	vm2 =	vgt.f32 v29, v52;
	v29 =	vadd.f32 v53, v30;
	v59 =	vmul.f32 $8.999999760e-01, v51  }
0x104: {  	v9 =	vmul.f32 $8.999999760e-01, v9;
	v23 =	vmul.f32 $8.999999760e-01, v23;
	v25 =	vadd.f32 v60, v25;
	v60 =	vld [tilespmem:$0x1FF70]  }
0x105: {  	v49 =	vsel vm1, $0x3F800000, v5;
	vm1 =	vgt.f32 v29, v58;
	v29 =	vadd.f32 v62, v59;
	v59 =	vld [tilespmem:$0x1FF60]  }
0x106: {  	v19 =	vadd.f32 v19, v23;
	v56 =	vsel vm2, $0x3F800000, v5;
	vm2 =	vgt.f32 v25, v63;
	v63 =	vld [tilespmem:$0x1FFA0]  }
0x107: {  	v62 =	vld [tilespmem:$0x1FF90]  }
0x108: {  	v1 =	vadd.f32 v1, v19;
	v8 =	vadd.f32 v8, v9;
	v45 =	vld [tilespmem:$0x69A0]  }
0x109: {  	[tilespmem:$0x7720] =	vst v40;
	v27 =	vsel vm7, $0x3F800000, v5;
	v44 =	vsel vm5, $0x3F800000, v5;
	v29 =	vadd.f32 v60, v29;
	v60 =	vld [tilespmem:$0x1FFC0]  }
0x10a: {  	v48 =	vsel vm4, $0x3F800000, v5;
	[tilespmem:$0x77C0] =	vst v49;
	v53 =	vsel vm3, $0x3F800000, v5;
	v25 =	vadd.f32 v59, v37;
	v59 =	vld [tilespmem:$0x1FFB0]  }
0x10b: {  	v52 =	vld [tilespmem:$0x7540];
	v49 =	vmul.f32 $8.999999760e-01, v12;
	[tilespmem:$0x7810] =	vst v53;
	v53 =	vmul.f32 $8.999999760e-01, v31;
	v40 =	vsel vm1, $0x3F800000, v5  }
0x10c: {  	vm1 =	vgt.f32 v29, v63;
	v63 =	vld [tilespmem:$0x1FFD0];
	v25 =	vadd.f32 v62, v25;
	v62 =	vmul.f32 $8.999999760e-01, v54  }
0x10d: {  	v39 =	vadd.f32 v39, v61;
	v46 =	vsel vm6, $0x3F800000, v5;
	v12 =	vld [tilespmem:$0x7590];
	v61 =	vadd.f32 v26, v53  }
0x10e: {  	[tilespmem:$0x77D0] =	vst v27;
	v30 =	vld [tilespmem:$0x7140];
	v58 =	vadd.f32 v10, v49;
	v51 =	vsel vm12, $0x3F800000, v5;
	v22 =	vadd.f32 v22, v62  }
0x10f: {  	[tilespmem:$0x7780] =	vst v44;
	v53 =	vld [tilespmem:$0x6DC0];
	v29 =	vsel vm2, $0x3F800000, v5;
	vm2 =	vgt.f32 v25, v60;
	v21 =	vadd.f32 v59, v21  }
0x110: {  	[tilespmem:$0x7790] =	vst v46;
	v49 =	vld [tilespmem:$0x71C0];
	v44 =	vsel vm2, $0x3F800000, v5;
	vm2 =	vgt.f32 v1, v57;
	v46 =	vadd.f32 v20, v22  }
0x111: {  	[tilespmem:$0x77B0] =	vst v48;
	v50 =	vld [tilespmem:$0x6980];
	v25 =	vsel vm1, $0x3F800000, v5;
	v48 =	vsel vm2, $0x3F800000, v5;
	vm1 =	vgt.f32 v21, v63  }
0x112: {  	[tilespmem:$0x7820] =	vst v56;
	v56 =	vld [tilespmem:$0x6DD0];
	v1 =	vsel vm1, $0x3F800000, v5;
	vm1 =	vgt.f32 v39, v18;
	vm2 =	vgt.f32 v46, v17  }
0x113: {  	[tilespmem:$0x7800] =	vst v51;
	v37 =	vld [tilespmem:$0x6D50];
	v51 =	vsel vm1, $0x3F800000, v5;
	vm1 =	vgt.f32 v4, v16;
	v4 =	vadd.f32 v11, v8  }
0x114: {  	v15 =	vmul.f32 $8.999999760e-01, v15;
	[tilespmem:$0x7830] =	vst v40;
	v62 =	vmul.f32 $8.999999760e-01, v41;
	v41 =	vld [tilespmem:$0x69D0];
	v60 =	vsel vm2, $0x3F800000, v5  }
0x115: {  	[tilespmem:$0x7840] =	vst v29;
	v57 =	vld [tilespmem:$0x71A0];
	vm2 =	vgt.f32 v4, v2;
	v2 =	vadd.f32 v7, v58;
	v4 =	vmul.f32 $8.999999760e-01, v30  }
0x116: {  	v31 =	vadd.f32 v36, v61;
	v59 =	vld [tilespmem:$0x6DA0];
	[tilespmem:$0x7850] =	vst v25;
	v16 =	vadd.f32 v28, v62;
	v36 =	vsel vm1, $0x3F800000, v5  }
0x117: {  	[tilespmem:$0x7880] =	vst v44;
	v39 =	vld [tilespmem:$0x71B0];
	vm1 =	vgt.f32 v2, v6;
	v2 =	vadd.f32 v35, v4;
	v4 =	vmul.f32 $8.999999760e-01, v38  }
0x118: {  	v44 =	vmul.f32 $8.999999760e-01, v43;
	v21 =	vld [tilespmem:$0x7580];
	[tilespmem:$0x7890] =	vst v1;
	v1 =	vadd.f32 v33, v16;
	v40 =	vsel vm2, $0x3F800000, v5  }
0x119: {  	[tilespmem:$0x78A0] =	vst v48;
	vm2 =	vgt.f32 v31, v13;
	v6 =	vld [tilespmem:$0x6DB0];
	v2 =	vadd.f32 v50, v2;
	v4 =	vadd.f32 v37, v4  }
0x11a: {  	v63 =	vld [tilespmem:$0x69C0];
	[tilespmem:$0x78B0] =	vst v51;
	v48 =	vsel vm1, $0x3F800000, v5;
	vm1 =	vgt.f32 v1, v47;
	v1 =	vsel vm2, $0x3F800000, v5  }
0x11b: {  	[tilespmem:$0x78C0] =	vst v60;
	v50 =	vld [tilespmem:$0x71D0];
	vm2 =	vgt.f32 v2, v52;
	v2 =	vadd.f32 v42, v4;
	v4 =	vadd.f32 v24, v44  }
0x11c: {  	v15 =	vadd.f32 v34, v15;
	v46 =	vld [tilespmem:$0x75B0];
	[tilespmem:$0x78D0] =	vst v36;
	v22 =	vmul.f32 $8.999999760e-01, v39;
	v51 =	vsel vm1, $0x3F800000, v5  }
0x11d: {  	v7 =	vld [tilespmem:$0x75A0];
	[tilespmem:$0x7900] =	vst v40;
	vm1 =	vgt.f32 v2, v32;
	v2 =	vadd.f32 v45, v4;
	v4 =	vmul.f32 $8.999999760e-01, v57  }
0x11e: {  	v58 =	vld [tilespmem:$0x69E0];
	[tilespmem:$0x7910] =	vst v48;
	v52 =	vsel vm2, $0x3F800000, v5;
	v6 =	vadd.f32 v6, v22;
	v57 =	vsel vm1, $0x3F800000, v5  }
0x11f: {  	[tilespmem:$0x7920] =	vst v1;
	vm1 =	vgt.f32 v2, v21;
	v1 =	vadd.f32 v59, v4;
	v2 =	vmul.f32 $8.999999760e-01, v49;
	v4 =	vld [tilespmem:$0x69F0]  }
0x120: {  	v60 =	vld [tilespmem:$0x75C0];
	[tilespmem:$0x7930] =	vst v51;
	v10 =	vmul.f32 $8.999999760e-01, v50;
	v6 =	vadd.f32 v41, v6;
	v59 =	vadd.f32 v14, v15  }
0x121: {  	v62 =	vld [tilespmem:$0x75D0];
	[tilespmem:$0x7940] =	vst v52;
	v1 =	vadd.f32 v63, v1;
	v2 =	vadd.f32 v53, v2  }
0x122: {  	[tilespmem:$0x7950] =	vst v57;
	v61 =	vsel vm1, $0x3F800000, v5;
	vm1 =	vgt.f32 v59, v12;
	v63 =	vadd.f32 v56, v10  }
0x123: {  	[tilespmem:$0x7980] =	vst v61;
	v9 =	vsel vm1, $0x3F800000, v5;
	vm1 =	vgt.f32 v1, v7;
	v1 =	vadd.f32 v58, v2  }
0x124: {  	[tilespmem:$0x7990] =	vst v9;
	v2 =	vsel vm1, $0x3F800000, v5;
	vm1 =	vgt.f32 v6, v46;
	v4 =	vadd.f32 v4, v63  }
0x125: {  	v6 =	vsel vm1, $0x3F800000, v5;
	vm1 =	vgt.f32 v1, v60;
	[tilespmem:$0x79A0] =	vst v2  }
0x126: {  	s28 =	sadd.s32 $0x1, s28;
	v1 =	vsel vm1, $0x3F800000, v5;
	vm1 =	vgt.f32 v4, v62;
	[tilespmem:$0x79B0] =	vst v6  }
0x127: {  	p0 =	sne.s32 s28, s9;
	[tilespmem:$0x79C0] =	vst v1;
	v1 =	vsel vm1, $0x3F800000, v5  }
.Ltmp2:
0x128: {  	[tilespmem:$0x79D0] =	vst v1;
	(pc) =	sbr.rel @!p0 .LBB2_21-.Ltmp2, $4  }
0x129: {  	v54 =	vld [tilespmem:$0x1FFF0];
	[hbm4b:s5+s3] =	stream.linear.scatter [tilespmem:s24], [sflag:$0x3], $0x400, $0x38  }
0x12a: {  	v1 =	vld [tilespmem:$0x1FFE0];
	_ =	swait.ge [sflag:s13], $0x400  }
0x12b: {  	[sflag:s13] =	ssyncset.done $0x0  }
0x12c: {  	[sflag:s13] =	ssyncadd.s32 $0xFFFFFC00  }
.LBB2_2:
0x12d: {  	s0 =	simm.s32 $0x0;
	s1 =	simm.s32 $0x6A00  }
0x12e: {  	[tilespmem:s1], [sflag:$0x2] =	stream.linear.gather [hbm4b:s8+s0], $0x400, $0x38;
	[tilespmem:$0x7A00] =	vst v63  }
0x12f: {  	s29 =	simm.s32 $0x6E00  }
0x130: {  	[tilespmem:s29], [sflag:$0x2] =	stream.linear.gather [hbm4b:s7+s0], $0x400, $0x38;
	[tilespmem:$0x7A00] =	vst v63  }
0x131: {  	s30 =	simm.s32 $0x7200  }
0x132: {  	[tilespmem:s30], [sflag:$0x2] =	stream.linear.gather [hbm4b:s6+s0], $0x400, $0x38;
	[tilespmem:$0x7A00] =	vst v63  }
0x133: {  	s31 =	rddreg [dreg:$0x0]  }
0x134: {  	[tilespmem:s0], [sflag:$0x3] =	stream.linear.gather [hbm4b:s31+s0], $0x900, $0x38;
	[tilespmem:$0x7A00] =	vst v63  }
0x135: {  	_ =	swait.ge [sflag:s13], $0x900  }
0x136: {  	[sflag:s13] =	ssyncset.done $0x0  }
0x137: {  	[sflag:s13] =	ssyncadd.s32 $0xFFFFF700  }
0x138: {  	[tilespmem:$0x6700] =	vst v55  }
0x139: {  	[tilespmem:$0x6710] =	vst v55  }
0x13a: {  	[tilespmem:$0x6720] =	vst v55  }
0x13b: {  	[tilespmem:$0x6730] =	vst v55  }
0x13c: {  	[tilespmem:$0x6740] =	vst v55  }
0x13d: {  	[tilespmem:$0x6750] =	vst v55  }
0x13e: {  	[tilespmem:$0x6760] =	vst v55  }
0x13f: {  	[tilespmem:$0x6770] =	vst v55  }
0x140: {  	[tilespmem:$0x6780] =	vst v55  }
0x141: {  	[tilespmem:$0x6790] =	vst v55  }
0x142: {  	[tilespmem:$0x67A0] =	vst v55  }
0x143: {  	[tilespmem:$0x67B0] =	vst v55  }
0x144: {  	[tilespmem:$0x67C0] =	vst v55  }
0x145: {  	[tilespmem:$0x67D0] =	vst v55  }
0x146: {  	[tilespmem:$0x67E0] =	vst v55  }
0x147: {  	[tilespmem:$0x67F0] =	vst v55  }
0x148: {  	[tilespmem:$0x6800] =	vst v55  }
0x149: {  	[tilespmem:$0x6810] =	vst v55  }
0x14a: {  	[tilespmem:$0x6820] =	vst v55  }
0x14b: {  	[tilespmem:$0x6830] =	vst v55  }
0x14c: {  	[tilespmem:$0x6840] =	vst v55  }
0x14d: {  	[tilespmem:$0x6850] =	vst v55  }
0x14e: {  	[tilespmem:$0x6860] =	vst v55  }
0x14f: {  	[tilespmem:$0x6870] =	vst v55  }
0x150: {  	[tilespmem:$0x6880] =	vst v55  }
0x151: {  	[tilespmem:$0x6890] =	vst v55  }
0x152: {  	[tilespmem:$0x68A0] =	vst v55  }
0x153: {  	[tilespmem:$0x68B0] =	vst v55  }
0x154: {  	[tilespmem:$0x68C0] =	vst v55  }
0x155: {  	[tilespmem:$0x68D0] =	vst v55  }
0x156: {  	[tilespmem:$0x68E0] =	vst v55  }
0x157: {  	[tilespmem:$0x68F0] =	vst v55  }
0x158: {  	[tilespmem:$0x6900] =	vst v55  }
0x159: {  	[tilespmem:$0x6910] =	vst v55  }
0x15a: {  	[tilespmem:$0x6920] =	vst v55  }
0x15b: {  	[tilespmem:$0x6930] =	vst v55  }
0x15c: {  	[tilespmem:$0x6940] =	vst v55  }
0x15d: {  	[tilespmem:$0x6950] =	vst v55  }
0x15e: {  	[tilespmem:$0x6960] =	vst v55  }
0x15f: {  	[tilespmem:$0x6970] =	vst v55  }
0x160: {  	[tilespmem:$0x6980] =	vst v55  }
0x161: {  	[tilespmem:$0x6990] =	vst v55  }
0x162: {  	[tilespmem:$0x69A0] =	vst v55  }
0x163: {  	[tilespmem:$0x69B0] =	vst v55  }
0x164: {  	[tilespmem:$0x69C0] =	vst v55  }
0x165: {  	[tilespmem:$0x69D0] =	vst v55  }
0x166: {  	[tilespmem:$0x69E0] =	vst v55  }
0x167: {  	s10 =	simm.s32 $0x0;
	[tilespmem:$0x69F0] =	vst v55  }
0x168: {  	v4 =	vld [tilespmem:s10+$0x0]  }
0x169: {  	v8 =	vld [tilespmem:s10+$0x10]  }
0x16a: {  	v9 =	vld [tilespmem:s10+$0x20]  }
0x16b: {  	v7 =	vld [tilespmem:s10+$0x30]  }
0x16c: {  	v6 =	vld [tilespmem:s10+$0x40]  }
0x16d: {  	v2 =	vld [tilespmem:s10+$0x50];
	v10 =	vor.u32 v5, v4  }
0x16e: {  	v4 =	vld [tilespmem:s10+$0x60];
	v10 =	vor.u32 v8, v10  }
0x16f: {  	s2 =	simm.s32 $0x400;
	s0 =	simm.s32 $0x80;
	v8 =	vld [tilespmem:s10+$0x70];
	v9 =	vor.u32 v9, v10  }
.LBB2_3:
0x170: {  	p0 =	sne.s32 s2, $0x2200;
	v10 =	vld [tilespmem:s0+$0x0];
	v7 =	vor.u32 v7, v9  }
0x171: {  	v9 =	vld [tilespmem:s0+$0x10];
	v6 =	vor.u32 v6, v7  }
0x172: {  	v11 =	vld [tilespmem:s0+$0x20];
	v2 =	vor.u32 v2, v6  }
.Ltmp3:
0x173: {  	v7 =	vld [tilespmem:s0+$0x30];
	v2 =	vor.u32 v4, v2;
	(pc) =	sbr.rel @p0 .LBB2_3-.Ltmp3, $4  }
0x174: {  	v6 =	vld [tilespmem:s0+$0x40];
	v4 =	vor.u32 v8, v2  }
0x175: {  	v2 =	vld [tilespmem:s0+$0x50];
	v8 =	vor.u32 v4, v10  }
0x176: {  	v4 =	vld [tilespmem:s0+$0x60];
	v9 =	vor.u32 v9, v8  }
0x177: {  	v8 =	vld [tilespmem:s0+$0x70];
	s0 =	sshra.s32 s2, $0x2;
	s2 =	sadd.s32 $0x200, s2;
	v9 =	vor.u32 v11, v9  }
0x178: {  	v10 =	vld [tilespmem:s0+$0x0];
	v7 =	vor.u32 v7, v9  }
0x179: {  	v60 =	vld [tilespmem:s0+$0x10];
	v6 =	vor.u32 v6, v7  }
0x17a: {  	v7 =	vld [tilespmem:s0+$0x20];
	v2 =	vor.u32 v2, v6  }
0x17b: {  	v6 =	vld [tilespmem:s0+$0x30];
	v2 =	vor.u32 v4, v2  }
0x17c: {  	v4 =	vld [tilespmem:s0+$0x40];
	v2 =	vor.u32 v8, v2  }
0x17d: {  	v61 =	vld [tilespmem:s0+$0x50];
	v2 =	vor.u32 v2, v10  }
0x17e: {  	v62 =	vld [tilespmem:s0+$0x60];
	v2 =	vor.u32 v60, v2  }
0x17f: {  	v63 =	vld [tilespmem:s0+$0x70];
	v2 =	vor.u32 v7, v2  }
0x180: {  	v2 =	vor.u32 v6, v2  }
0x181: {  	v2 =	vor.u32 v4, v2  }
0x182: {  	v2 =	vor.u32 v61, v2  }
0x183: {  	v2 =	vor.u32 v62, v2  }
0x184: {  	v2 =	vor.u32 v63, v2  }
0x185: {  	v2 =	vxor.u32 $0x80000000, v2  }
0x186: {  	(xrf0) =	vmax.scan.msk.u32 $0xffff, v2;
	_ =	sdelay $0x5  }
0x187: {  	v2, _, _ =	vpop (xrf0)  }
0x188: {  	(v2sf) =	vpush v2, $0xF;
	_ =	sdelay $0xe  }
0x189: {  	s31 =	spop (v2sf)  }
0x18a: {  	p0 =	seq.s32 s31, $0x80000000  }
.Ltmp4:
0x18b: {  	_ = 	snop;
	(pc) =	sbr.rel @p0 .LBB2_13-.Ltmp4, $2  }
0x18c: {  	_ =	sdelay $0x2  }
0x18d: {  	s29 =	simm.s32 $0x0;
	v4 =	vimm.s32 $0x0  }
0x18e: {  	v6 =	vld [tilespmem:s29+$0x0];
	s0 =	simm.s32 $0x10;
	v2 =	vimm.s32 $0x0;
	s2 =	simm.s32 $0x0  }
.LBB2_6:
0x18f: {  	p0 =	sne.s32 s0, $0x8F0;
	_ =	sdelay $0x3  }
0x190: {  	vm1 =	vne.s32 v6, $0x0  }
0x191: {  	v6 =	vsel vm1, $0x1, v5;
	v7 =	vmpcnt.ones.xlane vm1  }
0x192: {  	(xrf0) =	vadd.scan.msk.s32 $0xffff, v6  }
0x193: {  	v4 =	vadd.s32 v4, v7;
	_ =	sdelay $0x4  }
0x194: {  	v6, _, _ =	vpop (xrf0)  }
0x195: {  	v6 =	vadd.s32 v6, v2;
	v2 =	vmov v4  }
0x196: {  	v6 =	vadd.s32 $0xFFFFFFFF, v6;
	_ =	sdelay $0x1  }
.Ltmp5:
0x197: {  	(pc) =	sbr.rel @p0 .LBB2_6-.Ltmp5, $4  }
0x198: {  	_ = 	snop  }
0x199: {  	v7 =	vor.u32 s29, v0;
	s29 =	smov.u32 s0  }
0x19a: {  	s2 =	sadd.s32 $0x10, s2;
	[tilespmem:v6+s25+$0x0] =	vst.idx.msk vm1, v7  }
0x19b: {  	s0 =	sadd.s32 $0x10, s0;
	v6 =	vld [tilespmem:s2+$0x0]  }
0x19c: {  	_ =	sdelay $0x3  }
0x19d: {  	vm1 =	vne.s32 v6, $0x0  }
0x19e: {  	v6 =	vmpcnt.ones.xlane vm1;
	_ =	sdelay $0x1  }
0x19f: {  	v7 =	vsel vm1, $0x1, v5;
	v4 =	vadd.s32 v4, v6  }
0x1a0: {  	(xrf0) =	vadd.scan.msk.s32 $0xffff, v7;
	v4 =	vxor.u32 $0x80000000, v4  }
0x1a1: {  	(xrf0) =	vmax.scan.msk.u32 $0xffff, v4;
	_ =	sdelay $0x4  }
0x1a2: {  	v4, _, _ =	vpop (xrf0)  }
0x1a3: {  	v6, _, _ =	vpop (xrf0)  }
0x1a4: {  	(v2sf) =	vpush v6, $0xF;
	_ =	sdelay $0xe  }
0x1a5: {  	s0 =	spop (v2sf)  }
0x1a6: {  	s2 =	sadd.s32 $0x8000000F, s0  }
0x1a7: {  	s30 =	sand.u32 $0xF, s2  }
0x1a8: {  	s31 =	sshra.s32 s2, $0x1F;
	p1 =	slt.s32 s2, $0x1;
	p0 =	sne.s32 s30, $0x0  }
0x1a9: {  	s10 =	sxor.u32 $0x80000000, s0;
	s0 =	sshrl.u32 s31, $0x1C;
	p0 =	por !p1, !p0  }
0x1aa: {  	s0 =	sadd.s32 s0, s2;
	s2 =	simm.s32 $0x1;
	p0 =	por !p0, !p0  }
0x1ab: {  	v2 =	vadd.s32 v4, v2;
	s0 =	sshra.s32 s0, $0x4;
	s2 =	simm.s32 @!p0 $0x0  }
0x1ac: {  	v2 =	vadd.s32 $0xFFFFFFFF, v2;
	s0 =	ssub.s32 s0, s2  }
0x1ad: {  	v6 =	vadd.s32 s10, v0;
	p0 =	slt.s32 s0, $0x1  }
.Ltmp6:
0x1ae: {  	_ = 	snop;
	(pc) =	sbr.rel @p0 .LBB2_8-.Ltmp6, $4  }
0x1af: {  	_ = 	snop  }
0x1b0: {  	v4 =	vor.u32 s29, v0  }
0x1b1: {  	[tilespmem:v2+s25+$0x0] =	vst.idx.msk vm1, v4;
	v4 =	vimm.s32 $0x0;
	s2 =	simm.s32 $0x900  }
0x1b2: {  	[tilespmem:v6+s2+$0x0] =	vst.idx.msk $0xffff, v4  }
0x1b3: {  	v2 =	vmov s10;
	s10 =	simm.s32 $0x0  }
.LBB2_10:
0x1b4: {  	v6 =	vld [tilespmem:s2+$0x0];
	_ =	sdelay $0x7  }
0x1b5: {  	v7 =	vld.idx.msk [tilespmem:v6+s3+$0x0], $0xffff;
	_ =	sdelay $0x4  }
0x1b6: {  	v8 =	vor.u32 s10, v0;
	v9 =	vand.u32 $0xFF, v7  }
0x1b7: {  	vm3 =	vlt.s32 v8, v2;
	vm1 =	vne.s32 v9, $0x0  }
0x1b8: {  	vm1 =	vmand vm3, vm1  }
0x1b9: {  	v51 =	vand.u32 $0xFF00, v7;
	v53 =	vsel vm1, $0x1, v5  }
0x1ba: {  	v52 =	vand.u32 $0xFF0000, v7;
	vm2 =	vne.s32 v51, $0x0;
	(xrf0) =	vadd.scan.msk.s32 $0xffff, v53  }
0x1bb: {  	vm4 =	vne.s32 v52, $0x0;
	vm2 =	vmand vm3, vm2  }
0x1bc: {  	vm5 =	vgt.u32 v7, $0xFFFFFF;
	vm4 =	vmand vm3, vm4;
	v56 =	vsel vm2, $0x1, v5  }
0x1bd: {  	vm3 =	vmand vm3, vm5;
	v7 =	vsel vm4, $0x1, v5;
	(xrf0) =	vadd.scan.msk.s32 $0xffff, v56  }
0x1be: {  	(xrf0) =	vadd.scan.msk.s32 $0xffff, v7;
	v7 =	vsel vm3, $0x1, v5  }
0x1bf: {  	(xrf0) =	vadd.scan.msk.s32 $0xffff, v7;
	v7 =	vmpcnt.ones.xlane vm1  }
0x1c0: {  	v57, _, _ =	vpop (xrf0)  }
0x1c1: {  	v8 =	vadd.s32 v57, v4;
	v4 =	vadd.s32 v4, v7;
	v7 =	vmpcnt.ones.xlane vm4  }
0x1c2: {  	v58 =	vmpcnt.ones.xlane vm2  }
0x1c3: {  	v10, _, _ =	vpop (xrf0)  }
0x1c4: {  	v11, _, _ =	vpop (xrf0);
	v10 =	vadd.s32 v10, v4;
	v4 =	vadd.s32 v4, v58;
	v8 =	vadd.s32 $0xFFFFFFFF, v8  }
0x1c5: {  	v59 =	vadd.s32 $0xFFFFFFFF, v10;
	v60 =	vadd.s32 v11, v4;
	v4 =	vadd.s32 v4, v7;
	v7, _, _ =	vpop (xrf0)  }
0x1c6: {  	v10 =	vadd.s32 $0xFFFFFFFF, v60;
	v7 =	vadd.s32 v4, v7  }
0x1c7: {  	p0 =	sne.s32 s0, $0x1;
	v7 =	vadd.s32 $0xFFFFFFFF, v7  }
.Ltmp7:
0x1c8: {  	v6 =	vshll.u32 v6, $0x2;
	(pc) =	sbr.rel @p0 .LBB2_10-.Ltmp7, $4  }
0x1c9: {  	v61 =	vor.u32 $0x1, v6;
	[tilespmem:v8+s26+$0x0] =	vst.idx.msk vm1, v6  }
0x1ca: {  	v62 =	vor.u32 $0x2, v6;
	v63 =	vmpcnt.ones.xlane vm3;
	[tilespmem:v59+s26+$0x0] =	vst.idx.msk vm2, v61  }
0x1cb: {  	v6 =	vor.u32 $0x3, v6;
	[tilespmem:v10+s26+$0x0] =	vst.idx.msk vm4, v62  }
0x1cc: {  	s2 =	sadd.s32 $0x10, s2;
	s10 =	sadd.s32 $0x10, s10;
	s0 =	sadd.s32 $0xFFFFFFFF, s0;
	v4 =	vadd.s32 v4, v63;
	[tilespmem:v7+s26+$0x0] =	vst.idx.msk vm3, v6  }
.Ltmp8:
0x1cd: {  	(pc) =	sbr.rel .LBB2_12-.Ltmp8, $2  }
0x1ce: {  	_ =	sdelay $0x2  }
0x1cf: {  	v2 =	vxor.u32 $0x80000000, v4  }
.LBB2_8:
0x1d0: {  	v2 =	vimm.s32 $0x80000000  }
.LBB2_12:
0x1d1: {  	(xrf0) =	vmax.scan.msk.u32 $0xffff, v2;
	_ =	sdelay $0x5  }
0x1d2: {  	v2, _, _ =	vpop (xrf0)  }
0x1d3: {  	(v2sf) =	vpush v2, $0xF;
	_ =	sdelay $0xe  }
0x1d4: {  	s0 =	spop (v2sf)  }
0x1d5: {  	s29 =	sxor.u32 $0x80000000, s0  }
0x1d6: {  	v2 =	vadd.s32 s29, v0;
	_ =	sdelay $0x4  }
0x1d7: {  	[tilespmem:v2+s26+$0x0] =	vst.idx.msk $0xffff, v5  }
.LBB2_13:
0x1d8: {  	s0 =	sadd.s32 $0xF, s29  }
0x1d9: {  	s2 =	sand.u32 $0xF, s0  }
0x1da: {  	s10 =	sshra.s32 s0, $0x1F;
	p0 =	slt.s32 s0, $0x1;
	p1 =	sne.s32 s2, $0x0  }
0x1db: {  	s31 =	sshrl.u32 s10, $0x1C;
	p0 =	por !p0, !p1  }
0x1dc: {  	s2 =	simm.s32 $0x1;
	s0 =	sadd.s32 s31, s0;
	p0 =	por !p0, !p0  }
0x1dd: {  	s0 =	sshra.s32 s0, $0x4;
	s2 =	simm.s32 @!p0 $0x0  }
0x1de: {  	s30 =	ssub.s32 s0, s2  }
0x1df: {  	p0 =	slt.s32 s30, $0x1  }
.Ltmp9:
0x1e0: {  	_ = 	snop;
	(pc) =	sbr.rel @p0 .LBB2_20-.Ltmp9, $1  }
0x1e1: {  	_ =	sdelay $0x3  }
.Ltmp10:
0x1e2: {  	(pc) =	sbr.rel .LBB2_15-.Ltmp10, $2  }
0x1e3: {  	_ =	sdelay $0x2  }
0x1e4: {  	s31 =	simm.s32 $0x0;
	s0 =	smov.u32 s29  }
.LBB2_18:
0x1e5: {  	v2 =	vadd.f32 v2, v52;
	_ =	sdelay $0x1  }
0x1e6: {  	[tilespmem:$0x69F0] =	vst v2  }
.LBB2_19:
0x1e7: {  	s31 =	sadd.s32 $0x1, s31  }
0x1e8: {  	p0 =	sne.s32 s31, s30  }
.Ltmp11:
0x1e9: {  	_ = 	snop;
	(pc) =	sbr.rel @!p0 .LBB2_20-.Ltmp11, $2  }
0x1ea: {  	_ =	sdelay $0x2  }
0x1eb: {  	s0 =	sadd.s32 $0xFFFFFFF0, s0  }
.LBB2_15:
0x1ec: {  	s2 =	sshll.u32 s31, $0x4  }
0x1ed: {  	v2 =	vld [tilespmem:s2+$0x1280];
	_ =	sdelay $0x4  }
0x1ee: {  	v4 =	vshrl.u32 v2, $0x3  }
0x1ef: {  	v4 =	vmul.u32 $0x240, v4  }
0x1f0: {  	v2 =	vand.u32 $0x7, v2  }
0x1f1: {  	v2 =	vor.u32 v2, v4  }
0x1f2: {  	v4 =	vperm.xlane v2, v1;
	_ =	sdelay $0x1  }
0x1f3: {  	v4 =	vadd.s32 v3, v4;
	_ =	sdelay $0x3  }
0x1f4: {  	v2 =	vperm.xlane v2, v54  }
0x1f5: {  	[tilespmem:s15], [sflag:$0x1] =	stream.indirect_vreg.gather [hbm4b:s4+s3], $0x80, v4, vm0, $0xb8;
	[tilespmem:$0x7A00] =	vst v63  }
0x1f6: {  	v2 =	vadd.s32 v3, v2  }
0x1f7: {  	[tilespmem:s17], [sflag:$0x1] =	stream.indirect_vreg.gather [hbm4b:s16+s3], $0x80, v4, vm0, $0xb8;
	[tilespmem:$0x7A00] =	vst v63  }
0x1f8: {  	_ = 	snop  }
0x1f9: {  	[tilespmem:s19], [sflag:$0x1] =	stream.indirect_vreg.gather [hbm4b:s18+s3], $0x80, v4, vm0, $0xb8;
	[tilespmem:$0x7A00] =	vst v63  }
0x1fa: {  	s2 =	ssub.s32 s29, s2  }
0x1fb: {  	[tilespmem:s20], [sflag:$0x1] =	stream.indirect_vreg.gather [hbm4b:s4+s3], $0x80, v2, vm0, $0xb8;
	[tilespmem:$0x7A00] =	vst v63  }
0x1fc: {  	p0 =	slt.s32 s2, $0x1  }
0x1fd: {  	[tilespmem:s21], [sflag:$0x1] =	stream.indirect_vreg.gather [hbm4b:s16+s3], $0x80, v2, vm0, $0xb8;
	[tilespmem:$0x7A00] =	vst v63  }
.Ltmp12:
0x1fe: {  	_ = 	snop;
	(pc) =	sbr.rel @p0 .LBB2_19-.Ltmp12, $4  }
0x1ff: {  	[tilespmem:s22], [sflag:$0x1] =	stream.indirect_vreg.gather [hbm4b:s18+s3], $0x80, v2, vm0, $0xb8;
	[tilespmem:$0x7A00] =	vst v63  }
0x200: {  	_ =	swait.ge [sflag:s14], $0x3000  }
0x201: {  	[sflag:s14] =	ssyncset.done $0x0  }
0x202: {  	[sflag:s14] =	ssyncadd.s32 $0xFFFFD000  }
0x203: {  	s2 =	simm.s32 $0x0  }
0x204: {  	s2 =	smul.u32 $0x6000, s2  }
0x205: {  	s10 =	simm.s32 $0x0  }
0x206: {  	s10 =	sand.u32 $0x380, s10;
	s2 =	sshra.s32 s2, $0x2  }
0x207: {  	v2 =	vld [tilespmem:$0x6700];
	s10 =	sor.u32 s10, s2  }
0x208: {  	v4 =	vld [tilespmem:s10+$0x3700];
	_ =	sdelay $0x4  }
0x209: {  	v6 =	vadd.f32 v4, v2;
	_ =	sdelay $0x1  }
0x20a: {  	v2 =	vld [tilespmem:$0x6710];
	[tilespmem:$0x6700] =	vst v6  }
0x20b: {  	v4 =	vld [tilespmem:s10+$0x3710];
	_ =	sdelay $0x4  }
0x20c: {  	v7 =	vadd.f32 v4, v2;
	_ =	sdelay $0x1  }
0x20d: {  	v2 =	vld [tilespmem:$0x6720];
	[tilespmem:$0x6710] =	vst v7  }
0x20e: {  	v4 =	vld [tilespmem:s10+$0x3720];
	_ =	sdelay $0x4  }
0x20f: {  	v8 =	vadd.f32 v4, v2;
	_ =	sdelay $0x1  }
0x210: {  	v2 =	vld [tilespmem:$0x6730];
	[tilespmem:$0x6720] =	vst v8  }
0x211: {  	v4 =	vld [tilespmem:s10+$0x3730];
	_ =	sdelay $0x4  }
0x212: {  	v9 =	vadd.f32 v4, v2;
	_ =	sdelay $0x1  }
0x213: {  	v2 =	vld [tilespmem:$0x6740];
	[tilespmem:$0x6730] =	vst v9  }
0x214: {  	v4 =	vld [tilespmem:s10+$0x3740];
	_ =	sdelay $0x4  }
0x215: {  	v10 =	vadd.f32 v4, v2;
	_ =	sdelay $0x1  }
0x216: {  	v2 =	vld [tilespmem:$0x6750];
	[tilespmem:$0x6740] =	vst v10  }
0x217: {  	v4 =	vld [tilespmem:s10+$0x3750];
	_ =	sdelay $0x4  }
0x218: {  	v11 =	vadd.f32 v4, v2;
	_ =	sdelay $0x1  }
0x219: {  	v2 =	vld [tilespmem:$0x6760];
	[tilespmem:$0x6750] =	vst v11  }
0x21a: {  	v4 =	vld [tilespmem:s10+$0x3760];
	_ =	sdelay $0x4  }
0x21b: {  	v12 =	vadd.f32 v4, v2;
	_ =	sdelay $0x1  }
0x21c: {  	v2 =	vld [tilespmem:$0x6770];
	[tilespmem:$0x6760] =	vst v12  }
0x21d: {  	v4 =	vld [tilespmem:s10+$0x3770];
	_ =	sdelay $0x4  }
0x21e: {  	v13 =	vadd.f32 v4, v2;
	_ =	sdelay $0x1  }
0x21f: {  	v2 =	vld [tilespmem:$0x6780];
	[tilespmem:$0x6770] =	vst v13  }
0x220: {  	v4 =	vld [tilespmem:s10+$0x3B00];
	_ =	sdelay $0x4  }
0x221: {  	v14 =	vadd.f32 v4, v2;
	_ =	sdelay $0x1  }
0x222: {  	v2 =	vld [tilespmem:$0x6790];
	[tilespmem:$0x6780] =	vst v14  }
0x223: {  	v4 =	vld [tilespmem:s10+$0x3B10];
	_ =	sdelay $0x4  }
0x224: {  	v15 =	vadd.f32 v4, v2;
	_ =	sdelay $0x1  }
0x225: {  	v2 =	vld [tilespmem:$0x67A0];
	[tilespmem:$0x6790] =	vst v15  }
0x226: {  	v4 =	vld [tilespmem:s10+$0x3B20];
	_ =	sdelay $0x4  }
0x227: {  	v16 =	vadd.f32 v4, v2;
	_ =	sdelay $0x1  }
0x228: {  	v2 =	vld [tilespmem:$0x67B0];
	[tilespmem:$0x67A0] =	vst v16  }
0x229: {  	v4 =	vld [tilespmem:s10+$0x3B30];
	_ =	sdelay $0x4  }
0x22a: {  	v17 =	vadd.f32 v4, v2;
	_ =	sdelay $0x1  }
0x22b: {  	v2 =	vld [tilespmem:$0x67C0];
	[tilespmem:$0x67B0] =	vst v17  }
0x22c: {  	v4 =	vld [tilespmem:s10+$0x3B40];
	_ =	sdelay $0x4  }
0x22d: {  	v18 =	vadd.f32 v4, v2;
	_ =	sdelay $0x1  }
0x22e: {  	v2 =	vld [tilespmem:$0x67D0];
	[tilespmem:$0x67C0] =	vst v18  }
0x22f: {  	v4 =	vld [tilespmem:s10+$0x3B50];
	_ =	sdelay $0x4  }
0x230: {  	v19 =	vadd.f32 v4, v2;
	_ =	sdelay $0x1  }
0x231: {  	v2 =	vld [tilespmem:$0x67E0];
	[tilespmem:$0x67D0] =	vst v19  }
0x232: {  	v4 =	vld [tilespmem:s10+$0x3B60];
	_ =	sdelay $0x4  }
0x233: {  	v20 =	vadd.f32 v4, v2;
	_ =	sdelay $0x1  }
0x234: {  	v2 =	vld [tilespmem:$0x67F0];
	[tilespmem:$0x67E0] =	vst v20  }
0x235: {  	v4 =	vld [tilespmem:s10+$0x3B70];
	_ =	sdelay $0x4  }
0x236: {  	v21 =	vadd.f32 v4, v2;
	_ =	sdelay $0x1  }
0x237: {  	v2 =	vld [tilespmem:$0x6800];
	[tilespmem:$0x67F0] =	vst v21  }
0x238: {  	v4 =	vld [tilespmem:s10+$0x3F00];
	_ =	sdelay $0x4  }
0x239: {  	v22 =	vadd.f32 v4, v2;
	_ =	sdelay $0x1  }
0x23a: {  	v2 =	vld [tilespmem:$0x6810];
	[tilespmem:$0x6800] =	vst v22  }
0x23b: {  	v4 =	vld [tilespmem:s10+$0x3F10];
	_ =	sdelay $0x4  }
0x23c: {  	v23 =	vadd.f32 v4, v2;
	_ =	sdelay $0x1  }
0x23d: {  	v2 =	vld [tilespmem:$0x6820];
	[tilespmem:$0x6810] =	vst v23  }
0x23e: {  	v4 =	vld [tilespmem:s10+$0x3F20];
	_ =	sdelay $0x4  }
0x23f: {  	v24 =	vadd.f32 v4, v2;
	_ =	sdelay $0x1  }
0x240: {  	v2 =	vld [tilespmem:$0x6830];
	[tilespmem:$0x6820] =	vst v24  }
0x241: {  	v4 =	vld [tilespmem:s10+$0x3F30];
	_ =	sdelay $0x4  }
0x242: {  	v25 =	vadd.f32 v4, v2;
	_ =	sdelay $0x1  }
0x243: {  	v2 =	vld [tilespmem:$0x6840];
	[tilespmem:$0x6830] =	vst v25  }
0x244: {  	v4 =	vld [tilespmem:s10+$0x3F40];
	_ =	sdelay $0x4  }
0x245: {  	v26 =	vadd.f32 v4, v2;
	_ =	sdelay $0x1  }
0x246: {  	v2 =	vld [tilespmem:$0x6850];
	[tilespmem:$0x6840] =	vst v26  }
0x247: {  	v4 =	vld [tilespmem:s10+$0x3F50];
	_ =	sdelay $0x4  }
0x248: {  	v27 =	vadd.f32 v4, v2;
	_ =	sdelay $0x1  }
0x249: {  	v2 =	vld [tilespmem:$0x6860];
	[tilespmem:$0x6850] =	vst v27  }
0x24a: {  	v4 =	vld [tilespmem:s10+$0x3F60];
	_ =	sdelay $0x4  }
0x24b: {  	v28 =	vadd.f32 v4, v2;
	_ =	sdelay $0x1  }
0x24c: {  	v2 =	vld [tilespmem:$0x6870];
	[tilespmem:$0x6860] =	vst v28  }
0x24d: {  	v4 =	vld [tilespmem:s10+$0x3F70];
	_ =	sdelay $0x4  }
0x24e: {  	v29 =	vadd.f32 v4, v2;
	_ =	sdelay $0x1  }
0x24f: {  	v2 =	vld [tilespmem:$0x6880];
	[tilespmem:$0x6870] =	vst v29  }
0x250: {  	v4 =	vld [tilespmem:s10+$0x4300];
	_ =	sdelay $0x4  }
0x251: {  	v30 =	vadd.f32 v4, v2;
	_ =	sdelay $0x1  }
0x252: {  	v2 =	vld [tilespmem:$0x6890];
	[tilespmem:$0x6880] =	vst v30  }
0x253: {  	v4 =	vld [tilespmem:s10+$0x4310];
	_ =	sdelay $0x4  }
0x254: {  	v31 =	vadd.f32 v4, v2;
	_ =	sdelay $0x1  }
0x255: {  	v2 =	vld [tilespmem:$0x68A0];
	[tilespmem:$0x6890] =	vst v31  }
0x256: {  	v4 =	vld [tilespmem:s10+$0x4320];
	_ =	sdelay $0x4  }
0x257: {  	v32 =	vadd.f32 v4, v2;
	_ =	sdelay $0x1  }
0x258: {  	v2 =	vld [tilespmem:$0x68B0];
	[tilespmem:$0x68A0] =	vst v32  }
0x259: {  	v4 =	vld [tilespmem:s10+$0x4330];
	_ =	sdelay $0x4  }
0x25a: {  	v33 =	vadd.f32 v4, v2;
	_ =	sdelay $0x1  }
0x25b: {  	v2 =	vld [tilespmem:$0x68C0];
	[tilespmem:$0x68B0] =	vst v33  }
0x25c: {  	v4 =	vld [tilespmem:s10+$0x4340];
	_ =	sdelay $0x4  }
0x25d: {  	v34 =	vadd.f32 v4, v2;
	_ =	sdelay $0x1  }
0x25e: {  	v2 =	vld [tilespmem:$0x68D0];
	[tilespmem:$0x68C0] =	vst v34  }
0x25f: {  	v4 =	vld [tilespmem:s10+$0x4350];
	_ =	sdelay $0x4  }
0x260: {  	v35 =	vadd.f32 v4, v2;
	_ =	sdelay $0x1  }
0x261: {  	v2 =	vld [tilespmem:$0x68E0];
	[tilespmem:$0x68D0] =	vst v35  }
0x262: {  	v4 =	vld [tilespmem:s10+$0x4360];
	_ =	sdelay $0x4  }
0x263: {  	v36 =	vadd.f32 v4, v2;
	_ =	sdelay $0x1  }
0x264: {  	v2 =	vld [tilespmem:$0x68F0];
	[tilespmem:$0x68E0] =	vst v36  }
0x265: {  	v4 =	vld [tilespmem:s10+$0x4370];
	_ =	sdelay $0x4  }
0x266: {  	v37 =	vadd.f32 v4, v2;
	_ =	sdelay $0x1  }
0x267: {  	v2 =	vld [tilespmem:$0x6900];
	[tilespmem:$0x68F0] =	vst v37  }
0x268: {  	v4 =	vld [tilespmem:s10+$0x4700];
	_ =	sdelay $0x4  }
0x269: {  	v38 =	vadd.f32 v4, v2;
	_ =	sdelay $0x1  }
0x26a: {  	v2 =	vld [tilespmem:$0x6910];
	[tilespmem:$0x6900] =	vst v38  }
0x26b: {  	v4 =	vld [tilespmem:s10+$0x4710];
	_ =	sdelay $0x4  }
0x26c: {  	v39 =	vadd.f32 v4, v2;
	_ =	sdelay $0x1  }
0x26d: {  	v2 =	vld [tilespmem:$0x6920];
	[tilespmem:$0x6910] =	vst v39  }
0x26e: {  	v4 =	vld [tilespmem:s10+$0x4720];
	_ =	sdelay $0x4  }
0x26f: {  	v40 =	vadd.f32 v4, v2;
	_ =	sdelay $0x1  }
0x270: {  	v2 =	vld [tilespmem:$0x6930];
	[tilespmem:$0x6920] =	vst v40  }
0x271: {  	v4 =	vld [tilespmem:s10+$0x4730];
	_ =	sdelay $0x4  }
0x272: {  	v41 =	vadd.f32 v4, v2;
	_ =	sdelay $0x1  }
0x273: {  	v2 =	vld [tilespmem:$0x6940];
	[tilespmem:$0x6930] =	vst v41  }
0x274: {  	v4 =	vld [tilespmem:s10+$0x4740];
	_ =	sdelay $0x4  }
0x275: {  	v42 =	vadd.f32 v4, v2;
	_ =	sdelay $0x1  }
0x276: {  	v2 =	vld [tilespmem:$0x6950];
	[tilespmem:$0x6940] =	vst v42  }
0x277: {  	v4 =	vld [tilespmem:s10+$0x4750];
	_ =	sdelay $0x4  }
0x278: {  	v43 =	vadd.f32 v4, v2;
	_ =	sdelay $0x1  }
0x279: {  	v2 =	vld [tilespmem:$0x6960];
	[tilespmem:$0x6950] =	vst v43  }
0x27a: {  	v4 =	vld [tilespmem:s10+$0x4760];
	_ =	sdelay $0x4  }
0x27b: {  	v44 =	vadd.f32 v4, v2;
	_ =	sdelay $0x1  }
0x27c: {  	v2 =	vld [tilespmem:$0x6970];
	[tilespmem:$0x6960] =	vst v44  }
0x27d: {  	v4 =	vld [tilespmem:s10+$0x4770];
	_ =	sdelay $0x4  }
0x27e: {  	v45 =	vadd.f32 v4, v2;
	_ =	sdelay $0x1  }
0x27f: {  	v2 =	vld [tilespmem:$0x6980];
	[tilespmem:$0x6970] =	vst v45  }
0x280: {  	v4 =	vld [tilespmem:s10+$0x4B00];
	_ =	sdelay $0x4  }
0x281: {  	v46 =	vadd.f32 v4, v2;
	_ =	sdelay $0x1  }
0x282: {  	v2 =	vld [tilespmem:$0x6990];
	[tilespmem:$0x6980] =	vst v46  }
0x283: {  	v4 =	vld [tilespmem:s10+$0x4B10];
	_ =	sdelay $0x4  }
0x284: {  	v47 =	vadd.f32 v4, v2;
	_ =	sdelay $0x1  }
0x285: {  	v2 =	vld [tilespmem:$0x69A0];
	[tilespmem:$0x6990] =	vst v47  }
0x286: {  	v4 =	vld [tilespmem:s10+$0x4B20];
	_ =	sdelay $0x4  }
0x287: {  	v48 =	vadd.f32 v4, v2;
	_ =	sdelay $0x1  }
0x288: {  	v2 =	vld [tilespmem:$0x69B0];
	[tilespmem:$0x69A0] =	vst v48  }
0x289: {  	v4 =	vld [tilespmem:s10+$0x4B30];
	_ =	sdelay $0x4  }
0x28a: {  	v49 =	vadd.f32 v4, v2;
	_ =	sdelay $0x1  }
0x28b: {  	v2 =	vld [tilespmem:$0x69C0];
	[tilespmem:$0x69B0] =	vst v49  }
0x28c: {  	v4 =	vld [tilespmem:s10+$0x4B40];
	_ =	sdelay $0x4  }
0x28d: {  	v50 =	vadd.f32 v4, v2;
	_ =	sdelay $0x1  }
0x28e: {  	v2 =	vld [tilespmem:$0x69D0];
	[tilespmem:$0x69C0] =	vst v50  }
0x28f: {  	v4 =	vld [tilespmem:s10+$0x4B50];
	_ =	sdelay $0x4  }
0x290: {  	v51 =	vadd.f32 v4, v2;
	_ =	sdelay $0x1  }
0x291: {  	v2 =	vld [tilespmem:$0x69E0];
	[tilespmem:$0x69D0] =	vst v51  }
0x292: {  	v4 =	vld [tilespmem:s10+$0x4B60]  }
0x293: {  	p0 =	sgt.s32 s0, $0x1;
	s2 =	smov.u32 s0  }
0x294: {  	s2 =	simm.s32 @!p0 $0x1  }
0x295: {  	s2 =	smin.u32 s2, $0x10  }
0x296: {  	s2 =	sshll.u32 s2, $0x7  }
0x297: {  	[dreg:$0x7] =	wrdreg s2;
	v53 =	vadd.f32 v4, v2  }
0x298: {  	s2 =	rddreg [dreg:$0x7]  }
0x299: {  	v52 =	vld [tilespmem:$0x69F0];
	p0 =	sne.s32 s2, $0x80;
	[tilespmem:$0x69E0] =	vst v53  }
.Ltmp13:
0x29a: {  	v2 =	vld [tilespmem:s10+$0x4B70];
	(pc) =	sbr.rel @!p0 .LBB2_18-.Ltmp13, $2  }
0x29b: {  	_ =	sdelay $0x2  }
0x29c: {  	s2 =	simm.s32 $0x80;
	s10 =	simm.s32 $0x1  }
.LBB2_17:
0x29d: {  	s11 =	sshrl.u32 s10, $0x3  }
0x29e: {  	s11 =	smul.u32 $0x6000, s11  }
0x29f: {  	s1 =	smov.u32 s2;
	v52 =	vadd.f32 v2, v52  }
0x2a0: {  	s1 =	sand.u32 $0x380, s1;
	s11 =	sshra.s32 s11, $0x2  }
0x2a1: {  	[tilespmem:$0x69F0] =	vst v52;
	s11 =	sor.u32 s1, s11  }
0x2a2: {  	v2 =	vld [tilespmem:s11+$0x3700];
	_ =	sdelay $0x4  }
0x2a3: {  	v6 =	vadd.f32 v2, v6;
	_ =	sdelay $0x1  }
0x2a4: {  	[tilespmem:$0x6700] =	vst v6  }
0x2a5: {  	v2 =	vld [tilespmem:s11+$0x3710];
	_ =	sdelay $0x4  }
0x2a6: {  	v7 =	vadd.f32 v2, v7;
	_ =	sdelay $0x1  }
0x2a7: {  	[tilespmem:$0x6710] =	vst v7  }
0x2a8: {  	v2 =	vld [tilespmem:s11+$0x3720];
	_ =	sdelay $0x4  }
0x2a9: {  	v8 =	vadd.f32 v2, v8;
	_ =	sdelay $0x1  }
0x2aa: {  	[tilespmem:$0x6720] =	vst v8  }
0x2ab: {  	v2 =	vld [tilespmem:s11+$0x3730];
	_ =	sdelay $0x4  }
0x2ac: {  	v9 =	vadd.f32 v2, v9;
	_ =	sdelay $0x1  }
0x2ad: {  	[tilespmem:$0x6730] =	vst v9  }
0x2ae: {  	v2 =	vld [tilespmem:s11+$0x3740];
	_ =	sdelay $0x4  }
0x2af: {  	v10 =	vadd.f32 v2, v10;
	_ =	sdelay $0x1  }
0x2b0: {  	[tilespmem:$0x6740] =	vst v10  }
0x2b1: {  	v2 =	vld [tilespmem:s11+$0x3750];
	_ =	sdelay $0x4  }
0x2b2: {  	v11 =	vadd.f32 v2, v11;
	_ =	sdelay $0x1  }
0x2b3: {  	[tilespmem:$0x6750] =	vst v11  }
0x2b4: {  	v2 =	vld [tilespmem:s11+$0x3760];
	_ =	sdelay $0x4  }
0x2b5: {  	v12 =	vadd.f32 v2, v12;
	_ =	sdelay $0x1  }
0x2b6: {  	[tilespmem:$0x6760] =	vst v12  }
0x2b7: {  	v2 =	vld [tilespmem:s11+$0x3770];
	_ =	sdelay $0x4  }
0x2b8: {  	v13 =	vadd.f32 v2, v13;
	_ =	sdelay $0x1  }
0x2b9: {  	[tilespmem:$0x6770] =	vst v13  }
0x2ba: {  	v2 =	vld [tilespmem:s11+$0x3B00];
	_ =	sdelay $0x4  }
0x2bb: {  	v14 =	vadd.f32 v2, v14;
	_ =	sdelay $0x1  }
0x2bc: {  	[tilespmem:$0x6780] =	vst v14  }
0x2bd: {  	v2 =	vld [tilespmem:s11+$0x3B10];
	_ =	sdelay $0x4  }
0x2be: {  	v15 =	vadd.f32 v2, v15;
	_ =	sdelay $0x1  }
0x2bf: {  	[tilespmem:$0x6790] =	vst v15  }
0x2c0: {  	v2 =	vld [tilespmem:s11+$0x3B20];
	_ =	sdelay $0x4  }
0x2c1: {  	v16 =	vadd.f32 v2, v16;
	_ =	sdelay $0x1  }
0x2c2: {  	[tilespmem:$0x67A0] =	vst v16  }
0x2c3: {  	v2 =	vld [tilespmem:s11+$0x3B30];
	_ =	sdelay $0x4  }
0x2c4: {  	v17 =	vadd.f32 v2, v17;
	_ =	sdelay $0x1  }
0x2c5: {  	[tilespmem:$0x67B0] =	vst v17  }
0x2c6: {  	v2 =	vld [tilespmem:s11+$0x3B40];
	_ =	sdelay $0x4  }
0x2c7: {  	v18 =	vadd.f32 v2, v18;
	_ =	sdelay $0x1  }
0x2c8: {  	[tilespmem:$0x67C0] =	vst v18  }
0x2c9: {  	v2 =	vld [tilespmem:s11+$0x3B50];
	_ =	sdelay $0x4  }
0x2ca: {  	v19 =	vadd.f32 v2, v19;
	_ =	sdelay $0x1  }
0x2cb: {  	[tilespmem:$0x67D0] =	vst v19  }
0x2cc: {  	v2 =	vld [tilespmem:s11+$0x3B60];
	_ =	sdelay $0x4  }
0x2cd: {  	v20 =	vadd.f32 v2, v20;
	_ =	sdelay $0x1  }
0x2ce: {  	[tilespmem:$0x67E0] =	vst v20  }
0x2cf: {  	v2 =	vld [tilespmem:s11+$0x3B70];
	_ =	sdelay $0x4  }
0x2d0: {  	v21 =	vadd.f32 v2, v21;
	_ =	sdelay $0x1  }
0x2d1: {  	[tilespmem:$0x67F0] =	vst v21  }
0x2d2: {  	v2 =	vld [tilespmem:s11+$0x3F00];
	_ =	sdelay $0x4  }
0x2d3: {  	v22 =	vadd.f32 v2, v22;
	_ =	sdelay $0x1  }
0x2d4: {  	[tilespmem:$0x6800] =	vst v22  }
0x2d5: {  	v2 =	vld [tilespmem:s11+$0x3F10];
	_ =	sdelay $0x4  }
0x2d6: {  	v23 =	vadd.f32 v2, v23;
	_ =	sdelay $0x1  }
0x2d7: {  	[tilespmem:$0x6810] =	vst v23  }
0x2d8: {  	v2 =	vld [tilespmem:s11+$0x3F20];
	_ =	sdelay $0x4  }
0x2d9: {  	v24 =	vadd.f32 v2, v24;
	_ =	sdelay $0x1  }
0x2da: {  	[tilespmem:$0x6820] =	vst v24  }
0x2db: {  	v2 =	vld [tilespmem:s11+$0x3F30];
	_ =	sdelay $0x4  }
0x2dc: {  	v25 =	vadd.f32 v2, v25;
	_ =	sdelay $0x1  }
0x2dd: {  	[tilespmem:$0x6830] =	vst v25  }
0x2de: {  	v2 =	vld [tilespmem:s11+$0x3F40];
	_ =	sdelay $0x4  }
0x2df: {  	v26 =	vadd.f32 v2, v26;
	_ =	sdelay $0x1  }
0x2e0: {  	[tilespmem:$0x6840] =	vst v26  }
0x2e1: {  	v2 =	vld [tilespmem:s11+$0x3F50];
	_ =	sdelay $0x4  }
0x2e2: {  	v27 =	vadd.f32 v2, v27;
	_ =	sdelay $0x1  }
0x2e3: {  	[tilespmem:$0x6850] =	vst v27  }
0x2e4: {  	v2 =	vld [tilespmem:s11+$0x3F60];
	_ =	sdelay $0x4  }
0x2e5: {  	v28 =	vadd.f32 v2, v28;
	_ =	sdelay $0x1  }
0x2e6: {  	[tilespmem:$0x6860] =	vst v28  }
0x2e7: {  	v2 =	vld [tilespmem:s11+$0x3F70];
	_ =	sdelay $0x4  }
0x2e8: {  	v29 =	vadd.f32 v2, v29;
	_ =	sdelay $0x1  }
0x2e9: {  	[tilespmem:$0x6870] =	vst v29  }
0x2ea: {  	v2 =	vld [tilespmem:s11+$0x4300];
	_ =	sdelay $0x4  }
0x2eb: {  	v30 =	vadd.f32 v2, v30;
	_ =	sdelay $0x1  }
0x2ec: {  	[tilespmem:$0x6880] =	vst v30  }
0x2ed: {  	v2 =	vld [tilespmem:s11+$0x4310];
	_ =	sdelay $0x4  }
0x2ee: {  	v31 =	vadd.f32 v2, v31;
	_ =	sdelay $0x1  }
0x2ef: {  	[tilespmem:$0x6890] =	vst v31  }
0x2f0: {  	v2 =	vld [tilespmem:s11+$0x4320];
	_ =	sdelay $0x4  }
0x2f1: {  	v32 =	vadd.f32 v2, v32;
	_ =	sdelay $0x1  }
0x2f2: {  	[tilespmem:$0x68A0] =	vst v32  }
0x2f3: {  	v2 =	vld [tilespmem:s11+$0x4330];
	_ =	sdelay $0x4  }
0x2f4: {  	v33 =	vadd.f32 v2, v33;
	_ =	sdelay $0x1  }
0x2f5: {  	[tilespmem:$0x68B0] =	vst v33  }
0x2f6: {  	v2 =	vld [tilespmem:s11+$0x4340];
	_ =	sdelay $0x4  }
0x2f7: {  	v34 =	vadd.f32 v2, v34;
	_ =	sdelay $0x1  }
0x2f8: {  	[tilespmem:$0x68C0] =	vst v34  }
0x2f9: {  	v2 =	vld [tilespmem:s11+$0x4350];
	_ =	sdelay $0x4  }
0x2fa: {  	v35 =	vadd.f32 v2, v35;
	_ =	sdelay $0x1  }
0x2fb: {  	[tilespmem:$0x68D0] =	vst v35  }
0x2fc: {  	v2 =	vld [tilespmem:s11+$0x4360];
	_ =	sdelay $0x4  }
0x2fd: {  	v36 =	vadd.f32 v2, v36;
	_ =	sdelay $0x1  }
0x2fe: {  	[tilespmem:$0x68E0] =	vst v36  }
0x2ff: {  	v2 =	vld [tilespmem:s11+$0x4370];
	_ =	sdelay $0x4  }
0x300: {  	v37 =	vadd.f32 v2, v37;
	_ =	sdelay $0x1  }
0x301: {  	[tilespmem:$0x68F0] =	vst v37  }
0x302: {  	v2 =	vld [tilespmem:s11+$0x4700];
	_ =	sdelay $0x4  }
0x303: {  	v38 =	vadd.f32 v2, v38;
	_ =	sdelay $0x1  }
0x304: {  	[tilespmem:$0x6900] =	vst v38  }
0x305: {  	v2 =	vld [tilespmem:s11+$0x4710];
	_ =	sdelay $0x4  }
0x306: {  	v39 =	vadd.f32 v2, v39;
	_ =	sdelay $0x1  }
0x307: {  	[tilespmem:$0x6910] =	vst v39  }
0x308: {  	v2 =	vld [tilespmem:s11+$0x4720];
	_ =	sdelay $0x4  }
0x309: {  	v40 =	vadd.f32 v2, v40;
	_ =	sdelay $0x1  }
0x30a: {  	[tilespmem:$0x6920] =	vst v40  }
0x30b: {  	v2 =	vld [tilespmem:s11+$0x4730];
	_ =	sdelay $0x4  }
0x30c: {  	v41 =	vadd.f32 v2, v41;
	_ =	sdelay $0x1  }
0x30d: {  	[tilespmem:$0x6930] =	vst v41  }
0x30e: {  	v2 =	vld [tilespmem:s11+$0x4740];
	_ =	sdelay $0x4  }
0x30f: {  	v42 =	vadd.f32 v2, v42;
	_ =	sdelay $0x1  }
0x310: {  	[tilespmem:$0x6940] =	vst v42  }
0x311: {  	v2 =	vld [tilespmem:s11+$0x4750];
	_ =	sdelay $0x4  }
0x312: {  	v43 =	vadd.f32 v2, v43;
	_ =	sdelay $0x1  }
0x313: {  	[tilespmem:$0x6950] =	vst v43  }
0x314: {  	v2 =	vld [tilespmem:s11+$0x4760];
	_ =	sdelay $0x4  }
0x315: {  	v44 =	vadd.f32 v2, v44;
	_ =	sdelay $0x1  }
0x316: {  	[tilespmem:$0x6960] =	vst v44  }
0x317: {  	v2 =	vld [tilespmem:s11+$0x4770];
	_ =	sdelay $0x4  }
0x318: {  	v45 =	vadd.f32 v2, v45;
	_ =	sdelay $0x1  }
0x319: {  	[tilespmem:$0x6970] =	vst v45  }
0x31a: {  	v2 =	vld [tilespmem:s11+$0x4B00];
	_ =	sdelay $0x4  }
0x31b: {  	v46 =	vadd.f32 v2, v46;
	_ =	sdelay $0x1  }
0x31c: {  	[tilespmem:$0x6980] =	vst v46  }
0x31d: {  	v2 =	vld [tilespmem:s11+$0x4B10];
	_ =	sdelay $0x4  }
0x31e: {  	v47 =	vadd.f32 v2, v47;
	_ =	sdelay $0x1  }
0x31f: {  	[tilespmem:$0x6990] =	vst v47  }
0x320: {  	v2 =	vld [tilespmem:s11+$0x4B20];
	_ =	sdelay $0x4  }
0x321: {  	v48 =	vadd.f32 v2, v48;
	_ =	sdelay $0x1  }
0x322: {  	[tilespmem:$0x69A0] =	vst v48  }
0x323: {  	v2 =	vld [tilespmem:s11+$0x4B30];
	_ =	sdelay $0x4  }
0x324: {  	v49 =	vadd.f32 v2, v49;
	_ =	sdelay $0x1  }
0x325: {  	[tilespmem:$0x69B0] =	vst v49  }
0x326: {  	v2 =	vld [tilespmem:s11+$0x4B40];
	_ =	sdelay $0x4  }
0x327: {  	v50 =	vadd.f32 v2, v50;
	_ =	sdelay $0x1  }
0x328: {  	[tilespmem:$0x69C0] =	vst v50  }
0x329: {  	v2 =	vld [tilespmem:s11+$0x4B50];
	_ =	sdelay $0x4  }
0x32a: {  	v51 =	vadd.f32 v2, v51;
	_ =	sdelay $0x1  }
0x32b: {  	[tilespmem:$0x69D0] =	vst v51  }
0x32c: {  	v2 =	vld [tilespmem:s11+$0x4B60];
	_ =	sdelay $0x1  }
0x32d: {  	s12 =	rddreg [dreg:$0x7];
	s2 =	sadd.s32 $0x80, s2  }
0x32e: {  	p0 =	sne.s32 s12, s2  }
.Ltmp14:
0x32f: {  	_ = 	snop;
	(pc) =	sbr.rel @p0 .LBB2_17-.Ltmp14, $3  }
0x330: {  	v53 =	vadd.f32 v2, v53;
	_ =	sdelay $0x1  }
0x331: {  	[tilespmem:$0x69E0] =	vst v53  }
0x332: {  	s10 =	sadd.s32 $0x1, s10;
	v2 =	vld [tilespmem:s11+$0x4B70]  }
.Ltmp15:
0x333: {  	_ = 	snop;
	(pc) =	sbr.rel .LBB2_18-.Ltmp15, $1  }
0x334: {  	_ =	sdelay $0x3  }
.LBB2_21:
0x335: {  	_ =	sfence.sel $0x180000  }
0x336: {  	[bflag:$0x0] =	sbarrier.arrive $0xFFFF  }
0x337: {  	_ =	strace $0x90000047  }
0x338: {  	s0 =	stileid.u32;
	[bflag:$0x2] =	sbarrier.arrive $0xFFFF  }
0x339: {  	p0 =	sne.s32 s0, $0x0;
	s0 =	rddreg [dreg:$0x6]  }
0x33a: {  	s0 =	sadd.s32 @!p0 $0x100000, s0  }
0x33b: {  	[sflag:s0] =	ssyncadd.tile.s32 @!p0 $0x1;
	_ =	shalt  }
.Lfunc_end2:
_tile_overlayer_lowered:
.L_overlay_start_2:
0x33c: {  	(tag) =	ssettag $0x2  }
0x33d: {  	s0 =	rddreg [dreg:$0x0];
	s2 =	stileid.u32  }
0x33e: {  	s1 =	rddreg [dreg:$0x1];
	p0 =	sne.s32 s2, $0x0  }
0x33f: {  	s3 =	rddreg [dreg:$0x2];
	[bflag:$0x3] =	sbarrier.arrive $0xFFFF;
	s2 =	simm.s32 @!p0 $0x1C03  }
0x340: {  	[timem:s3], [sflag:s2] =	dma.local @!p0 [hbm:s0], s1  }
0x341: {  	s0 =	simm.s32 @!p0 $0x3  }
0x342: {  	_ =	swait.ge @!p0 [sflag:s0], s1  }
0x343: {  	s1 =	ssub.s32 @!p0 $0x0, s1;
	[sflag:s0] =	ssyncset.done @!p0 $0x0  }
0x344: {  	[sflag:s0] =	ssyncadd.s32 @!p0 s1  }
0x345: {  	[bflag:$0x3] =	sbarrier.arrive $0xFFFF  }
0x346: {  	_ =	shalt  }

</sc_bundles>
